<compile_context>
chip_gen: v7x
topology: tpu7x:2x2x1
jax: 0.10.2.dev20260603
libtpu: 0.0.44.dev20260713+nightly
codegen_flags: <defaults>
</compile_context>

<pallas_src>
import functools

import jax
import jax.numpy as jnp
from jax import lax
from jax.experimental import pallas as pl
from jax.experimental.pallas import tpu as pltpu
from jax.experimental.pallas import tpu_sc as plsc

NC = 2
NS = 16
NW = NC * NS
LW = 128
KCH = 4


def _deg_kernel(npad, rows_pw):
  @functools.partial(
      pl.kernel,
      out_type=jax.ShapeDtypeStruct((NC, npad, 128), jnp.float32),
      mesh=plsc.VectorSubcoreMesh(core_axis_name="c", subcore_axis_name="s"),
      scratch_types=[
          pltpu.VMEM((rows_pw, LW), jnp.int32),
          pltpu.VMEM((LW, 128), jnp.float32),
          pltpu.VMEM_SHARED((npad, 128), jnp.float32),
          pltpu.SemaphoreType.DMA,
          pltpu.SemaphoreType.DMA,
      ],
  )
  def deg(dst_hbm, ones_hbm, zeros_hbm, out_hbm, didx, ones_v, acc,
          semA, semB):
    c = lax.axis_index("c")
    s = lax.axis_index("s")
    wid = c * NS + s
    rps = npad // NS
    pltpu.sync_copy(zeros_hbm.at[pl.ds(s * rps, rps)],
                    acc.at[pl.ds(s * rps, rps)])
    pltpu.sync_copy(ones_hbm, ones_v)
    pltpu.sync_copy(dst_hbm.at[pl.ds(wid * rows_pw, rows_pw)], didx)
    plsc.subcore_barrier()

    def pair(k2, carry):
      k = 2 * k2
      pltpu.async_copy(ones_v, acc.at[didx.at[k]], semA, add=True)
      pltpu.async_copy(ones_v, acc.at[didx.at[k + 1]], semB, add=True)
      pltpu.make_async_copy(ones_v, acc.at[didx.at[k]], semA).wait()
      pltpu.make_async_copy(ones_v, acc.at[didx.at[k + 1]], semB).wait()
      return carry

    lax.fori_loop(0, rows_pw // 2, pair, 0)
    plsc.subcore_barrier()
    pltpu.sync_copy(acc.at[pl.ds(s * rps, rps)],
                    out_hbm.at[c, pl.ds(s * rps, rps)])

  return deg


def _scatter_kernel(n, npad, h, rows_pw):
  half = 40 if rows_pw % 40 == 0 else rows_pw

  @functools.partial(
      pl.kernel,
      out_type=jax.ShapeDtypeStruct((NC, npad, h), jnp.float32),
      mesh=plsc.VectorSubcoreMesh(core_axis_name="c", subcore_axis_name="s"),
      scratch_types=[
          pltpu.VMEM((half, LW), jnp.int32),
          pltpu.VMEM((half, LW), jnp.int32),
          pltpu.VMEM((2, LW, h), jnp.float32),
          pltpu.VMEM_SHARED((npad, h), jnp.float32),
          pltpu.SemaphoreType.DMA,
          pltpu.SemaphoreType.DMA,
      ],
  )
  def scat(p_hbm, src_hbm, dst_hbm, zeros_hbm, out_hbm,
           sidx, didx, rows, acc, sem0, sem1):
    c = lax.axis_index("c")
    s = lax.axis_index("s")
    wid = c * NS + s
    rps = npad // NS
    pltpu.sync_copy(zeros_hbm.at[pl.ds(s * rps, rps)],
                    acc.at[pl.ds(s * rps, rps)])
    plsc.subcore_barrier()

    for blk in range(rows_pw // half):
      base = wid * rows_pw + blk * half
      pltpu.sync_copy(src_hbm.at[pl.ds(base, half)], sidx)
      pltpu.sync_copy(dst_hbm.at[pl.ds(base, half)], didx)
      pltpu.async_copy(p_hbm.at[sidx.at[0]], rows.at[0], sem0)

      def pair(k2, carry):
        k = 2 * k2
        pltpu.async_copy(p_hbm.at[sidx.at[k + 1]], rows.at[1], sem1)
        pltpu.make_async_copy(p_hbm.at[sidx.at[k]], rows.at[0], sem0).wait()
        pltpu.sync_copy(rows.at[0], acc.at[didx.at[k]], add=True)

        @pl.when(k + 2 < half)
        def _():
          pltpu.async_copy(p_hbm.at[sidx.at[k + 2]], rows.at[0], sem0)

        pltpu.make_async_copy(p_hbm.at[sidx.at[k + 1]], rows.at[1],
                              sem1).wait()
        pltpu.sync_copy(rows.at[1], acc.at[didx.at[k + 1]], add=True)
        return carry

      lax.fori_loop(0, half // 2, pair, 0)

    plsc.subcore_barrier()
    pltpu.sync_copy(acc.at[pl.ds(s * rps, rps)],
                    out_hbm.at[c, pl.ds(s * rps, rps)])

  return scat


def _prep_body(x_ref, wp_ref, w1_ref, dacc_ref, id_ref, p1_ref, dinv_ref):
  n = x_ref.shape[0]
  x = x_ref[...]
  deg = dacc_ref[0, 0:n, 0:1] + dacc_ref[1, 0:n, 0:1] + 1.0
  dinv = 1.0 / jnp.sqrt(deg)
  id_ref[...] = jnp.dot(x, wp_ref[...], preferred_element_type=jnp.float32)
  p1_ref[...] = jnp.dot(x, w1_ref[...],
                        preferred_element_type=jnp.float32) * dinv
  dinv_ref[...] = dinv


def _combine_body(s_ref, p_ref, dinv_ref, b_ref, g_ref, be_ref,
                  idn_ref, w_ref, h_ref, pn_ref):
  n = p_ref.shape[0]
  dinv = dinv_ref[...]
  z = dinv * (s_ref[0, 0:n, :] + s_ref[1, 0:n, :] + p_ref[...]) + b_ref[...]
  mu = jnp.mean(z, axis=0, keepdims=True)
  zc = z - mu
  var = jnp.mean(zc * zc, axis=0, keepdims=True)
  hb = g_ref[...] * zc / jnp.sqrt(var + 1e-5) + be_ref[...]
  hh = jnp.maximum(hb, 0.0) + idn_ref[...]
  h_ref[...] = hh
  pn_ref[...] = jnp.dot(hh, w_ref[...],
                        preferred_element_type=jnp.float32) * dinv


def _final_body(s_ref, p_ref, dinv_ref, b_ref, g_ref, be_ref,
                idn_ref, batch_ref, linw_ref, linb_ref, out_ref):
  n = p_ref.shape[0]
  g_segs = out_ref.shape[0]
  dinv = dinv_ref[...]
  z = dinv * (s_ref[0, 0:n, :] + s_ref[1, 0:n, :] + p_ref[...]) + b_ref[...]
  mu = jnp.mean(z, axis=0, keepdims=True)
  zc = z - mu
  var = jnp.mean(zc * zc, axis=0, keepdims=True)
  hb = g_ref[...] * zc / jnp.sqrt(var + 1e-5) + be_ref[...]
  hh = jnp.maximum(hb, 0.0) + idn_ref[...]
  seg_ids = lax.broadcasted_iota(jnp.int32, (n, g_segs), 1)
  mask = (batch_ref[...] == seg_ids).astype(jnp.float32)
  sums = lax.dot_general(mask, hh, (((0,), (0,)), ((), ())),
                         preferred_element_type=jnp.float32,
                         precision=lax.Precision.HIGHEST)
  counts = lax.dot_general(mask, jnp.ones((n, 1), jnp.float32),
                           (((0,), (0,)), ((), ())),
                           preferred_element_type=jnp.float32,
                           precision=lax.Precision.HIGHEST)
  pooled = sums / jnp.maximum(counts, 1.0)
  out_ref[...] = jnp.dot(pooled, linw_ref[...],
                         preferred_element_type=jnp.float32) + linb_ref[...]


def kernel(x, edge_index, batch, Wp, W1, b1, g1, be1, W2, b2, g2, be2,
           W3, b3, g3, be3, W4, b4, g4, be4, W5, b5, g5, be5, linW, linb):
  n, f = x.shape
  h = W1.shape[1]
  e = edge_index.shape[1]
  g_segs = 64

  per_iter = NW * KCH * LW
  rows_pw = ((e + per_iter - 1) // per_iter) * KCH
  epad = NW * rows_pw * LW
  npad = ((n + 128) // 128) * 128
  src = edge_index[0]
  dst = edge_index[1]
  if epad != e:
    pad = epad - e
    src = jnp.concatenate([src, jnp.zeros((pad,), src.dtype)])
    trash = n + jnp.arange(pad, dtype=dst.dtype) % (npad - n)
    dst = jnp.concatenate([dst, trash])
  src2d = src.reshape(-1, LW)
  dst2d = dst.reshape(-1, LW)

  zeros_h = jnp.zeros((npad, h), jnp.float32)
  ones128 = jnp.ones((LW, 128), jnp.float32)

  deg_call = _deg_kernel(npad, rows_pw)
  scat_call = _scatter_kernel(n, npad, h, rows_pw)

  b1r, g1r, be1r = b1.reshape(1, h), g1.reshape(1, h), be1.reshape(1, h)
  bgbe = [(b1r, g1r, be1r),
          (b2.reshape(1, h), g2.reshape(1, h), be2.reshape(1, h)),
          (b3.reshape(1, h), g3.reshape(1, h), be3.reshape(1, h)),
          (b4.reshape(1, h), g4.reshape(1, h), be4.reshape(1, h)),
          (b5.reshape(1, h), g5.reshape(1, h), be5.reshape(1, h))]
  w_next = [W2, W3, W4, W5]

  dacc = deg_call(dst2d, ones128, zeros_h)

  f32 = jnp.float32
  ident, p, dinv = pl.pallas_call(
      _prep_body,
      out_shape=[jax.ShapeDtypeStruct((n, h), f32),
                 jax.ShapeDtypeStruct((n, h), f32),
                 jax.ShapeDtypeStruct((n, 1), f32)],
  )(x, Wp, W1, dacc)

  idn = ident
  for i in range(4):
    s_part = scat_call(p, src2d, dst2d, zeros_h)
    bi, gi, bei = bgbe[i]
    idn, p = pl.pallas_call(
        _combine_body,
        out_shape=[jax.ShapeDtypeStruct((n, h), f32),
                   jax.ShapeDtypeStruct((n, h), f32)],
    )(s_part, p, dinv, bi, gi, bei, idn, w_next[i])

  s_part = scat_call(p, src2d, dst2d, zeros_h)
  b5r, g5r, be5r = bgbe[4]
  out = pl.pallas_call(
      _final_body,
      out_shape=jax.ShapeDtypeStruct((g_segs, 1), f32),
  )(s_part, p, dinv, b5r, g5r, be5r, idn, batch.reshape(n, 1), linW,
    linb.reshape(1, 1))
  return out

# --- scband reference (transcript-rebuilt; emitter-appended) ---
"""Pipeline reference for scband-advanced-gcn-old-4329327034528 (READ-ONLY COPY).

The authoritative reference and input builder live on the scoring server;
editing this copy changes nothing except your own understanding.
"""

import jax, jax.numpy as jnp
import numpy as np

N = 10000
E = 320000
F = 128
H = 128
G = 64


def setup_inputs(seed: int = 0) -> dict:
    key = jax.random.key(seed)
    ks = jax.random.split(key, 32)
    inp = {}
    inp["x"] = jax.random.normal(ks[0], (N, F), jnp.float32)
    inp["edge_index"] = jax.random.randint(ks[1], (2, E), 0, N, jnp.int32)
    inp["batch"] = jnp.sort(jax.random.randint(ks[2], (N,), 0, G, jnp.int32))
    s = 0.05
    inp["Wp"] = jax.random.normal(ks[3], (F, H), jnp.float32) * s
    for i, d_in in zip(range(1, 6), [F, H, H, H, H]):
        inp[f"W{i}"] = jax.random.normal(ks[3 + i], (d_in, H), jnp.float32) * s
        inp[f"b{i}"] = jnp.zeros((H,), jnp.float32)
        inp[f"g{i}"] = jnp.ones((H,), jnp.float32)
        inp[f"be{i}"] = jnp.zeros((H,), jnp.float32)
    inp["linW"] = jax.random.normal(ks[20], (H, 1), jnp.float32) * s
    inp["linb"] = jnp.zeros((1,), jnp.float32)
    return inp


def reference(x, edge_index, batch, Wp, W1, b1, g1, be1, W2, b2, g2, be2, W3, b3, g3, be3, W4, b4, g4, be4, W5, b5, g5, be5, linW, linb):
    n = x.shape[0]
    sl = jnp.arange(n, dtype=edge_index.dtype)
    src = jnp.concatenate([edge_index[0], sl])
    dst = jnp.concatenate([edge_index[1], sl])
    deg = jax.ops.segment_sum(jnp.ones(src.shape[0], x.dtype), dst, num_segments=n)
    dinv = jnp.where(deg > 0, 1.0 / jnp.sqrt(deg), 0.0)
    norm = (dinv[src] * dinv[dst])[:, None]

    def gcn(h, W, b):
        hw = h @ W
        msg = hw[src] * norm
        return jax.ops.segment_sum(msg, dst, num_segments=n) + b

    def bn(h, g, be):
        mu = h.mean(0)
        var = h.var(0)
        return g * (h - mu) / jnp.sqrt(var + 1e-5) + be

    identity = x @ Wp
    h = jax.nn.relu(bn(gcn(x, W1, b1), g1, be1)) + identity
    identity = h
    h = jax.nn.relu(bn(gcn(h, W2, b2), g2, be2)) + identity
    identity = h
    h = jax.nn.relu(bn(gcn(h, W3, b3), g3, be3)) + identity
    identity = h
    h = jax.nn.relu(bn(gcn(h, W4, b4), g4, be4)) + identity
    identity = h
    h = jax.nn.relu(bn(gcn(h, W5, b5), g5, be5)) + identity
    counts = jax.ops.segment_sum(jnp.ones(n, x.dtype), batch, num_segments=G)
    sums = jax.ops.segment_sum(h, batch, num_segments=G)
    pooled = sums / jnp.clip(counts, 1.0)[:, None]
    return pooled @ linW + linb

if __name__ == "__main__":
    import jax
    _d = setup_inputs()
    print(jax.jit(kernel)(*tuple(_d.values())))

</pallas_src>

<mosaic_0001>
#map = affine_map<(d0, d1) -> (0, 0)>
#map1 = affine_map<(d0, d1) -> (0, 0, 0)>
module attributes {stable_mosaic.version = 14 : i64} {
  func.func @deg(%arg0: i32, %arg1: i32, %arg2: memref<2560x128xi32, #tpu.memory_space<hbm>>, %arg3: memref<128x128xf32, #tpu.memory_space<hbm>>, %arg4: memref<10112x128xf32, #tpu.memory_space<hbm>>, %arg5: memref<2x10112x128xf32, #tpu.memory_space<hbm>>, %arg6: memref<80x128xi32, #tpu.memory_space<vmem>>, %arg7: memref<128x128xf32, #tpu.memory_space<vmem>>, %arg8: memref<10112x128xf32, #tpu.memory_space<vmem_shared>>, %arg9: memref<!tpu.dma_semaphore, #tpu.memory_space<semaphore_mem>>, %arg10: memref<!tpu.dma_semaphore, #tpu.memory_space<semaphore_mem>>) attributes {dimension_semantics = [#tpu.dimension_semantics<core_parallel>, #tpu.dimension_semantics<subcore_parallel>], iteration_bounds = array<i64: 2, 16>, scalar_prefetch = 0 : i64, scratch_operands = 5 : i64, tpu.core_type = #tpu.core_type<sc_vector_subcore>, window_params = [{transform_indices = #map}, {transform_indices = #map}, {transform_indices = #map}, {transform_indices = #map1}]} {
    %mul3A = arith.constant 16 : i32
    %mul3A_0 = arith.muli %arg0, %mul3A : i32
    %add3A = arith.addi %mul3A_0, %arg1 : i32
    %mul3A_1 = arith.constant 632 : i32
    %mul3A_2 = arith.muli %arg1, %mul3A_1 : i32
    %mul3A_3 = arith.constant 632 : i32
    %mul3A_4 = arith.muli %arg1, %mul3A_3 : i32
    "tpu.region"() ({
      %run_scoped3A = tpu.sem_alloc : memref<!tpu.dma_semaphore, #tpu.memory_space<semaphore_mem>>
      %dma_start3A = arith.constant 0 : i32
      %dma_start3A_17 = tpu.memref_slice %arg8[%mul3A_4, %dma_start3A] : memref<10112x128xf32, #tpu.memory_space<vmem_shared>> -> memref<632x128xf32, #tpu.memory_space<vmem_shared>>
      %dma_start3A_18 = arith.constant 0 : i32
      %dma_start3A_19 = tpu.memref_slice %arg4[%mul3A_2, %dma_start3A_18] : memref<10112x128xf32, #tpu.memory_space<hbm>> -> memref<632x128xf32, #tpu.memory_space<hbm>>
      tpu.enqueue_dma source(%dma_start3A_19 : memref<632x128xf32, #tpu.memory_space<hbm>>) target(%dma_start3A_17 : memref<632x128xf32, #tpu.memory_space<vmem_shared>>) target_semaphore(%run_scoped3A : memref<!tpu.dma_semaphore, #tpu.memory_space<semaphore_mem>>)
      %dma_wait3A = arith.constant 0 : i32
      %dma_wait3A_20 = tpu.memref_slice %arg8[%mul3A_4, %dma_wait3A] : memref<10112x128xf32, #tpu.memory_space<vmem_shared>> -> memref<632x128xf32, #tpu.memory_space<vmem_shared>>
      %dma_wait3A_21 = arith.constant 0 : i32
      %dma_wait3A_22 = tpu.memref_slice %arg4[%mul3A_2, %dma_wait3A_21] : memref<10112x128xf32, #tpu.memory_space<hbm>> -> memref<632x128xf32, #tpu.memory_space<hbm>>
      tpu.wait_dma2 semaphore(%run_scoped3A : memref<!tpu.dma_semaphore, #tpu.memory_space<semaphore_mem>>) src(%dma_wait3A_22 : memref<632x128xf32, #tpu.memory_space<hbm>>) dst(%dma_wait3A_20 : memref<632x128xf32, #tpu.memory_space<vmem_shared>>)
      tpu.yield
    }) : () -> ()
    "tpu.region"() ({
      %run_scoped3A = tpu.sem_alloc : memref<!tpu.dma_semaphore, #tpu.memory_space<semaphore_mem>>
      tpu.enqueue_dma source(%arg3 : memref<128x128xf32, #tpu.memory_space<hbm>>) target(%arg7 : memref<128x128xf32, #tpu.memory_space<vmem>>) target_semaphore(%run_scoped3A : memref<!tpu.dma_semaphore, #tpu.memory_space<semaphore_mem>>)
      tpu.wait_dma2 semaphore(%run_scoped3A : memref<!tpu.dma_semaphore, #tpu.memory_space<semaphore_mem>>) src(%arg3 : memref<128x128xf32, #tpu.memory_space<hbm>>) dst(%arg7 : memref<128x128xf32, #tpu.memory_space<vmem>>)
      tpu.yield
    }) : () -> ()
    %mul3A_5 = arith.constant 80 : i32
    %mul3A_6 = arith.muli %add3A, %mul3A_5 : i32
    "tpu.region"() ({
      %run_scoped3A = tpu.sem_alloc : memref<!tpu.dma_semaphore, #tpu.memory_space<semaphore_mem>>
      %dma_start3A = arith.constant 0 : i32
      %dma_start3A_17 = tpu.memref_slice %arg2[%mul3A_6, %dma_start3A] : memref<2560x128xi32, #tpu.memory_space<hbm>> -> memref<80x128xi32, #tpu.memory_space<hbm>>
      %dma_start3A_18 = arith.constant 0 : i32
      %dma_start3A_19 = tpu.memref_slice %arg2[%mul3A_6, %dma_start3A_18] : memref<2560x128xi32, #tpu.memory_space<hbm>> -> memref<80x128xi32, #tpu.memory_space<hbm>>
      tpu.enqueue_dma source(%dma_start3A_19 : memref<80x128xi32, #tpu.memory_space<hbm>>) target(%arg6 : memref<80x128xi32, #tpu.memory_space<vmem>>) target_semaphore(%run_scoped3A : memref<!tpu.dma_semaphore, #tpu.memory_space<semaphore_mem>>)
      %dma_wait3A = arith.constant 0 : i32
      %dma_wait3A_20 = tpu.memref_slice %arg2[%mul3A_6, %dma_wait3A] : memref<2560x128xi32, #tpu.memory_space<hbm>> -> memref<80x128xi32, #tpu.memory_space<hbm>>
      %dma_wait3A_21 = arith.constant 0 : i32
      %dma_wait3A_22 = tpu.memref_slice %arg2[%mul3A_6, %dma_wait3A_21] : memref<2560x128xi32, #tpu.memory_space<hbm>> -> memref<80x128xi32, #tpu.memory_space<hbm>>
      tpu.wait_dma2 semaphore(%run_scoped3A : memref<!tpu.dma_semaphore, #tpu.memory_space<semaphore_mem>>) src(%dma_wait3A_22 : memref<80x128xi32, #tpu.memory_space<hbm>>) dst(%arg6 : memref<80x128xi32, #tpu.memory_space<vmem>>)
      tpu.yield
    }) : () -> ()
    %barrier3A = arith.constant 0 : index
    tpu.barrier barrier_id(%barrier3A)
    %scan3A = arith.constant 0 : i32
    %scan3A_7 = arith.constant 0 : i32
    %scan3A_8 = arith.constant 40 : i32
    %scan3A_9 = arith.addi %scan3A_7, %scan3A_8 : i32
    %scan3A_10 = arith.constant 1 : i32
    scf.for %scan3A_17 = %scan3A_7 to %scan3A_9 step %scan3A_10  : i32 {
      %mul3A_18 = arith.constant 2 : i32
      %mul3A_19 = arith.muli %mul3A_18, %scan3A_17 : i32
      %dma_start3A = arith.constant 0 : i32
      %dma_start3A_20 = tpu.memref_slice %arg6[%mul3A_19, %dma_start3A] : memref<80x128xi32, #tpu.memory_space<vmem>> -> memref<1x128xi32, #tpu.memory_space<vmem>>
      %dma_start3A_21 = tpu.memref_squeeze %dma_start3A_20 : memref<1x128xi32, #tpu.memory_space<vmem>> -> memref<128xi32, #tpu.memory_space<vmem>>
      %dma_start3A_22 = arith.constant 0 : i32
      %dma_start3A_23 = arith.constant 0 : i32
      %dma_start3A_24 = tpu.memref_slice %arg8[%dma_start3A_22, %dma_start3A_23] : memref<10112x128xf32, #tpu.memory_space<vmem_shared>> -> memref<10112x128xf32, #tpu.memory_space<vmem_shared>>
      tpu.enqueue_indirect_dma source(%arg7 : memref<128x128xf32, #tpu.memory_space<vmem>>) target(%dma_start3A_24 : memref<10112x128xf32, #tpu.memory_space<vmem_shared>>) offsets(%dma_start3A_21 : memref<128xi32, #tpu.memory_space<vmem>>) semaphore(%arg9 : memref<!tpu.dma_semaphore, #tpu.memory_space<semaphore_mem>>) {add = true}
      %add3A_25 = arith.constant 1 : i32
      %add3A_26 = arith.addi %mul3A_19, %add3A_25 : i32
      %dma_start3A_27 = arith.constant 0 : i32
      %dma_start3A_28 = tpu.memref_slice %arg6[%add3A_26, %dma_start3A_27] : memref<80x128xi32, #tpu.memory_space<vmem>> -> memref<1x128xi32, #tpu.memory_space<vmem>>
      %dma_start3A_29 = tpu.memref_squeeze %dma_start3A_28 : memref<1x128xi32, #tpu.memory_space<vmem>> -> memref<128xi32, #tpu.memory_space<vmem>>
      %dma_start3A_30 = arith.constant 0 : i32
      %dma_start3A_31 = arith.constant 0 : i32
      %dma_start3A_32 = tpu.memref_slice %arg8[%dma_start3A_30, %dma_start3A_31] : memref<10112x128xf32, #tpu.memory_space<vmem_shared>> -> memref<10112x128xf32, #tpu.memory_space<vmem_shared>>
      tpu.enqueue_indirect_dma source(%arg7 : memref<128x128xf32, #tpu.memory_space<vmem>>) target(%dma_start3A_32 : memref<10112x128xf32, #tpu.memory_space<vmem_shared>>) offsets(%dma_start3A_29 : memref<128xi32, #tpu.memory_space<vmem>>) semaphore(%arg10 : memref<!tpu.dma_semaphore, #tpu.memory_space<semaphore_mem>>) {add = true}
      %dma_wait3A = arith.constant 0 : i32
      %dma_wait3A_33 = tpu.memref_slice %arg6[%mul3A_19, %dma_wait3A] : memref<80x128xi32, #tpu.memory_space<vmem>> -> memref<1x128xi32, #tpu.memory_space<vmem>>
      %dma_wait3A_34 = tpu.memref_squeeze %dma_wait3A_33 : memref<1x128xi32, #tpu.memory_space<vmem>> -> memref<128xi32, #tpu.memory_space<vmem>>
      %dma_wait3A_35 = arith.constant 0 : i32
      %dma_wait3A_36 = arith.constant 0 : i32
      %dma_wait3A_37 = tpu.memref_slice %arg8[%dma_wait3A_35, %dma_wait3A_36] : memref<10112x128xf32, #tpu.memory_space<vmem_shared>> -> memref<10112x128xf32, #tpu.memory_space<vmem_shared>>
      tpu.wait_indirect_dma semaphore(%arg9 : memref<!tpu.dma_semaphore, #tpu.memory_space<semaphore_mem>>) src(%arg7 : memref<128x128xf32, #tpu.memory_space<vmem>>) dst(%dma_wait3A_37 : memref<10112x128xf32, #tpu.memory_space<vmem_shared>>)
      %add3A_38 = arith.constant 1 : i32
      %add3A_39 = arith.addi %mul3A_19, %add3A_38 : i32
      %dma_wait3A_40 = arith.constant 0 : i32
      %dma_wait3A_41 = tpu.memref_slice %arg6[%add3A_39, %dma_wait3A_40] : memref<80x128xi32, #tpu.memory_space<vmem>> -> memref<1x128xi32, #tpu.memory_space<vmem>>
      %dma_wait3A_42 = tpu.memref_squeeze %dma_wait3A_41 : memref<1x128xi32, #tpu.memory_space<vmem>> -> memref<128xi32, #tpu.memory_space<vmem>>
      %dma_wait3A_43 = arith.constant 0 : i32
      %dma_wait3A_44 = arith.constant 0 : i32
      %dma_wait3A_45 = tpu.memref_slice %arg8[%dma_wait3A_43, %dma_wait3A_44] : memref<10112x128xf32, #tpu.memory_space<vmem_shared>> -> memref<10112x128xf32, #tpu.memory_space<vmem_shared>>
      tpu.wait_indirect_dma semaphore(%arg10 : memref<!tpu.dma_semaphore, #tpu.memory_space<semaphore_mem>>) src(%arg7 : memref<128x128xf32, #tpu.memory_space<vmem>>) dst(%dma_wait3A_45 : memref<10112x128xf32, #tpu.memory_space<vmem_shared>>)
    }
    %scan3A_11 = arith.constant 40 : i32
    %barrier3A_12 = arith.constant 0 : index
    tpu.barrier barrier_id(%barrier3A_12)
    %mul3A_13 = arith.constant 632 : i32
    %mul3A_14 = arith.muli %arg1, %mul3A_13 : i32
    %mul3A_15 = arith.constant 632 : i32
    %mul3A_16 = arith.muli %arg1, %mul3A_15 : i32
    "tpu.region"() ({
      %run_scoped3A = tpu.sem_alloc : memref<!tpu.dma_semaphore, #tpu.memory_space<semaphore_mem>>
      %dma_start3A = arith.constant 0 : i32
      %dma_start3A_17 = tpu.memref_slice %arg5[%arg0, %mul3A_16, %dma_start3A] : memref<2x10112x128xf32, #tpu.memory_space<hbm>> -> memref<1x632x128xf32, #tpu.memory_space<hbm>>
      %dma_start3A_18 = tpu.memref_squeeze %dma_start3A_17 : memref<1x632x128xf32, #tpu.memory_space<hbm>> -> memref<632x128xf32, #tpu.memory_space<hbm>>
      %dma_start3A_19 = arith.constant 0 : i32
      %dma_start3A_20 = tpu.memref_slice %arg8[%mul3A_14, %dma_start3A_19] : memref<10112x128xf32, #tpu.memory_space<vmem_shared>> -> memref<632x128xf32, #tpu.memory_space<vmem_shared>>
      tpu.enqueue_dma source(%dma_start3A_20 : memref<632x128xf32, #tpu.memory_space<vmem_shared>>) target(%dma_start3A_18 : memref<632x128xf32, #tpu.memory_space<hbm>>) target_semaphore(%run_scoped3A : memref<!tpu.dma_semaphore, #tpu.memory_space<semaphore_mem>>)
      %dma_wait3A = arith.constant 0 : i32
      %dma_wait3A_21 = tpu.memref_slice %arg5[%arg0, %mul3A_16, %dma_wait3A] : memref<2x10112x128xf32, #tpu.memory_space<hbm>> -> memref<1x632x128xf32, #tpu.memory_space<hbm>>
      %dma_wait3A_22 = tpu.memref_squeeze %dma_wait3A_21 : memref<1x632x128xf32, #tpu.memory_space<hbm>> -> memref<632x128xf32, #tpu.memory_space<hbm>>
      %dma_wait3A_23 = arith.constant 0 : i32
      %dma_wait3A_24 = tpu.memref_slice %arg8[%mul3A_14, %dma_wait3A_23] : memref<10112x128xf32, #tpu.memory_space<vmem_shared>> -> memref<632x128xf32, #tpu.memory_space<vmem_shared>>
      tpu.wait_dma2 semaphore(%run_scoped3A : memref<!tpu.dma_semaphore, #tpu.memory_space<semaphore_mem>>) src(%dma_wait3A_24 : memref<632x128xf32, #tpu.memory_space<vmem_shared>>) dst(%dma_wait3A_22 : memref<632x128xf32, #tpu.memory_space<hbm>>)
      tpu.yield
    }) : () -> ()
    return
  }
}

#map = affine_map<(d0, d1) -> (0, 0)>
#map1 = affine_map<(d0, d1) -> (0, 0, 0)>
module attributes {stable_mosaic.version = 14 : i64} {
  func.func @scat(%arg0: i32, %arg1: i32, %arg2: memref<10000x128xf32, #tpu.memory_space<hbm>>, %arg3: memref<2560x128xi32, #tpu.memory_space<hbm>>, %arg4: memref<2560x128xi32, #tpu.memory_space<hbm>>, %arg5: memref<10112x128xf32, #tpu.memory_space<hbm>>, %arg6: memref<2x10112x128xf32, #tpu.memory_space<hbm>>, %arg7: memref<40x128xi32, #tpu.memory_space<vmem>>, %arg8: memref<40x128xi32, #tpu.memory_space<vmem>>, %arg9: memref<2x128x128xf32, #tpu.memory_space<vmem>>, %arg10: memref<10112x128xf32, #tpu.memory_space<vmem_shared>>, %arg11: memref<!tpu.dma_semaphore, #tpu.memory_space<semaphore_mem>>, %arg12: memref<!tpu.dma_semaphore, #tpu.memory_space<semaphore_mem>>) attributes {dimension_semantics = [#tpu.dimension_semantics<core_parallel>, #tpu.dimension_semantics<subcore_parallel>], iteration_bounds = array<i64: 2, 16>, scalar_prefetch = 0 : i64, scratch_operands = 6 : i64, tpu.core_type = #tpu.core_type<sc_vector_subcore>, window_params = [{transform_indices = #map}, {transform_indices = #map}, {transform_indices = #map}, {transform_indices = #map}, {transform_indices = #map1}]} {
    %mul3A = arith.constant 16 : i32
    %mul3A_0 = arith.muli %arg0, %mul3A : i32
    %add3A = arith.addi %mul3A_0, %arg1 : i32
    %mul3A_1 = arith.constant 632 : i32
    %mul3A_2 = arith.muli %arg1, %mul3A_1 : i32
    %mul3A_3 = arith.constant 632 : i32
    %mul3A_4 = arith.muli %arg1, %mul3A_3 : i32
    "tpu.region"() ({
      %run_scoped3A = tpu.sem_alloc : memref<!tpu.dma_semaphore, #tpu.memory_space<semaphore_mem>>
      %dma_start3A_52 = arith.constant 0 : i32
      %dma_start3A_53 = tpu.memref_slice %arg10[%mul3A_4, %dma_start3A_52] : memref<10112x128xf32, #tpu.memory_space<vmem_shared>> -> memref<632x128xf32, #tpu.memory_space<vmem_shared>>
      %dma_start3A_54 = arith.constant 0 : i32
      %dma_start3A_55 = tpu.memref_slice %arg5[%mul3A_2, %dma_start3A_54] : memref<10112x128xf32, #tpu.memory_space<hbm>> -> memref<632x128xf32, #tpu.memory_space<hbm>>
      tpu.enqueue_dma source(%dma_start3A_55 : memref<632x128xf32, #tpu.memory_space<hbm>>) target(%dma_start3A_53 : memref<632x128xf32, #tpu.memory_space<vmem_shared>>) target_semaphore(%run_scoped3A : memref<!tpu.dma_semaphore, #tpu.memory_space<semaphore_mem>>)
      %dma_wait3A = arith.constant 0 : i32
      %dma_wait3A_56 = tpu.memref_slice %arg10[%mul3A_4, %dma_wait3A] : memref<10112x128xf32, #tpu.memory_space<vmem_shared>> -> memref<632x128xf32, #tpu.memory_space<vmem_shared>>
      %dma_wait3A_57 = arith.constant 0 : i32
      %dma_wait3A_58 = tpu.memref_slice %arg5[%mul3A_2, %dma_wait3A_57] : memref<10112x128xf32, #tpu.memory_space<hbm>> -> memref<632x128xf32, #tpu.memory_space<hbm>>
      tpu.wait_dma2 semaphore(%run_scoped3A : memref<!tpu.dma_semaphore, #tpu.memory_space<semaphore_mem>>) src(%dma_wait3A_58 : memref<632x128xf32, #tpu.memory_space<hbm>>) dst(%dma_wait3A_56 : memref<632x128xf32, #tpu.memory_space<vmem_shared>>)
      tpu.yield
    }) : () -> ()
    %barrier3A = arith.constant 0 : index
    tpu.barrier barrier_id(%barrier3A)
    %mul3A_5 = arith.constant 80 : i32
    %mul3A_6 = arith.muli %add3A, %mul3A_5 : i32
    %add3A_7 = arith.constant 0 : i32
    %add3A_8 = arith.addi %mul3A_6, %add3A_7 : i32
    "tpu.region"() ({
      %run_scoped3A = tpu.sem_alloc : memref<!tpu.dma_semaphore, #tpu.memory_space<semaphore_mem>>
      %dma_start3A_52 = arith.constant 0 : i32
      %dma_start3A_53 = tpu.memref_slice %arg3[%add3A_8, %dma_start3A_52] : memref<2560x128xi32, #tpu.memory_space<hbm>> -> memref<40x128xi32, #tpu.memory_space<hbm>>
      %dma_start3A_54 = arith.constant 0 : i32
      %dma_start3A_55 = tpu.memref_slice %arg3[%add3A_8, %dma_start3A_54] : memref<2560x128xi32, #tpu.memory_space<hbm>> -> memref<40x128xi32, #tpu.memory_space<hbm>>
      tpu.enqueue_dma source(%dma_start3A_55 : memref<40x128xi32, #tpu.memory_space<hbm>>) target(%arg7 : memref<40x128xi32, #tpu.memory_space<vmem>>) target_semaphore(%run_scoped3A : memref<!tpu.dma_semaphore, #tpu.memory_space<semaphore_mem>>)
      %dma_wait3A = arith.constant 0 : i32
      %dma_wait3A_56 = tpu.memref_slice %arg3[%add3A_8, %dma_wait3A] : memref<2560x128xi32, #tpu.memory_space<hbm>> -> memref<40x128xi32, #tpu.memory_space<hbm>>
      %dma_wait3A_57 = arith.constant 0 : i32
      %dma_wait3A_58 = tpu.memref_slice %arg3[%add3A_8, %dma_wait3A_57] : memref<2560x128xi32, #tpu.memory_space<hbm>> -> memref<40x128xi32, #tpu.memory_space<hbm>>
      tpu.wait_dma2 semaphore(%run_scoped3A : memref<!tpu.dma_semaphore, #tpu.memory_space<semaphore_mem>>) src(%dma_wait3A_58 : memref<40x128xi32, #tpu.memory_space<hbm>>) dst(%arg7 : memref<40x128xi32, #tpu.memory_space<vmem>>)
      tpu.yield
    }) : () -> ()
    "tpu.region"() ({
      %run_scoped3A = tpu.sem_alloc : memref<!tpu.dma_semaphore, #tpu.memory_space<semaphore_mem>>
      %dma_start3A_52 = arith.constant 0 : i32
      %dma_start3A_53 = tpu.memref_slice %arg4[%add3A_8, %dma_start3A_52] : memref<2560x128xi32, #tpu.memory_space<hbm>> -> memref<40x128xi32, #tpu.memory_space<hbm>>
      %dma_start3A_54 = arith.constant 0 : i32
      %dma_start3A_55 = tpu.memref_slice %arg4[%add3A_8, %dma_start3A_54] : memref<2560x128xi32, #tpu.memory_space<hbm>> -> memref<40x128xi32, #tpu.memory_space<hbm>>
      tpu.enqueue_dma source(%dma_start3A_55 : memref<40x128xi32, #tpu.memory_space<hbm>>) target(%arg8 : memref<40x128xi32, #tpu.memory_space<vmem>>) target_semaphore(%run_scoped3A : memref<!tpu.dma_semaphore, #tpu.memory_space<semaphore_mem>>)
      %dma_wait3A = arith.constant 0 : i32
      %dma_wait3A_56 = tpu.memref_slice %arg4[%add3A_8, %dma_wait3A] : memref<2560x128xi32, #tpu.memory_space<hbm>> -> memref<40x128xi32, #tpu.memory_space<hbm>>
      %dma_wait3A_57 = arith.constant 0 : i32
      %dma_wait3A_58 = tpu.memref_slice %arg4[%add3A_8, %dma_wait3A_57] : memref<2560x128xi32, #tpu.memory_space<hbm>> -> memref<40x128xi32, #tpu.memory_space<hbm>>
      tpu.wait_dma2 semaphore(%run_scoped3A : memref<!tpu.dma_semaphore, #tpu.memory_space<semaphore_mem>>) src(%dma_wait3A_58 : memref<40x128xi32, #tpu.memory_space<hbm>>) dst(%arg8 : memref<40x128xi32, #tpu.memory_space<vmem>>)
      tpu.yield
    }) : () -> ()
    %dma_start3A = arith.constant 0 : i32
    %dma_start3A_9 = arith.constant 0 : i32
    %dma_start3A_10 = arith.constant 0 : i32
    %dma_start3A_11 = arith.constant 0 : i32
    %dma_start3A_12 = tpu.memref_slice %arg9[%dma_start3A_9, %dma_start3A_10, %dma_start3A_11] : memref<2x128x128xf32, #tpu.memory_space<vmem>> -> memref<1x128x128xf32, #tpu.memory_space<vmem>>
    %dma_start3A_13 = tpu.memref_squeeze %dma_start3A_12 : memref<1x128x128xf32, #tpu.memory_space<vmem>> -> memref<128x128xf32, #tpu.memory_space<vmem>>
    %dma_start3A_14 = arith.constant 0 : i32
    %dma_start3A_15 = tpu.memref_slice %arg7[%dma_start3A, %dma_start3A_14] : memref<40x128xi32, #tpu.memory_space<vmem>> -> memref<1x128xi32, #tpu.memory_space<vmem>>
    %dma_start3A_16 = tpu.memref_squeeze %dma_start3A_15 : memref<1x128xi32, #tpu.memory_space<vmem>> -> memref<128xi32, #tpu.memory_space<vmem>>
    %dma_start3A_17 = arith.constant 0 : i32
    %dma_start3A_18 = arith.constant 0 : i32
    %dma_start3A_19 = tpu.memref_slice %arg2[%dma_start3A_17, %dma_start3A_18] : memref<10000x128xf32, #tpu.memory_space<hbm>> -> memref<10000x128xf32, #tpu.memory_space<hbm>>
    tpu.enqueue_indirect_dma source(%dma_start3A_19 : memref<10000x128xf32, #tpu.memory_space<hbm>>) target(%dma_start3A_13 : memref<128x128xf32, #tpu.memory_space<vmem>>) offsets(%dma_start3A_16 : memref<128xi32, #tpu.memory_space<vmem>>) semaphore(%arg11 : memref<!tpu.dma_semaphore, #tpu.memory_space<semaphore_mem>>)
    %scan3A = arith.constant 0 : i32
    %scan3A_20 = arith.constant 0 : i32
    %scan3A_21 = arith.constant 20 : i32
    %scan3A_22 = arith.addi %scan3A_20, %scan3A_21 : i32
    %scan3A_23 = arith.constant 1 : i32
    scf.for %scan3A_52 = %scan3A_20 to %scan3A_22 step %scan3A_23  : i32 {
      %mul3A_53 = arith.constant 2 : i32
      %mul3A_54 = arith.muli %mul3A_53, %scan3A_52 : i32
      %add3A_55 = arith.constant 1 : i32
      %add3A_56 = arith.addi %mul3A_54, %add3A_55 : i32
      %dma_start3A_57 = arith.constant 1 : i32
      %dma_start3A_58 = arith.constant 0 : i32
      %dma_start3A_59 = arith.constant 0 : i32
      %dma_start3A_60 = tpu.memref_slice %arg9[%dma_start3A_57, %dma_start3A_58, %dma_start3A_59] : memref<2x128x128xf32, #tpu.memory_space<vmem>> -> memref<1x128x128xf32, #tpu.memory_space<vmem>>
      %dma_start3A_61 = tpu.memref_squeeze %dma_start3A_60 : memref<1x128x128xf32, #tpu.memory_space<vmem>> -> memref<128x128xf32, #tpu.memory_space<vmem>>
      %dma_start3A_62 = arith.constant 0 : i32
      %dma_start3A_63 = tpu.memref_slice %arg7[%add3A_56, %dma_start3A_62] : memref<40x128xi32, #tpu.memory_space<vmem>> -> memref<1x128xi32, #tpu.memory_space<vmem>>
      %dma_start3A_64 = tpu.memref_squeeze %dma_start3A_63 : memref<1x128xi32, #tpu.memory_space<vmem>> -> memref<128xi32, #tpu.memory_space<vmem>>
      %dma_start3A_65 = arith.constant 0 : i32
      %dma_start3A_66 = arith.constant 0 : i32
      %dma_start3A_67 = tpu.memref_slice %arg2[%dma_start3A_65, %dma_start3A_66] : memref<10000x128xf32, #tpu.memory_space<hbm>> -> memref<10000x128xf32, #tpu.memory_space<hbm>>
      tpu.enqueue_indirect_dma source(%dma_start3A_67 : memref<10000x128xf32, #tpu.memory_space<hbm>>) target(%dma_start3A_61 : memref<128x128xf32, #tpu.memory_space<vmem>>) offsets(%dma_start3A_64 : memref<128xi32, #tpu.memory_space<vmem>>) semaphore(%arg12 : memref<!tpu.dma_semaphore, #tpu.memory_space<semaphore_mem>>)
      %dma_wait3A = arith.constant 0 : i32
      %dma_wait3A_68 = arith.constant 0 : i32
      %dma_wait3A_69 = arith.constant 0 : i32
      %dma_wait3A_70 = tpu.memref_slice %arg9[%dma_wait3A, %dma_wait3A_68, %dma_wait3A_69] : memref<2x128x128xf32, #tpu.memory_space<vmem>> -> memref<1x128x128xf32, #tpu.memory_space<vmem>>
      %dma_wait3A_71 = tpu.memref_squeeze %dma_wait3A_70 : memref<1x128x128xf32, #tpu.memory_space<vmem>> -> memref<128x128xf32, #tpu.memory_space<vmem>>
      %dma_wait3A_72 = arith.constant 0 : i32
      %dma_wait3A_73 = tpu.memref_slice %arg7[%mul3A_54, %dma_wait3A_72] : memref<40x128xi32, #tpu.memory_space<vmem>> -> memref<1x128xi32, #tpu.memory_space<vmem>>
      %dma_wait3A_74 = tpu.memref_squeeze %dma_wait3A_73 : memref<1x128xi32, #tpu.memory_space<vmem>> -> memref<128xi32, #tpu.memory_space<vmem>>
      %dma_wait3A_75 = arith.constant 0 : i32
      %dma_wait3A_76 = arith.constant 0 : i32
      %dma_wait3A_77 = tpu.memref_slice %arg2[%dma_wait3A_75, %dma_wait3A_76] : memref<10000x128xf32, #tpu.memory_space<hbm>> -> memref<10000x128xf32, #tpu.memory_space<hbm>>
      tpu.wait_indirect_dma semaphore(%arg11 : memref<!tpu.dma_semaphore, #tpu.memory_space<semaphore_mem>>) src(%dma_wait3A_77 : memref<10000x128xf32, #tpu.memory_space<hbm>>) dst(%dma_wait3A_71 : memref<128x128xf32, #tpu.memory_space<vmem>>)
      %run_scoped3A = arith.constant 0 : i32
      "tpu.region"() ({
        %run_scoped3A_98 = tpu.sem_alloc : memref<!tpu.dma_semaphore, #tpu.memory_space<semaphore_mem>>
        %dma_start3A_99 = arith.constant 0 : i32
        %dma_start3A_100 = arith.constant 0 : i32
        %dma_start3A_101 = tpu.memref_slice %arg9[%run_scoped3A, %dma_start3A_99, %dma_start3A_100] : memref<2x128x128xf32, #tpu.memory_space<vmem>> -> memref<1x128x128xf32, #tpu.memory_space<vmem>>
        %dma_start3A_102 = tpu.memref_squeeze %dma_start3A_101 : memref<1x128x128xf32, #tpu.memory_space<vmem>> -> memref<128x128xf32, #tpu.memory_space<vmem>>
        %dma_start3A_103 = arith.constant 0 : i32
        %dma_start3A_104 = tpu.memref_slice %arg8[%mul3A_54, %dma_start3A_103] : memref<40x128xi32, #tpu.memory_space<vmem>> -> memref<1x128xi32, #tpu.memory_space<vmem>>
        %dma_start3A_105 = tpu.memref_squeeze %dma_start3A_104 : memref<1x128xi32, #tpu.memory_space<vmem>> -> memref<128xi32, #tpu.memory_space<vmem>>
        %dma_start3A_106 = arith.constant 0 : i32
        %dma_start3A_107 = arith.constant 0 : i32
        %dma_start3A_108 = tpu.memref_slice %arg10[%dma_start3A_106, %dma_start3A_107] : memref<10112x128xf32, #tpu.memory_space<vmem_shared>> -> memref<10112x128xf32, #tpu.memory_space<vmem_shared>>
        tpu.enqueue_indirect_dma source(%dma_start3A_102 : memref<128x128xf32, #tpu.memory_space<vmem>>) target(%dma_start3A_108 : memref<10112x128xf32, #tpu.memory_space<vmem_shared>>) offsets(%dma_start3A_105 : memref<128xi32, #tpu.memory_space<vmem>>) semaphore(%run_scoped3A_98 : memref<!tpu.dma_semaphore, #tpu.memory_space<semaphore_mem>>) {add = true}
        %dma_wait3A_109 = arith.constant 0 : i32
        %dma_wait3A_110 = arith.constant 0 : i32
        %dma_wait3A_111 = tpu.memref_slice %arg9[%run_scoped3A, %dma_wait3A_109, %dma_wait3A_110] : memref<2x128x128xf32, #tpu.memory_space<vmem>> -> memref<1x128x128xf32, #tpu.memory_space<vmem>>
        %dma_wait3A_112 = tpu.memref_squeeze %dma_wait3A_111 : memref<1x128x128xf32, #tpu.memory_space<vmem>> -> memref<128x128xf32, #tpu.memory_space<vmem>>
        %dma_wait3A_113 = arith.constant 0 : i32
        %dma_wait3A_114 = tpu.memref_slice %arg8[%mul3A_54, %dma_wait3A_113] : memref<40x128xi32, #tpu.memory_space<vmem>> -> memref<1x128xi32, #tpu.memory_space<vmem>>
        %dma_wait3A_115 = tpu.memref_squeeze %dma_wait3A_114 : memref<1x128xi32, #tpu.memory_space<vmem>> -> memref<128xi32, #tpu.memory_space<vmem>>
        %dma_wait3A_116 = arith.constant 0 : i32
        %dma_wait3A_117 = arith.constant 0 : i32
        %dma_wait3A_118 = tpu.memref_slice %arg10[%dma_wait3A_116, %dma_wait3A_117] : memref<10112x128xf32, #tpu.memory_space<vmem_shared>> -> memref<10112x128xf32, #tpu.memory_space<vmem_shared>>
        tpu.wait_indirect_dma semaphore(%run_scoped3A_98 : memref<!tpu.dma_semaphore, #tpu.memory_space<semaphore_mem>>) src(%dma_wait3A_112 : memref<128x128xf32, #tpu.memory_space<vmem>>) dst(%dma_wait3A_118 : memref<10112x128xf32, #tpu.memory_space<vmem_shared>>)
        tpu.yield
      }) : () -> ()
      %add3A_78 = arith.constant 2 : i32
      %add3A_79 = arith.addi %mul3A_54, %add3A_78 : i32
      %lt3A = arith.constant 40 : i32
      %lt3A_80 = arith.cmpi slt, %add3A_79, %lt3A : i32
      %convert_element_type3A = arith.extui %lt3A_80 : i1 to i32
      %cond3A = arith.constant 0 : i32
      %cond3A_81 = arith.cmpi ne, %convert_element_type3A, %cond3A : i32
      scf.if %cond3A_81 {
        %add3A_98 = arith.constant 2 : i32
        %add3A_99 = arith.addi %mul3A_54, %add3A_98 : i32
        %dma_start3A_100 = arith.constant 0 : i32
        %dma_start3A_101 = arith.constant 0 : i32
        %dma_start3A_102 = arith.constant 0 : i32
        %dma_start3A_103 = tpu.memref_slice %arg9[%dma_start3A_100, %dma_start3A_101, %dma_start3A_102] : memref<2x128x128xf32, #tpu.memory_space<vmem>> -> memref<1x128x128xf32, #tpu.memory_space<vmem>>
        %dma_start3A_104 = tpu.memref_squeeze %dma_start3A_103 : memref<1x128x128xf32, #tpu.memory_space<vmem>> -> memref<128x128xf32, #tpu.memory_space<vmem>>
        %dma_start3A_105 = arith.constant 0 : i32
        %dma_start3A_106 = tpu.memref_slice %arg7[%add3A_99, %dma_start3A_105] : memref<40x128xi32, #tpu.memory_space<vmem>> -> memref<1x128xi32, #tpu.memory_space<vmem>>
        %dma_start3A_107 = tpu.memref_squeeze %dma_start3A_106 : memref<1x128xi32, #tpu.memory_space<vmem>> -> memref<128xi32, #tpu.memory_space<vmem>>
        %dma_start3A_108 = arith.constant 0 : i32
        %dma_start3A_109 = arith.constant 0 : i32
        %dma_start3A_110 = tpu.memref_slice %arg2[%dma_start3A_108, %dma_start3A_109] : memref<10000x128xf32, #tpu.memory_space<hbm>> -> memref<10000x128xf32, #tpu.memory_space<hbm>>
        tpu.enqueue_indirect_dma source(%dma_start3A_110 : memref<10000x128xf32, #tpu.memory_space<hbm>>) target(%dma_start3A_104 : memref<128x128xf32, #tpu.memory_space<vmem>>) offsets(%dma_start3A_107 : memref<128xi32, #tpu.memory_space<vmem>>) semaphore(%arg11 : memref<!tpu.dma_semaphore, #tpu.memory_space<semaphore_mem>>)
      } else {
      }
      %add3A_82 = arith.constant 1 : i32
      %add3A_83 = arith.addi %mul3A_54, %add3A_82 : i32
      %dma_wait3A_84 = arith.constant 1 : i32
      %dma_wait3A_85 = arith.constant 0 : i32
      %dma_wait3A_86 = arith.constant 0 : i32
      %dma_wait3A_87 = tpu.memref_slice %arg9[%dma_wait3A_84, %dma_wait3A_85, %dma_wait3A_86] : memref<2x128x128xf32, #tpu.memory_space<vmem>> -> memref<1x128x128xf32, #tpu.memory_space<vmem>>
      %dma_wait3A_88 = tpu.memref_squeeze %dma_wait3A_87 : memref<1x128x128xf32, #tpu.memory_space<vmem>> -> memref<128x128xf32, #tpu.memory_space<vmem>>
      %dma_wait3A_89 = arith.constant 0 : i32
      %dma_wait3A_90 = tpu.memref_slice %arg7[%add3A_83, %dma_wait3A_89] : memref<40x128xi32, #tpu.memory_space<vmem>> -> memref<1x128xi32, #tpu.memory_space<vmem>>
      %dma_wait3A_91 = tpu.memref_squeeze %dma_wait3A_90 : memref<1x128xi32, #tpu.memory_space<vmem>> -> memref<128xi32, #tpu.memory_space<vmem>>
      %dma_wait3A_92 = arith.constant 0 : i32
      %dma_wait3A_93 = arith.constant 0 : i32
      %dma_wait3A_94 = tpu.memref_slice %arg2[%dma_wait3A_92, %dma_wait3A_93] : memref<10000x128xf32, #tpu.memory_space<hbm>> -> memref<10000x128xf32, #tpu.memory_space<hbm>>
      tpu.wait_indirect_dma semaphore(%arg12 : memref<!tpu.dma_semaphore, #tpu.memory_space<semaphore_mem>>) src(%dma_wait3A_94 : memref<10000x128xf32, #tpu.memory_space<hbm>>) dst(%dma_wait3A_88 : memref<128x128xf32, #tpu.memory_space<vmem>>)
      %add3A_95 = arith.constant 1 : i32
      %add3A_96 = arith.addi %mul3A_54, %add3A_95 : i32
      %run_scoped3A_97 = arith.constant 1 : i32
      "tpu.region"() ({
        %run_scoped3A_98 = tpu.sem_alloc : memref<!tpu.dma_semaphore, #tpu.memory_space<semaphore_mem>>
        %dma_start3A_99 = arith.constant 0 : i32
        %dma_start3A_100 = arith.constant 0 : i32
        %dma_start3A_101 = tpu.memref_slice %arg9[%run_scoped3A_97, %dma_start3A_99, %dma_start3A_100] : memref<2x128x128xf32, #tpu.memory_space<vmem>> -> memref<1x128x128xf32, #tpu.memory_space<vmem>>
        %dma_start3A_102 = tpu.memref_squeeze %dma_start3A_101 : memref<1x128x128xf32, #tpu.memory_space<vmem>> -> memref<128x128xf32, #tpu.memory_space<vmem>>
        %dma_start3A_103 = arith.constant 0 : i32
        %dma_start3A_104 = tpu.memref_slice %arg8[%add3A_96, %dma_start3A_103] : memref<40x128xi32, #tpu.memory_space<vmem>> -> memref<1x128xi32, #tpu.memory_space<vmem>>
        %dma_start3A_105 = tpu.memref_squeeze %dma_start3A_104 : memref<1x128xi32, #tpu.memory_space<vmem>> -> memref<128xi32, #tpu.memory_space<vmem>>
        %dma_start3A_106 = arith.constant 0 : i32
        %dma_start3A_107 = arith.constant 0 : i32
        %dma_start3A_108 = tpu.memref_slice %arg10[%dma_start3A_106, %dma_start3A_107] : memref<10112x128xf32, #tpu.memory_space<vmem_shared>> -> memref<10112x128xf32, #tpu.memory_space<vmem_shared>>
        tpu.enqueue_indirect_dma source(%dma_start3A_102 : memref<128x128xf32, #tpu.memory_space<vmem>>) target(%dma_start3A_108 : memref<10112x128xf32, #tpu.memory_space<vmem_shared>>) offsets(%dma_start3A_105 : memref<128xi32, #tpu.memory_space<vmem>>) semaphore(%run_scoped3A_98 : memref<!tpu.dma_semaphore, #tpu.memory_space<semaphore_mem>>) {add = true}
        %dma_wait3A_109 = arith.constant 0 : i32
        %dma_wait3A_110 = arith.constant 0 : i32
        %dma_wait3A_111 = tpu.memref_slice %arg9[%run_scoped3A_97, %dma_wait3A_109, %dma_wait3A_110] : memref<2x128x128xf32, #tpu.memory_space<vmem>> -> memref<1x128x128xf32, #tpu.memory_space<vmem>>
        %dma_wait3A_112 = tpu.memref_squeeze %dma_wait3A_111 : memref<1x128x128xf32, #tpu.memory_space<vmem>> -> memref<128x128xf32, #tpu.memory_space<vmem>>
        %dma_wait3A_113 = arith.constant 0 : i32
        %dma_wait3A_114 = tpu.memref_slice %arg8[%add3A_96, %dma_wait3A_113] : memref<40x128xi32, #tpu.memory_space<vmem>> -> memref<1x128xi32, #tpu.memory_space<vmem>>
        %dma_wait3A_115 = tpu.memref_squeeze %dma_wait3A_114 : memref<1x128xi32, #tpu.memory_space<vmem>> -> memref<128xi32, #tpu.memory_space<vmem>>
        %dma_wait3A_116 = arith.constant 0 : i32
        %dma_wait3A_117 = arith.constant 0 : i32
        %dma_wait3A_118 = tpu.memref_slice %arg10[%dma_wait3A_116, %dma_wait3A_117] : memref<10112x128xf32, #tpu.memory_space<vmem_shared>> -> memref<10112x128xf32, #tpu.memory_space<vmem_shared>>
        tpu.wait_indirect_dma semaphore(%run_scoped3A_98 : memref<!tpu.dma_semaphore, #tpu.memory_space<semaphore_mem>>) src(%dma_wait3A_112 : memref<128x128xf32, #tpu.memory_space<vmem>>) dst(%dma_wait3A_118 : memref<10112x128xf32, #tpu.memory_space<vmem_shared>>)
        tpu.yield
      }) : () -> ()
    }
    %scan3A_24 = arith.constant 20 : i32
    %mul3A_25 = arith.constant 80 : i32
    %mul3A_26 = arith.muli %add3A, %mul3A_25 : i32
    %add3A_27 = arith.constant 40 : i32
    %add3A_28 = arith.addi %mul3A_26, %add3A_27 : i32
    "tpu.region"() ({
      %run_scoped3A = tpu.sem_alloc : memref<!tpu.dma_semaphore, #tpu.memory_space<semaphore_mem>>
      %dma_start3A_52 = arith.constant 0 : i32
      %dma_start3A_53 = tpu.memref_slice %arg3[%add3A_28, %dma_start3A_52] : memref<2560x128xi32, #tpu.memory_space<hbm>> -> memref<40x128xi32, #tpu.memory_space<hbm>>
      %dma_start3A_54 = arith.constant 0 : i32
      %dma_start3A_55 = tpu.memref_slice %arg3[%add3A_28, %dma_start3A_54] : memref<2560x128xi32, #tpu.memory_space<hbm>> -> memref<40x128xi32, #tpu.memory_space<hbm>>
      tpu.enqueue_dma source(%dma_start3A_55 : memref<40x128xi32, #tpu.memory_space<hbm>>) target(%arg7 : memref<40x128xi32, #tpu.memory_space<vmem>>) target_semaphore(%run_scoped3A : memref<!tpu.dma_semaphore, #tpu.memory_space<semaphore_mem>>)
      %dma_wait3A = arith.constant 0 : i32
      %dma_wait3A_56 = tpu.memref_slice %arg3[%add3A_28, %dma_wait3A] : memref<2560x128xi32, #tpu.memory_space<hbm>> -> memref<40x128xi32, #tpu.memory_space<hbm>>
      %dma_wait3A_57 = arith.constant 0 : i32
      %dma_wait3A_58 = tpu.memref_slice %arg3[%add3A_28, %dma_wait3A_57] : memref<2560x128xi32, #tpu.memory_space<hbm>> -> memref<40x128xi32, #tpu.memory_space<hbm>>
      tpu.wait_dma2 semaphore(%run_scoped3A : memref<!tpu.dma_semaphore, #tpu.memory_space<semaphore_mem>>) src(%dma_wait3A_58 : memref<40x128xi32, #tpu.memory_space<hbm>>) dst(%arg7 : memref<40x128xi32, #tpu.memory_space<vmem>>)
      tpu.yield
    }) : () -> ()
    "tpu.region"() ({
      %run_scoped3A = tpu.sem_alloc : memref<!tpu.dma_semaphore, #tpu.memory_space<semaphore_mem>>
      %dma_start3A_52 = arith.constant 0 : i32
      %dma_start3A_53 = tpu.memref_slice %arg4[%add3A_28, %dma_start3A_52] : memref<2560x128xi32, #tpu.memory_space<hbm>> -> memref<40x128xi32, #tpu.memory_space<hbm>>
      %dma_start3A_54 = arith.constant 0 : i32
      %dma_start3A_55 = tpu.memref_slice %arg4[%add3A_28, %dma_start3A_54] : memref<2560x128xi32, #tpu.memory_space<hbm>> -> memref<40x128xi32, #tpu.memory_space<hbm>>
      tpu.enqueue_dma source(%dma_start3A_55 : memref<40x128xi32, #tpu.memory_space<hbm>>) target(%arg8 : memref<40x128xi32, #tpu.memory_space<vmem>>) target_semaphore(%run_scoped3A : memref<!tpu.dma_semaphore, #tpu.memory_space<semaphore_mem>>)
      %dma_wait3A = arith.constant 0 : i32
      %dma_wait3A_56 = tpu.memref_slice %arg4[%add3A_28, %dma_wait3A] : memref<2560x128xi32, #tpu.memory_space<hbm>> -> memref<40x128xi32, #tpu.memory_space<hbm>>
      %dma_wait3A_57 = arith.constant 0 : i32
      %dma_wait3A_58 = tpu.memref_slice %arg4[%add3A_28, %dma_wait3A_57] : memref<2560x128xi32, #tpu.memory_space<hbm>> -> memref<40x128xi32, #tpu.memory_space<hbm>>
      tpu.wait_dma2 semaphore(%run_scoped3A : memref<!tpu.dma_semaphore, #tpu.memory_space<semaphore_mem>>) src(%dma_wait3A_58 : memref<40x128xi32, #tpu.memory_space<hbm>>) dst(%arg8 : memref<40x128xi32, #tpu.memory_space<vmem>>)
      tpu.yield
    }) : () -> ()
    %dma_start3A_29 = arith.constant 0 : i32
    %dma_start3A_30 = arith.constant 0 : i32
    %dma_start3A_31 = arith.constant 0 : i32
    %dma_start3A_32 = arith.constant 0 : i32
    %dma_start3A_33 = tpu.memref_slice %arg9[%dma_start3A_30, %dma_start3A_31, %dma_start3A_32] : memref<2x128x128xf32, #tpu.memory_space<vmem>> -> memref<1x128x128xf32, #tpu.memory_space<vmem>>
    %dma_start3A_34 = tpu.memref_squeeze %dma_start3A_33 : memref<1x128x128xf32, #tpu.memory_space<vmem>> -> memref<128x128xf32, #tpu.memory_space<vmem>>
    %dma_start3A_35 = arith.constant 0 : i32
    %dma_start3A_36 = tpu.memref_slice %arg7[%dma_start3A_29, %dma_start3A_35] : memref<40x128xi32, #tpu.memory_space<vmem>> -> memref<1x128xi32, #tpu.memory_space<vmem>>
    %dma_start3A_37 = tpu.memref_squeeze %dma_start3A_36 : memref<1x128xi32, #tpu.memory_space<vmem>> -> memref<128xi32, #tpu.memory_space<vmem>>
    %dma_start3A_38 = arith.constant 0 : i32
    %dma_start3A_39 = arith.constant 0 : i32
    %dma_start3A_40 = tpu.memref_slice %arg2[%dma_start3A_38, %dma_start3A_39] : memref<10000x128xf32, #tpu.memory_space<hbm>> -> memref<10000x128xf32, #tpu.memory_space<hbm>>
    tpu.enqueue_indirect_dma source(%dma_start3A_40 : memref<10000x128xf32, #tpu.memory_space<hbm>>) target(%dma_start3A_34 : memref<128x128xf32, #tpu.memory_space<vmem>>) offsets(%dma_start3A_37 : memref<128xi32, #tpu.memory_space<vmem>>) semaphore(%arg11 : memref<!tpu.dma_semaphore, #tpu.memory_space<semaphore_mem>>)
    %scan3A_41 = arith.constant 0 : i32
    %scan3A_42 = arith.constant 0 : i32
    %scan3A_43 = arith.constant 20 : i32
    %scan3A_44 = arith.addi %scan3A_42, %scan3A_43 : i32
    %scan3A_45 = arith.constant 1 : i32
    scf.for %scan3A_52 = %scan3A_42 to %scan3A_44 step %scan3A_45  : i32 {
      %mul3A_53 = arith.constant 2 : i32
      %mul3A_54 = arith.muli %mul3A_53, %scan3A_52 : i32
      %add3A_55 = arith.constant 1 : i32
      %add3A_56 = arith.addi %mul3A_54, %add3A_55 : i32
      %dma_start3A_57 = arith.constant 1 : i32
      %dma_start3A_58 = arith.constant 0 : i32
      %dma_start3A_59 = arith.constant 0 : i32
      %dma_start3A_60 = tpu.memref_slice %arg9[%dma_start3A_57, %dma_start3A_58, %dma_start3A_59] : memref<2x128x128xf32, #tpu.memory_space<vmem>> -> memref<1x128x128xf32, #tpu.memory_space<vmem>>
      %dma_start3A_61 = tpu.memref_squeeze %dma_start3A_60 : memref<1x128x128xf32, #tpu.memory_space<vmem>> -> memref<128x128xf32, #tpu.memory_space<vmem>>
      %dma_start3A_62 = arith.constant 0 : i32
      %dma_start3A_63 = tpu.memref_slice %arg7[%add3A_56, %dma_start3A_62] : memref<40x128xi32, #tpu.memory_space<vmem>> -> memref<1x128xi32, #tpu.memory_space<vmem>>
      %dma_start3A_64 = tpu.memref_squeeze %dma_start3A_63 : memref<1x128xi32, #tpu.memory_space<vmem>> -> memref<128xi32, #tpu.memory_space<vmem>>
      %dma_start3A_65 = arith.constant 0 : i32
      %dma_start3A_66 = arith.constant 0 : i32
      %dma_start3A_67 = tpu.memref_slice %arg2[%dma_start3A_65, %dma_start3A_66] : memref<10000x128xf32, #tpu.memory_space<hbm>> -> memref<10000x128xf32, #tpu.memory_space<hbm>>
      tpu.enqueue_indirect_dma source(%dma_start3A_67 : memref<10000x128xf32, #tpu.memory_space<hbm>>) target(%dma_start3A_61 : memref<128x128xf32, #tpu.memory_space<vmem>>) offsets(%dma_start3A_64 : memref<128xi32, #tpu.memory_space<vmem>>) semaphore(%arg12 : memref<!tpu.dma_semaphore, #tpu.memory_space<semaphore_mem>>)
      %dma_wait3A = arith.constant 0 : i32
      %dma_wait3A_68 = arith.constant 0 : i32
      %dma_wait3A_69 = arith.constant 0 : i32
      %dma_wait3A_70 = tpu.memref_slice %arg9[%dma_wait3A, %dma_wait3A_68, %dma_wait3A_69] : memref<2x128x128xf32, #tpu.memory_space<vmem>> -> memref<1x128x128xf32, #tpu.memory_space<vmem>>
      %dma_wait3A_71 = tpu.memref_squeeze %dma_wait3A_70 : memref<1x128x128xf32, #tpu.memory_space<vmem>> -> memref<128x128xf32, #tpu.memory_space<vmem>>
      %dma_wait3A_72 = arith.constant 0 : i32
      %dma_wait3A_73 = tpu.memref_slice %arg7[%mul3A_54, %dma_wait3A_72] : memref<40x128xi32, #tpu.memory_space<vmem>> -> memref<1x128xi32, #tpu.memory_space<vmem>>
      %dma_wait3A_74 = tpu.memref_squeeze %dma_wait3A_73 : memref<1x128xi32, #tpu.memory_space<vmem>> -> memref<128xi32, #tpu.memory_space<vmem>>
      %dma_wait3A_75 = arith.constant 0 : i32
      %dma_wait3A_76 = arith.constant 0 : i32
      %dma_wait3A_77 = tpu.memref_slice %arg2[%dma_wait3A_75, %dma_wait3A_76] : memref<10000x128xf32, #tpu.memory_space<hbm>> -> memref<10000x128xf32, #tpu.memory_space<hbm>>
      tpu.wait_indirect_dma semaphore(%arg11 : memref<!tpu.dma_semaphore, #tpu.memory_space<semaphore_mem>>) src(%dma_wait3A_77 : memref<10000x128xf32, #tpu.memory_space<hbm>>) dst(%dma_wait3A_71 : memref<128x128xf32, #tpu.memory_space<vmem>>)
      %run_scoped3A = arith.constant 0 : i32
      "tpu.region"() ({
        %run_scoped3A_98 = tpu.sem_alloc : memref<!tpu.dma_semaphore, #tpu.memory_space<semaphore_mem>>
        %dma_start3A_99 = arith.constant 0 : i32
        %dma_start3A_100 = arith.constant 0 : i32
        %dma_start3A_101 = tpu.memref_slice %arg9[%run_scoped3A, %dma_start3A_99, %dma_start3A_100] : memref<2x128x128xf32, #tpu.memory_space<vmem>> -> memref<1x128x128xf32, #tpu.memory_space<vmem>>
        %dma_start3A_102 = tpu.memref_squeeze %dma_start3A_101 : memref<1x128x128xf32, #tpu.memory_space<vmem>> -> memref<128x128xf32, #tpu.memory_space<vmem>>
        %dma_start3A_103 = arith.constant 0 : i32
        %dma_start3A_104 = tpu.memref_slice %arg8[%mul3A_54, %dma_start3A_103] : memref<40x128xi32, #tpu.memory_space<vmem>> -> memref<1x128xi32, #tpu.memory_space<vmem>>
        %dma_start3A_105 = tpu.memref_squeeze %dma_start3A_104 : memref<1x128xi32, #tpu.memory_space<vmem>> -> memref<128xi32, #tpu.memory_space<vmem>>
        %dma_start3A_106 = arith.constant 0 : i32
        %dma_start3A_107 = arith.constant 0 : i32
        %dma_start3A_108 = tpu.memref_slice %arg10[%dma_start3A_106, %dma_start3A_107] : memref<10112x128xf32, #tpu.memory_space<vmem_shared>> -> memref<10112x128xf32, #tpu.memory_space<vmem_shared>>
        tpu.enqueue_indirect_dma source(%dma_start3A_102 : memref<128x128xf32, #tpu.memory_space<vmem>>) target(%dma_start3A_108 : memref<10112x128xf32, #tpu.memory_space<vmem_shared>>) offsets(%dma_start3A_105 : memref<128xi32, #tpu.memory_space<vmem>>) semaphore(%run_scoped3A_98 : memref<!tpu.dma_semaphore, #tpu.memory_space<semaphore_mem>>) {add = true}
        %dma_wait3A_109 = arith.constant 0 : i32
        %dma_wait3A_110 = arith.constant 0 : i32
        %dma_wait3A_111 = tpu.memref_slice %arg9[%run_scoped3A, %dma_wait3A_109, %dma_wait3A_110] : memref<2x128x128xf32, #tpu.memory_space<vmem>> -> memref<1x128x128xf32, #tpu.memory_space<vmem>>
        %dma_wait3A_112 = tpu.memref_squeeze %dma_wait3A_111 : memref<1x128x128xf32, #tpu.memory_space<vmem>> -> memref<128x128xf32, #tpu.memory_space<vmem>>
        %dma_wait3A_113 = arith.constant 0 : i32
        %dma_wait3A_114 = tpu.memref_slice %arg8[%mul3A_54, %dma_wait3A_113] : memref<40x128xi32, #tpu.memory_space<vmem>> -> memref<1x128xi32, #tpu.memory_space<vmem>>
        %dma_wait3A_115 = tpu.memref_squeeze %dma_wait3A_114 : memref<1x128xi32, #tpu.memory_space<vmem>> -> memref<128xi32, #tpu.memory_space<vmem>>
        %dma_wait3A_116 = arith.constant 0 : i32
        %dma_wait3A_117 = arith.constant 0 : i32
        %dma_wait3A_118 = tpu.memref_slice %arg10[%dma_wait3A_116, %dma_wait3A_117] : memref<10112x128xf32, #tpu.memory_space<vmem_shared>> -> memref<10112x128xf32, #tpu.memory_space<vmem_shared>>
        tpu.wait_indirect_dma semaphore(%run_scoped3A_98 : memref<!tpu.dma_semaphore, #tpu.memory_space<semaphore_mem>>) src(%dma_wait3A_112 : memref<128x128xf32, #tpu.memory_space<vmem>>) dst(%dma_wait3A_118 : memref<10112x128xf32, #tpu.memory_space<vmem_shared>>)
        tpu.yield
      }) : () -> ()
      %add3A_78 = arith.constant 2 : i32
      %add3A_79 = arith.addi %mul3A_54, %add3A_78 : i32
      %lt3A = arith.constant 40 : i32
      %lt3A_80 = arith.cmpi slt, %add3A_79, %lt3A : i32
      %convert_element_type3A = arith.extui %lt3A_80 : i1 to i32
      %cond3A = arith.constant 0 : i32
      %cond3A_81 = arith.cmpi ne, %convert_element_type3A, %cond3A : i32
      scf.if %cond3A_81 {
        %add3A_98 = arith.constant 2 : i32
        %add3A_99 = arith.addi %mul3A_54, %add3A_98 : i32
        %dma_start3A_100 = arith.constant 0 : i32
        %dma_start3A_101 = arith.constant 0 : i32
        %dma_start3A_102 = arith.constant 0 : i32
        %dma_start3A_103 = tpu.memref_slice %arg9[%dma_start3A_100, %dma_start3A_101, %dma_start3A_102] : memref<2x128x128xf32, #tpu.memory_space<vmem>> -> memref<1x128x128xf32, #tpu.memory_space<vmem>>
        %dma_start3A_104 = tpu.memref_squeeze %dma_start3A_103 : memref<1x128x128xf32, #tpu.memory_space<vmem>> -> memref<128x128xf32, #tpu.memory_space<vmem>>
        %dma_start3A_105 = arith.constant 0 : i32
        %dma_start3A_106 = tpu.memref_slice %arg7[%add3A_99, %dma_start3A_105] : memref<40x128xi32, #tpu.memory_space<vmem>> -> memref<1x128xi32, #tpu.memory_space<vmem>>
        %dma_start3A_107 = tpu.memref_squeeze %dma_start3A_106 : memref<1x128xi32, #tpu.memory_space<vmem>> -> memref<128xi32, #tpu.memory_space<vmem>>
        %dma_start3A_108 = arith.constant 0 : i32
        %dma_start3A_109 = arith.constant 0 : i32
        %dma_start3A_110 = tpu.memref_slice %arg2[%dma_start3A_108, %dma_start3A_109] : memref<10000x128xf32, #tpu.memory_space<hbm>> -> memref<10000x128xf32, #tpu.memory_space<hbm>>
        tpu.enqueue_indirect_dma source(%dma_start3A_110 : memref<10000x128xf32, #tpu.memory_space<hbm>>) target(%dma_start3A_104 : memref<128x128xf32, #tpu.memory_space<vmem>>) offsets(%dma_start3A_107 : memref<128xi32, #tpu.memory_space<vmem>>) semaphore(%arg11 : memref<!tpu.dma_semaphore, #tpu.memory_space<semaphore_mem>>)
      } else {
      }
      %add3A_82 = arith.constant 1 : i32
      %add3A_83 = arith.addi %mul3A_54, %add3A_82 : i32
      %dma_wait3A_84 = arith.constant 1 : i32
      %dma_wait3A_85 = arith.constant 0 : i32
      %dma_wait3A_86 = arith.constant 0 : i32
      %dma_wait3A_87 = tpu.memref_slice %arg9[%dma_wait3A_84, %dma_wait3A_85, %dma_wait3A_86] : memref<2x128x128xf32, #tpu.memory_space<vmem>> -> memref<1x128x128xf32, #tpu.memory_space<vmem>>
      %dma_wait3A_88 = tpu.memref_squeeze %dma_wait3A_87 : memref<1x128x128xf32, #tpu.memory_space<vmem>> -> memref<128x128xf32, #tpu.memory_space<vmem>>
      %dma_wait3A_89 = arith.constant 0 : i32
      %dma_wait3A_90 = tpu.memref_slice %arg7[%add3A_83, %dma_wait3A_89] : memref<40x128xi32, #tpu.memory_space<vmem>> -> memref<1x128xi32, #tpu.memory_space<vmem>>
      %dma_wait3A_91 = tpu.memref_squeeze %dma_wait3A_90 : memref<1x128xi32, #tpu.memory_space<vmem>> -> memref<128xi32, #tpu.memory_space<vmem>>
      %dma_wait3A_92 = arith.constant 0 : i32
      %dma_wait3A_93 = arith.constant 0 : i32
      %dma_wait3A_94 = tpu.memref_slice %arg2[%dma_wait3A_92, %dma_wait3A_93] : memref<10000x128xf32, #tpu.memory_space<hbm>> -> memref<10000x128xf32, #tpu.memory_space<hbm>>
      tpu.wait_indirect_dma semaphore(%arg12 : memref<!tpu.dma_semaphore, #tpu.memory_space<semaphore_mem>>) src(%dma_wait3A_94 : memref<10000x128xf32, #tpu.memory_space<hbm>>) dst(%dma_wait3A_88 : memref<128x128xf32, #tpu.memory_space<vmem>>)
      %add3A_95 = arith.constant 1 : i32
      %add3A_96 = arith.addi %mul3A_54, %add3A_95 : i32
      %run_scoped3A_97 = arith.constant 1 : i32
      "tpu.region"() ({
        %run_scoped3A_98 = tpu.sem_alloc : memref<!tpu.dma_semaphore, #tpu.memory_space<semaphore_mem>>
        %dma_start3A_99 = arith.constant 0 : i32
        %dma_start3A_100 = arith.constant 0 : i32
        %dma_start3A_101 = tpu.memref_slice %arg9[%run_scoped3A_97, %dma_start3A_99, %dma_start3A_100] : memref<2x128x128xf32, #tpu.memory_space<vmem>> -> memref<1x128x128xf32, #tpu.memory_space<vmem>>
        %dma_start3A_102 = tpu.memref_squeeze %dma_start3A_101 : memref<1x128x128xf32, #tpu.memory_space<vmem>> -> memref<128x128xf32, #tpu.memory_space<vmem>>
        %dma_start3A_103 = arith.constant 0 : i32
        %dma_start3A_104 = tpu.memref_slice %arg8[%add3A_96, %dma_start3A_103] : memref<40x128xi32, #tpu.memory_space<vmem>> -> memref<1x128xi32, #tpu.memory_space<vmem>>
        %dma_start3A_105 = tpu.memref_squeeze %dma_start3A_104 : memref<1x128xi32, #tpu.memory_space<vmem>> -> memref<128xi32, #tpu.memory_space<vmem>>
        %dma_start3A_106 = arith.constant 0 : i32
        %dma_start3A_107 = arith.constant 0 : i32
        %dma_start3A_108 = tpu.memref_slice %arg10[%dma_start3A_106, %dma_start3A_107] : memref<10112x128xf32, #tpu.memory_space<vmem_shared>> -> memref<10112x128xf32, #tpu.memory_space<vmem_shared>>
        tpu.enqueue_indirect_dma source(%dma_start3A_102 : memref<128x128xf32, #tpu.memory_space<vmem>>) target(%dma_start3A_108 : memref<10112x128xf32, #tpu.memory_space<vmem_shared>>) offsets(%dma_start3A_105 : memref<128xi32, #tpu.memory_space<vmem>>) semaphore(%run_scoped3A_98 : memref<!tpu.dma_semaphore, #tpu.memory_space<semaphore_mem>>) {add = true}
        %dma_wait3A_109 = arith.constant 0 : i32
        %dma_wait3A_110 = arith.constant 0 : i32
        %dma_wait3A_111 = tpu.memref_slice %arg9[%run_scoped3A_97, %dma_wait3A_109, %dma_wait3A_110] : memref<2x128x128xf32, #tpu.memory_space<vmem>> -> memref<1x128x128xf32, #tpu.memory_space<vmem>>
        %dma_wait3A_112 = tpu.memref_squeeze %dma_wait3A_111 : memref<1x128x128xf32, #tpu.memory_space<vmem>> -> memref<128x128xf32, #tpu.memory_space<vmem>>
        %dma_wait3A_113 = arith.constant 0 : i32
        %dma_wait3A_114 = tpu.memref_slice %arg8[%add3A_96, %dma_wait3A_113] : memref<40x128xi32, #tpu.memory_space<vmem>> -> memref<1x128xi32, #tpu.memory_space<vmem>>
        %dma_wait3A_115 = tpu.memref_squeeze %dma_wait3A_114 : memref<1x128xi32, #tpu.memory_space<vmem>> -> memref<128xi32, #tpu.memory_space<vmem>>
        %dma_wait3A_116 = arith.constant 0 : i32
        %dma_wait3A_117 = arith.constant 0 : i32
        %dma_wait3A_118 = tpu.memref_slice %arg10[%dma_wait3A_116, %dma_wait3A_117] : memref<10112x128xf32, #tpu.memory_space<vmem_shared>> -> memref<10112x128xf32, #tpu.memory_space<vmem_shared>>
        tpu.wait_indirect_dma semaphore(%run_scoped3A_98 : memref<!tpu.dma_semaphore, #tpu.memory_space<semaphore_mem>>) src(%dma_wait3A_112 : memref<128x128xf32, #tpu.memory_space<vmem>>) dst(%dma_wait3A_118 : memref<10112x128xf32, #tpu.memory_space<vmem_shared>>)
        tpu.yield
      }) : () -> ()
    }
    %scan3A_46 = arith.constant 20 : i32
    %barrier3A_47 = arith.constant 0 : index
    tpu.barrier barrier_id(%barrier3A_47)
    %mul3A_48 = arith.constant 632 : i32
    %mul3A_49 = arith.muli %arg1, %mul3A_48 : i32
    %mul3A_50 = arith.constant 632 : i32
    %mul3A_51 = arith.muli %arg1, %mul3A_50 : i32
    "tpu.region"() ({
      %run_scoped3A = tpu.sem_alloc : memref<!tpu.dma_semaphore, #tpu.memory_space<semaphore_mem>>
      %dma_start3A_52 = arith.constant 0 : i32
      %dma_start3A_53 = tpu.memref_slice %arg6[%arg0, %mul3A_51, %dma_start3A_52] : memref<2x10112x128xf32, #tpu.memory_space<hbm>> -> memref<1x632x128xf32, #tpu.memory_space<hbm>>
      %dma_start3A_54 = tpu.memref_squeeze %dma_start3A_53 : memref<1x632x128xf32, #tpu.memory_space<hbm>> -> memref<632x128xf32, #tpu.memory_space<hbm>>
      %dma_start3A_55 = arith.constant 0 : i32
      %dma_start3A_56 = tpu.memref_slice %arg10[%mul3A_49, %dma_start3A_55] : memref<10112x128xf32, #tpu.memory_space<vmem_shared>> -> memref<632x128xf32, #tpu.memory_space<vmem_shared>>
      tpu.enqueue_dma source(%dma_start3A_56 : memref<632x128xf32, #tpu.memory_space<vmem_shared>>) target(%dma_start3A_54 : memref<632x128xf32, #tpu.memory_space<hbm>>) target_semaphore(%run_scoped3A : memref<!tpu.dma_semaphore, #tpu.memory_space<semaphore_mem>>)
      %dma_wait3A = arith.constant 0 : i32
      %dma_wait3A_57 = tpu.memref_slice %arg6[%arg0, %mul3A_51, %dma_wait3A] : memref<2x10112x128xf32, #tpu.memory_space<hbm>> -> memref<1x632x128xf32, #tpu.memory_space<hbm>>
      %dma_wait3A_58 = tpu.memref_squeeze %dma_wait3A_57 : memref<1x632x128xf32, #tpu.memory_space<hbm>> -> memref<632x128xf32, #tpu.memory_space<hbm>>
      %dma_wait3A_59 = arith.constant 0 : i32
      %dma_wait3A_60 = tpu.memref_slice %arg10[%mul3A_49, %dma_wait3A_59] : memref<10112x128xf32, #tpu.memory_space<vmem_shared>> -> memref<632x128xf32, #tpu.memory_space<vmem_shared>>
      tpu.wait_dma2 semaphore(%run_scoped3A : memref<!tpu.dma_semaphore, #tpu.memory_space<semaphore_mem>>) src(%dma_wait3A_60 : memref<632x128xf32, #tpu.memory_space<vmem_shared>>) dst(%dma_wait3A_58 : memref<632x128xf32, #tpu.memory_space<hbm>>)
      tpu.yield
    }) : () -> ()
    return
  }
}

#map = affine_map<(d0, d1) -> (0, 0)>
#map1 = affine_map<(d0, d1) -> (0, 0, 0)>
module attributes {stable_mosaic.version = 14 : i64} {
  func.func @scat(%arg0: i32, %arg1: i32, %arg2: memref<10000x128xf32, #tpu.memory_space<hbm>>, %arg3: memref<2560x128xi32, #tpu.memory_space<hbm>>, %arg4: memref<2560x128xi32, #tpu.memory_space<hbm>>, %arg5: memref<10112x128xf32, #tpu.memory_space<hbm>>, %arg6: memref<2x10112x128xf32, #tpu.memory_space<hbm>>, %arg7: memref<40x128xi32, #tpu.memory_space<vmem>>, %arg8: memref<40x128xi32, #tpu.memory_space<vmem>>, %arg9: memref<2x128x128xf32, #tpu.memory_space<vmem>>, %arg10: memref<10112x128xf32, #tpu.memory_space<vmem_shared>>, %arg11: memref<!tpu.dma_semaphore, #tpu.memory_space<semaphore_mem>>, %arg12: memref<!tpu.dma_semaphore, #tpu.memory_space<semaphore_mem>>) attributes {dimension_semantics = [#tpu.dimension_semantics<core_parallel>, #tpu.dimension_semantics<subcore_parallel>], iteration_bounds = array<i64: 2, 16>, scalar_prefetch = 0 : i64, scratch_operands = 6 : i64, tpu.core_type = #tpu.core_type<sc_vector_subcore>, window_params = [{transform_indices = #map}, {transform_indices = #map}, {transform_indices = #map}, {transform_indices = #map}, {transform_indices = #map1}]} {
    %mul3A = arith.constant 16 : i32
    %mul3A_0 = arith.muli %arg0, %mul3A : i32
    %add3A = arith.addi %mul3A_0, %arg1 : i32
    %mul3A_1 = arith.constant 632 : i32
    %mul3A_2 = arith.muli %arg1, %mul3A_1 : i32
    %mul3A_3 = arith.constant 632 : i32
    %mul3A_4 = arith.muli %arg1, %mul3A_3 : i32
    "tpu.region"() ({
      %run_scoped3A = tpu.sem_alloc : memref<!tpu.dma_semaphore, #tpu.memory_space<semaphore_mem>>
      %dma_start3A_52 = arith.constant 0 : i32
      %dma_start3A_53 = tpu.memref_slice %arg10[%mul3A_4, %dma_start3A_52] : memref<10112x128xf32, #tpu.memory_space<vmem_shared>> -> memref<632x128xf32, #tpu.memory_space<vmem_shared>>
      %dma_start3A_54 = arith.constant 0 : i32
      %dma_start3A_55 = tpu.memref_slice %arg5[%mul3A_2, %dma_start3A_54] : memref<10112x128xf32, #tpu.memory_space<hbm>> -> memref<632x128xf32, #tpu.memory_space<hbm>>
      tpu.enqueue_dma source(%dma_start3A_55 : memref<632x128xf32, #tpu.memory_space<hbm>>) target(%dma_start3A_53 : memref<632x128xf32, #tpu.memory_space<vmem_shared>>) target_semaphore(%run_scoped3A : memref<!tpu.dma_semaphore, #tpu.memory_space<semaphore_mem>>)
      %dma_wait3A = arith.constant 0 : i32
      %dma_wait3A_56 = tpu.memref_slice %arg10[%mul3A_4, %dma_wait3A] : memref<10112x128xf32, #tpu.memory_space<vmem_shared>> -> memref<632x128xf32, #tpu.memory_space<vmem_shared>>
      %dma_wait3A_57 = arith.constant 0 : i32
      %dma_wait3A_58 = tpu.memref_slice %arg5[%mul3A_2, %dma_wait3A_57] : memref<10112x128xf32, #tpu.memory_space<hbm>> -> memref<632x128xf32, #tpu.memory_space<hbm>>
      tpu.wait_dma2 semaphore(%run_scoped3A : memref<!tpu.dma_semaphore, #tpu.memory_space<semaphore_mem>>) src(%dma_wait3A_58 : memref<632x128xf32, #tpu.memory_space<hbm>>) dst(%dma_wait3A_56 : memref<632x128xf32, #tpu.memory_space<vmem_shared>>)
      tpu.yield
    }) : () -> ()
    %barrier3A = arith.constant 0 : index
    tpu.barrier barrier_id(%barrier3A)
    %mul3A_5 = arith.constant 80 : i32
    %mul3A_6 = arith.muli %add3A, %mul3A_5 : i32
    %add3A_7 = arith.constant 0 : i32
    %add3A_8 = arith.addi %mul3A_6, %add3A_7 : i32
    "tpu.region"() ({
      %run_scoped3A = tpu.sem_alloc : memref<!tpu.dma_semaphore, #tpu.memory_space<semaphore_mem>>
      %dma_start3A_52 = arith.constant 0 : i32
      %dma_start3A_53 = tpu.memref_slice %arg3[%add3A_8, %dma_start3A_52] : memref<2560x128xi32, #tpu.memory_space<hbm>> -> memref<40x128xi32, #tpu.memory_space<hbm>>
      %dma_start3A_54 = arith.constant 0 : i32
      %dma_start3A_55 = tpu.memref_slice %arg3[%add3A_8, %dma_start3A_54] : memref<2560x128xi32, #tpu.memory_space<hbm>> -> memref<40x128xi32, #tpu.memory_space<hbm>>
      tpu.enqueue_dma source(%dma_start3A_55 : memref<40x128xi32, #tpu.memory_space<hbm>>) target(%arg7 : memref<40x128xi32, #tpu.memory_space<vmem>>) target_semaphore(%run_scoped3A : memref<!tpu.dma_semaphore, #tpu.memory_space<semaphore_mem>>)
      %dma_wait3A = arith.constant 0 : i32
      %dma_wait3A_56 = tpu.memref_slice %arg3[%add3A_8, %dma_wait3A] : memref<2560x128xi32, #tpu.memory_space<hbm>> -> memref<40x128xi32, #tpu.memory_space<hbm>>
      %dma_wait3A_57 = arith.constant 0 : i32
      %dma_wait3A_58 = tpu.memref_slice %arg3[%add3A_8, %dma_wait3A_57] : memref<2560x128xi32, #tpu.memory_space<hbm>> -> memref<40x128xi32, #tpu.memory_space<hbm>>
      tpu.wait_dma2 semaphore(%run_scoped3A : memref<!tpu.dma_semaphore, #tpu.memory_space<semaphore_mem>>) src(%dma_wait3A_58 : memref<40x128xi32, #tpu.memory_space<hbm>>) dst(%arg7 : memref<40x128xi32, #tpu.memory_space<vmem>>)
      tpu.yield
    }) : () -> ()
    "tpu.region"() ({
      %run_scoped3A = tpu.sem_alloc : memref<!tpu.dma_semaphore, #tpu.memory_space<semaphore_mem>>
      %dma_start3A_52 = arith.constant 0 : i32
      %dma_start3A_53 = tpu.memref_slice %arg4[%add3A_8, %dma_start3A_52] : memref<2560x128xi32, #tpu.memory_space<hbm>> -> memref<40x128xi32, #tpu.memory_space<hbm>>
      %dma_start3A_54 = arith.constant 0 : i32
      %dma_start3A_55 = tpu.memref_slice %arg4[%add3A_8, %dma_start3A_54] : memref<2560x128xi32, #tpu.memory_space<hbm>> -> memref<40x128xi32, #tpu.memory_space<hbm>>
      tpu.enqueue_dma source(%dma_start3A_55 : memref<40x128xi32, #tpu.memory_space<hbm>>) target(%arg8 : memref<40x128xi32, #tpu.memory_space<vmem>>) target_semaphore(%run_scoped3A : memref<!tpu.dma_semaphore, #tpu.memory_space<semaphore_mem>>)
      %dma_wait3A = arith.constant 0 : i32
      %dma_wait3A_56 = tpu.memref_slice %arg4[%add3A_8, %dma_wait3A] : memref<2560x128xi32, #tpu.memory_space<hbm>> -> memref<40x128xi32, #tpu.memory_space<hbm>>
      %dma_wait3A_57 = arith.constant 0 : i32
      %dma_wait3A_58 = tpu.memref_slice %arg4[%add3A_8, %dma_wait3A_57] : memref<2560x128xi32, #tpu.memory_space<hbm>> -> memref<40x128xi32, #tpu.memory_space<hbm>>
      tpu.wait_dma2 semaphore(%run_scoped3A : memref<!tpu.dma_semaphore, #tpu.memory_space<semaphore_mem>>) src(%dma_wait3A_58 : memref<40x128xi32, #tpu.memory_space<hbm>>) dst(%arg8 : memref<40x128xi32, #tpu.memory_space<vmem>>)
      tpu.yield
    }) : () -> ()
    %dma_start3A = arith.constant 0 : i32
    %dma_start3A_9 = arith.constant 0 : i32
    %dma_start3A_10 = arith.constant 0 : i32
    %dma_start3A_11 = arith.constant 0 : i32
    %dma_start3A_12 = tpu.memref_slice %arg9[%dma_start3A_9, %dma_start3A_10, %dma_start3A_11] : memref<2x128x128xf32, #tpu.memory_space<vmem>> -> memref<1x128x128xf32, #tpu.memory_space<vmem>>
    %dma_start3A_13 = tpu.memref_squeeze %dma_start3A_12 : memref<1x128x128xf32, #tpu.memory_space<vmem>> -> memref<128x128xf32, #tpu.memory_space<vmem>>
    %dma_start3A_14 = arith.constant 0 : i32
    %dma_start3A_15 = tpu.memref_slice %arg7[%dma_start3A, %dma_start3A_14] : memref<40x128xi32, #tpu.memory_space<vmem>> -> memref<1x128xi32, #tpu.memory_space<vmem>>
    %dma_start3A_16 = tpu.memref_squeeze %dma_start3A_15 : memref<1x128xi32, #tpu.memory_space<vmem>> -> memref<128xi32, #tpu.memory_space<vmem>>
    %dma_start3A_17 = arith.constant 0 : i32
    %dma_start3A_18 = arith.constant 0 : i32
    %dma_start3A_19 = tpu.memref_slice %arg2[%dma_start3A_17, %dma_start3A_18] : memref<10000x128xf32, #tpu.memory_space<hbm>> -> memref<10000x128xf32, #tpu.memory_space<hbm>>
    tpu.enqueue_indirect_dma source(%dma_start3A_19 : memref<10000x128xf32, #tpu.memory_space<hbm>>) target(%dma_start3A_13 : memref<128x128xf32, #tpu.memory_space<vmem>>) offsets(%dma_start3A_16 : memref<128xi32, #tpu.memory_space<vmem>>) semaphore(%arg11 : memref<!tpu.dma_semaphore, #tpu.memory_space<semaphore_mem>>)
    %scan3A = arith.constant 0 : i32
    %scan3A_20 = arith.constant 0 : i32
    %scan3A_21 = arith.constant 20 : i32
    %scan3A_22 = arith.addi %scan3A_20, %scan3A_21 : i32
    %scan3A_23 = arith.constant 1 : i32
    scf.for %scan3A_52 = %scan3A_20 to %scan3A_22 step %scan3A_23  : i32 {
      %mul3A_53 = arith.constant 2 : i32
      %mul3A_54 = arith.muli %mul3A_53, %scan3A_52 : i32
      %add3A_55 = arith.constant 1 : i32
      %add3A_56 = arith.addi %mul3A_54, %add3A_55 : i32
      %dma_start3A_57 = arith.constant 1 : i32
      %dma_start3A_58 = arith.constant 0 : i32
      %dma_start3A_59 = arith.constant 0 : i32
      %dma_start3A_60 = tpu.memref_slice %arg9[%dma_start3A_57, %dma_start3A_58, %dma_start3A_59] : memref<2x128x128xf32, #tpu.memory_space<vmem>> -> memref<1x128x128xf32, #tpu.memory_space<vmem>>
      %dma_start3A_61 = tpu.memref_squeeze %dma_start3A_60 : memref<1x128x128xf32, #tpu.memory_space<vmem>> -> memref<128x128xf32, #tpu.memory_space<vmem>>
      %dma_start3A_62 = arith.constant 0 : i32
      %dma_start3A_63 = tpu.memref_slice %arg7[%add3A_56, %dma_start3A_62] : memref<40x128xi32, #tpu.memory_space<vmem>> -> memref<1x128xi32, #tpu.memory_space<vmem>>
      %dma_start3A_64 = tpu.memref_squeeze %dma_start3A_63 : memref<1x128xi32, #tpu.memory_space<vmem>> -> memref<128xi32, #tpu.memory_space<vmem>>
      %dma_start3A_65 = arith.constant 0 : i32
      %dma_start3A_66 = arith.constant 0 : i32
      %dma_start3A_67 = tpu.memref_slice %arg2[%dma_start3A_65, %dma_start3A_66] : memref<10000x128xf32, #tpu.memory_space<hbm>> -> memref<10000x128xf32, #tpu.memory_space<hbm>>
      tpu.enqueue_indirect_dma source(%dma_start3A_67 : memref<10000x128xf32, #tpu.memory_space<hbm>>) target(%dma_start3A_61 : memref<128x128xf32, #tpu.memory_space<vmem>>) offsets(%dma_start3A_64 : memref<128xi32, #tpu.memory_space<vmem>>) semaphore(%arg12 : memref<!tpu.dma_semaphore, #tpu.memory_space<semaphore_mem>>)
      %dma_wait3A = arith.constant 0 : i32
      %dma_wait3A_68 = arith.constant 0 : i32
      %dma_wait3A_69 = arith.constant 0 : i32
      %dma_wait3A_70 = tpu.memref_slice %arg9[%dma_wait3A, %dma_wait3A_68, %dma_wait3A_69] : memref<2x128x128xf32, #tpu.memory_space<vmem>> -> memref<1x128x128xf32, #tpu.memory_space<vmem>>
      %dma_wait3A_71 = tpu.memref_squeeze %dma_wait3A_70 : memref<1x128x128xf32, #tpu.memory_space<vmem>> -> memref<128x128xf32, #tpu.memory_space<vmem>>
      %dma_wait3A_72 = arith.constant 0 : i32
      %dma_wait3A_73 = tpu.memref_slice %arg7[%mul3A_54, %dma_wait3A_72] : memref<40x128xi32, #tpu.memory_space<vmem>> -> memref<1x128xi32, #tpu.memory_space<vmem>>
      %dma_wait3A_74 = tpu.memref_squeeze %dma_wait3A_73 : memref<1x128xi32, #tpu.memory_space<vmem>> -> memref<128xi32, #tpu.memory_space<vmem>>
      %dma_wait3A_75 = arith.constant 0 : i32
      %dma_wait3A_76 = arith.constant 0 : i32
      %dma_wait3A_77 = tpu.memref_slice %arg2[%dma_wait3A_75, %dma_wait3A_76] : memref<10000x128xf32, #tpu.memory_space<hbm>> -> memref<10000x128xf32, #tpu.memory_space<hbm>>
      tpu.wait_indirect_dma semaphore(%arg11 : memref<!tpu.dma_semaphore, #tpu.memory_space<semaphore_mem>>) src(%dma_wait3A_77 : memref<10000x128xf32, #tpu.memory_space<hbm>>) dst(%dma_wait3A_71 : memref<128x128xf32, #tpu.memory_space<vmem>>)
      %run_scoped3A = arith.constant 0 : i32
      "tpu.region"() ({
        %run_scoped3A_98 = tpu.sem_alloc : memref<!tpu.dma_semaphore, #tpu.memory_space<semaphore_mem>>
        %dma_start3A_99 = arith.constant 0 : i32
        %dma_start3A_100 = arith.constant 0 : i32
        %dma_start3A_101 = tpu.memref_slice %arg9[%run_scoped3A, %dma_start3A_99, %dma_start3A_100] : memref<2x128x128xf32, #tpu.memory_space<vmem>> -> memref<1x128x128xf32, #tpu.memory_space<vmem>>
        %dma_start3A_102 = tpu.memref_squeeze %dma_start3A_101 : memref<1x128x128xf32, #tpu.memory_space<vmem>> -> memref<128x128xf32, #tpu.memory_space<vmem>>
        %dma_start3A_103 = arith.constant 0 : i32
        %dma_start3A_104 = tpu.memref_slice %arg8[%mul3A_54, %dma_start3A_103] : memref<40x128xi32, #tpu.memory_space<vmem>> -> memref<1x128xi32, #tpu.memory_space<vmem>>
        %dma_start3A_105 = tpu.memref_squeeze %dma_start3A_104 : memref<1x128xi32, #tpu.memory_space<vmem>> -> memref<128xi32, #tpu.memory_space<vmem>>
        %dma_start3A_106 = arith.constant 0 : i32
        %dma_start3A_107 = arith.constant 0 : i32
        %dma_start3A_108 = tpu.memref_slice %arg10[%dma_start3A_106, %dma_start3A_107] : memref<10112x128xf32, #tpu.memory_space<vmem_shared>> -> memref<10112x128xf32, #tpu.memory_space<vmem_shared>>
        tpu.enqueue_indirect_dma source(%dma_start3A_102 : memref<128x128xf32, #tpu.memory_space<vmem>>) target(%dma_start3A_108 : memref<10112x128xf32, #tpu.memory_space<vmem_shared>>) offsets(%dma_start3A_105 : memref<128xi32, #tpu.memory_space<vmem>>) semaphore(%run_scoped3A_98 : memref<!tpu.dma_semaphore, #tpu.memory_space<semaphore_mem>>) {add = true}
        %dma_wait3A_109 = arith.constant 0 : i32
        %dma_wait3A_110 = arith.constant 0 : i32
        %dma_wait3A_111 = tpu.memref_slice %arg9[%run_scoped3A, %dma_wait3A_109, %dma_wait3A_110] : memref<2x128x128xf32, #tpu.memory_space<vmem>> -> memref<1x128x128xf32, #tpu.memory_space<vmem>>
        %dma_wait3A_112 = tpu.memref_squeeze %dma_wait3A_111 : memref<1x128x128xf32, #tpu.memory_space<vmem>> -> memref<128x128xf32, #tpu.memory_space<vmem>>
        %dma_wait3A_113 = arith.constant 0 : i32
        %dma_wait3A_114 = tpu.memref_slice %arg8[%mul3A_54, %dma_wait3A_113] : memref<40x128xi32, #tpu.memory_space<vmem>> -> memref<1x128xi32, #tpu.memory_space<vmem>>
        %dma_wait3A_115 = tpu.memref_squeeze %dma_wait3A_114 : memref<1x128xi32, #tpu.memory_space<vmem>> -> memref<128xi32, #tpu.memory_space<vmem>>
        %dma_wait3A_116 = arith.constant 0 : i32
        %dma_wait3A_117 = arith.constant 0 : i32
        %dma_wait3A_118 = tpu.memref_slice %arg10[%dma_wait3A_116, %dma_wait3A_117] : memref<10112x128xf32, #tpu.memory_space<vmem_shared>> -> memref<10112x128xf32, #tpu.memory_space<vmem_shared>>
        tpu.wait_indirect_dma semaphore(%run_scoped3A_98 : memref<!tpu.dma_semaphore, #tpu.memory_space<semaphore_mem>>) src(%dma_wait3A_112 : memref<128x128xf32, #tpu.memory_space<vmem>>) dst(%dma_wait3A_118 : memref<10112x128xf32, #tpu.memory_space<vmem_shared>>)
        tpu.yield
      }) : () -> ()
      %add3A_78 = arith.constant 2 : i32
      %add3A_79 = arith.addi %mul3A_54, %add3A_78 : i32
      %lt3A = arith.constant 40 : i32
      %lt3A_80 = arith.cmpi slt, %add3A_79, %lt3A : i32
      %convert_element_type3A = arith.extui %lt3A_80 : i1 to i32
      %cond3A = arith.constant 0 : i32
      %cond3A_81 = arith.cmpi ne, %convert_element_type3A, %cond3A : i32
      scf.if %cond3A_81 {
        %add3A_98 = arith.constant 2 : i32
        %add3A_99 = arith.addi %mul3A_54, %add3A_98 : i32
        %dma_start3A_100 = arith.constant 0 : i32
        %dma_start3A_101 = arith.constant 0 : i32
        %dma_start3A_102 = arith.constant 0 : i32
        %dma_start3A_103 = tpu.memref_slice %arg9[%dma_start3A_100, %dma_start3A_101, %dma_start3A_102] : memref<2x128x128xf32, #tpu.memory_space<vmem>> -> memref<1x128x128xf32, #tpu.memory_space<vmem>>
        %dma_start3A_104 = tpu.memref_squeeze %dma_start3A_103 : memref<1x128x128xf32, #tpu.memory_space<vmem>> -> memref<128x128xf32, #tpu.memory_space<vmem>>
        %dma_start3A_105 = arith.constant 0 : i32
        %dma_start3A_106 = tpu.memref_slice %arg7[%add3A_99, %dma_start3A_105] : memref<40x128xi32, #tpu.memory_space<vmem>> -> memref<1x128xi32, #tpu.memory_space<vmem>>
        %dma_start3A_107 = tpu.memref_squeeze %dma_start3A_106 : memref<1x128xi32, #tpu.memory_space<vmem>> -> memref<128xi32, #tpu.memory_space<vmem>>
        %dma_start3A_108 = arith.constant 0 : i32
        %dma_start3A_109 = arith.constant 0 : i32
        %dma_start3A_110 = tpu.memref_slice %arg2[%dma_start3A_108, %dma_start3A_109] : memref<10000x128xf32, #tpu.memory_space<hbm>> -> memref<10000x128xf32, #tpu.memory_space<hbm>>
        tpu.enqueue_indirect_dma source(%dma_start3A_110 : memref<10000x128xf32, #tpu.memory_space<hbm>>) target(%dma_start3A_104 : memref<128x128xf32, #tpu.memory_space<vmem>>) offsets(%dma_start3A_107 : memref<128xi32, #tpu.memory_space<vmem>>) semaphore(%arg11 : memref<!tpu.dma_semaphore, #tpu.memory_space<semaphore_mem>>)
      } else {
      }
      %add3A_82 = arith.constant 1 : i32
      %add3A_83 = arith.addi %mul3A_54, %add3A_82 : i32
      %dma_wait3A_84 = arith.constant 1 : i32
      %dma_wait3A_85 = arith.constant 0 : i32
      %dma_wait3A_86 = arith.constant 0 : i32
      %dma_wait3A_87 = tpu.memref_slice %arg9[%dma_wait3A_84, %dma_wait3A_85, %dma_wait3A_86] : memref<2x128x128xf32, #tpu.memory_space<vmem>> -> memref<1x128x128xf32, #tpu.memory_space<vmem>>
      %dma_wait3A_88 = tpu.memref_squeeze %dma_wait3A_87 : memref<1x128x128xf32, #tpu.memory_space<vmem>> -> memref<128x128xf32, #tpu.memory_space<vmem>>
      %dma_wait3A_89 = arith.constant 0 : i32
      %dma_wait3A_90 = tpu.memref_slice %arg7[%add3A_83, %dma_wait3A_89] : memref<40x128xi32, #tpu.memory_space<vmem>> -> memref<1x128xi32, #tpu.memory_space<vmem>>
      %dma_wait3A_91 = tpu.memref_squeeze %dma_wait3A_90 : memref<1x128xi32, #tpu.memory_space<vmem>> -> memref<128xi32, #tpu.memory_space<vmem>>
      %dma_wait3A_92 = arith.constant 0 : i32
      %dma_wait3A_93 = arith.constant 0 : i32
      %dma_wait3A_94 = tpu.memref_slice %arg2[%dma_wait3A_92, %dma_wait3A_93] : memref<10000x128xf32, #tpu.memory_space<hbm>> -> memref<10000x128xf32, #tpu.memory_space<hbm>>
      tpu.wait_indirect_dma semaphore(%arg12 : memref<!tpu.dma_semaphore, #tpu.memory_space<semaphore_mem>>) src(%dma_wait3A_94 : memref<10000x128xf32, #tpu.memory_space<hbm>>) dst(%dma_wait3A_88 : memref<128x128xf32, #tpu.memory_space<vmem>>)
      %add3A_95 = arith.constant 1 : i32
      %add3A_96 = arith.addi %mul3A_54, %add3A_95 : i32
      %run_scoped3A_97 = arith.constant 1 : i32
      "tpu.region"() ({
        %run_scoped3A_98 = tpu.sem_alloc : memref<!tpu.dma_semaphore, #tpu.memory_space<semaphore_mem>>
        %dma_start3A_99 = arith.constant 0 : i32
        %dma_start3A_100 = arith.constant 0 : i32
        %dma_start3A_101 = tpu.memref_slice %arg9[%run_scoped3A_97, %dma_start3A_99, %dma_start3A_100] : memref<2x128x128xf32, #tpu.memory_space<vmem>> -> memref<1x128x128xf32, #tpu.memory_space<vmem>>
        %dma_start3A_102 = tpu.memref_squeeze %dma_start3A_101 : memref<1x128x128xf32, #tpu.memory_space<vmem>> -> memref<128x128xf32, #tpu.memory_space<vmem>>
        %dma_start3A_103 = arith.constant 0 : i32
        %dma_start3A_104 = tpu.memref_slice %arg8[%add3A_96, %dma_start3A_103] : memref<40x128xi32, #tpu.memory_space<vmem>> -> memref<1x128xi32, #tpu.memory_space<vmem>>
        %dma_start3A_105 = tpu.memref_squeeze %dma_start3A_104 : memref<1x128xi32, #tpu.memory_space<vmem>> -> memref<128xi32, #tpu.memory_space<vmem>>
        %dma_start3A_106 = arith.constant 0 : i32
        %dma_start3A_107 = arith.constant 0 : i32
        %dma_start3A_108 = tpu.memref_slice %arg10[%dma_start3A_106, %dma_start3A_107] : memref<10112x128xf32, #tpu.memory_space<vmem_shared>> -> memref<10112x128xf32, #tpu.memory_space<vmem_shared>>
        tpu.enqueue_indirect_dma source(%dma_start3A_102 : memref<128x128xf32, #tpu.memory_space<vmem>>) target(%dma_start3A_108 : memref<10112x128xf32, #tpu.memory_space<vmem_shared>>) offsets(%dma_start3A_105 : memref<128xi32, #tpu.memory_space<vmem>>) semaphore(%run_scoped3A_98 : memref<!tpu.dma_semaphore, #tpu.memory_space<semaphore_mem>>) {add = true}
        %dma_wait3A_109 = arith.constant 0 : i32
        %dma_wait3A_110 = arith.constant 0 : i32
        %dma_wait3A_111 = tpu.memref_slice %arg9[%run_scoped3A_97, %dma_wait3A_109, %dma_wait3A_110] : memref<2x128x128xf32, #tpu.memory_space<vmem>> -> memref<1x128x128xf32, #tpu.memory_space<vmem>>
        %dma_wait3A_112 = tpu.memref_squeeze %dma_wait3A_111 : memref<1x128x128xf32, #tpu.memory_space<vmem>> -> memref<128x128xf32, #tpu.memory_space<vmem>>
        %dma_wait3A_113 = arith.constant 0 : i32
        %dma_wait3A_114 = tpu.memref_slice %arg8[%add3A_96, %dma_wait3A_113] : memref<40x128xi32, #tpu.memory_space<vmem>> -> memref<1x128xi32, #tpu.memory_space<vmem>>
        %dma_wait3A_115 = tpu.memref_squeeze %dma_wait3A_114 : memref<1x128xi32, #tpu.memory_space<vmem>> -> memref<128xi32, #tpu.memory_space<vmem>>
        %dma_wait3A_116 = arith.constant 0 : i32
        %dma_wait3A_117 = arith.constant 0 : i32
        %dma_wait3A_118 = tpu.memref_slice %arg10[%dma_wait3A_116, %dma_wait3A_117] : memref<10112x128xf32, #tpu.memory_space<vmem_shared>> -> memref<10112x128xf32, #tpu.memory_space<vmem_shared>>
        tpu.wait_indirect_dma semaphore(%run_scoped3A_98 : memref<!tpu.dma_semaphore, #tpu.memory_space<semaphore_mem>>) src(%dma_wait3A_112 : memref<128x128xf32, #tpu.memory_space<vmem>>) dst(%dma_wait3A_118 : memref<10112x128xf32, #tpu.memory_space<vmem_shared>>)
        tpu.yield
      }) : () -> ()
    }
    %scan3A_24 = arith.constant 20 : i32
    %mul3A_25 = arith.constant 80 : i32
    %mul3A_26 = arith.muli %add3A, %mul3A_25 : i32
    %add3A_27 = arith.constant 40 : i32
    %add3A_28 = arith.addi %mul3A_26, %add3A_27 : i32
    "tpu.region"() ({
      %run_scoped3A = tpu.sem_alloc : memref<!tpu.dma_semaphore, #tpu.memory_space<semaphore_mem>>
      %dma_start3A_52 = arith.constant 0 : i32
      %dma_start3A_53 = tpu.memref_slice %arg3[%add3A_28, %dma_start3A_52] : memref<2560x128xi32, #tpu.memory_space<hbm>> -> memref<40x128xi32, #tpu.memory_space<hbm>>
      %dma_start3A_54 = arith.constant 0 : i32
      %dma_start3A_55 = tpu.memref_slice %arg3[%add3A_28, %dma_start3A_54] : memref<2560x128xi32, #tpu.memory_space<hbm>> -> memref<40x128xi32, #tpu.memory_space<hbm>>
      tpu.enqueue_dma source(%dma_start3A_55 : memref<40x128xi32, #tpu.memory_space<hbm>>) target(%arg7 : memref<40x128xi32, #tpu.memory_space<vmem>>) target_semaphore(%run_scoped3A : memref<!tpu.dma_semaphore, #tpu.memory_space<semaphore_mem>>)
      %dma_wait3A = arith.constant 0 : i32
      %dma_wait3A_56 = tpu.memref_slice %arg3[%add3A_28, %dma_wait3A] : memref<2560x128xi32, #tpu.memory_space<hbm>> -> memref<40x128xi32, #tpu.memory_space<hbm>>
      %dma_wait3A_57 = arith.constant 0 : i32
      %dma_wait3A_58 = tpu.memref_slice %arg3[%add3A_28, %dma_wait3A_57] : memref<2560x128xi32, #tpu.memory_space<hbm>> -> memref<40x128xi32, #tpu.memory_space<hbm>>
      tpu.wait_dma2 semaphore(%run_scoped3A : memref<!tpu.dma_semaphore, #tpu.memory_space<semaphore_mem>>) src(%dma_wait3A_58 : memref<40x128xi32, #tpu.memory_space<hbm>>) dst(%arg7 : memref<40x128xi32, #tpu.memory_space<vmem>>)
      tpu.yield
    }) : () -> ()
    "tpu.region"() ({
      %run_scoped3A = tpu.sem_alloc : memref<!tpu.dma_semaphore, #tpu.memory_space<semaphore_mem>>
      %dma_start3A_52 = arith.constant 0 : i32
      %dma_start3A_53 = tpu.memref_slice %arg4[%add3A_28, %dma_start3A_52] : memref<2560x128xi32, #tpu.memory_space<hbm>> -> memref<40x128xi32, #tpu.memory_space<hbm>>
      %dma_start3A_54 = arith.constant 0 : i32
      %dma_start3A_55 = tpu.memref_slice %arg4[%add3A_28, %dma_start3A_54] : memref<2560x128xi32, #tpu.memory_space<hbm>> -> memref<40x128xi32, #tpu.memory_space<hbm>>
      tpu.enqueue_dma source(%dma_start3A_55 : memref<40x128xi32, #tpu.memory_space<hbm>>) target(%arg8 : memref<40x128xi32, #tpu.memory_space<vmem>>) target_semaphore(%run_scoped3A : memref<!tpu.dma_semaphore, #tpu.memory_space<semaphore_mem>>)
      %dma_wait3A = arith.constant 0 : i32
      %dma_wait3A_56 = tpu.memref_slice %arg4[%add3A_28, %dma_wait3A] : memref<2560x128xi32, #tpu.memory_space<hbm>> -> memref<40x128xi32, #tpu.memory_space<hbm>>
      %dma_wait3A_57 = arith.constant 0 : i32
      %dma_wait3A_58 = tpu.memref_slice %arg4[%add3A_28, %dma_wait3A_57] : memref<2560x128xi32, #tpu.memory_space<hbm>> -> memref<40x128xi32, #tpu.memory_space<hbm>>
      tpu.wait_dma2 semaphore(%run_scoped3A : memref<!tpu.dma_semaphore, #tpu.memory_space<semaphore_mem>>) src(%dma_wait3A_58 : memref<40x128xi32, #tpu.memory_space<hbm>>) dst(%arg8 : memref<40x128xi32, #tpu.memory_space<vmem>>)
      tpu.yield
    }) : () -> ()
    %dma_start3A_29 = arith.constant 0 : i32
    %dma_start3A_30 = arith.constant 0 : i32
    %dma_start3A_31 = arith.constant 0 : i32
    %dma_start3A_32 = arith.constant 0 : i32
    %dma_start3A_33 = tpu.memref_slice %arg9[%dma_start3A_30, %dma_start3A_31, %dma_start3A_32] : memref<2x128x128xf32, #tpu.memory_space<vmem>> -> memref<1x128x128xf32, #tpu.memory_space<vmem>>
    %dma_start3A_34 = tpu.memref_squeeze %dma_start3A_33 : memref<1x128x128xf32, #tpu.memory_space<vmem>> -> memref<128x128xf32, #tpu.memory_space<vmem>>
    %dma_start3A_35 = arith.constant 0 : i32
    %dma_start3A_36 = tpu.memref_slice %arg7[%dma_start3A_29, %dma_start3A_35] : memref<40x128xi32, #tpu.memory_space<vmem>> -> memref<1x128xi32, #tpu.memory_space<vmem>>
    %dma_start3A_37 = tpu.memref_squeeze %dma_start3A_36 : memref<1x128xi32, #tpu.memory_space<vmem>> -> memref<128xi32, #tpu.memory_space<vmem>>
    %dma_start3A_38 = arith.constant 0 : i32
    %dma_start3A_39 = arith.constant 0 : i32
    %dma_start3A_40 = tpu.memref_slice %arg2[%dma_start3A_38, %dma_start3A_39] : memref<10000x128xf32, #tpu.memory_space<hbm>> -> memref<10000x128xf32, #tpu.memory_space<hbm>>
    tpu.enqueue_indirect_dma source(%dma_start3A_40 : memref<10000x128xf32, #tpu.memory_space<hbm>>) target(%dma_start3A_34 : memref<128x128xf32, #tpu.memory_space<vmem>>) offsets(%dma_start3A_37 : memref<128xi32, #tpu.memory_space<vmem>>) semaphore(%arg11 : memref<!tpu.dma_semaphore, #tpu.memory_space<semaphore_mem>>)
    %scan3A_41 = arith.constant 0 : i32
    %scan3A_42 = arith.constant 0 : i32
    %scan3A_43 = arith.constant 20 : i32
    %scan3A_44 = arith.addi %scan3A_42, %scan3A_43 : i32
    %scan3A_45 = arith.constant 1 : i32
    scf.for %scan3A_52 = %scan3A_42 to %scan3A_44 step %scan3A_45  : i32 {
      %mul3A_53 = arith.constant 2 : i32
      %mul3A_54 = arith.muli %mul3A_53, %scan3A_52 : i32
      %add3A_55 = arith.constant 1 : i32
      %add3A_56 = arith.addi %mul3A_54, %add3A_55 : i32
      %dma_start3A_57 = arith.constant 1 : i32
      %dma_start3A_58 = arith.constant 0 : i32
      %dma_start3A_59 = arith.constant 0 : i32
      %dma_start3A_60 = tpu.memref_slice %arg9[%dma_start3A_57, %dma_start3A_58, %dma_start3A_59] : memref<2x128x128xf32, #tpu.memory_space<vmem>> -> memref<1x128x128xf32, #tpu.memory_space<vmem>>
      %dma_start3A_61 = tpu.memref_squeeze %dma_start3A_60 : memref<1x128x128xf32, #tpu.memory_space<vmem>> -> memref<128x128xf32, #tpu.memory_space<vmem>>
      %dma_start3A_62 = arith.constant 0 : i32
      %dma_start3A_63 = tpu.memref_slice %arg7[%add3A_56, %dma_start3A_62] : memref<40x128xi32, #tpu.memory_space<vmem>> -> memref<1x128xi32, #tpu.memory_space<vmem>>
      %dma_start3A_64 = tpu.memref_squeeze %dma_start3A_63 : memref<1x128xi32, #tpu.memory_space<vmem>> -> memref<128xi32, #tpu.memory_space<vmem>>
      %dma_start3A_65 = arith.constant 0 : i32
      %dma_start3A_66 = arith.constant 0 : i32
      %dma_start3A_67 = tpu.memref_slice %arg2[%dma_start3A_65, %dma_start3A_66] : memref<10000x128xf32, #tpu.memory_space<hbm>> -> memref<10000x128xf32, #tpu.memory_space<hbm>>
      tpu.enqueue_indirect_dma source(%dma_start3A_67 : memref<10000x128xf32, #tpu.memory_space<hbm>>) target(%dma_start3A_61 : memref<128x128xf32, #tpu.memory_space<vmem>>) offsets(%dma_start3A_64 : memref<128xi32, #tpu.memory_space<vmem>>) semaphore(%arg12 : memref<!tpu.dma_semaphore, #tpu.memory_space<semaphore_mem>>)
      %dma_wait3A = arith.constant 0 : i32
      %dma_wait3A_68 = arith.constant 0 : i32
      %dma_wait3A_69 = arith.constant 0 : i32
      %dma_wait3A_70 = tpu.memref_slice %arg9[%dma_wait3A, %dma_wait3A_68, %dma_wait3A_69] : memref<2x128x128xf32, #tpu.memory_space<vmem>> -> memref<1x128x128xf32, #tpu.memory_space<vmem>>
      %dma_wait3A_71 = tpu.memref_squeeze %dma_wait3A_70 : memref<1x128x128xf32, #tpu.memory_space<vmem>> -> memref<128x128xf32, #tpu.memory_space<vmem>>
      %dma_wait3A_72 = arith.constant 0 : i32
      %dma_wait3A_73 = tpu.memref_slice %arg7[%mul3A_54, %dma_wait3A_72] : memref<40x128xi32, #tpu.memory_space<vmem>> -> memref<1x128xi32, #tpu.memory_space<vmem>>
      %dma_wait3A_74 = tpu.memref_squeeze %dma_wait3A_73 : memref<1x128xi32, #tpu.memory_space<vmem>> -> memref<128xi32, #tpu.memory_space<vmem>>
      %dma_wait3A_75 = arith.constant 0 : i32
      %dma_wait3A_76 = arith.constant 0 : i32
      %dma_wait3A_77 = tpu.memref_slice %arg2[%dma_wait3A_75, %dma_wait3A_76] : memref<10000x128xf32, #tpu.memory_space<hbm>> -> memref<10000x128xf32, #tpu.memory_space<hbm>>
      tpu.wait_indirect_dma semaphore(%arg11 : memref<!tpu.dma_semaphore, #tpu.memory_space<semaphore_mem>>) src(%dma_wait3A_77 : memref<10000x128xf32, #tpu.memory_space<hbm>>) dst(%dma_wait3A_71 : memref<128x128xf32, #tpu.memory_space<vmem>>)
      %run_scoped3A = arith.constant 0 : i32
      "tpu.region"() ({
        %run_scoped3A_98 = tpu.sem_alloc : memref<!tpu.dma_semaphore, #tpu.memory_space<semaphore_mem>>
        %dma_start3A_99 = arith.constant 0 : i32
        %dma_start3A_100 = arith.constant 0 : i32
        %dma_start3A_101 = tpu.memref_slice %arg9[%run_scoped3A, %dma_start3A_99, %dma_start3A_100] : memref<2x128x128xf32, #tpu.memory_space<vmem>> -> memref<1x128x128xf32, #tpu.memory_space<vmem>>
        %dma_start3A_102 = tpu.memref_squeeze %dma_start3A_101 : memref<1x128x128xf32, #tpu.memory_space<vmem>> -> memref<128x128xf32, #tpu.memory_space<vmem>>
        %dma_start3A_103 = arith.constant 0 : i32
        %dma_start3A_104 = tpu.memref_slice %arg8[%mul3A_54, %dma_start3A_103] : memref<40x128xi32, #tpu.memory_space<vmem>> -> memref<1x128xi32, #tpu.memory_space<vmem>>
        %dma_start3A_105 = tpu.memref_squeeze %dma_start3A_104 : memref<1x128xi32, #tpu.memory_space<vmem>> -> memref<128xi32, #tpu.memory_space<vmem>>
        %dma_start3A_106 = arith.constant 0 : i32
        %dma_start3A_107 = arith.constant 0 : i32
        %dma_start3A_108 = tpu.memref_slice %arg10[%dma_start3A_106, %dma_start3A_107] : memref<10112x128xf32, #tpu.memory_space<vmem_shared>> -> memref<10112x128xf32, #tpu.memory_space<vmem_shared>>
        tpu.enqueue_indirect_dma source(%dma_start3A_102 : memref<128x128xf32, #tpu.memory_space<vmem>>) target(%dma_start3A_108 : memref<10112x128xf32, #tpu.memory_space<vmem_shared>>) offsets(%dma_start3A_105 : memref<128xi32, #tpu.memory_space<vmem>>) semaphore(%run_scoped3A_98 : memref<!tpu.dma_semaphore, #tpu.memory_space<semaphore_mem>>) {add = true}
        %dma_wait3A_109 = arith.constant 0 : i32
        %dma_wait3A_110 = arith.constant 0 : i32
        %dma_wait3A_111 = tpu.memref_slice %arg9[%run_scoped3A, %dma_wait3A_109, %dma_wait3A_110] : memref<2x128x128xf32, #tpu.memory_space<vmem>> -> memref<1x128x128xf32, #tpu.memory_space<vmem>>
        %dma_wait3A_112 = tpu.memref_squeeze %dma_wait3A_111 : memref<1x128x128xf32, #tpu.memory_space<vmem>> -> memref<128x128xf32, #tpu.memory_space<vmem>>
        %dma_wait3A_113 = arith.constant 0 : i32
        %dma_wait3A_114 = tpu.memref_slice %arg8[%mul3A_54, %dma_wait3A_113] : memref<40x128xi32, #tpu.memory_space<vmem>> -> memref<1x128xi32, #tpu.memory_space<vmem>>
        %dma_wait3A_115 = tpu.memref_squeeze %dma_wait3A_114 : memref<1x128xi32, #tpu.memory_space<vmem>> -> memref<128xi32, #tpu.memory_space<vmem>>
        %dma_wait3A_116 = arith.constant 0 : i32
        %dma_wait3A_117 = arith.constant 0 : i32
        %dma_wait3A_118 = tpu.memref_slice %arg10[%dma_wait3A_116, %dma_wait3A_117] : memref<10112x128xf32, #tpu.memory_space<vmem_shared>> -> memref<10112x128xf32, #tpu.memory_space<vmem_shared>>
        tpu.wait_indirect_dma semaphore(%run_scoped3A_98 : memref<!tpu.dma_semaphore, #tpu.memory_space<semaphore_mem>>) src(%dma_wait3A_112 : memref<128x128xf32, #tpu.memory_space<vmem>>) dst(%dma_wait3A_118 : memref<10112x128xf32, #tpu.memory_space<vmem_shared>>)
        tpu.yield
      }) : () -> ()
      %add3A_78 = arith.constant 2 : i32
      %add3A_79 = arith.addi %mul3A_54, %add3A_78 : i32
      %lt3A = arith.constant 40 : i32
      %lt3A_80 = arith.cmpi slt, %add3A_79, %lt3A : i32
      %convert_element_type3A = arith.extui %lt3A_80 : i1 to i32
      %cond3A = arith.constant 0 : i32
      %cond3A_81 = arith.cmpi ne, %convert_element_type3A, %cond3A : i32
      scf.if %cond3A_81 {
        %add3A_98 = arith.constant 2 : i32
        %add3A_99 = arith.addi %mul3A_54, %add3A_98 : i32
        %dma_start3A_100 = arith.constant 0 : i32
        %dma_start3A_101 = arith.constant 0 : i32
        %dma_start3A_102 = arith.constant 0 : i32
        %dma_start3A_103 = tpu.memref_slice %arg9[%dma_start3A_100, %dma_start3A_101, %dma_start3A_102] : memref<2x128x128xf32, #tpu.memory_space<vmem>> -> memref<1x128x128xf32, #tpu.memory_space<vmem>>
        %dma_start3A_104 = tpu.memref_squeeze %dma_start3A_103 : memref<1x128x128xf32, #tpu.memory_space<vmem>> -> memref<128x128xf32, #tpu.memory_space<vmem>>
        %dma_start3A_105 = arith.constant 0 : i32
        %dma_start3A_106 = tpu.memref_slice %arg7[%add3A_99, %dma_start3A_105] : memref<40x128xi32, #tpu.memory_space<vmem>> -> memref<1x128xi32, #tpu.memory_space<vmem>>
        %dma_start3A_107 = tpu.memref_squeeze %dma_start3A_106 : memref<1x128xi32, #tpu.memory_space<vmem>> -> memref<128xi32, #tpu.memory_space<vmem>>
        %dma_start3A_108 = arith.constant 0 : i32
        %dma_start3A_109 = arith.constant 0 : i32
        %dma_start3A_110 = tpu.memref_slice %arg2[%dma_start3A_108, %dma_start3A_109] : memref<10000x128xf32, #tpu.memory_space<hbm>> -> memref<10000x128xf32, #tpu.memory_space<hbm>>
        tpu.enqueue_indirect_dma source(%dma_start3A_110 : memref<10000x128xf32, #tpu.memory_space<hbm>>) target(%dma_start3A_104 : memref<128x128xf32, #tpu.memory_space<vmem>>) offsets(%dma_start3A_107 : memref<128xi32, #tpu.memory_space<vmem>>) semaphore(%arg11 : memref<!tpu.dma_semaphore, #tpu.memory_space<semaphore_mem>>)
      } else {
      }
      %add3A_82 = arith.constant 1 : i32
      %add3A_83 = arith.addi %mul3A_54, %add3A_82 : i32
      %dma_wait3A_84 = arith.constant 1 : i32
      %dma_wait3A_85 = arith.constant 0 : i32
      %dma_wait3A_86 = arith.constant 0 : i32
      %dma_wait3A_87 = tpu.memref_slice %arg9[%dma_wait3A_84, %dma_wait3A_85, %dma_wait3A_86] : memref<2x128x128xf32, #tpu.memory_space<vmem>> -> memref<1x128x128xf32, #tpu.memory_space<vmem>>
      %dma_wait3A_88 = tpu.memref_squeeze %dma_wait3A_87 : memref<1x128x128xf32, #tpu.memory_space<vmem>> -> memref<128x128xf32, #tpu.memory_space<vmem>>
      %dma_wait3A_89 = arith.constant 0 : i32
      %dma_wait3A_90 = tpu.memref_slice %arg7[%add3A_83, %dma_wait3A_89] : memref<40x128xi32, #tpu.memory_space<vmem>> -> memref<1x128xi32, #tpu.memory_space<vmem>>
      %dma_wait3A_91 = tpu.memref_squeeze %dma_wait3A_90 : memref<1x128xi32, #tpu.memory_space<vmem>> -> memref<128xi32, #tpu.memory_space<vmem>>
      %dma_wait3A_92 = arith.constant 0 : i32
      %dma_wait3A_93 = arith.constant 0 : i32
      %dma_wait3A_94 = tpu.memref_slice %arg2[%dma_wait3A_92, %dma_wait3A_93] : memref<10000x128xf32, #tpu.memory_space<hbm>> -> memref<10000x128xf32, #tpu.memory_space<hbm>>
      tpu.wait_indirect_dma semaphore(%arg12 : memref<!tpu.dma_semaphore, #tpu.memory_space<semaphore_mem>>) src(%dma_wait3A_94 : memref<10000x128xf32, #tpu.memory_space<hbm>>) dst(%dma_wait3A_88 : memref<128x128xf32, #tpu.memory_space<vmem>>)
      %add3A_95 = arith.constant 1 : i32
      %add3A_96 = arith.addi %mul3A_54, %add3A_95 : i32
      %run_scoped3A_97 = arith.constant 1 : i32
      "tpu.region"() ({
        %run_scoped3A_98 = tpu.sem_alloc : memref<!tpu.dma_semaphore, #tpu.memory_space<semaphore_mem>>
        %dma_start3A_99 = arith.constant 0 : i32
        %dma_start3A_100 = arith.constant 0 : i32
        %dma_start3A_101 = tpu.memref_slice %arg9[%run_scoped3A_97, %dma_start3A_99, %dma_start3A_100] : memref<2x128x128xf32, #tpu.memory_space<vmem>> -> memref<1x128x128xf32, #tpu.memory_space<vmem>>
        %dma_start3A_102 = tpu.memref_squeeze %dma_start3A_101 : memref<1x128x128xf32, #tpu.memory_space<vmem>> -> memref<128x128xf32, #tpu.memory_space<vmem>>
        %dma_start3A_103 = arith.constant 0 : i32
        %dma_start3A_104 = tpu.memref_slice %arg8[%add3A_96, %dma_start3A_103] : memref<40x128xi32, #tpu.memory_space<vmem>> -> memref<1x128xi32, #tpu.memory_space<vmem>>
        %dma_start3A_105 = tpu.memref_squeeze %dma_start3A_104 : memref<1x128xi32, #tpu.memory_space<vmem>> -> memref<128xi32, #tpu.memory_space<vmem>>
        %dma_start3A_106 = arith.constant 0 : i32
        %dma_start3A_107 = arith.constant 0 : i32
        %dma_start3A_108 = tpu.memref_slice %arg10[%dma_start3A_106, %dma_start3A_107] : memref<10112x128xf32, #tpu.memory_space<vmem_shared>> -> memref<10112x128xf32, #tpu.memory_space<vmem_shared>>
        tpu.enqueue_indirect_dma source(%dma_start3A_102 : memref<128x128xf32, #tpu.memory_space<vmem>>) target(%dma_start3A_108 : memref<10112x128xf32, #tpu.memory_space<vmem_shared>>) offsets(%dma_start3A_105 : memref<128xi32, #tpu.memory_space<vmem>>) semaphore(%run_scoped3A_98 : memref<!tpu.dma_semaphore, #tpu.memory_space<semaphore_mem>>) {add = true}
        %dma_wait3A_109 = arith.constant 0 : i32
        %dma_wait3A_110 = arith.constant 0 : i32
        %dma_wait3A_111 = tpu.memref_slice %arg9[%run_scoped3A_97, %dma_wait3A_109, %dma_wait3A_110] : memref<2x128x128xf32, #tpu.memory_space<vmem>> -> memref<1x128x128xf32, #tpu.memory_space<vmem>>
        %dma_wait3A_112 = tpu.memref_squeeze %dma_wait3A_111 : memref<1x128x128xf32, #tpu.memory_space<vmem>> -> memref<128x128xf32, #tpu.memory_space<vmem>>
        %dma_wait3A_113 = arith.constant 0 : i32
        %dma_wait3A_114 = tpu.memref_slice %arg8[%add3A_96, %dma_wait3A_113] : memref<40x128xi32, #tpu.memory_space<vmem>> -> memref<1x128xi32, #tpu.memory_space<vmem>>
        %dma_wait3A_115 = tpu.memref_squeeze %dma_wait3A_114 : memref<1x128xi32, #tpu.memory_space<vmem>> -> memref<128xi32, #tpu.memory_space<vmem>>
        %dma_wait3A_116 = arith.constant 0 : i32
        %dma_wait3A_117 = arith.constant 0 : i32
        %dma_wait3A_118 = tpu.memref_slice %arg10[%dma_wait3A_116, %dma_wait3A_117] : memref<10112x128xf32, #tpu.memory_space<vmem_shared>> -> memref<10112x128xf32, #tpu.memory_space<vmem_shared>>
        tpu.wait_indirect_dma semaphore(%run_scoped3A_98 : memref<!tpu.dma_semaphore, #tpu.memory_space<semaphore_mem>>) src(%dma_wait3A_112 : memref<128x128xf32, #tpu.memory_space<vmem>>) dst(%dma_wait3A_118 : memref<10112x128xf32, #tpu.memory_space<vmem_shared>>)
        tpu.yield
      }) : () -> ()
    }
    %scan3A_46 = arith.constant 20 : i32
    %barrier3A_47 = arith.constant 0 : index
    tpu.barrier barrier_id(%barrier3A_47)
    %mul3A_48 = arith.constant 632 : i32
    %mul3A_49 = arith.muli %arg1, %mul3A_48 : i32
    %mul3A_50 = arith.constant 632 : i32
    %mul3A_51 = arith.muli %arg1, %mul3A_50 : i32
    "tpu.region"() ({
      %run_scoped3A = tpu.sem_alloc : memref<!tpu.dma_semaphore, #tpu.memory_space<semaphore_mem>>
      %dma_start3A_52 = arith.constant 0 : i32
      %dma_start3A_53 = tpu.memref_slice %arg6[%arg0, %mul3A_51, %dma_start3A_52] : memref<2x10112x128xf32, #tpu.memory_space<hbm>> -> memref<1x632x128xf32, #tpu.memory_space<hbm>>
      %dma_start3A_54 = tpu.memref_squeeze %dma_start3A_53 : memref<1x632x128xf32, #tpu.memory_space<hbm>> -> memref<632x128xf32, #tpu.memory_space<hbm>>
      %dma_start3A_55 = arith.constant 0 : i32
      %dma_start3A_56 = tpu.memref_slice %arg10[%mul3A_49, %dma_start3A_55] : memref<10112x128xf32, #tpu.memory_space<vmem_shared>> -> memref<632x128xf32, #tpu.memory_space<vmem_shared>>
      tpu.enqueue_dma source(%dma_start3A_56 : memref<632x128xf32, #tpu.memory_space<vmem_shared>>) target(%dma_start3A_54 : memref<632x128xf32, #tpu.memory_space<hbm>>) target_semaphore(%run_scoped3A : memref<!tpu.dma_semaphore, #tpu.memory_space<semaphore_mem>>)
      %dma_wait3A = arith.constant 0 : i32
      %dma_wait3A_57 = tpu.memref_slice %arg6[%arg0, %mul3A_51, %dma_wait3A] : memref<2x10112x128xf32, #tpu.memory_space<hbm>> -> memref<1x632x128xf32, #tpu.memory_space<hbm>>
      %dma_wait3A_58 = tpu.memref_squeeze %dma_wait3A_57 : memref<1x632x128xf32, #tpu.memory_space<hbm>> -> memref<632x128xf32, #tpu.memory_space<hbm>>
      %dma_wait3A_59 = arith.constant 0 : i32
      %dma_wait3A_60 = tpu.memref_slice %arg10[%mul3A_49, %dma_wait3A_59] : memref<10112x128xf32, #tpu.memory_space<vmem_shared>> -> memref<632x128xf32, #tpu.memory_space<vmem_shared>>
      tpu.wait_dma2 semaphore(%run_scoped3A : memref<!tpu.dma_semaphore, #tpu.memory_space<semaphore_mem>>) src(%dma_wait3A_60 : memref<632x128xf32, #tpu.memory_space<vmem_shared>>) dst(%dma_wait3A_58 : memref<632x128xf32, #tpu.memory_space<hbm>>)
      tpu.yield
    }) : () -> ()
    return
  }
}

#map = affine_map<(d0, d1) -> (0, 0)>
#map1 = affine_map<(d0, d1) -> (0, 0, 0)>
module attributes {stable_mosaic.version = 14 : i64} {
  func.func @scat(%arg0: i32, %arg1: i32, %arg2: memref<10000x128xf32, #tpu.memory_space<hbm>>, %arg3: memref<2560x128xi32, #tpu.memory_space<hbm>>, %arg4: memref<2560x128xi32, #tpu.memory_space<hbm>>, %arg5: memref<10112x128xf32, #tpu.memory_space<hbm>>, %arg6: memref<2x10112x128xf32, #tpu.memory_space<hbm>>, %arg7: memref<40x128xi32, #tpu.memory_space<vmem>>, %arg8: memref<40x128xi32, #tpu.memory_space<vmem>>, %arg9: memref<2x128x128xf32, #tpu.memory_space<vmem>>, %arg10: memref<10112x128xf32, #tpu.memory_space<vmem_shared>>, %arg11: memref<!tpu.dma_semaphore, #tpu.memory_space<semaphore_mem>>, %arg12: memref<!tpu.dma_semaphore, #tpu.memory_space<semaphore_mem>>) attributes {dimension_semantics = [#tpu.dimension_semantics<core_parallel>, #tpu.dimension_semantics<subcore_parallel>], iteration_bounds = array<i64: 2, 16>, scalar_prefetch = 0 : i64, scratch_operands = 6 : i64, tpu.core_type = #tpu.core_type<sc_vector_subcore>, window_params = [{transform_indices = #map}, {transform_indices = #map}, {transform_indices = #map}, {transform_indices = #map}, {transform_indices = #map1}]} {
    %mul3A = arith.constant 16 : i32
    %mul3A_0 = arith.muli %arg0, %mul3A : i32
    %add3A = arith.addi %mul3A_0, %arg1 : i32
    %mul3A_1 = arith.constant 632 : i32
    %mul3A_2 = arith.muli %arg1, %mul3A_1 : i32
    %mul3A_3 = arith.constant 632 : i32
    %mul3A_4 = arith.muli %arg1, %mul3A_3 : i32
    "tpu.region"() ({
      %run_scoped3A = tpu.sem_alloc : memref<!tpu.dma_semaphore, #tpu.memory_space<semaphore_mem>>
      %dma_start3A_52 = arith.constant 0 : i32
      %dma_start3A_53 = tpu.memref_slice %arg10[%mul3A_4, %dma_start3A_52] : memref<10112x128xf32, #tpu.memory_space<vmem_shared>> -> memref<632x128xf32, #tpu.memory_space<vmem_shared>>
      %dma_start3A_54 = arith.constant 0 : i32
      %dma_start3A_55 = tpu.memref_slice %arg5[%mul3A_2, %dma_start3A_54] : memref<10112x128xf32, #tpu.memory_space<hbm>> -> memref<632x128xf32, #tpu.memory_space<hbm>>
      tpu.enqueue_dma source(%dma_start3A_55 : memref<632x128xf32, #tpu.memory_space<hbm>>) target(%dma_start3A_53 : memref<632x128xf32, #tpu.memory_space<vmem_shared>>) target_semaphore(%run_scoped3A : memref<!tpu.dma_semaphore, #tpu.memory_space<semaphore_mem>>)
      %dma_wait3A = arith.constant 0 : i32
      %dma_wait3A_56 = tpu.memref_slice %arg10[%mul3A_4, %dma_wait3A] : memref<10112x128xf32, #tpu.memory_space<vmem_shared>> -> memref<632x128xf32, #tpu.memory_space<vmem_shared>>
      %dma_wait3A_57 = arith.constant 0 : i32
      %dma_wait3A_58 = tpu.memref_slice %arg5[%mul3A_2, %dma_wait3A_57] : memref<10112x128xf32, #tpu.memory_space<hbm>> -> memref<632x128xf32, #tpu.memory_space<hbm>>
      tpu.wait_dma2 semaphore(%run_scoped3A : memref<!tpu.dma_semaphore, #tpu.memory_space<semaphore_mem>>) src(%dma_wait3A_58 : memref<632x128xf32, #tpu.memory_space<hbm>>) dst(%dma_wait3A_56 : memref<632x128xf32, #tpu.memory_space<vmem_shared>>)
      tpu.yield
    }) : () -> ()
    %barrier3A = arith.constant 0 : index
    tpu.barrier barrier_id(%barrier3A)
    %mul3A_5 = arith.constant 80 : i32
    %mul3A_6 = arith.muli %add3A, %mul3A_5 : i32
    %add3A_7 = arith.constant 0 : i32
    %add3A_8 = arith.addi %mul3A_6, %add3A_7 : i32
    "tpu.region"() ({
      %run_scoped3A = tpu.sem_alloc : memref<!tpu.dma_semaphore, #tpu.memory_space<semaphore_mem>>
      %dma_start3A_52 = arith.constant 0 : i32
      %dma_start3A_53 = tpu.memref_slice %arg3[%add3A_8, %dma_start3A_52] : memref<2560x128xi32, #tpu.memory_space<hbm>> -> memref<40x128xi32, #tpu.memory_space<hbm>>
      %dma_start3A_54 = arith.constant 0 : i32
      %dma_start3A_55 = tpu.memref_slice %arg3[%add3A_8, %dma_start3A_54] : memref<2560x128xi32, #tpu.memory_space<hbm>> -> memref<40x128xi32, #tpu.memory_space<hbm>>
      tpu.enqueue_dma source(%dma_start3A_55 : memref<40x128xi32, #tpu.memory_space<hbm>>) target(%arg7 : memref<40x128xi32, #tpu.memory_space<vmem>>) target_semaphore(%run_scoped3A : memref<!tpu.dma_semaphore, #tpu.memory_space<semaphore_mem>>)
      %dma_wait3A = arith.constant 0 : i32
      %dma_wait3A_56 = tpu.memref_slice %arg3[%add3A_8, %dma_wait3A] : memref<2560x128xi32, #tpu.memory_space<hbm>> -> memref<40x128xi32, #tpu.memory_space<hbm>>
      %dma_wait3A_57 = arith.constant 0 : i32
      %dma_wait3A_58 = tpu.memref_slice %arg3[%add3A_8, %dma_wait3A_57] : memref<2560x128xi32, #tpu.memory_space<hbm>> -> memref<40x128xi32, #tpu.memory_space<hbm>>
      tpu.wait_dma2 semaphore(%run_scoped3A : memref<!tpu.dma_semaphore, #tpu.memory_space<semaphore_mem>>) src(%dma_wait3A_58 : memref<40x128xi32, #tpu.memory_space<hbm>>) dst(%arg7 : memref<40x128xi32, #tpu.memory_space<vmem>>)
      tpu.yield
    }) : () -> ()
    "tpu.region"() ({
      %run_scoped3A = tpu.sem_alloc : memref<!tpu.dma_semaphore, #tpu.memory_space<semaphore_mem>>
      %dma_start3A_52 = arith.constant 0 : i32
      %dma_start3A_53 = tpu.memref_slice %arg4[%add3A_8, %dma_start3A_52] : memref<2560x128xi32, #tpu.memory_space<hbm>> -> memref<40x128xi32, #tpu.memory_space<hbm>>
      %dma_start3A_54 = arith.constant 0 : i32
      %dma_start3A_55 = tpu.memref_slice %arg4[%add3A_8, %dma_start3A_54] : memref<2560x128xi32, #tpu.memory_space<hbm>> -> memref<40x128xi32, #tpu.memory_space<hbm>>
      tpu.enqueue_dma source(%dma_start3A_55 : memref<40x128xi32, #tpu.memory_space<hbm>>) target(%arg8 : memref<40x128xi32, #tpu.memory_space<vmem>>) target_semaphore(%run_scoped3A : memref<!tpu.dma_semaphore, #tpu.memory_space<semaphore_mem>>)
      %dma_wait3A = arith.constant 0 : i32
      %dma_wait3A_56 = tpu.memref_slice %arg4[%add3A_8, %dma_wait3A] : memref<2560x128xi32, #tpu.memory_space<hbm>> -> memref<40x128xi32, #tpu.memory_space<hbm>>
      %dma_wait3A_57 = arith.constant 0 : i32
      %dma_wait3A_58 = tpu.memref_slice %arg4[%add3A_8, %dma_wait3A_57] : memref<2560x128xi32, #tpu.memory_space<hbm>> -> memref<40x128xi32, #tpu.memory_space<hbm>>
      tpu.wait_dma2 semaphore(%run_scoped3A : memref<!tpu.dma_semaphore, #tpu.memory_space<semaphore_mem>>) src(%dma_wait3A_58 : memref<40x128xi32, #tpu.memory_space<hbm>>) dst(%arg8 : memref<40x128xi32, #tpu.memory_space<vmem>>)
      tpu.yield
    }) : () -> ()
    %dma_start3A = arith.constant 0 : i32
    %dma_start3A_9 = arith.constant 0 : i32
    %dma_start3A_10 = arith.constant 0 : i32
    %dma_start3A_11 = arith.constant 0 : i32
    %dma_start3A_12 = tpu.memref_slice %arg9[%dma_start3A_9, %dma_start3A_10, %dma_start3A_11] : memref<2x128x128xf32, #tpu.memory_space<vmem>> -> memref<1x128x128xf32, #tpu.memory_space<vmem>>
    %dma_start3A_13 = tpu.memref_squeeze %dma_start3A_12 : memref<1x128x128xf32, #tpu.memory_space<vmem>> -> memref<128x128xf32, #tpu.memory_space<vmem>>
    %dma_start3A_14 = arith.constant 0 : i32
    %dma_start3A_15 = tpu.memref_slice %arg7[%dma_start3A, %dma_start3A_14] : memref<40x128xi32, #tpu.memory_space<vmem>> -> memref<1x128xi32, #tpu.memory_space<vmem>>
    %dma_start3A_16 = tpu.memref_squeeze %dma_start3A_15 : memref<1x128xi32, #tpu.memory_space<vmem>> -> memref<128xi32, #tpu.memory_space<vmem>>
    %dma_start3A_17 = arith.constant 0 : i32
    %dma_start3A_18 = arith.constant 0 : i32
    %dma_start3A_19 = tpu.memref_slice %arg2[%dma_start3A_17, %dma_start3A_18] : memref<10000x128xf32, #tpu.memory_space<hbm>> -> memref<10000x128xf32, #tpu.memory_space<hbm>>
    tpu.enqueue_indirect_dma source(%dma_start3A_19 : memref<10000x128xf32, #tpu.memory_space<hbm>>) target(%dma_start3A_13 : memref<128x128xf32, #tpu.memory_space<vmem>>) offsets(%dma_start3A_16 : memref<128xi32, #tpu.memory_space<vmem>>) semaphore(%arg11 : memref<!tpu.dma_semaphore, #tpu.memory_space<semaphore_mem>>)
    %scan3A = arith.constant 0 : i32
    %scan3A_20 = arith.constant 0 : i32
    %scan3A_21 = arith.constant 20 : i32
    %scan3A_22 = arith.addi %scan3A_20, %scan3A_21 : i32
    %scan3A_23 = arith.constant 1 : i32
    scf.for %scan3A_52 = %scan3A_20 to %scan3A_22 step %scan3A_23  : i32 {
      %mul3A_53 = arith.constant 2 : i32
      %mul3A_54 = arith.muli %mul3A_53, %scan3A_52 : i32
      %add3A_55 = arith.constant 1 : i32
      %add3A_56 = arith.addi %mul3A_54, %add3A_55 : i32
      %dma_start3A_57 = arith.constant 1 : i32
      %dma_start3A_58 = arith.constant 0 : i32
      %dma_start3A_59 = arith.constant 0 : i32
      %dma_start3A_60 = tpu.memref_slice %arg9[%dma_start3A_57, %dma_start3A_58, %dma_start3A_59] : memref<2x128x128xf32, #tpu.memory_space<vmem>> -> memref<1x128x128xf32, #tpu.memory_space<vmem>>
      %dma_start3A_61 = tpu.memref_squeeze %dma_start3A_60 : memref<1x128x128xf32, #tpu.memory_space<vmem>> -> memref<128x128xf32, #tpu.memory_space<vmem>>
      %dma_start3A_62 = arith.constant 0 : i32
      %dma_start3A_63 = tpu.memref_slice %arg7[%add3A_56, %dma_start3A_62] : memref<40x128xi32, #tpu.memory_space<vmem>> -> memref<1x128xi32, #tpu.memory_space<vmem>>
      %dma_start3A_64 = tpu.memref_squeeze %dma_start3A_63 : memref<1x128xi32, #tpu.memory_space<vmem>> -> memref<128xi32, #tpu.memory_space<vmem>>
      %dma_start3A_65 = arith.constant 0 : i32
      %dma_start3A_66 = arith.constant 0 : i32
      %dma_start3A_67 = tpu.memref_slice %arg2[%dma_start3A_65, %dma_start3A_66] : memref<10000x128xf32, #tpu.memory_space<hbm>> -> memref<10000x128xf32, #tpu.memory_space<hbm>>
      tpu.enqueue_indirect_dma source(%dma_start3A_67 : memref<10000x128xf32, #tpu.memory_space<hbm>>) target(%dma_start3A_61 : memref<128x128xf32, #tpu.memory_space<vmem>>) offsets(%dma_start3A_64 : memref<128xi32, #tpu.memory_space<vmem>>) semaphore(%arg12 : memref<!tpu.dma_semaphore, #tpu.memory_space<semaphore_mem>>)
      %dma_wait3A = arith.constant 0 : i32
      %dma_wait3A_68 = arith.constant 0 : i32
      %dma_wait3A_69 = arith.constant 0 : i32
      %dma_wait3A_70 = tpu.memref_slice %arg9[%dma_wait3A, %dma_wait3A_68, %dma_wait3A_69] : memref<2x128x128xf32, #tpu.memory_space<vmem>> -> memref<1x128x128xf32, #tpu.memory_space<vmem>>
      %dma_wait3A_71 = tpu.memref_squeeze %dma_wait3A_70 : memref<1x128x128xf32, #tpu.memory_space<vmem>> -> memref<128x128xf32, #tpu.memory_space<vmem>>
      %dma_wait3A_72 = arith.constant 0 : i32
      %dma_wait3A_73 = tpu.memref_slice %arg7[%mul3A_54, %dma_wait3A_72] : memref<40x128xi32, #tpu.memory_space<vmem>> -> memref<1x128xi32, #tpu.memory_space<vmem>>
      %dma_wait3A_74 = tpu.memref_squeeze %dma_wait3A_73 : memref<1x128xi32, #tpu.memory_space<vmem>> -> memref<128xi32, #tpu.memory_space<vmem>>
      %dma_wait3A_75 = arith.constant 0 : i32
      %dma_wait3A_76 = arith.constant 0 : i32
      %dma_wait3A_77 = tpu.memref_slice %arg2[%dma_wait3A_75, %dma_wait3A_76] : memref<10000x128xf32, #tpu.memory_space<hbm>> -> memref<10000x128xf32, #tpu.memory_space<hbm>>
      tpu.wait_indirect_dma semaphore(%arg11 : memref<!tpu.dma_semaphore, #tpu.memory_space<semaphore_mem>>) src(%dma_wait3A_77 : memref<10000x128xf32, #tpu.memory_space<hbm>>) dst(%dma_wait3A_71 : memref<128x128xf32, #tpu.memory_space<vmem>>)
      %run_scoped3A = arith.constant 0 : i32
      "tpu.region"() ({
        %run_scoped3A_98 = tpu.sem_alloc : memref<!tpu.dma_semaphore, #tpu.memory_space<semaphore_mem>>
        %dma_start3A_99 = arith.constant 0 : i32
        %dma_start3A_100 = arith.constant 0 : i32
        %dma_start3A_101 = tpu.memref_slice %arg9[%run_scoped3A, %dma_start3A_99, %dma_start3A_100] : memref<2x128x128xf32, #tpu.memory_space<vmem>> -> memref<1x128x128xf32, #tpu.memory_space<vmem>>
        %dma_start3A_102 = tpu.memref_squeeze %dma_start3A_101 : memref<1x128x128xf32, #tpu.memory_space<vmem>> -> memref<128x128xf32, #tpu.memory_space<vmem>>
        %dma_start3A_103 = arith.constant 0 : i32
        %dma_start3A_104 = tpu.memref_slice %arg8[%mul3A_54, %dma_start3A_103] : memref<40x128xi32, #tpu.memory_space<vmem>> -> memref<1x128xi32, #tpu.memory_space<vmem>>
        %dma_start3A_105 = tpu.memref_squeeze %dma_start3A_104 : memref<1x128xi32, #tpu.memory_space<vmem>> -> memref<128xi32, #tpu.memory_space<vmem>>
        %dma_start3A_106 = arith.constant 0 : i32
        %dma_start3A_107 = arith.constant 0 : i32
        %dma_start3A_108 = tpu.memref_slice %arg10[%dma_start3A_106, %dma_start3A_107] : memref<10112x128xf32, #tpu.memory_space<vmem_shared>> -> memref<10112x128xf32, #tpu.memory_space<vmem_shared>>
        tpu.enqueue_indirect_dma source(%dma_start3A_102 : memref<128x128xf32, #tpu.memory_space<vmem>>) target(%dma_start3A_108 : memref<10112x128xf32, #tpu.memory_space<vmem_shared>>) offsets(%dma_start3A_105 : memref<128xi32, #tpu.memory_space<vmem>>) semaphore(%run_scoped3A_98 : memref<!tpu.dma_semaphore, #tpu.memory_space<semaphore_mem>>) {add = true}
        %dma_wait3A_109 = arith.constant 0 : i32
        %dma_wait3A_110 = arith.constant 0 : i32
        %dma_wait3A_111 = tpu.memref_slice %arg9[%run_scoped3A, %dma_wait3A_109, %dma_wait3A_110] : memref<2x128x128xf32, #tpu.memory_space<vmem>> -> memref<1x128x128xf32, #tpu.memory_space<vmem>>
        %dma_wait3A_112 = tpu.memref_squeeze %dma_wait3A_111 : memref<1x128x128xf32, #tpu.memory_space<vmem>> -> memref<128x128xf32, #tpu.memory_space<vmem>>
        %dma_wait3A_113 = arith.constant 0 : i32
        %dma_wait3A_114 = tpu.memref_slice %arg8[%mul3A_54, %dma_wait3A_113] : memref<40x128xi32, #tpu.memory_space<vmem>> -> memref<1x128xi32, #tpu.memory_space<vmem>>
        %dma_wait3A_115 = tpu.memref_squeeze %dma_wait3A_114 : memref<1x128xi32, #tpu.memory_space<vmem>> -> memref<128xi32, #tpu.memory_space<vmem>>
        %dma_wait3A_116 = arith.constant 0 : i32
        %dma_wait3A_117 = arith.constant 0 : i32
        %dma_wait3A_118 = tpu.memref_slice %arg10[%dma_wait3A_116, %dma_wait3A_117] : memref<10112x128xf32, #tpu.memory_space<vmem_shared>> -> memref<10112x128xf32, #tpu.memory_space<vmem_shared>>
        tpu.wait_indirect_dma semaphore(%run_scoped3A_98 : memref<!tpu.dma_semaphore, #tpu.memory_space<semaphore_mem>>) src(%dma_wait3A_112 : memref<128x128xf32, #tpu.memory_space<vmem>>) dst(%dma_wait3A_118 : memref<10112x128xf32, #tpu.memory_space<vmem_shared>>)
        tpu.yield
      }) : () -> ()
      %add3A_78 = arith.constant 2 : i32
      %add3A_79 = arith.addi %mul3A_54, %add3A_78 : i32
      %lt3A = arith.constant 40 : i32
      %lt3A_80 = arith.cmpi slt, %add3A_79, %lt3A : i32
      %convert_element_type3A = arith.extui %lt3A_80 : i1 to i32
      %cond3A = arith.constant 0 : i32
      %cond3A_81 = arith.cmpi ne, %convert_element_type3A, %cond3A : i32
      scf.if %cond3A_81 {
        %add3A_98 = arith.constant 2 : i32
        %add3A_99 = arith.addi %mul3A_54, %add3A_98 : i32
        %dma_start3A_100 = arith.constant 0 : i32
        %dma_start3A_101 = arith.constant 0 : i32
        %dma_start3A_102 = arith.constant 0 : i32
        %dma_start3A_103 = tpu.memref_slice %arg9[%dma_start3A_100, %dma_start3A_101, %dma_start3A_102] : memref<2x128x128xf32, #tpu.memory_space<vmem>> -> memref<1x128x128xf32, #tpu.memory_space<vmem>>
        %dma_start3A_104 = tpu.memref_squeeze %dma_start3A_103 : memref<1x128x128xf32, #tpu.memory_space<vmem>> -> memref<128x128xf32, #tpu.memory_space<vmem>>
        %dma_start3A_105 = arith.constant 0 : i32
        %dma_start3A_106 = tpu.memref_slice %arg7[%add3A_99, %dma_start3A_105] : memref<40x128xi32, #tpu.memory_space<vmem>> -> memref<1x128xi32, #tpu.memory_space<vmem>>
        %dma_start3A_107 = tpu.memref_squeeze %dma_start3A_106 : memref<1x128xi32, #tpu.memory_space<vmem>> -> memref<128xi32, #tpu.memory_space<vmem>>
        %dma_start3A_108 = arith.constant 0 : i32
        %dma_start3A_109 = arith.constant 0 : i32
        %dma_start3A_110 = tpu.memref_slice %arg2[%dma_start3A_108, %dma_start3A_109] : memref<10000x128xf32, #tpu.memory_space<hbm>> -> memref<10000x128xf32, #tpu.memory_space<hbm>>
        tpu.enqueue_indirect_dma source(%dma_start3A_110 : memref<10000x128xf32, #tpu.memory_space<hbm>>) target(%dma_start3A_104 : memref<128x128xf32, #tpu.memory_space<vmem>>) offsets(%dma_start3A_107 : memref<128xi32, #tpu.memory_space<vmem>>) semaphore(%arg11 : memref<!tpu.dma_semaphore, #tpu.memory_space<semaphore_mem>>)
      } else {
      }
      %add3A_82 = arith.constant 1 : i32
      %add3A_83 = arith.addi %mul3A_54, %add3A_82 : i32
      %dma_wait3A_84 = arith.constant 1 : i32
      %dma_wait3A_85 = arith.constant 0 : i32
      %dma_wait3A_86 = arith.constant 0 : i32
      %dma_wait3A_87 = tpu.memref_slice %arg9[%dma_wait3A_84, %dma_wait3A_85, %dma_wait3A_86] : memref<2x128x128xf32, #tpu.memory_space<vmem>> -> memref<1x128x128xf32, #tpu.memory_space<vmem>>
      %dma_wait3A_88 = tpu.memref_squeeze %dma_wait3A_87 : memref<1x128x128xf32, #tpu.memory_space<vmem>> -> memref<128x128xf32, #tpu.memory_space<vmem>>
      %dma_wait3A_89 = arith.constant 0 : i32
      %dma_wait3A_90 = tpu.memref_slice %arg7[%add3A_83, %dma_wait3A_89] : memref<40x128xi32, #tpu.memory_space<vmem>> -> memref<1x128xi32, #tpu.memory_space<vmem>>
      %dma_wait3A_91 = tpu.memref_squeeze %dma_wait3A_90 : memref<1x128xi32, #tpu.memory_space<vmem>> -> memref<128xi32, #tpu.memory_space<vmem>>
      %dma_wait3A_92 = arith.constant 0 : i32
      %dma_wait3A_93 = arith.constant 0 : i32
      %dma_wait3A_94 = tpu.memref_slice %arg2[%dma_wait3A_92, %dma_wait3A_93] : memref<10000x128xf32, #tpu.memory_space<hbm>> -> memref<10000x128xf32, #tpu.memory_space<hbm>>
      tpu.wait_indirect_dma semaphore(%arg12 : memref<!tpu.dma_semaphore, #tpu.memory_space<semaphore_mem>>) src(%dma_wait3A_94 : memref<10000x128xf32, #tpu.memory_space<hbm>>) dst(%dma_wait3A_88 : memref<128x128xf32, #tpu.memory_space<vmem>>)
      %add3A_95 = arith.constant 1 : i32
      %add3A_96 = arith.addi %mul3A_54, %add3A_95 : i32
      %run_scoped3A_97 = arith.constant 1 : i32
      "tpu.region"() ({
        %run_scoped3A_98 = tpu.sem_alloc : memref<!tpu.dma_semaphore, #tpu.memory_space<semaphore_mem>>
        %dma_start3A_99 = arith.constant 0 : i32
        %dma_start3A_100 = arith.constant 0 : i32
        %dma_start3A_101 = tpu.memref_slice %arg9[%run_scoped3A_97, %dma_start3A_99, %dma_start3A_100] : memref<2x128x128xf32, #tpu.memory_space<vmem>> -> memref<1x128x128xf32, #tpu.memory_space<vmem>>
        %dma_start3A_102 = tpu.memref_squeeze %dma_start3A_101 : memref<1x128x128xf32, #tpu.memory_space<vmem>> -> memref<128x128xf32, #tpu.memory_space<vmem>>
        %dma_start3A_103 = arith.constant 0 : i32
        %dma_start3A_104 = tpu.memref_slice %arg8[%add3A_96, %dma_start3A_103] : memref<40x128xi32, #tpu.memory_space<vmem>> -> memref<1x128xi32, #tpu.memory_space<vmem>>
        %dma_start3A_105 = tpu.memref_squeeze %dma_start3A_104 : memref<1x128xi32, #tpu.memory_space<vmem>> -> memref<128xi32, #tpu.memory_space<vmem>>
        %dma_start3A_106 = arith.constant 0 : i32
        %dma_start3A_107 = arith.constant 0 : i32
        %dma_start3A_108 = tpu.memref_slice %arg10[%dma_start3A_106, %dma_start3A_107] : memref<10112x128xf32, #tpu.memory_space<vmem_shared>> -> memref<10112x128xf32, #tpu.memory_space<vmem_shared>>
        tpu.enqueue_indirect_dma source(%dma_start3A_102 : memref<128x128xf32, #tpu.memory_space<vmem>>) target(%dma_start3A_108 : memref<10112x128xf32, #tpu.memory_space<vmem_shared>>) offsets(%dma_start3A_105 : memref<128xi32, #tpu.memory_space<vmem>>) semaphore(%run_scoped3A_98 : memref<!tpu.dma_semaphore, #tpu.memory_space<semaphore_mem>>) {add = true}
        %dma_wait3A_109 = arith.constant 0 : i32
        %dma_wait3A_110 = arith.constant 0 : i32
        %dma_wait3A_111 = tpu.memref_slice %arg9[%run_scoped3A_97, %dma_wait3A_109, %dma_wait3A_110] : memref<2x128x128xf32, #tpu.memory_space<vmem>> -> memref<1x128x128xf32, #tpu.memory_space<vmem>>
        %dma_wait3A_112 = tpu.memref_squeeze %dma_wait3A_111 : memref<1x128x128xf32, #tpu.memory_space<vmem>> -> memref<128x128xf32, #tpu.memory_space<vmem>>
        %dma_wait3A_113 = arith.constant 0 : i32
        %dma_wait3A_114 = tpu.memref_slice %arg8[%add3A_96, %dma_wait3A_113] : memref<40x128xi32, #tpu.memory_space<vmem>> -> memref<1x128xi32, #tpu.memory_space<vmem>>
        %dma_wait3A_115 = tpu.memref_squeeze %dma_wait3A_114 : memref<1x128xi32, #tpu.memory_space<vmem>> -> memref<128xi32, #tpu.memory_space<vmem>>
        %dma_wait3A_116 = arith.constant 0 : i32
        %dma_wait3A_117 = arith.constant 0 : i32
        %dma_wait3A_118 = tpu.memref_slice %arg10[%dma_wait3A_116, %dma_wait3A_117] : memref<10112x128xf32, #tpu.memory_space<vmem_shared>> -> memref<10112x128xf32, #tpu.memory_space<vmem_shared>>
        tpu.wait_indirect_dma semaphore(%run_scoped3A_98 : memref<!tpu.dma_semaphore, #tpu.memory_space<semaphore_mem>>) src(%dma_wait3A_112 : memref<128x128xf32, #tpu.memory_space<vmem>>) dst(%dma_wait3A_118 : memref<10112x128xf32, #tpu.memory_space<vmem_shared>>)
        tpu.yield
      }) : () -> ()
    }
    %scan3A_24 = arith.constant 20 : i32
    %mul3A_25 = arith.constant 80 : i32
    %mul3A_26 = arith.muli %add3A, %mul3A_25 : i32
    %add3A_27 = arith.constant 40 : i32
    %add3A_28 = arith.addi %mul3A_26, %add3A_27 : i32
    "tpu.region"() ({
      %run_scoped3A = tpu.sem_alloc : memref<!tpu.dma_semaphore, #tpu.memory_space<semaphore_mem>>
      %dma_start3A_52 = arith.constant 0 : i32
      %dma_start3A_53 = tpu.memref_slice %arg3[%add3A_28, %dma_start3A_52] : memref<2560x128xi32, #tpu.memory_space<hbm>> -> memref<40x128xi32, #tpu.memory_space<hbm>>
      %dma_start3A_54 = arith.constant 0 : i32
      %dma_start3A_55 = tpu.memref_slice %arg3[%add3A_28, %dma_start3A_54] : memref<2560x128xi32, #tpu.memory_space<hbm>> -> memref<40x128xi32, #tpu.memory_space<hbm>>
      tpu.enqueue_dma source(%dma_start3A_55 : memref<40x128xi32, #tpu.memory_space<hbm>>) target(%arg7 : memref<40x128xi32, #tpu.memory_space<vmem>>) target_semaphore(%run_scoped3A : memref<!tpu.dma_semaphore, #tpu.memory_space<semaphore_mem>>)
      %dma_wait3A = arith.constant 0 : i32
      %dma_wait3A_56 = tpu.memref_slice %arg3[%add3A_28, %dma_wait3A] : memref<2560x128xi32, #tpu.memory_space<hbm>> -> memref<40x128xi32, #tpu.memory_space<hbm>>
      %dma_wait3A_57 = arith.constant 0 : i32
      %dma_wait3A_58 = tpu.memref_slice %arg3[%add3A_28, %dma_wait3A_57] : memref<2560x128xi32, #tpu.memory_space<hbm>> -> memref<40x128xi32, #tpu.memory_space<hbm>>
      tpu.wait_dma2 semaphore(%run_scoped3A : memref<!tpu.dma_semaphore, #tpu.memory_space<semaphore_mem>>) src(%dma_wait3A_58 : memref<40x128xi32, #tpu.memory_space<hbm>>) dst(%arg7 : memref<40x128xi32, #tpu.memory_space<vmem>>)
      tpu.yield
    }) : () -> ()
    "tpu.region"() ({
      %run_scoped3A = tpu.sem_alloc : memref<!tpu.dma_semaphore, #tpu.memory_space<semaphore_mem>>
      %dma_start3A_52 = arith.constant 0 : i32
      %dma_start3A_53 = tpu.memref_slice %arg4[%add3A_28, %dma_start3A_52] : memref<2560x128xi32, #tpu.memory_space<hbm>> -> memref<40x128xi32, #tpu.memory_space<hbm>>
      %dma_start3A_54 = arith.constant 0 : i32
      %dma_start3A_55 = tpu.memref_slice %arg4[%add3A_28, %dma_start3A_54] : memref<2560x128xi32, #tpu.memory_space<hbm>> -> memref<40x128xi32, #tpu.memory_space<hbm>>
      tpu.enqueue_dma source(%dma_start3A_55 : memref<40x128xi32, #tpu.memory_space<hbm>>) target(%arg8 : memref<40x128xi32, #tpu.memory_space<vmem>>) target_semaphore(%run_scoped3A : memref<!tpu.dma_semaphore, #tpu.memory_space<semaphore_mem>>)
      %dma_wait3A = arith.constant 0 : i32
      %dma_wait3A_56 = tpu.memref_slice %arg4[%add3A_28, %dma_wait3A] : memref<2560x128xi32, #tpu.memory_space<hbm>> -> memref<40x128xi32, #tpu.memory_space<hbm>>
      %dma_wait3A_57 = arith.constant 0 : i32
      %dma_wait3A_58 = tpu.memref_slice %arg4[%add3A_28, %dma_wait3A_57] : memref<2560x128xi32, #tpu.memory_space<hbm>> -> memref<40x128xi32, #tpu.memory_space<hbm>>
      tpu.wait_dma2 semaphore(%run_scoped3A : memref<!tpu.dma_semaphore, #tpu.memory_space<semaphore_mem>>) src(%dma_wait3A_58 : memref<40x128xi32, #tpu.memory_space<hbm>>) dst(%arg8 : memref<40x128xi32, #tpu.memory_space<vmem>>)
      tpu.yield
    }) : () -> ()
    %dma_start3A_29 = arith.constant 0 : i32
    %dma_start3A_30 = arith.constant 0 : i32
    %dma_start3A_31 = arith.constant 0 : i32
    %dma_start3A_32 = arith.constant 0 : i32
    %dma_start3A_33 = tpu.memref_slice %arg9[%dma_start3A_30, %dma_start3A_31, %dma_start3A_32] : memref<2x128x128xf32, #tpu.memory_space<vmem>> -> memref<1x128x128xf32, #tpu.memory_space<vmem>>
    %dma_start3A_34 = tpu.memref_squeeze %dma_start3A_33 : memref<1x128x128xf32, #tpu.memory_space<vmem>> -> memref<128x128xf32, #tpu.memory_space<vmem>>
    %dma_start3A_35 = arith.constant 0 : i32
    %dma_start3A_36 = tpu.memref_slice %arg7[%dma_start3A_29, %dma_start3A_35] : memref<40x128xi32, #tpu.memory_space<vmem>> -> memref<1x128xi32, #tpu.memory_space<vmem>>
    %dma_start3A_37 = tpu.memref_squeeze %dma_start3A_36 : memref<1x128xi32, #tpu.memory_space<vmem>> -> memref<128xi32, #tpu.memory_space<vmem>>
    %dma_start3A_38 = arith.constant 0 : i32
    %dma_start3A_39 = arith.constant 0 : i32
    %dma_start3A_40 = tpu.memref_slice %arg2[%dma_start3A_38, %dma_start3A_39] : memref<10000x128xf32, #tpu.memory_space<hbm>> -> memref<10000x128xf32, #tpu.memory_space<hbm>>
    tpu.enqueue_indirect_dma source(%dma_start3A_40 : memref<10000x128xf32, #tpu.memory_space<hbm>>) target(%dma_start3A_34 : memref<128x128xf32, #tpu.memory_space<vmem>>) offsets(%dma_start3A_37 : memref<128xi32, #tpu.memory_space<vmem>>) semaphore(%arg11 : memref<!tpu.dma_semaphore, #tpu.memory_space<semaphore_mem>>)
    %scan3A_41 = arith.constant 0 : i32
    %scan3A_42 = arith.constant 0 : i32
    %scan3A_43 = arith.constant 20 : i32
    %scan3A_44 = arith.addi %scan3A_42, %scan3A_43 : i32
    %scan3A_45 = arith.constant 1 : i32
    scf.for %scan3A_52 = %scan3A_42 to %scan3A_44 step %scan3A_45  : i32 {
      %mul3A_53 = arith.constant 2 : i32
      %mul3A_54 = arith.muli %mul3A_53, %scan3A_52 : i32
      %add3A_55 = arith.constant 1 : i32
      %add3A_56 = arith.addi %mul3A_54, %add3A_55 : i32
      %dma_start3A_57 = arith.constant 1 : i32
      %dma_start3A_58 = arith.constant 0 : i32
      %dma_start3A_59 = arith.constant 0 : i32
      %dma_start3A_60 = tpu.memref_slice %arg9[%dma_start3A_57, %dma_start3A_58, %dma_start3A_59] : memref<2x128x128xf32, #tpu.memory_space<vmem>> -> memref<1x128x128xf32, #tpu.memory_space<vmem>>
      %dma_start3A_61 = tpu.memref_squeeze %dma_start3A_60 : memref<1x128x128xf32, #tpu.memory_space<vmem>> -> memref<128x128xf32, #tpu.memory_space<vmem>>
      %dma_start3A_62 = arith.constant 0 : i32
      %dma_start3A_63 = tpu.memref_slice %arg7[%add3A_56, %dma_start3A_62] : memref<40x128xi32, #tpu.memory_space<vmem>> -> memref<1x128xi32, #tpu.memory_space<vmem>>
      %dma_start3A_64 = tpu.memref_squeeze %dma_start3A_63 : memref<1x128xi32, #tpu.memory_space<vmem>> -> memref<128xi32, #tpu.memory_space<vmem>>
      %dma_start3A_65 = arith.constant 0 : i32
      %dma_start3A_66 = arith.constant 0 : i32
      %dma_start3A_67 = tpu.memref_slice %arg2[%dma_start3A_65, %dma_start3A_66] : memref<10000x128xf32, #tpu.memory_space<hbm>> -> memref<10000x128xf32, #tpu.memory_space<hbm>>
      tpu.enqueue_indirect_dma source(%dma_start3A_67 : memref<10000x128xf32, #tpu.memory_space<hbm>>) target(%dma_start3A_61 : memref<128x128xf32, #tpu.memory_space<vmem>>) offsets(%dma_start3A_64 : memref<128xi32, #tpu.memory_space<vmem>>) semaphore(%arg12 : memref<!tpu.dma_semaphore, #tpu.memory_space<semaphore_mem>>)
      %dma_wait3A = arith.constant 0 : i32
      %dma_wait3A_68 = arith.constant 0 : i32
      %dma_wait3A_69 = arith.constant 0 : i32
      %dma_wait3A_70 = tpu.memref_slice %arg9[%dma_wait3A, %dma_wait3A_68, %dma_wait3A_69] : memref<2x128x128xf32, #tpu.memory_space<vmem>> -> memref<1x128x128xf32, #tpu.memory_space<vmem>>
      %dma_wait3A_71 = tpu.memref_squeeze %dma_wait3A_70 : memref<1x128x128xf32, #tpu.memory_space<vmem>> -> memref<128x128xf32, #tpu.memory_space<vmem>>
      %dma_wait3A_72 = arith.constant 0 : i32
      %dma_wait3A_73 = tpu.memref_slice %arg7[%mul3A_54, %dma_wait3A_72] : memref<40x128xi32, #tpu.memory_space<vmem>> -> memref<1x128xi32, #tpu.memory_space<vmem>>
      %dma_wait3A_74 = tpu.memref_squeeze %dma_wait3A_73 : memref<1x128xi32, #tpu.memory_space<vmem>> -> memref<128xi32, #tpu.memory_space<vmem>>
      %dma_wait3A_75 = arith.constant 0 : i32
      %dma_wait3A_76 = arith.constant 0 : i32
      %dma_wait3A_77 = tpu.memref_slice %arg2[%dma_wait3A_75, %dma_wait3A_76] : memref<10000x128xf32, #tpu.memory_space<hbm>> -> memref<10000x128xf32, #tpu.memory_space<hbm>>
      tpu.wait_indirect_dma semaphore(%arg11 : memref<!tpu.dma_semaphore, #tpu.memory_space<semaphore_mem>>) src(%dma_wait3A_77 : memref<10000x128xf32, #tpu.memory_space<hbm>>) dst(%dma_wait3A_71 : memref<128x128xf32, #tpu.memory_space<vmem>>)
      %run_scoped3A = arith.constant 0 : i32
      "tpu.region"() ({
        %run_scoped3A_98 = tpu.sem_alloc : memref<!tpu.dma_semaphore, #tpu.memory_space<semaphore_mem>>
        %dma_start3A_99 = arith.constant 0 : i32
        %dma_start3A_100 = arith.constant 0 : i32
        %dma_start3A_101 = tpu.memref_slice %arg9[%run_scoped3A, %dma_start3A_99, %dma_start3A_100] : memref<2x128x128xf32, #tpu.memory_space<vmem>> -> memref<1x128x128xf32, #tpu.memory_space<vmem>>
        %dma_start3A_102 = tpu.memref_squeeze %dma_start3A_101 : memref<1x128x128xf32, #tpu.memory_space<vmem>> -> memref<128x128xf32, #tpu.memory_space<vmem>>
        %dma_start3A_103 = arith.constant 0 : i32
        %dma_start3A_104 = tpu.memref_slice %arg8[%mul3A_54, %dma_start3A_103] : memref<40x128xi32, #tpu.memory_space<vmem>> -> memref<1x128xi32, #tpu.memory_space<vmem>>
        %dma_start3A_105 = tpu.memref_squeeze %dma_start3A_104 : memref<1x128xi32, #tpu.memory_space<vmem>> -> memref<128xi32, #tpu.memory_space<vmem>>
        %dma_start3A_106 = arith.constant 0 : i32
        %dma_start3A_107 = arith.constant 0 : i32
        %dma_start3A_108 = tpu.memref_slice %arg10[%dma_start3A_106, %dma_start3A_107] : memref<10112x128xf32, #tpu.memory_space<vmem_shared>> -> memref<10112x128xf32, #tpu.memory_space<vmem_shared>>
        tpu.enqueue_indirect_dma source(%dma_start3A_102 : memref<128x128xf32, #tpu.memory_space<vmem>>) target(%dma_start3A_108 : memref<10112x128xf32, #tpu.memory_space<vmem_shared>>) offsets(%dma_start3A_105 : memref<128xi32, #tpu.memory_space<vmem>>) semaphore(%run_scoped3A_98 : memref<!tpu.dma_semaphore, #tpu.memory_space<semaphore_mem>>) {add = true}
        %dma_wait3A_109 = arith.constant 0 : i32
        %dma_wait3A_110 = arith.constant 0 : i32
        %dma_wait3A_111 = tpu.memref_slice %arg9[%run_scoped3A, %dma_wait3A_109, %dma_wait3A_110] : memref<2x128x128xf32, #tpu.memory_space<vmem>> -> memref<1x128x128xf32, #tpu.memory_space<vmem>>
        %dma_wait3A_112 = tpu.memref_squeeze %dma_wait3A_111 : memref<1x128x128xf32, #tpu.memory_space<vmem>> -> memref<128x128xf32, #tpu.memory_space<vmem>>
        %dma_wait3A_113 = arith.constant 0 : i32
        %dma_wait3A_114 = tpu.memref_slice %arg8[%mul3A_54, %dma_wait3A_113] : memref<40x128xi32, #tpu.memory_space<vmem>> -> memref<1x128xi32, #tpu.memory_space<vmem>>
        %dma_wait3A_115 = tpu.memref_squeeze %dma_wait3A_114 : memref<1x128xi32, #tpu.memory_space<vmem>> -> memref<128xi32, #tpu.memory_space<vmem>>
        %dma_wait3A_116 = arith.constant 0 : i32
        %dma_wait3A_117 = arith.constant 0 : i32
        %dma_wait3A_118 = tpu.memref_slice %arg10[%dma_wait3A_116, %dma_wait3A_117] : memref<10112x128xf32, #tpu.memory_space<vmem_shared>> -> memref<10112x128xf32, #tpu.memory_space<vmem_shared>>
        tpu.wait_indirect_dma semaphore(%run_scoped3A_98 : memref<!tpu.dma_semaphore, #tpu.memory_space<semaphore_mem>>) src(%dma_wait3A_112 : memref<128x128xf32, #tpu.memory_space<vmem>>) dst(%dma_wait3A_118 : memref<10112x128xf32, #tpu.memory_space<vmem_shared>>)
        tpu.yield
      }) : () -> ()
      %add3A_78 = arith.constant 2 : i32
      %add3A_79 = arith.addi %mul3A_54, %add3A_78 : i32
      %lt3A = arith.constant 40 : i32
      %lt3A_80 = arith.cmpi slt, %add3A_79, %lt3A : i32
      %convert_element_type3A = arith.extui %lt3A_80 : i1 to i32
      %cond3A = arith.constant 0 : i32
      %cond3A_81 = arith.cmpi ne, %convert_element_type3A, %cond3A : i32
      scf.if %cond3A_81 {
        %add3A_98 = arith.constant 2 : i32
        %add3A_99 = arith.addi %mul3A_54, %add3A_98 : i32
        %dma_start3A_100 = arith.constant 0 : i32
        %dma_start3A_101 = arith.constant 0 : i32
        %dma_start3A_102 = arith.constant 0 : i32
        %dma_start3A_103 = tpu.memref_slice %arg9[%dma_start3A_100, %dma_start3A_101, %dma_start3A_102] : memref<2x128x128xf32, #tpu.memory_space<vmem>> -> memref<1x128x128xf32, #tpu.memory_space<vmem>>
        %dma_start3A_104 = tpu.memref_squeeze %dma_start3A_103 : memref<1x128x128xf32, #tpu.memory_space<vmem>> -> memref<128x128xf32, #tpu.memory_space<vmem>>
        %dma_start3A_105 = arith.constant 0 : i32
        %dma_start3A_106 = tpu.memref_slice %arg7[%add3A_99, %dma_start3A_105] : memref<40x128xi32, #tpu.memory_space<vmem>> -> memref<1x128xi32, #tpu.memory_space<vmem>>
        %dma_start3A_107 = tpu.memref_squeeze %dma_start3A_106 : memref<1x128xi32, #tpu.memory_space<vmem>> -> memref<128xi32, #tpu.memory_space<vmem>>
        %dma_start3A_108 = arith.constant 0 : i32
        %dma_start3A_109 = arith.constant 0 : i32
        %dma_start3A_110 = tpu.memref_slice %arg2[%dma_start3A_108, %dma_start3A_109] : memref<10000x128xf32, #tpu.memory_space<hbm>> -> memref<10000x128xf32, #tpu.memory_space<hbm>>
        tpu.enqueue_indirect_dma source(%dma_start3A_110 : memref<10000x128xf32, #tpu.memory_space<hbm>>) target(%dma_start3A_104 : memref<128x128xf32, #tpu.memory_space<vmem>>) offsets(%dma_start3A_107 : memref<128xi32, #tpu.memory_space<vmem>>) semaphore(%arg11 : memref<!tpu.dma_semaphore, #tpu.memory_space<semaphore_mem>>)
      } else {
      }
      %add3A_82 = arith.constant 1 : i32
      %add3A_83 = arith.addi %mul3A_54, %add3A_82 : i32
      %dma_wait3A_84 = arith.constant 1 : i32
      %dma_wait3A_85 = arith.constant 0 : i32
      %dma_wait3A_86 = arith.constant 0 : i32
      %dma_wait3A_87 = tpu.memref_slice %arg9[%dma_wait3A_84, %dma_wait3A_85, %dma_wait3A_86] : memref<2x128x128xf32, #tpu.memory_space<vmem>> -> memref<1x128x128xf32, #tpu.memory_space<vmem>>
      %dma_wait3A_88 = tpu.memref_squeeze %dma_wait3A_87 : memref<1x128x128xf32, #tpu.memory_space<vmem>> -> memref<128x128xf32, #tpu.memory_space<vmem>>
      %dma_wait3A_89 = arith.constant 0 : i32
      %dma_wait3A_90 = tpu.memref_slice %arg7[%add3A_83, %dma_wait3A_89] : memref<40x128xi32, #tpu.memory_space<vmem>> -> memref<1x128xi32, #tpu.memory_space<vmem>>
      %dma_wait3A_91 = tpu.memref_squeeze %dma_wait3A_90 : memref<1x128xi32, #tpu.memory_space<vmem>> -> memref<128xi32, #tpu.memory_space<vmem>>
      %dma_wait3A_92 = arith.constant 0 : i32
      %dma_wait3A_93 = arith.constant 0 : i32
      %dma_wait3A_94 = tpu.memref_slice %arg2[%dma_wait3A_92, %dma_wait3A_93] : memref<10000x128xf32, #tpu.memory_space<hbm>> -> memref<10000x128xf32, #tpu.memory_space<hbm>>
      tpu.wait_indirect_dma semaphore(%arg12 : memref<!tpu.dma_semaphore, #tpu.memory_space<semaphore_mem>>) src(%dma_wait3A_94 : memref<10000x128xf32, #tpu.memory_space<hbm>>) dst(%dma_wait3A_88 : memref<128x128xf32, #tpu.memory_space<vmem>>)
      %add3A_95 = arith.constant 1 : i32
      %add3A_96 = arith.addi %mul3A_54, %add3A_95 : i32
      %run_scoped3A_97 = arith.constant 1 : i32
      "tpu.region"() ({
        %run_scoped3A_98 = tpu.sem_alloc : memref<!tpu.dma_semaphore, #tpu.memory_space<semaphore_mem>>
        %dma_start3A_99 = arith.constant 0 : i32
        %dma_start3A_100 = arith.constant 0 : i32
        %dma_start3A_101 = tpu.memref_slice %arg9[%run_scoped3A_97, %dma_start3A_99, %dma_start3A_100] : memref<2x128x128xf32, #tpu.memory_space<vmem>> -> memref<1x128x128xf32, #tpu.memory_space<vmem>>
        %dma_start3A_102 = tpu.memref_squeeze %dma_start3A_101 : memref<1x128x128xf32, #tpu.memory_space<vmem>> -> memref<128x128xf32, #tpu.memory_space<vmem>>
        %dma_start3A_103 = arith.constant 0 : i32
        %dma_start3A_104 = tpu.memref_slice %arg8[%add3A_96, %dma_start3A_103] : memref<40x128xi32, #tpu.memory_space<vmem>> -> memref<1x128xi32, #tpu.memory_space<vmem>>
        %dma_start3A_105 = tpu.memref_squeeze %dma_start3A_104 : memref<1x128xi32, #tpu.memory_space<vmem>> -> memref<128xi32, #tpu.memory_space<vmem>>
        %dma_start3A_106 = arith.constant 0 : i32
        %dma_start3A_107 = arith.constant 0 : i32
        %dma_start3A_108 = tpu.memref_slice %arg10[%dma_start3A_106, %dma_start3A_107] : memref<10112x128xf32, #tpu.memory_space<vmem_shared>> -> memref<10112x128xf32, #tpu.memory_space<vmem_shared>>
        tpu.enqueue_indirect_dma source(%dma_start3A_102 : memref<128x128xf32, #tpu.memory_space<vmem>>) target(%dma_start3A_108 : memref<10112x128xf32, #tpu.memory_space<vmem_shared>>) offsets(%dma_start3A_105 : memref<128xi32, #tpu.memory_space<vmem>>) semaphore(%run_scoped3A_98 : memref<!tpu.dma_semaphore, #tpu.memory_space<semaphore_mem>>) {add = true}
        %dma_wait3A_109 = arith.constant 0 : i32
        %dma_wait3A_110 = arith.constant 0 : i32
        %dma_wait3A_111 = tpu.memref_slice %arg9[%run_scoped3A_97, %dma_wait3A_109, %dma_wait3A_110] : memref<2x128x128xf32, #tpu.memory_space<vmem>> -> memref<1x128x128xf32, #tpu.memory_space<vmem>>
        %dma_wait3A_112 = tpu.memref_squeeze %dma_wait3A_111 : memref<1x128x128xf32, #tpu.memory_space<vmem>> -> memref<128x128xf32, #tpu.memory_space<vmem>>
        %dma_wait3A_113 = arith.constant 0 : i32
        %dma_wait3A_114 = tpu.memref_slice %arg8[%add3A_96, %dma_wait3A_113] : memref<40x128xi32, #tpu.memory_space<vmem>> -> memref<1x128xi32, #tpu.memory_space<vmem>>
        %dma_wait3A_115 = tpu.memref_squeeze %dma_wait3A_114 : memref<1x128xi32, #tpu.memory_space<vmem>> -> memref<128xi32, #tpu.memory_space<vmem>>
        %dma_wait3A_116 = arith.constant 0 : i32
        %dma_wait3A_117 = arith.constant 0 : i32
        %dma_wait3A_118 = tpu.memref_slice %arg10[%dma_wait3A_116, %dma_wait3A_117] : memref<10112x128xf32, #tpu.memory_space<vmem_shared>> -> memref<10112x128xf32, #tpu.memory_space<vmem_shared>>
        tpu.wait_indirect_dma semaphore(%run_scoped3A_98 : memref<!tpu.dma_semaphore, #tpu.memory_space<semaphore_mem>>) src(%dma_wait3A_112 : memref<128x128xf32, #tpu.memory_space<vmem>>) dst(%dma_wait3A_118 : memref<10112x128xf32, #tpu.memory_space<vmem_shared>>)
        tpu.yield
      }) : () -> ()
    }
    %scan3A_46 = arith.constant 20 : i32
    %barrier3A_47 = arith.constant 0 : index
    tpu.barrier barrier_id(%barrier3A_47)
    %mul3A_48 = arith.constant 632 : i32
    %mul3A_49 = arith.muli %arg1, %mul3A_48 : i32
    %mul3A_50 = arith.constant 632 : i32
    %mul3A_51 = arith.muli %arg1, %mul3A_50 : i32
    "tpu.region"() ({
      %run_scoped3A = tpu.sem_alloc : memref<!tpu.dma_semaphore, #tpu.memory_space<semaphore_mem>>
      %dma_start3A_52 = arith.constant 0 : i32
      %dma_start3A_53 = tpu.memref_slice %arg6[%arg0, %mul3A_51, %dma_start3A_52] : memref<2x10112x128xf32, #tpu.memory_space<hbm>> -> memref<1x632x128xf32, #tpu.memory_space<hbm>>
      %dma_start3A_54 = tpu.memref_squeeze %dma_start3A_53 : memref<1x632x128xf32, #tpu.memory_space<hbm>> -> memref<632x128xf32, #tpu.memory_space<hbm>>
      %dma_start3A_55 = arith.constant 0 : i32
      %dma_start3A_56 = tpu.memref_slice %arg10[%mul3A_49, %dma_start3A_55] : memref<10112x128xf32, #tpu.memory_space<vmem_shared>> -> memref<632x128xf32, #tpu.memory_space<vmem_shared>>
      tpu.enqueue_dma source(%dma_start3A_56 : memref<632x128xf32, #tpu.memory_space<vmem_shared>>) target(%dma_start3A_54 : memref<632x128xf32, #tpu.memory_space<hbm>>) target_semaphore(%run_scoped3A : memref<!tpu.dma_semaphore, #tpu.memory_space<semaphore_mem>>)
      %dma_wait3A = arith.constant 0 : i32
      %dma_wait3A_57 = tpu.memref_slice %arg6[%arg0, %mul3A_51, %dma_wait3A] : memref<2x10112x128xf32, #tpu.memory_space<hbm>> -> memref<1x632x128xf32, #tpu.memory_space<hbm>>
      %dma_wait3A_58 = tpu.memref_squeeze %dma_wait3A_57 : memref<1x632x128xf32, #tpu.memory_space<hbm>> -> memref<632x128xf32, #tpu.memory_space<hbm>>
      %dma_wait3A_59 = arith.constant 0 : i32
      %dma_wait3A_60 = tpu.memref_slice %arg10[%mul3A_49, %dma_wait3A_59] : memref<10112x128xf32, #tpu.memory_space<vmem_shared>> -> memref<632x128xf32, #tpu.memory_space<vmem_shared>>
      tpu.wait_dma2 semaphore(%run_scoped3A : memref<!tpu.dma_semaphore, #tpu.memory_space<semaphore_mem>>) src(%dma_wait3A_60 : memref<632x128xf32, #tpu.memory_space<vmem_shared>>) dst(%dma_wait3A_58 : memref<632x128xf32, #tpu.memory_space<hbm>>)
      tpu.yield
    }) : () -> ()
    return
  }
}

#map = affine_map<(d0, d1) -> (0, 0)>
#map1 = affine_map<(d0, d1) -> (0, 0, 0)>
module attributes {stable_mosaic.version = 14 : i64} {
  func.func @scat(%arg0: i32, %arg1: i32, %arg2: memref<10000x128xf32, #tpu.memory_space<hbm>>, %arg3: memref<2560x128xi32, #tpu.memory_space<hbm>>, %arg4: memref<2560x128xi32, #tpu.memory_space<hbm>>, %arg5: memref<10112x128xf32, #tpu.memory_space<hbm>>, %arg6: memref<2x10112x128xf32, #tpu.memory_space<hbm>>, %arg7: memref<40x128xi32, #tpu.memory_space<vmem>>, %arg8: memref<40x128xi32, #tpu.memory_space<vmem>>, %arg9: memref<2x128x128xf32, #tpu.memory_space<vmem>>, %arg10: memref<10112x128xf32, #tpu.memory_space<vmem_shared>>, %arg11: memref<!tpu.dma_semaphore, #tpu.memory_space<semaphore_mem>>, %arg12: memref<!tpu.dma_semaphore, #tpu.memory_space<semaphore_mem>>) attributes {dimension_semantics = [#tpu.dimension_semantics<core_parallel>, #tpu.dimension_semantics<subcore_parallel>], iteration_bounds = array<i64: 2, 16>, scalar_prefetch = 0 : i64, scratch_operands = 6 : i64, tpu.core_type = #tpu.core_type<sc_vector_subcore>, window_params = [{transform_indices = #map}, {transform_indices = #map}, {transform_indices = #map}, {transform_indices = #map}, {transform_indices = #map1}]} {
    %mul3A = arith.constant 16 : i32
    %mul3A_0 = arith.muli %arg0, %mul3A : i32
    %add3A = arith.addi %mul3A_0, %arg1 : i32
    %mul3A_1 = arith.constant 632 : i32
    %mul3A_2 = arith.muli %arg1, %mul3A_1 : i32
    %mul3A_3 = arith.constant 632 : i32
    %mul3A_4 = arith.muli %arg1, %mul3A_3 : i32
    "tpu.region"() ({
      %run_scoped3A = tpu.sem_alloc : memref<!tpu.dma_semaphore, #tpu.memory_space<semaphore_mem>>
      %dma_start3A_52 = arith.constant 0 : i32
      %dma_start3A_53 = tpu.memref_slice %arg10[%mul3A_4, %dma_start3A_52] : memref<10112x128xf32, #tpu.memory_space<vmem_shared>> -> memref<632x128xf32, #tpu.memory_space<vmem_shared>>
      %dma_start3A_54 = arith.constant 0 : i32
      %dma_start3A_55 = tpu.memref_slice %arg5[%mul3A_2, %dma_start3A_54] : memref<10112x128xf32, #tpu.memory_space<hbm>> -> memref<632x128xf32, #tpu.memory_space<hbm>>
      tpu.enqueue_dma source(%dma_start3A_55 : memref<632x128xf32, #tpu.memory_space<hbm>>) target(%dma_start3A_53 : memref<632x128xf32, #tpu.memory_space<vmem_shared>>) target_semaphore(%run_scoped3A : memref<!tpu.dma_semaphore, #tpu.memory_space<semaphore_mem>>)
      %dma_wait3A = arith.constant 0 : i32
      %dma_wait3A_56 = tpu.memref_slice %arg10[%mul3A_4, %dma_wait3A] : memref<10112x128xf32, #tpu.memory_space<vmem_shared>> -> memref<632x128xf32, #tpu.memory_space<vmem_shared>>
      %dma_wait3A_57 = arith.constant 0 : i32
      %dma_wait3A_58 = tpu.memref_slice %arg5[%mul3A_2, %dma_wait3A_57] : memref<10112x128xf32, #tpu.memory_space<hbm>> -> memref<632x128xf32, #tpu.memory_space<hbm>>
      tpu.wait_dma2 semaphore(%run_scoped3A : memref<!tpu.dma_semaphore, #tpu.memory_space<semaphore_mem>>) src(%dma_wait3A_58 : memref<632x128xf32, #tpu.memory_space<hbm>>) dst(%dma_wait3A_56 : memref<632x128xf32, #tpu.memory_space<vmem_shared>>)
      tpu.yield
    }) : () -> ()
    %barrier3A = arith.constant 0 : index
    tpu.barrier barrier_id(%barrier3A)
    %mul3A_5 = arith.constant 80 : i32
    %mul3A_6 = arith.muli %add3A, %mul3A_5 : i32
    %add3A_7 = arith.constant 0 : i32
    %add3A_8 = arith.addi %mul3A_6, %add3A_7 : i32
    "tpu.region"() ({
      %run_scoped3A = tpu.sem_alloc : memref<!tpu.dma_semaphore, #tpu.memory_space<semaphore_mem>>
      %dma_start3A_52 = arith.constant 0 : i32
      %dma_start3A_53 = tpu.memref_slice %arg3[%add3A_8, %dma_start3A_52] : memref<2560x128xi32, #tpu.memory_space<hbm>> -> memref<40x128xi32, #tpu.memory_space<hbm>>
      %dma_start3A_54 = arith.constant 0 : i32
      %dma_start3A_55 = tpu.memref_slice %arg3[%add3A_8, %dma_start3A_54] : memref<2560x128xi32, #tpu.memory_space<hbm>> -> memref<40x128xi32, #tpu.memory_space<hbm>>
      tpu.enqueue_dma source(%dma_start3A_55 : memref<40x128xi32, #tpu.memory_space<hbm>>) target(%arg7 : memref<40x128xi32, #tpu.memory_space<vmem>>) target_semaphore(%run_scoped3A : memref<!tpu.dma_semaphore, #tpu.memory_space<semaphore_mem>>)
      %dma_wait3A = arith.constant 0 : i32
      %dma_wait3A_56 = tpu.memref_slice %arg3[%add3A_8, %dma_wait3A] : memref<2560x128xi32, #tpu.memory_space<hbm>> -> memref<40x128xi32, #tpu.memory_space<hbm>>
      %dma_wait3A_57 = arith.constant 0 : i32
      %dma_wait3A_58 = tpu.memref_slice %arg3[%add3A_8, %dma_wait3A_57] : memref<2560x128xi32, #tpu.memory_space<hbm>> -> memref<40x128xi32, #tpu.memory_space<hbm>>
      tpu.wait_dma2 semaphore(%run_scoped3A : memref<!tpu.dma_semaphore, #tpu.memory_space<semaphore_mem>>) src(%dma_wait3A_58 : memref<40x128xi32, #tpu.memory_space<hbm>>) dst(%arg7 : memref<40x128xi32, #tpu.memory_space<vmem>>)
      tpu.yield
    }) : () -> ()
    "tpu.region"() ({
      %run_scoped3A = tpu.sem_alloc : memref<!tpu.dma_semaphore, #tpu.memory_space<semaphore_mem>>
      %dma_start3A_52 = arith.constant 0 : i32
      %dma_start3A_53 = tpu.memref_slice %arg4[%add3A_8, %dma_start3A_52] : memref<2560x128xi32, #tpu.memory_space<hbm>> -> memref<40x128xi32, #tpu.memory_space<hbm>>
      %dma_start3A_54 = arith.constant 0 : i32
      %dma_start3A_55 = tpu.memref_slice %arg4[%add3A_8, %dma_start3A_54] : memref<2560x128xi32, #tpu.memory_space<hbm>> -> memref<40x128xi32, #tpu.memory_space<hbm>>
      tpu.enqueue_dma source(%dma_start3A_55 : memref<40x128xi32, #tpu.memory_space<hbm>>) target(%arg8 : memref<40x128xi32, #tpu.memory_space<vmem>>) target_semaphore(%run_scoped3A : memref<!tpu.dma_semaphore, #tpu.memory_space<semaphore_mem>>)
      %dma_wait3A = arith.constant 0 : i32
      %dma_wait3A_56 = tpu.memref_slice %arg4[%add3A_8, %dma_wait3A] : memref<2560x128xi32, #tpu.memory_space<hbm>> -> memref<40x128xi32, #tpu.memory_space<hbm>>
      %dma_wait3A_57 = arith.constant 0 : i32
      %dma_wait3A_58 = tpu.memref_slice %arg4[%add3A_8, %dma_wait3A_57] : memref<2560x128xi32, #tpu.memory_space<hbm>> -> memref<40x128xi32, #tpu.memory_space<hbm>>
      tpu.wait_dma2 semaphore(%run_scoped3A : memref<!tpu.dma_semaphore, #tpu.memory_space<semaphore_mem>>) src(%dma_wait3A_58 : memref<40x128xi32, #tpu.memory_space<hbm>>) dst(%arg8 : memref<40x128xi32, #tpu.memory_space<vmem>>)
      tpu.yield
    }) : () -> ()
    %dma_start3A = arith.constant 0 : i32
    %dma_start3A_9 = arith.constant 0 : i32
    %dma_start3A_10 = arith.constant 0 : i32
    %dma_start3A_11 = arith.constant 0 : i32
    %dma_start3A_12 = tpu.memref_slice %arg9[%dma_start3A_9, %dma_start3A_10, %dma_start3A_11] : memref<2x128x128xf32, #tpu.memory_space<vmem>> -> memref<1x128x128xf32, #tpu.memory_space<vmem>>
    %dma_start3A_13 = tpu.memref_squeeze %dma_start3A_12 : memref<1x128x128xf32, #tpu.memory_space<vmem>> -> memref<128x128xf32, #tpu.memory_space<vmem>>
    %dma_start3A_14 = arith.constant 0 : i32
    %dma_start3A_15 = tpu.memref_slice %arg7[%dma_start3A, %dma_start3A_14] : memref<40x128xi32, #tpu.memory_space<vmem>> -> memref<1x128xi32, #tpu.memory_space<vmem>>
    %dma_start3A_16 = tpu.memref_squeeze %dma_start3A_15 : memref<1x128xi32, #tpu.memory_space<vmem>> -> memref<128xi32, #tpu.memory_space<vmem>>
    %dma_start3A_17 = arith.constant 0 : i32
    %dma_start3A_18 = arith.constant 0 : i32
    %dma_start3A_19 = tpu.memref_slice %arg2[%dma_start3A_17, %dma_start3A_18] : memref<10000x128xf32, #tpu.memory_space<hbm>> -> memref<10000x128xf32, #tpu.memory_space<hbm>>
    tpu.enqueue_indirect_dma source(%dma_start3A_19 : memref<10000x128xf32, #tpu.memory_space<hbm>>) target(%dma_start3A_13 : memref<128x128xf32, #tpu.memory_space<vmem>>) offsets(%dma_start3A_16 : memref<128xi32, #tpu.memory_space<vmem>>) semaphore(%arg11 : memref<!tpu.dma_semaphore, #tpu.memory_space<semaphore_mem>>)
    %scan3A = arith.constant 0 : i32
    %scan3A_20 = arith.constant 0 : i32
    %scan3A_21 = arith.constant 20 : i32
    %scan3A_22 = arith.addi %scan3A_20, %scan3A_21 : i32
    %scan3A_23 = arith.constant 1 : i32
    scf.for %scan3A_52 = %scan3A_20 to %scan3A_22 step %scan3A_23  : i32 {
      %mul3A_53 = arith.constant 2 : i32
      %mul3A_54 = arith.muli %mul3A_53, %scan3A_52 : i32
      %add3A_55 = arith.constant 1 : i32
      %add3A_56 = arith.addi %mul3A_54, %add3A_55 : i32
      %dma_start3A_57 = arith.constant 1 : i32
      %dma_start3A_58 = arith.constant 0 : i32
      %dma_start3A_59 = arith.constant 0 : i32
      %dma_start3A_60 = tpu.memref_slice %arg9[%dma_start3A_57, %dma_start3A_58, %dma_start3A_59] : memref<2x128x128xf32, #tpu.memory_space<vmem>> -> memref<1x128x128xf32, #tpu.memory_space<vmem>>
      %dma_start3A_61 = tpu.memref_squeeze %dma_start3A_60 : memref<1x128x128xf32, #tpu.memory_space<vmem>> -> memref<128x128xf32, #tpu.memory_space<vmem>>
      %dma_start3A_62 = arith.constant 0 : i32
      %dma_start3A_63 = tpu.memref_slice %arg7[%add3A_56, %dma_start3A_62] : memref<40x128xi32, #tpu.memory_space<vmem>> -> memref<1x128xi32, #tpu.memory_space<vmem>>
      %dma_start3A_64 = tpu.memref_squeeze %dma_start3A_63 : memref<1x128xi32, #tpu.memory_space<vmem>> -> memref<128xi32, #tpu.memory_space<vmem>>
      %dma_start3A_65 = arith.constant 0 : i32
      %dma_start3A_66 = arith.constant 0 : i32
      %dma_start3A_67 = tpu.memref_slice %arg2[%dma_start3A_65, %dma_start3A_66] : memref<10000x128xf32, #tpu.memory_space<hbm>> -> memref<10000x128xf32, #tpu.memory_space<hbm>>
      tpu.enqueue_indirect_dma source(%dma_start3A_67 : memref<10000x128xf32, #tpu.memory_space<hbm>>) target(%dma_start3A_61 : memref<128x128xf32, #tpu.memory_space<vmem>>) offsets(%dma_start3A_64 : memref<128xi32, #tpu.memory_space<vmem>>) semaphore(%arg12 : memref<!tpu.dma_semaphore, #tpu.memory_space<semaphore_mem>>)
      %dma_wait3A = arith.constant 0 : i32
      %dma_wait3A_68 = arith.constant 0 : i32
      %dma_wait3A_69 = arith.constant 0 : i32
      %dma_wait3A_70 = tpu.memref_slice %arg9[%dma_wait3A, %dma_wait3A_68, %dma_wait3A_69] : memref<2x128x128xf32, #tpu.memory_space<vmem>> -> memref<1x128x128xf32, #tpu.memory_space<vmem>>
      %dma_wait3A_71 = tpu.memref_squeeze %dma_wait3A_70 : memref<1x128x128xf32, #tpu.memory_space<vmem>> -> memref<128x128xf32, #tpu.memory_space<vmem>>
      %dma_wait3A_72 = arith.constant 0 : i32
      %dma_wait3A_73 = tpu.memref_slice %arg7[%mul3A_54, %dma_wait3A_72] : memref<40x128xi32, #tpu.memory_space<vmem>> -> memref<1x128xi32, #tpu.memory_space<vmem>>
      %dma_wait3A_74 = tpu.memref_squeeze %dma_wait3A_73 : memref<1x128xi32, #tpu.memory_space<vmem>> -> memref<128xi32, #tpu.memory_space<vmem>>
      %dma_wait3A_75 = arith.constant 0 : i32
      %dma_wait3A_76 = arith.constant 0 : i32
      %dma_wait3A_77 = tpu.memref_slice %arg2[%dma_wait3A_75, %dma_wait3A_76] : memref<10000x128xf32, #tpu.memory_space<hbm>> -> memref<10000x128xf32, #tpu.memory_space<hbm>>
      tpu.wait_indirect_dma semaphore(%arg11 : memref<!tpu.dma_semaphore, #tpu.memory_space<semaphore_mem>>) src(%dma_wait3A_77 : memref<10000x128xf32, #tpu.memory_space<hbm>>) dst(%dma_wait3A_71 : memref<128x128xf32, #tpu.memory_space<vmem>>)
      %run_scoped3A = arith.constant 0 : i32
      "tpu.region"() ({
        %run_scoped3A_98 = tpu.sem_alloc : memref<!tpu.dma_semaphore, #tpu.memory_space<semaphore_mem>>
        %dma_start3A_99 = arith.constant 0 : i32
        %dma_start3A_100 = arith.constant 0 : i32
        %dma_start3A_101 = tpu.memref_slice %arg9[%run_scoped3A, %dma_start3A_99, %dma_start3A_100] : memref<2x128x128xf32, #tpu.memory_space<vmem>> -> memref<1x128x128xf32, #tpu.memory_space<vmem>>
        %dma_start3A_102 = tpu.memref_squeeze %dma_start3A_101 : memref<1x128x128xf32, #tpu.memory_space<vmem>> -> memref<128x128xf32, #tpu.memory_space<vmem>>
        %dma_start3A_103 = arith.constant 0 : i32
        %dma_start3A_104 = tpu.memref_slice %arg8[%mul3A_54, %dma_start3A_103] : memref<40x128xi32, #tpu.memory_space<vmem>> -> memref<1x128xi32, #tpu.memory_space<vmem>>
        %dma_start3A_105 = tpu.memref_squeeze %dma_start3A_104 : memref<1x128xi32, #tpu.memory_space<vmem>> -> memref<128xi32, #tpu.memory_space<vmem>>
        %dma_start3A_106 = arith.constant 0 : i32
        %dma_start3A_107 = arith.constant 0 : i32
        %dma_start3A_108 = tpu.memref_slice %arg10[%dma_start3A_106, %dma_start3A_107] : memref<10112x128xf32, #tpu.memory_space<vmem_shared>> -> memref<10112x128xf32, #tpu.memory_space<vmem_shared>>
        tpu.enqueue_indirect_dma source(%dma_start3A_102 : memref<128x128xf32, #tpu.memory_space<vmem>>) target(%dma_start3A_108 : memref<10112x128xf32, #tpu.memory_space<vmem_shared>>) offsets(%dma_start3A_105 : memref<128xi32, #tpu.memory_space<vmem>>) semaphore(%run_scoped3A_98 : memref<!tpu.dma_semaphore, #tpu.memory_space<semaphore_mem>>) {add = true}
        %dma_wait3A_109 = arith.constant 0 : i32
        %dma_wait3A_110 = arith.constant 0 : i32
        %dma_wait3A_111 = tpu.memref_slice %arg9[%run_scoped3A, %dma_wait3A_109, %dma_wait3A_110] : memref<2x128x128xf32, #tpu.memory_space<vmem>> -> memref<1x128x128xf32, #tpu.memory_space<vmem>>
        %dma_wait3A_112 = tpu.memref_squeeze %dma_wait3A_111 : memref<1x128x128xf32, #tpu.memory_space<vmem>> -> memref<128x128xf32, #tpu.memory_space<vmem>>
        %dma_wait3A_113 = arith.constant 0 : i32
        %dma_wait3A_114 = tpu.memref_slice %arg8[%mul3A_54, %dma_wait3A_113] : memref<40x128xi32, #tpu.memory_space<vmem>> -> memref<1x128xi32, #tpu.memory_space<vmem>>
        %dma_wait3A_115 = tpu.memref_squeeze %dma_wait3A_114 : memref<1x128xi32, #tpu.memory_space<vmem>> -> memref<128xi32, #tpu.memory_space<vmem>>
        %dma_wait3A_116 = arith.constant 0 : i32
        %dma_wait3A_117 = arith.constant 0 : i32
        %dma_wait3A_118 = tpu.memref_slice %arg10[%dma_wait3A_116, %dma_wait3A_117] : memref<10112x128xf32, #tpu.memory_space<vmem_shared>> -> memref<10112x128xf32, #tpu.memory_space<vmem_shared>>
        tpu.wait_indirect_dma semaphore(%run_scoped3A_98 : memref<!tpu.dma_semaphore, #tpu.memory_space<semaphore_mem>>) src(%dma_wait3A_112 : memref<128x128xf32, #tpu.memory_space<vmem>>) dst(%dma_wait3A_118 : memref<10112x128xf32, #tpu.memory_space<vmem_shared>>)
        tpu.yield
      }) : () -> ()
      %add3A_78 = arith.constant 2 : i32
      %add3A_79 = arith.addi %mul3A_54, %add3A_78 : i32
      %lt3A = arith.constant 40 : i32
      %lt3A_80 = arith.cmpi slt, %add3A_79, %lt3A : i32
      %convert_element_type3A = arith.extui %lt3A_80 : i1 to i32
      %cond3A = arith.constant 0 : i32
      %cond3A_81 = arith.cmpi ne, %convert_element_type3A, %cond3A : i32
      scf.if %cond3A_81 {
        %add3A_98 = arith.constant 2 : i32
        %add3A_99 = arith.addi %mul3A_54, %add3A_98 : i32
        %dma_start3A_100 = arith.constant 0 : i32
        %dma_start3A_101 = arith.constant 0 : i32
        %dma_start3A_102 = arith.constant 0 : i32
        %dma_start3A_103 = tpu.memref_slice %arg9[%dma_start3A_100, %dma_start3A_101, %dma_start3A_102] : memref<2x128x128xf32, #tpu.memory_space<vmem>> -> memref<1x128x128xf32, #tpu.memory_space<vmem>>
        %dma_start3A_104 = tpu.memref_squeeze %dma_start3A_103 : memref<1x128x128xf32, #tpu.memory_space<vmem>> -> memref<128x128xf32, #tpu.memory_space<vmem>>
        %dma_start3A_105 = arith.constant 0 : i32
        %dma_start3A_106 = tpu.memref_slice %arg7[%add3A_99, %dma_start3A_105] : memref<40x128xi32, #tpu.memory_space<vmem>> -> memref<1x128xi32, #tpu.memory_space<vmem>>
        %dma_start3A_107 = tpu.memref_squeeze %dma_start3A_106 : memref<1x128xi32, #tpu.memory_space<vmem>> -> memref<128xi32, #tpu.memory_space<vmem>>
        %dma_start3A_108 = arith.constant 0 : i32
        %dma_start3A_109 = arith.constant 0 : i32
        %dma_start3A_110 = tpu.memref_slice %arg2[%dma_start3A_108, %dma_start3A_109] : memref<10000x128xf32, #tpu.memory_space<hbm>> -> memref<10000x128xf32, #tpu.memory_space<hbm>>
        tpu.enqueue_indirect_dma source(%dma_start3A_110 : memref<10000x128xf32, #tpu.memory_space<hbm>>) target(%dma_start3A_104 : memref<128x128xf32, #tpu.memory_space<vmem>>) offsets(%dma_start3A_107 : memref<128xi32, #tpu.memory_space<vmem>>) semaphore(%arg11 : memref<!tpu.dma_semaphore, #tpu.memory_space<semaphore_mem>>)
      } else {
      }
      %add3A_82 = arith.constant 1 : i32
      %add3A_83 = arith.addi %mul3A_54, %add3A_82 : i32
      %dma_wait3A_84 = arith.constant 1 : i32
      %dma_wait3A_85 = arith.constant 0 : i32
      %dma_wait3A_86 = arith.constant 0 : i32
      %dma_wait3A_87 = tpu.memref_slice %arg9[%dma_wait3A_84, %dma_wait3A_85, %dma_wait3A_86] : memref<2x128x128xf32, #tpu.memory_space<vmem>> -> memref<1x128x128xf32, #tpu.memory_space<vmem>>
      %dma_wait3A_88 = tpu.memref_squeeze %dma_wait3A_87 : memref<1x128x128xf32, #tpu.memory_space<vmem>> -> memref<128x128xf32, #tpu.memory_space<vmem>>
      %dma_wait3A_89 = arith.constant 0 : i32
      %dma_wait3A_90 = tpu.memref_slice %arg7[%add3A_83, %dma_wait3A_89] : memref<40x128xi32, #tpu.memory_space<vmem>> -> memref<1x128xi32, #tpu.memory_space<vmem>>
      %dma_wait3A_91 = tpu.memref_squeeze %dma_wait3A_90 : memref<1x128xi32, #tpu.memory_space<vmem>> -> memref<128xi32, #tpu.memory_space<vmem>>
      %dma_wait3A_92 = arith.constant 0 : i32
      %dma_wait3A_93 = arith.constant 0 : i32
      %dma_wait3A_94 = tpu.memref_slice %arg2[%dma_wait3A_92, %dma_wait3A_93] : memref<10000x128xf32, #tpu.memory_space<hbm>> -> memref<10000x128xf32, #tpu.memory_space<hbm>>
      tpu.wait_indirect_dma semaphore(%arg12 : memref<!tpu.dma_semaphore, #tpu.memory_space<semaphore_mem>>) src(%dma_wait3A_94 : memref<10000x128xf32, #tpu.memory_space<hbm>>) dst(%dma_wait3A_88 : memref<128x128xf32, #tpu.memory_space<vmem>>)
      %add3A_95 = arith.constant 1 : i32
      %add3A_96 = arith.addi %mul3A_54, %add3A_95 : i32
      %run_scoped3A_97 = arith.constant 1 : i32
      "tpu.region"() ({
        %run_scoped3A_98 = tpu.sem_alloc : memref<!tpu.dma_semaphore, #tpu.memory_space<semaphore_mem>>
        %dma_start3A_99 = arith.constant 0 : i32
        %dma_start3A_100 = arith.constant 0 : i32
        %dma_start3A_101 = tpu.memref_slice %arg9[%run_scoped3A_97, %dma_start3A_99, %dma_start3A_100] : memref<2x128x128xf32, #tpu.memory_space<vmem>> -> memref<1x128x128xf32, #tpu.memory_space<vmem>>
        %dma_start3A_102 = tpu.memref_squeeze %dma_start3A_101 : memref<1x128x128xf32, #tpu.memory_space<vmem>> -> memref<128x128xf32, #tpu.memory_space<vmem>>
        %dma_start3A_103 = arith.constant 0 : i32
        %dma_start3A_104 = tpu.memref_slice %arg8[%add3A_96, %dma_start3A_103] : memref<40x128xi32, #tpu.memory_space<vmem>> -> memref<1x128xi32, #tpu.memory_space<vmem>>
        %dma_start3A_105 = tpu.memref_squeeze %dma_start3A_104 : memref<1x128xi32, #tpu.memory_space<vmem>> -> memref<128xi32, #tpu.memory_space<vmem>>
        %dma_start3A_106 = arith.constant 0 : i32
        %dma_start3A_107 = arith.constant 0 : i32
        %dma_start3A_108 = tpu.memref_slice %arg10[%dma_start3A_106, %dma_start3A_107] : memref<10112x128xf32, #tpu.memory_space<vmem_shared>> -> memref<10112x128xf32, #tpu.memory_space<vmem_shared>>
        tpu.enqueue_indirect_dma source(%dma_start3A_102 : memref<128x128xf32, #tpu.memory_space<vmem>>) target(%dma_start3A_108 : memref<10112x128xf32, #tpu.memory_space<vmem_shared>>) offsets(%dma_start3A_105 : memref<128xi32, #tpu.memory_space<vmem>>) semaphore(%run_scoped3A_98 : memref<!tpu.dma_semaphore, #tpu.memory_space<semaphore_mem>>) {add = true}
        %dma_wait3A_109 = arith.constant 0 : i32
        %dma_wait3A_110 = arith.constant 0 : i32
        %dma_wait3A_111 = tpu.memref_slice %arg9[%run_scoped3A_97, %dma_wait3A_109, %dma_wait3A_110] : memref<2x128x128xf32, #tpu.memory_space<vmem>> -> memref<1x128x128xf32, #tpu.memory_space<vmem>>
        %dma_wait3A_112 = tpu.memref_squeeze %dma_wait3A_111 : memref<1x128x128xf32, #tpu.memory_space<vmem>> -> memref<128x128xf32, #tpu.memory_space<vmem>>
        %dma_wait3A_113 = arith.constant 0 : i32
        %dma_wait3A_114 = tpu.memref_slice %arg8[%add3A_96, %dma_wait3A_113] : memref<40x128xi32, #tpu.memory_space<vmem>> -> memref<1x128xi32, #tpu.memory_space<vmem>>
        %dma_wait3A_115 = tpu.memref_squeeze %dma_wait3A_114 : memref<1x128xi32, #tpu.memory_space<vmem>> -> memref<128xi32, #tpu.memory_space<vmem>>
        %dma_wait3A_116 = arith.constant 0 : i32
        %dma_wait3A_117 = arith.constant 0 : i32
        %dma_wait3A_118 = tpu.memref_slice %arg10[%dma_wait3A_116, %dma_wait3A_117] : memref<10112x128xf32, #tpu.memory_space<vmem_shared>> -> memref<10112x128xf32, #tpu.memory_space<vmem_shared>>
        tpu.wait_indirect_dma semaphore(%run_scoped3A_98 : memref<!tpu.dma_semaphore, #tpu.memory_space<semaphore_mem>>) src(%dma_wait3A_112 : memref<128x128xf32, #tpu.memory_space<vmem>>) dst(%dma_wait3A_118 : memref<10112x128xf32, #tpu.memory_space<vmem_shared>>)
        tpu.yield
      }) : () -> ()
    }
    %scan3A_24 = arith.constant 20 : i32
    %mul3A_25 = arith.constant 80 : i32
    %mul3A_26 = arith.muli %add3A, %mul3A_25 : i32
    %add3A_27 = arith.constant 40 : i32
    %add3A_28 = arith.addi %mul3A_26, %add3A_27 : i32
    "tpu.region"() ({
      %run_scoped3A = tpu.sem_alloc : memref<!tpu.dma_semaphore, #tpu.memory_space<semaphore_mem>>
      %dma_start3A_52 = arith.constant 0 : i32
      %dma_start3A_53 = tpu.memref_slice %arg3[%add3A_28, %dma_start3A_52] : memref<2560x128xi32, #tpu.memory_space<hbm>> -> memref<40x128xi32, #tpu.memory_space<hbm>>
      %dma_start3A_54 = arith.constant 0 : i32
      %dma_start3A_55 = tpu.memref_slice %arg3[%add3A_28, %dma_start3A_54] : memref<2560x128xi32, #tpu.memory_space<hbm>> -> memref<40x128xi32, #tpu.memory_space<hbm>>
      tpu.enqueue_dma source(%dma_start3A_55 : memref<40x128xi32, #tpu.memory_space<hbm>>) target(%arg7 : memref<40x128xi32, #tpu.memory_space<vmem>>) target_semaphore(%run_scoped3A : memref<!tpu.dma_semaphore, #tpu.memory_space<semaphore_mem>>)
      %dma_wait3A = arith.constant 0 : i32
      %dma_wait3A_56 = tpu.memref_slice %arg3[%add3A_28, %dma_wait3A] : memref<2560x128xi32, #tpu.memory_space<hbm>> -> memref<40x128xi32, #tpu.memory_space<hbm>>
      %dma_wait3A_57 = arith.constant 0 : i32
      %dma_wait3A_58 = tpu.memref_slice %arg3[%add3A_28, %dma_wait3A_57] : memref<2560x128xi32, #tpu.memory_space<hbm>> -> memref<40x128xi32, #tpu.memory_space<hbm>>
      tpu.wait_dma2 semaphore(%run_scoped3A : memref<!tpu.dma_semaphore, #tpu.memory_space<semaphore_mem>>) src(%dma_wait3A_58 : memref<40x128xi32, #tpu.memory_space<hbm>>) dst(%arg7 : memref<40x128xi32, #tpu.memory_space<vmem>>)
      tpu.yield
    }) : () -> ()
    "tpu.region"() ({
      %run_scoped3A = tpu.sem_alloc : memref<!tpu.dma_semaphore, #tpu.memory_space<semaphore_mem>>
      %dma_start3A_52 = arith.constant 0 : i32
      %dma_start3A_53 = tpu.memref_slice %arg4[%add3A_28, %dma_start3A_52] : memref<2560x128xi32, #tpu.memory_space<hbm>> -> memref<40x128xi32, #tpu.memory_space<hbm>>
      %dma_start3A_54 = arith.constant 0 : i32
      %dma_start3A_55 = tpu.memref_slice %arg4[%add3A_28, %dma_start3A_54] : memref<2560x128xi32, #tpu.memory_space<hbm>> -> memref<40x128xi32, #tpu.memory_space<hbm>>
      tpu.enqueue_dma source(%dma_start3A_55 : memref<40x128xi32, #tpu.memory_space<hbm>>) target(%arg8 : memref<40x128xi32, #tpu.memory_space<vmem>>) target_semaphore(%run_scoped3A : memref<!tpu.dma_semaphore, #tpu.memory_space<semaphore_mem>>)
      %dma_wait3A = arith.constant 0 : i32
      %dma_wait3A_56 = tpu.memref_slice %arg4[%add3A_28, %dma_wait3A] : memref<2560x128xi32, #tpu.memory_space<hbm>> -> memref<40x128xi32, #tpu.memory_space<hbm>>
      %dma_wait3A_57 = arith.constant 0 : i32
      %dma_wait3A_58 = tpu.memref_slice %arg4[%add3A_28, %dma_wait3A_57] : memref<2560x128xi32, #tpu.memory_space<hbm>> -> memref<40x128xi32, #tpu.memory_space<hbm>>
      tpu.wait_dma2 semaphore(%run_scoped3A : memref<!tpu.dma_semaphore, #tpu.memory_space<semaphore_mem>>) src(%dma_wait3A_58 : memref<40x128xi32, #tpu.memory_space<hbm>>) dst(%arg8 : memref<40x128xi32, #tpu.memory_space<vmem>>)
      tpu.yield
    }) : () -> ()
    %dma_start3A_29 = arith.constant 0 : i32
    %dma_start3A_30 = arith.constant 0 : i32
    %dma_start3A_31 = arith.constant 0 : i32
    %dma_start3A_32 = arith.constant 0 : i32
    %dma_start3A_33 = tpu.memref_slice %arg9[%dma_start3A_30, %dma_start3A_31, %dma_start3A_32] : memref<2x128x128xf32, #tpu.memory_space<vmem>> -> memref<1x128x128xf32, #tpu.memory_space<vmem>>
    %dma_start3A_34 = tpu.memref_squeeze %dma_start3A_33 : memref<1x128x128xf32, #tpu.memory_space<vmem>> -> memref<128x128xf32, #tpu.memory_space<vmem>>
    %dma_start3A_35 = arith.constant 0 : i32
    %dma_start3A_36 = tpu.memref_slice %arg7[%dma_start3A_29, %dma_start3A_35] : memref<40x128xi32, #tpu.memory_space<vmem>> -> memref<1x128xi32, #tpu.memory_space<vmem>>
    %dma_start3A_37 = tpu.memref_squeeze %dma_start3A_36 : memref<1x128xi32, #tpu.memory_space<vmem>> -> memref<128xi32, #tpu.memory_space<vmem>>
    %dma_start3A_38 = arith.constant 0 : i32
    %dma_start3A_39 = arith.constant 0 : i32
    %dma_start3A_40 = tpu.memref_slice %arg2[%dma_start3A_38, %dma_start3A_39] : memref<10000x128xf32, #tpu.memory_space<hbm>> -> memref<10000x128xf32, #tpu.memory_space<hbm>>
    tpu.enqueue_indirect_dma source(%dma_start3A_40 : memref<10000x128xf32, #tpu.memory_space<hbm>>) target(%dma_start3A_34 : memref<128x128xf32, #tpu.memory_space<vmem>>) offsets(%dma_start3A_37 : memref<128xi32, #tpu.memory_space<vmem>>) semaphore(%arg11 : memref<!tpu.dma_semaphore, #tpu.memory_space<semaphore_mem>>)
    %scan3A_41 = arith.constant 0 : i32
    %scan3A_42 = arith.constant 0 : i32
    %scan3A_43 = arith.constant 20 : i32
    %scan3A_44 = arith.addi %scan3A_42, %scan3A_43 : i32
    %scan3A_45 = arith.constant 1 : i32
    scf.for %scan3A_52 = %scan3A_42 to %scan3A_44 step %scan3A_45  : i32 {
      %mul3A_53 = arith.constant 2 : i32
      %mul3A_54 = arith.muli %mul3A_53, %scan3A_52 : i32
      %add3A_55 = arith.constant 1 : i32
      %add3A_56 = arith.addi %mul3A_54, %add3A_55 : i32
      %dma_start3A_57 = arith.constant 1 : i32
      %dma_start3A_58 = arith.constant 0 : i32
      %dma_start3A_59 = arith.constant 0 : i32
      %dma_start3A_60 = tpu.memref_slice %arg9[%dma_start3A_57, %dma_start3A_58, %dma_start3A_59] : memref<2x128x128xf32, #tpu.memory_space<vmem>> -> memref<1x128x128xf32, #tpu.memory_space<vmem>>
      %dma_start3A_61 = tpu.memref_squeeze %dma_start3A_60 : memref<1x128x128xf32, #tpu.memory_space<vmem>> -> memref<128x128xf32, #tpu.memory_space<vmem>>
      %dma_start3A_62 = arith.constant 0 : i32
      %dma_start3A_63 = tpu.memref_slice %arg7[%add3A_56, %dma_start3A_62] : memref<40x128xi32, #tpu.memory_space<vmem>> -> memref<1x128xi32, #tpu.memory_space<vmem>>
      %dma_start3A_64 = tpu.memref_squeeze %dma_start3A_63 : memref<1x128xi32, #tpu.memory_space<vmem>> -> memref<128xi32, #tpu.memory_space<vmem>>
      %dma_start3A_65 = arith.constant 0 : i32
      %dma_start3A_66 = arith.constant 0 : i32
      %dma_start3A_67 = tpu.memref_slice %arg2[%dma_start3A_65, %dma_start3A_66] : memref<10000x128xf32, #tpu.memory_space<hbm>> -> memref<10000x128xf32, #tpu.memory_space<hbm>>
      tpu.enqueue_indirect_dma source(%dma_start3A_67 : memref<10000x128xf32, #tpu.memory_space<hbm>>) target(%dma_start3A_61 : memref<128x128xf32, #tpu.memory_space<vmem>>) offsets(%dma_start3A_64 : memref<128xi32, #tpu.memory_space<vmem>>) semaphore(%arg12 : memref<!tpu.dma_semaphore, #tpu.memory_space<semaphore_mem>>)
      %dma_wait3A = arith.constant 0 : i32
      %dma_wait3A_68 = arith.constant 0 : i32
      %dma_wait3A_69 = arith.constant 0 : i32
      %dma_wait3A_70 = tpu.memref_slice %arg9[%dma_wait3A, %dma_wait3A_68, %dma_wait3A_69] : memref<2x128x128xf32, #tpu.memory_space<vmem>> -> memref<1x128x128xf32, #tpu.memory_space<vmem>>
      %dma_wait3A_71 = tpu.memref_squeeze %dma_wait3A_70 : memref<1x128x128xf32, #tpu.memory_space<vmem>> -> memref<128x128xf32, #tpu.memory_space<vmem>>
      %dma_wait3A_72 = arith.constant 0 : i32
      %dma_wait3A_73 = tpu.memref_slice %arg7[%mul3A_54, %dma_wait3A_72] : memref<40x128xi32, #tpu.memory_space<vmem>> -> memref<1x128xi32, #tpu.memory_space<vmem>>
      %dma_wait3A_74 = tpu.memref_squeeze %dma_wait3A_73 : memref<1x128xi32, #tpu.memory_space<vmem>> -> memref<128xi32, #tpu.memory_space<vmem>>
      %dma_wait3A_75 = arith.constant 0 : i32
      %dma_wait3A_76 = arith.constant 0 : i32
      %dma_wait3A_77 = tpu.memref_slice %arg2[%dma_wait3A_75, %dma_wait3A_76] : memref<10000x128xf32, #tpu.memory_space<hbm>> -> memref<10000x128xf32, #tpu.memory_space<hbm>>
      tpu.wait_indirect_dma semaphore(%arg11 : memref<!tpu.dma_semaphore, #tpu.memory_space<semaphore_mem>>) src(%dma_wait3A_77 : memref<10000x128xf32, #tpu.memory_space<hbm>>) dst(%dma_wait3A_71 : memref<128x128xf32, #tpu.memory_space<vmem>>)
      %run_scoped3A = arith.constant 0 : i32
      "tpu.region"() ({
        %run_scoped3A_98 = tpu.sem_alloc : memref<!tpu.dma_semaphore, #tpu.memory_space<semaphore_mem>>
        %dma_start3A_99 = arith.constant 0 : i32
        %dma_start3A_100 = arith.constant 0 : i32
        %dma_start3A_101 = tpu.memref_slice %arg9[%run_scoped3A, %dma_start3A_99, %dma_start3A_100] : memref<2x128x128xf32, #tpu.memory_space<vmem>> -> memref<1x128x128xf32, #tpu.memory_space<vmem>>
        %dma_start3A_102 = tpu.memref_squeeze %dma_start3A_101 : memref<1x128x128xf32, #tpu.memory_space<vmem>> -> memref<128x128xf32, #tpu.memory_space<vmem>>
        %dma_start3A_103 = arith.constant 0 : i32
        %dma_start3A_104 = tpu.memref_slice %arg8[%mul3A_54, %dma_start3A_103] : memref<40x128xi32, #tpu.memory_space<vmem>> -> memref<1x128xi32, #tpu.memory_space<vmem>>
        %dma_start3A_105 = tpu.memref_squeeze %dma_start3A_104 : memref<1x128xi32, #tpu.memory_space<vmem>> -> memref<128xi32, #tpu.memory_space<vmem>>
        %dma_start3A_106 = arith.constant 0 : i32
        %dma_start3A_107 = arith.constant 0 : i32
        %dma_start3A_108 = tpu.memref_slice %arg10[%dma_start3A_106, %dma_start3A_107] : memref<10112x128xf32, #tpu.memory_space<vmem_shared>> -> memref<10112x128xf32, #tpu.memory_space<vmem_shared>>
        tpu.enqueue_indirect_dma source(%dma_start3A_102 : memref<128x128xf32, #tpu.memory_space<vmem>>) target(%dma_start3A_108 : memref<10112x128xf32, #tpu.memory_space<vmem_shared>>) offsets(%dma_start3A_105 : memref<128xi32, #tpu.memory_space<vmem>>) semaphore(%run_scoped3A_98 : memref<!tpu.dma_semaphore, #tpu.memory_space<semaphore_mem>>) {add = true}
        %dma_wait3A_109 = arith.constant 0 : i32
        %dma_wait3A_110 = arith.constant 0 : i32
        %dma_wait3A_111 = tpu.memref_slice %arg9[%run_scoped3A, %dma_wait3A_109, %dma_wait3A_110] : memref<2x128x128xf32, #tpu.memory_space<vmem>> -> memref<1x128x128xf32, #tpu.memory_space<vmem>>
        %dma_wait3A_112 = tpu.memref_squeeze %dma_wait3A_111 : memref<1x128x128xf32, #tpu.memory_space<vmem>> -> memref<128x128xf32, #tpu.memory_space<vmem>>
        %dma_wait3A_113 = arith.constant 0 : i32
        %dma_wait3A_114 = tpu.memref_slice %arg8[%mul3A_54, %dma_wait3A_113] : memref<40x128xi32, #tpu.memory_space<vmem>> -> memref<1x128xi32, #tpu.memory_space<vmem>>
        %dma_wait3A_115 = tpu.memref_squeeze %dma_wait3A_114 : memref<1x128xi32, #tpu.memory_space<vmem>> -> memref<128xi32, #tpu.memory_space<vmem>>
        %dma_wait3A_116 = arith.constant 0 : i32
        %dma_wait3A_117 = arith.constant 0 : i32
        %dma_wait3A_118 = tpu.memref_slice %arg10[%dma_wait3A_116, %dma_wait3A_117] : memref<10112x128xf32, #tpu.memory_space<vmem_shared>> -> memref<10112x128xf32, #tpu.memory_space<vmem_shared>>
        tpu.wait_indirect_dma semaphore(%run_scoped3A_98 : memref<!tpu.dma_semaphore, #tpu.memory_space<semaphore_mem>>) src(%dma_wait3A_112 : memref<128x128xf32, #tpu.memory_space<vmem>>) dst(%dma_wait3A_118 : memref<10112x128xf32, #tpu.memory_space<vmem_shared>>)
        tpu.yield
      }) : () -> ()
      %add3A_78 = arith.constant 2 : i32
      %add3A_79 = arith.addi %mul3A_54, %add3A_78 : i32
      %lt3A = arith.constant 40 : i32
      %lt3A_80 = arith.cmpi slt, %add3A_79, %lt3A : i32
      %convert_element_type3A = arith.extui %lt3A_80 : i1 to i32
      %cond3A = arith.constant 0 : i32
      %cond3A_81 = arith.cmpi ne, %convert_element_type3A, %cond3A : i32
      scf.if %cond3A_81 {
        %add3A_98 = arith.constant 2 : i32
        %add3A_99 = arith.addi %mul3A_54, %add3A_98 : i32
        %dma_start3A_100 = arith.constant 0 : i32
        %dma_start3A_101 = arith.constant 0 : i32
        %dma_start3A_102 = arith.constant 0 : i32
        %dma_start3A_103 = tpu.memref_slice %arg9[%dma_start3A_100, %dma_start3A_101, %dma_start3A_102] : memref<2x128x128xf32, #tpu.memory_space<vmem>> -> memref<1x128x128xf32, #tpu.memory_space<vmem>>
        %dma_start3A_104 = tpu.memref_squeeze %dma_start3A_103 : memref<1x128x128xf32, #tpu.memory_space<vmem>> -> memref<128x128xf32, #tpu.memory_space<vmem>>
        %dma_start3A_105 = arith.constant 0 : i32
        %dma_start3A_106 = tpu.memref_slice %arg7[%add3A_99, %dma_start3A_105] : memref<40x128xi32, #tpu.memory_space<vmem>> -> memref<1x128xi32, #tpu.memory_space<vmem>>
        %dma_start3A_107 = tpu.memref_squeeze %dma_start3A_106 : memref<1x128xi32, #tpu.memory_space<vmem>> -> memref<128xi32, #tpu.memory_space<vmem>>
        %dma_start3A_108 = arith.constant 0 : i32
        %dma_start3A_109 = arith.constant 0 : i32
        %dma_start3A_110 = tpu.memref_slice %arg2[%dma_start3A_108, %dma_start3A_109] : memref<10000x128xf32, #tpu.memory_space<hbm>> -> memref<10000x128xf32, #tpu.memory_space<hbm>>
        tpu.enqueue_indirect_dma source(%dma_start3A_110 : memref<10000x128xf32, #tpu.memory_space<hbm>>) target(%dma_start3A_104 : memref<128x128xf32, #tpu.memory_space<vmem>>) offsets(%dma_start3A_107 : memref<128xi32, #tpu.memory_space<vmem>>) semaphore(%arg11 : memref<!tpu.dma_semaphore, #tpu.memory_space<semaphore_mem>>)
      } else {
      }
      %add3A_82 = arith.constant 1 : i32
      %add3A_83 = arith.addi %mul3A_54, %add3A_82 : i32
      %dma_wait3A_84 = arith.constant 1 : i32
      %dma_wait3A_85 = arith.constant 0 : i32
      %dma_wait3A_86 = arith.constant 0 : i32
      %dma_wait3A_87 = tpu.memref_slice %arg9[%dma_wait3A_84, %dma_wait3A_85, %dma_wait3A_86] : memref<2x128x128xf32, #tpu.memory_space<vmem>> -> memref<1x128x128xf32, #tpu.memory_space<vmem>>
      %dma_wait3A_88 = tpu.memref_squeeze %dma_wait3A_87 : memref<1x128x128xf32, #tpu.memory_space<vmem>> -> memref<128x128xf32, #tpu.memory_space<vmem>>
      %dma_wait3A_89 = arith.constant 0 : i32
      %dma_wait3A_90 = tpu.memref_slice %arg7[%add3A_83, %dma_wait3A_89] : memref<40x128xi32, #tpu.memory_space<vmem>> -> memref<1x128xi32, #tpu.memory_space<vmem>>
      %dma_wait3A_91 = tpu.memref_squeeze %dma_wait3A_90 : memref<1x128xi32, #tpu.memory_space<vmem>> -> memref<128xi32, #tpu.memory_space<vmem>>
      %dma_wait3A_92 = arith.constant 0 : i32
      %dma_wait3A_93 = arith.constant 0 : i32
      %dma_wait3A_94 = tpu.memref_slice %arg2[%dma_wait3A_92, %dma_wait3A_93] : memref<10000x128xf32, #tpu.memory_space<hbm>> -> memref<10000x128xf32, #tpu.memory_space<hbm>>
      tpu.wait_indirect_dma semaphore(%arg12 : memref<!tpu.dma_semaphore, #tpu.memory_space<semaphore_mem>>) src(%dma_wait3A_94 : memref<10000x128xf32, #tpu.memory_space<hbm>>) dst(%dma_wait3A_88 : memref<128x128xf32, #tpu.memory_space<vmem>>)
      %add3A_95 = arith.constant 1 : i32
      %add3A_96 = arith.addi %mul3A_54, %add3A_95 : i32
      %run_scoped3A_97 = arith.constant 1 : i32
      "tpu.region"() ({
        %run_scoped3A_98 = tpu.sem_alloc : memref<!tpu.dma_semaphore, #tpu.memory_space<semaphore_mem>>
        %dma_start3A_99 = arith.constant 0 : i32
        %dma_start3A_100 = arith.constant 0 : i32
        %dma_start3A_101 = tpu.memref_slice %arg9[%run_scoped3A_97, %dma_start3A_99, %dma_start3A_100] : memref<2x128x128xf32, #tpu.memory_space<vmem>> -> memref<1x128x128xf32, #tpu.memory_space<vmem>>
        %dma_start3A_102 = tpu.memref_squeeze %dma_start3A_101 : memref<1x128x128xf32, #tpu.memory_space<vmem>> -> memref<128x128xf32, #tpu.memory_space<vmem>>
        %dma_start3A_103 = arith.constant 0 : i32
        %dma_start3A_104 = tpu.memref_slice %arg8[%add3A_96, %dma_start3A_103] : memref<40x128xi32, #tpu.memory_space<vmem>> -> memref<1x128xi32, #tpu.memory_space<vmem>>
        %dma_start3A_105 = tpu.memref_squeeze %dma_start3A_104 : memref<1x128xi32, #tpu.memory_space<vmem>> -> memref<128xi32, #tpu.memory_space<vmem>>
        %dma_start3A_106 = arith.constant 0 : i32
        %dma_start3A_107 = arith.constant 0 : i32
        %dma_start3A_108 = tpu.memref_slice %arg10[%dma_start3A_106, %dma_start3A_107] : memref<10112x128xf32, #tpu.memory_space<vmem_shared>> -> memref<10112x128xf32, #tpu.memory_space<vmem_shared>>
        tpu.enqueue_indirect_dma source(%dma_start3A_102 : memref<128x128xf32, #tpu.memory_space<vmem>>) target(%dma_start3A_108 : memref<10112x128xf32, #tpu.memory_space<vmem_shared>>) offsets(%dma_start3A_105 : memref<128xi32, #tpu.memory_space<vmem>>) semaphore(%run_scoped3A_98 : memref<!tpu.dma_semaphore, #tpu.memory_space<semaphore_mem>>) {add = true}
        %dma_wait3A_109 = arith.constant 0 : i32
        %dma_wait3A_110 = arith.constant 0 : i32
        %dma_wait3A_111 = tpu.memref_slice %arg9[%run_scoped3A_97, %dma_wait3A_109, %dma_wait3A_110] : memref<2x128x128xf32, #tpu.memory_space<vmem>> -> memref<1x128x128xf32, #tpu.memory_space<vmem>>
        %dma_wait3A_112 = tpu.memref_squeeze %dma_wait3A_111 : memref<1x128x128xf32, #tpu.memory_space<vmem>> -> memref<128x128xf32, #tpu.memory_space<vmem>>
        %dma_wait3A_113 = arith.constant 0 : i32
        %dma_wait3A_114 = tpu.memref_slice %arg8[%add3A_96, %dma_wait3A_113] : memref<40x128xi32, #tpu.memory_space<vmem>> -> memref<1x128xi32, #tpu.memory_space<vmem>>
        %dma_wait3A_115 = tpu.memref_squeeze %dma_wait3A_114 : memref<1x128xi32, #tpu.memory_space<vmem>> -> memref<128xi32, #tpu.memory_space<vmem>>
        %dma_wait3A_116 = arith.constant 0 : i32
        %dma_wait3A_117 = arith.constant 0 : i32
        %dma_wait3A_118 = tpu.memref_slice %arg10[%dma_wait3A_116, %dma_wait3A_117] : memref<10112x128xf32, #tpu.memory_space<vmem_shared>> -> memref<10112x128xf32, #tpu.memory_space<vmem_shared>>
        tpu.wait_indirect_dma semaphore(%run_scoped3A_98 : memref<!tpu.dma_semaphore, #tpu.memory_space<semaphore_mem>>) src(%dma_wait3A_112 : memref<128x128xf32, #tpu.memory_space<vmem>>) dst(%dma_wait3A_118 : memref<10112x128xf32, #tpu.memory_space<vmem_shared>>)
        tpu.yield
      }) : () -> ()
    }
    %scan3A_46 = arith.constant 20 : i32
    %barrier3A_47 = arith.constant 0 : index
    tpu.barrier barrier_id(%barrier3A_47)
    %mul3A_48 = arith.constant 632 : i32
    %mul3A_49 = arith.muli %arg1, %mul3A_48 : i32
    %mul3A_50 = arith.constant 632 : i32
    %mul3A_51 = arith.muli %arg1, %mul3A_50 : i32
    "tpu.region"() ({
      %run_scoped3A = tpu.sem_alloc : memref<!tpu.dma_semaphore, #tpu.memory_space<semaphore_mem>>
      %dma_start3A_52 = arith.constant 0 : i32
      %dma_start3A_53 = tpu.memref_slice %arg6[%arg0, %mul3A_51, %dma_start3A_52] : memref<2x10112x128xf32, #tpu.memory_space<hbm>> -> memref<1x632x128xf32, #tpu.memory_space<hbm>>
      %dma_start3A_54 = tpu.memref_squeeze %dma_start3A_53 : memref<1x632x128xf32, #tpu.memory_space<hbm>> -> memref<632x128xf32, #tpu.memory_space<hbm>>
      %dma_start3A_55 = arith.constant 0 : i32
      %dma_start3A_56 = tpu.memref_slice %arg10[%mul3A_49, %dma_start3A_55] : memref<10112x128xf32, #tpu.memory_space<vmem_shared>> -> memref<632x128xf32, #tpu.memory_space<vmem_shared>>
      tpu.enqueue_dma source(%dma_start3A_56 : memref<632x128xf32, #tpu.memory_space<vmem_shared>>) target(%dma_start3A_54 : memref<632x128xf32, #tpu.memory_space<hbm>>) target_semaphore(%run_scoped3A : memref<!tpu.dma_semaphore, #tpu.memory_space<semaphore_mem>>)
      %dma_wait3A = arith.constant 0 : i32
      %dma_wait3A_57 = tpu.memref_slice %arg6[%arg0, %mul3A_51, %dma_wait3A] : memref<2x10112x128xf32, #tpu.memory_space<hbm>> -> memref<1x632x128xf32, #tpu.memory_space<hbm>>
      %dma_wait3A_58 = tpu.memref_squeeze %dma_wait3A_57 : memref<1x632x128xf32, #tpu.memory_space<hbm>> -> memref<632x128xf32, #tpu.memory_space<hbm>>
      %dma_wait3A_59 = arith.constant 0 : i32
      %dma_wait3A_60 = tpu.memref_slice %arg10[%mul3A_49, %dma_wait3A_59] : memref<10112x128xf32, #tpu.memory_space<vmem_shared>> -> memref<632x128xf32, #tpu.memory_space<vmem_shared>>
      tpu.wait_dma2 semaphore(%run_scoped3A : memref<!tpu.dma_semaphore, #tpu.memory_space<semaphore_mem>>) src(%dma_wait3A_60 : memref<632x128xf32, #tpu.memory_space<vmem_shared>>) dst(%dma_wait3A_58 : memref<632x128xf32, #tpu.memory_space<hbm>>)
      tpu.yield
    }) : () -> ()
    return
  }
}

#map = affine_map<(d0, d1) -> (0, 0)>
#map1 = affine_map<(d0, d1) -> (0, 0, 0)>
module attributes {stable_mosaic.version = 14 : i64} {
  func.func @scat(%arg0: i32, %arg1: i32, %arg2: memref<10000x128xf32, #tpu.memory_space<hbm>>, %arg3: memref<2560x128xi32, #tpu.memory_space<hbm>>, %arg4: memref<2560x128xi32, #tpu.memory_space<hbm>>, %arg5: memref<10112x128xf32, #tpu.memory_space<hbm>>, %arg6: memref<2x10112x128xf32, #tpu.memory_space<hbm>>, %arg7: memref<40x128xi32, #tpu.memory_space<vmem>>, %arg8: memref<40x128xi32, #tpu.memory_space<vmem>>, %arg9: memref<2x128x128xf32, #tpu.memory_space<vmem>>, %arg10: memref<10112x128xf32, #tpu.memory_space<vmem_shared>>, %arg11: memref<!tpu.dma_semaphore, #tpu.memory_space<semaphore_mem>>, %arg12: memref<!tpu.dma_semaphore, #tpu.memory_space<semaphore_mem>>) attributes {dimension_semantics = [#tpu.dimension_semantics<core_parallel>, #tpu.dimension_semantics<subcore_parallel>], iteration_bounds = array<i64: 2, 16>, scalar_prefetch = 0 : i64, scratch_operands = 6 : i64, tpu.core_type = #tpu.core_type<sc_vector_subcore>, window_params = [{transform_indices = #map}, {transform_indices = #map}, {transform_indices = #map}, {transform_indices = #map}, {transform_indices = #map1}]} {
    %mul3A = arith.constant 16 : i32
    %mul3A_0 = arith.muli %arg0, %mul3A : i32
    %add3A = arith.addi %mul3A_0, %arg1 : i32
    %mul3A_1 = arith.constant 632 : i32
    %mul3A_2 = arith.muli %arg1, %mul3A_1 : i32
    %mul3A_3 = arith.constant 632 : i32
    %mul3A_4 = arith.muli %arg1, %mul3A_3 : i32
    "tpu.region"() ({
      %run_scoped3A = tpu.sem_alloc : memref<!tpu.dma_semaphore, #tpu.memory_space<semaphore_mem>>
      %dma_start3A_52 = arith.constant 0 : i32
      %dma_start3A_53 = tpu.memref_slice %arg10[%mul3A_4, %dma_start3A_52] : memref<10112x128xf32, #tpu.memory_space<vmem_shared>> -> memref<632x128xf32, #tpu.memory_space<vmem_shared>>
      %dma_start3A_54 = arith.constant 0 : i32
      %dma_start3A_55 = tpu.memref_slice %arg5[%mul3A_2, %dma_start3A_54] : memref<10112x128xf32, #tpu.memory_space<hbm>> -> memref<632x128xf32, #tpu.memory_space<hbm>>
      tpu.enqueue_dma source(%dma_start3A_55 : memref<632x128xf32, #tpu.memory_space<hbm>>) target(%dma_start3A_53 : memref<632x128xf32, #tpu.memory_space<vmem_shared>>) target_semaphore(%run_scoped3A : memref<!tpu.dma_semaphore, #tpu.memory_space<semaphore_mem>>)
      %dma_wait3A = arith.constant 0 : i32
      %dma_wait3A_56 = tpu.memref_slice %arg10[%mul3A_4, %dma_wait3A] : memref<10112x128xf32, #tpu.memory_space<vmem_shared>> -> memref<632x128xf32, #tpu.memory_space<vmem_shared>>
      %dma_wait3A_57 = arith.constant 0 : i32
      %dma_wait3A_58 = tpu.memref_slice %arg5[%mul3A_2, %dma_wait3A_57] : memref<10112x128xf32, #tpu.memory_space<hbm>> -> memref<632x128xf32, #tpu.memory_space<hbm>>
      tpu.wait_dma2 semaphore(%run_scoped3A : memref<!tpu.dma_semaphore, #tpu.memory_space<semaphore_mem>>) src(%dma_wait3A_58 : memref<632x128xf32, #tpu.memory_space<hbm>>) dst(%dma_wait3A_56 : memref<632x128xf32, #tpu.memory_space<vmem_shared>>)
      tpu.yield
    }) : () -> ()
    %barrier3A = arith.constant 0 : index
    tpu.barrier barrier_id(%barrier3A)
    %mul3A_5 = arith.constant 80 : i32
    %mul3A_6 = arith.muli %add3A, %mul3A_5 : i32
    %add3A_7 = arith.constant 0 : i32
    %add3A_8 = arith.addi %mul3A_6, %add3A_7 : i32
    "tpu.region"() ({
      %run_scoped3A = tpu.sem_alloc : memref<!tpu.dma_semaphore, #tpu.memory_space<semaphore_mem>>
      %dma_start3A_52 = arith.constant 0 : i32
      %dma_start3A_53 = tpu.memref_slice %arg3[%add3A_8, %dma_start3A_52] : memref<2560x128xi32, #tpu.memory_space<hbm>> -> memref<40x128xi32, #tpu.memory_space<hbm>>
      %dma_start3A_54 = arith.constant 0 : i32
      %dma_start3A_55 = tpu.memref_slice %arg3[%add3A_8, %dma_start3A_54] : memref<2560x128xi32, #tpu.memory_space<hbm>> -> memref<40x128xi32, #tpu.memory_space<hbm>>
      tpu.enqueue_dma source(%dma_start3A_55 : memref<40x128xi32, #tpu.memory_space<hbm>>) target(%arg7 : memref<40x128xi32, #tpu.memory_space<vmem>>) target_semaphore(%run_scoped3A : memref<!tpu.dma_semaphore, #tpu.memory_space<semaphore_mem>>)
      %dma_wait3A = arith.constant 0 : i32
      %dma_wait3A_56 = tpu.memref_slice %arg3[%add3A_8, %dma_wait3A] : memref<2560x128xi32, #tpu.memory_space<hbm>> -> memref<40x128xi32, #tpu.memory_space<hbm>>
      %dma_wait3A_57 = arith.constant 0 : i32
      %dma_wait3A_58 = tpu.memref_slice %arg3[%add3A_8, %dma_wait3A_57] : memref<2560x128xi32, #tpu.memory_space<hbm>> -> memref<40x128xi32, #tpu.memory_space<hbm>>
      tpu.wait_dma2 semaphore(%run_scoped3A : memref<!tpu.dma_semaphore, #tpu.memory_space<semaphore_mem>>) src(%dma_wait3A_58 : memref<40x128xi32, #tpu.memory_space<hbm>>) dst(%arg7 : memref<40x128xi32, #tpu.memory_space<vmem>>)
      tpu.yield
    }) : () -> ()
    "tpu.region"() ({
      %run_scoped3A = tpu.sem_alloc : memref<!tpu.dma_semaphore, #tpu.memory_space<semaphore_mem>>
      %dma_start3A_52 = arith.constant 0 : i32
      %dma_start3A_53 = tpu.memref_slice %arg4[%add3A_8, %dma_start3A_52] : memref<2560x128xi32, #tpu.memory_space<hbm>> -> memref<40x128xi32, #tpu.memory_space<hbm>>
      %dma_start3A_54 = arith.constant 0 : i32
      %dma_start3A_55 = tpu.memref_slice %arg4[%add3A_8, %dma_start3A_54] : memref<2560x128xi32, #tpu.memory_space<hbm>> -> memref<40x128xi32, #tpu.memory_space<hbm>>
      tpu.enqueue_dma source(%dma_start3A_55 : memref<40x128xi32, #tpu.memory_space<hbm>>) target(%arg8 : memref<40x128xi32, #tpu.memory_space<vmem>>) target_semaphore(%run_scoped3A : memref<!tpu.dma_semaphore, #tpu.memory_space<semaphore_mem>>)
      %dma_wait3A = arith.constant 0 : i32
      %dma_wait3A_56 = tpu.memref_slice %arg4[%add3A_8, %dma_wait3A] : memref<2560x128xi32, #tpu.memory_space<hbm>> -> memref<40x128xi32, #tpu.memory_space<hbm>>
      %dma_wait3A_57 = arith.constant 0 : i32
      %dma_wait3A_58 = tpu.memref_slice %arg4[%add3A_8, %dma_wait3A_57] : memref<2560x128xi32, #tpu.memory_space<hbm>> -> memref<40x128xi32, #tpu.memory_space<hbm>>
      tpu.wait_dma2 semaphore(%run_scoped3A : memref<!tpu.dma_semaphore, #tpu.memory_space<semaphore_mem>>) src(%dma_wait3A_58 : memref<40x128xi32, #tpu.memory_space<hbm>>) dst(%arg8 : memref<40x128xi32, #tpu.memory_space<vmem>>)
      tpu.yield
    }) : () -> ()
    %dma_start3A = arith.constant 0 : i32
    %dma_start3A_9 = arith.constant 0 : i32
    %dma_start3A_10 = arith.constant 0 : i32
    %dma_start3A_11 = arith.constant 0 : i32
    %dma_start3A_12 = tpu.memref_slice %arg9[%dma_start3A_9, %dma_start3A_10, %dma_start3A_11] : memref<2x128x128xf32, #tpu.memory_space<vmem>> -> memref<1x128x128xf32, #tpu.memory_space<vmem>>
    %dma_start3A_13 = tpu.memref_squeeze %dma_start3A_12 : memref<1x128x128xf32, #tpu.memory_space<vmem>> -> memref<128x128xf32, #tpu.memory_space<vmem>>
    %dma_start3A_14 = arith.constant 0 : i32
    %dma_start3A_15 = tpu.memref_slice %arg7[%dma_start3A, %dma_start3A_14] : memref<40x128xi32, #tpu.memory_space<vmem>> -> memref<1x128xi32, #tpu.memory_space<vmem>>
    %dma_start3A_16 = tpu.memref_squeeze %dma_start3A_15 : memref<1x128xi32, #tpu.memory_space<vmem>> -> memref<128xi32, #tpu.memory_space<vmem>>
    %dma_start3A_17 = arith.constant 0 : i32
    %dma_start3A_18 = arith.constant 0 : i32
    %dma_start3A_19 = tpu.memref_slice %arg2[%dma_start3A_17, %dma_start3A_18] : memref<10000x128xf32, #tpu.memory_space<hbm>> -> memref<10000x128xf32, #tpu.memory_space<hbm>>
    tpu.enqueue_indirect_dma source(%dma_start3A_19 : memref<10000x128xf32, #tpu.memory_space<hbm>>) target(%dma_start3A_13 : memref<128x128xf32, #tpu.memory_space<vmem>>) offsets(%dma_start3A_16 : memref<128xi32, #tpu.memory_space<vmem>>) semaphore(%arg11 : memref<!tpu.dma_semaphore, #tpu.memory_space<semaphore_mem>>)
    %scan3A = arith.constant 0 : i32
    %scan3A_20 = arith.constant 0 : i32
    %scan3A_21 = arith.constant 20 : i32
    %scan3A_22 = arith.addi %scan3A_20, %scan3A_21 : i32
    %scan3A_23 = arith.constant 1 : i32
    scf.for %scan3A_52 = %scan3A_20 to %scan3A_22 step %scan3A_23  : i32 {
      %mul3A_53 = arith.constant 2 : i32
      %mul3A_54 = arith.muli %mul3A_53, %scan3A_52 : i32
      %add3A_55 = arith.constant 1 : i32
      %add3A_56 = arith.addi %mul3A_54, %add3A_55 : i32
      %dma_start3A_57 = arith.constant 1 : i32
      %dma_start3A_58 = arith.constant 0 : i32
      %dma_start3A_59 = arith.constant 0 : i32
      %dma_start3A_60 = tpu.memref_slice %arg9[%dma_start3A_57, %dma_start3A_58, %dma_start3A_59] : memref<2x128x128xf32, #tpu.memory_space<vmem>> -> memref<1x128x128xf32, #tpu.memory_space<vmem>>
      %dma_start3A_61 = tpu.memref_squeeze %dma_start3A_60 : memref<1x128x128xf32, #tpu.memory_space<vmem>> -> memref<128x128xf32, #tpu.memory_space<vmem>>
      %dma_start3A_62 = arith.constant 0 : i32
      %dma_start3A_63 = tpu.memref_slice %arg7[%add3A_56, %dma_start3A_62] : memref<40x128xi32, #tpu.memory_space<vmem>> -> memref<1x128xi32, #tpu.memory_space<vmem>>
      %dma_start3A_64 = tpu.memref_squeeze %dma_start3A_63 : memref<1x128xi32, #tpu.memory_space<vmem>> -> memref<128xi32, #tpu.memory_space<vmem>>
      %dma_start3A_65 = arith.constant 0 : i32
      %dma_start3A_66 = arith.constant 0 : i32
      %dma_start3A_67 = tpu.memref_slice %arg2[%dma_start3A_65, %dma_start3A_66] : memref<10000x128xf32, #tpu.memory_space<hbm>> -> memref<10000x128xf32, #tpu.memory_space<hbm>>
      tpu.enqueue_indirect_dma source(%dma_start3A_67 : memref<10000x128xf32, #tpu.memory_space<hbm>>) target(%dma_start3A_61 : memref<128x128xf32, #tpu.memory_space<vmem>>) offsets(%dma_start3A_64 : memref<128xi32, #tpu.memory_space<vmem>>) semaphore(%arg12 : memref<!tpu.dma_semaphore, #tpu.memory_space<semaphore_mem>>)
      %dma_wait3A = arith.constant 0 : i32
      %dma_wait3A_68 = arith.constant 0 : i32
      %dma_wait3A_69 = arith.constant 0 : i32
      %dma_wait3A_70 = tpu.memref_slice %arg9[%dma_wait3A, %dma_wait3A_68, %dma_wait3A_69] : memref<2x128x128xf32, #tpu.memory_space<vmem>> -> memref<1x128x128xf32, #tpu.memory_space<vmem>>
      %dma_wait3A_71 = tpu.memref_squeeze %dma_wait3A_70 : memref<1x128x128xf32, #tpu.memory_space<vmem>> -> memref<128x128xf32, #tpu.memory_space<vmem>>
      %dma_wait3A_72 = arith.constant 0 : i32
      %dma_wait3A_73 = tpu.memref_slice %arg7[%mul3A_54, %dma_wait3A_72] : memref<40x128xi32, #tpu.memory_space<vmem>> -> memref<1x128xi32, #tpu.memory_space<vmem>>
      %dma_wait3A_74 = tpu.memref_squeeze %dma_wait3A_73 : memref<1x128xi32, #tpu.memory_space<vmem>> -> memref<128xi32, #tpu.memory_space<vmem>>
      %dma_wait3A_75 = arith.constant 0 : i32
      %dma_wait3A_76 = arith.constant 0 : i32
      %dma_wait3A_77 = tpu.memref_slice %arg2[%dma_wait3A_75, %dma_wait3A_76] : memref<10000x128xf32, #tpu.memory_space<hbm>> -> memref<10000x128xf32, #tpu.memory_space<hbm>>
      tpu.wait_indirect_dma semaphore(%arg11 : memref<!tpu.dma_semaphore, #tpu.memory_space<semaphore_mem>>) src(%dma_wait3A_77 : memref<10000x128xf32, #tpu.memory_space<hbm>>) dst(%dma_wait3A_71 : memref<128x128xf32, #tpu.memory_space<vmem>>)
      %run_scoped3A = arith.constant 0 : i32
      "tpu.region"() ({
        %run_scoped3A_98 = tpu.sem_alloc : memref<!tpu.dma_semaphore, #tpu.memory_space<semaphore_mem>>
        %dma_start3A_99 = arith.constant 0 : i32
        %dma_start3A_100 = arith.constant 0 : i32
        %dma_start3A_101 = tpu.memref_slice %arg9[%run_scoped3A, %dma_start3A_99, %dma_start3A_100] : memref<2x128x128xf32, #tpu.memory_space<vmem>> -> memref<1x128x128xf32, #tpu.memory_space<vmem>>
        %dma_start3A_102 = tpu.memref_squeeze %dma_start3A_101 : memref<1x128x128xf32, #tpu.memory_space<vmem>> -> memref<128x128xf32, #tpu.memory_space<vmem>>
        %dma_start3A_103 = arith.constant 0 : i32
        %dma_start3A_104 = tpu.memref_slice %arg8[%mul3A_54, %dma_start3A_103] : memref<40x128xi32, #tpu.memory_space<vmem>> -> memref<1x128xi32, #tpu.memory_space<vmem>>
        %dma_start3A_105 = tpu.memref_squeeze %dma_start3A_104 : memref<1x128xi32, #tpu.memory_space<vmem>> -> memref<128xi32, #tpu.memory_space<vmem>>
        %dma_start3A_106 = arith.constant 0 : i32
        %dma_start3A_107 = arith.constant 0 : i32
        %dma_start3A_108 = tpu.memref_slice %arg10[%dma_start3A_106, %dma_start3A_107] : memref<10112x128xf32, #tpu.memory_space<vmem_shared>> -> memref<10112x128xf32, #tpu.memory_space<vmem_shared>>
        tpu.enqueue_indirect_dma source(%dma_start3A_102 : memref<128x128xf32, #tpu.memory_space<vmem>>) target(%dma_start3A_108 : memref<10112x128xf32, #tpu.memory_space<vmem_shared>>) offsets(%dma_start3A_105 : memref<128xi32, #tpu.memory_space<vmem>>) semaphore(%run_scoped3A_98 : memref<!tpu.dma_semaphore, #tpu.memory_space<semaphore_mem>>) {add = true}
        %dma_wait3A_109 = arith.constant 0 : i32
        %dma_wait3A_110 = arith.constant 0 : i32
        %dma_wait3A_111 = tpu.memref_slice %arg9[%run_scoped3A, %dma_wait3A_109, %dma_wait3A_110] : memref<2x128x128xf32, #tpu.memory_space<vmem>> -> memref<1x128x128xf32, #tpu.memory_space<vmem>>
        %dma_wait3A_112 = tpu.memref_squeeze %dma_wait3A_111 : memref<1x128x128xf32, #tpu.memory_space<vmem>> -> memref<128x128xf32, #tpu.memory_space<vmem>>
        %dma_wait3A_113 = arith.constant 0 : i32
        %dma_wait3A_114 = tpu.memref_slice %arg8[%mul3A_54, %dma_wait3A_113] : memref<40x128xi32, #tpu.memory_space<vmem>> -> memref<1x128xi32, #tpu.memory_space<vmem>>
        %dma_wait3A_115 = tpu.memref_squeeze %dma_wait3A_114 : memref<1x128xi32, #tpu.memory_space<vmem>> -> memref<128xi32, #tpu.memory_space<vmem>>
        %dma_wait3A_116 = arith.constant 0 : i32
        %dma_wait3A_117 = arith.constant 0 : i32
        %dma_wait3A_118 = tpu.memref_slice %arg10[%dma_wait3A_116, %dma_wait3A_117] : memref<10112x128xf32, #tpu.memory_space<vmem_shared>> -> memref<10112x128xf32, #tpu.memory_space<vmem_shared>>
        tpu.wait_indirect_dma semaphore(%run_scoped3A_98 : memref<!tpu.dma_semaphore, #tpu.memory_space<semaphore_mem>>) src(%dma_wait3A_112 : memref<128x128xf32, #tpu.memory_space<vmem>>) dst(%dma_wait3A_118 : memref<10112x128xf32, #tpu.memory_space<vmem_shared>>)
        tpu.yield
      }) : () -> ()
      %add3A_78 = arith.constant 2 : i32
      %add3A_79 = arith.addi %mul3A_54, %add3A_78 : i32
      %lt3A = arith.constant 40 : i32
      %lt3A_80 = arith.cmpi slt, %add3A_79, %lt3A : i32
      %convert_element_type3A = arith.extui %lt3A_80 : i1 to i32
      %cond3A = arith.constant 0 : i32
      %cond3A_81 = arith.cmpi ne, %convert_element_type3A, %cond3A : i32
      scf.if %cond3A_81 {
        %add3A_98 = arith.constant 2 : i32
        %add3A_99 = arith.addi %mul3A_54, %add3A_98 : i32
        %dma_start3A_100 = arith.constant 0 : i32
        %dma_start3A_101 = arith.constant 0 : i32
        %dma_start3A_102 = arith.constant 0 : i32
        %dma_start3A_103 = tpu.memref_slice %arg9[%dma_start3A_100, %dma_start3A_101, %dma_start3A_102] : memref<2x128x128xf32, #tpu.memory_space<vmem>> -> memref<1x128x128xf32, #tpu.memory_space<vmem>>
        %dma_start3A_104 = tpu.memref_squeeze %dma_start3A_103 : memref<1x128x128xf32, #tpu.memory_space<vmem>> -> memref<128x128xf32, #tpu.memory_space<vmem>>
        %dma_start3A_105 = arith.constant 0 : i32
        %dma_start3A_106 = tpu.memref_slice %arg7[%add3A_99, %dma_start3A_105] : memref<40x128xi32, #tpu.memory_space<vmem>> -> memref<1x128xi32, #tpu.memory_space<vmem>>
        %dma_start3A_107 = tpu.memref_squeeze %dma_start3A_106 : memref<1x128xi32, #tpu.memory_space<vmem>> -> memref<128xi32, #tpu.memory_space<vmem>>
        %dma_start3A_108 = arith.constant 0 : i32
        %dma_start3A_109 = arith.constant 0 : i32
        %dma_start3A_110 = tpu.memref_slice %arg2[%dma_start3A_108, %dma_start3A_109] : memref<10000x128xf32, #tpu.memory_space<hbm>> -> memref<10000x128xf32, #tpu.memory_space<hbm>>
        tpu.enqueue_indirect_dma source(%dma_start3A_110 : memref<10000x128xf32, #tpu.memory_space<hbm>>) target(%dma_start3A_104 : memref<128x128xf32, #tpu.memory_space<vmem>>) offsets(%dma_start3A_107 : memref<128xi32, #tpu.memory_space<vmem>>) semaphore(%arg11 : memref<!tpu.dma_semaphore, #tpu.memory_space<semaphore_mem>>)
      } else {
      }
      %add3A_82 = arith.constant 1 : i32
      %add3A_83 = arith.addi %mul3A_54, %add3A_82 : i32
      %dma_wait3A_84 = arith.constant 1 : i32
      %dma_wait3A_85 = arith.constant 0 : i32
      %dma_wait3A_86 = arith.constant 0 : i32
      %dma_wait3A_87 = tpu.memref_slice %arg9[%dma_wait3A_84, %dma_wait3A_85, %dma_wait3A_86] : memref<2x128x128xf32, #tpu.memory_space<vmem>> -> memref<1x128x128xf32, #tpu.memory_space<vmem>>
      %dma_wait3A_88 = tpu.memref_squeeze %dma_wait3A_87 : memref<1x128x128xf32, #tpu.memory_space<vmem>> -> memref<128x128xf32, #tpu.memory_space<vmem>>
      %dma_wait3A_89 = arith.constant 0 : i32
      %dma_wait3A_90 = tpu.memref_slice %arg7[%add3A_83, %dma_wait3A_89] : memref<40x128xi32, #tpu.memory_space<vmem>> -> memref<1x128xi32, #tpu.memory_space<vmem>>
      %dma_wait3A_91 = tpu.memref_squeeze %dma_wait3A_90 : memref<1x128xi32, #tpu.memory_space<vmem>> -> memref<128xi32, #tpu.memory_space<vmem>>
      %dma_wait3A_92 = arith.constant 0 : i32
      %dma_wait3A_93 = arith.constant 0 : i32
      %dma_wait3A_94 = tpu.memref_slice %arg2[%dma_wait3A_92, %dma_wait3A_93] : memref<10000x128xf32, #tpu.memory_space<hbm>> -> memref<10000x128xf32, #tpu.memory_space<hbm>>
      tpu.wait_indirect_dma semaphore(%arg12 : memref<!tpu.dma_semaphore, #tpu.memory_space<semaphore_mem>>) src(%dma_wait3A_94 : memref<10000x128xf32, #tpu.memory_space<hbm>>) dst(%dma_wait3A_88 : memref<128x128xf32, #tpu.memory_space<vmem>>)
      %add3A_95 = arith.constant 1 : i32
      %add3A_96 = arith.addi %mul3A_54, %add3A_95 : i32
      %run_scoped3A_97 = arith.constant 1 : i32
      "tpu.region"() ({
        %run_scoped3A_98 = tpu.sem_alloc : memref<!tpu.dma_semaphore, #tpu.memory_space<semaphore_mem>>
        %dma_start3A_99 = arith.constant 0 : i32
        %dma_start3A_100 = arith.constant 0 : i32
        %dma_start3A_101 = tpu.memref_slice %arg9[%run_scoped3A_97, %dma_start3A_99, %dma_start3A_100] : memref<2x128x128xf32, #tpu.memory_space<vmem>> -> memref<1x128x128xf32, #tpu.memory_space<vmem>>
        %dma_start3A_102 = tpu.memref_squeeze %dma_start3A_101 : memref<1x128x128xf32, #tpu.memory_space<vmem>> -> memref<128x128xf32, #tpu.memory_space<vmem>>
        %dma_start3A_103 = arith.constant 0 : i32
        %dma_start3A_104 = tpu.memref_slice %arg8[%add3A_96, %dma_start3A_103] : memref<40x128xi32, #tpu.memory_space<vmem>> -> memref<1x128xi32, #tpu.memory_space<vmem>>
        %dma_start3A_105 = tpu.memref_squeeze %dma_start3A_104 : memref<1x128xi32, #tpu.memory_space<vmem>> -> memref<128xi32, #tpu.memory_space<vmem>>
        %dma_start3A_106 = arith.constant 0 : i32
        %dma_start3A_107 = arith.constant 0 : i32
        %dma_start3A_108 = tpu.memref_slice %arg10[%dma_start3A_106, %dma_start3A_107] : memref<10112x128xf32, #tpu.memory_space<vmem_shared>> -> memref<10112x128xf32, #tpu.memory_space<vmem_shared>>
        tpu.enqueue_indirect_dma source(%dma_start3A_102 : memref<128x128xf32, #tpu.memory_space<vmem>>) target(%dma_start3A_108 : memref<10112x128xf32, #tpu.memory_space<vmem_shared>>) offsets(%dma_start3A_105 : memref<128xi32, #tpu.memory_space<vmem>>) semaphore(%run_scoped3A_98 : memref<!tpu.dma_semaphore, #tpu.memory_space<semaphore_mem>>) {add = true}
        %dma_wait3A_109 = arith.constant 0 : i32
        %dma_wait3A_110 = arith.constant 0 : i32
        %dma_wait3A_111 = tpu.memref_slice %arg9[%run_scoped3A_97, %dma_wait3A_109, %dma_wait3A_110] : memref<2x128x128xf32, #tpu.memory_space<vmem>> -> memref<1x128x128xf32, #tpu.memory_space<vmem>>
        %dma_wait3A_112 = tpu.memref_squeeze %dma_wait3A_111 : memref<1x128x128xf32, #tpu.memory_space<vmem>> -> memref<128x128xf32, #tpu.memory_space<vmem>>
        %dma_wait3A_113 = arith.constant 0 : i32
        %dma_wait3A_114 = tpu.memref_slice %arg8[%add3A_96, %dma_wait3A_113] : memref<40x128xi32, #tpu.memory_space<vmem>> -> memref<1x128xi32, #tpu.memory_space<vmem>>
        %dma_wait3A_115 = tpu.memref_squeeze %dma_wait3A_114 : memref<1x128xi32, #tpu.memory_space<vmem>> -> memref<128xi32, #tpu.memory_space<vmem>>
        %dma_wait3A_116 = arith.constant 0 : i32
        %dma_wait3A_117 = arith.constant 0 : i32
        %dma_wait3A_118 = tpu.memref_slice %arg10[%dma_wait3A_116, %dma_wait3A_117] : memref<10112x128xf32, #tpu.memory_space<vmem_shared>> -> memref<10112x128xf32, #tpu.memory_space<vmem_shared>>
        tpu.wait_indirect_dma semaphore(%run_scoped3A_98 : memref<!tpu.dma_semaphore, #tpu.memory_space<semaphore_mem>>) src(%dma_wait3A_112 : memref<128x128xf32, #tpu.memory_space<vmem>>) dst(%dma_wait3A_118 : memref<10112x128xf32, #tpu.memory_space<vmem_shared>>)
        tpu.yield
      }) : () -> ()
    }
    %scan3A_24 = arith.constant 20 : i32
    %mul3A_25 = arith.constant 80 : i32
    %mul3A_26 = arith.muli %add3A, %mul3A_25 : i32
    %add3A_27 = arith.constant 40 : i32
    %add3A_28 = arith.addi %mul3A_26, %add3A_27 : i32
    "tpu.region"() ({
      %run_scoped3A = tpu.sem_alloc : memref<!tpu.dma_semaphore, #tpu.memory_space<semaphore_mem>>
      %dma_start3A_52 = arith.constant 0 : i32
      %dma_start3A_53 = tpu.memref_slice %arg3[%add3A_28, %dma_start3A_52] : memref<2560x128xi32, #tpu.memory_space<hbm>> -> memref<40x128xi32, #tpu.memory_space<hbm>>
      %dma_start3A_54 = arith.constant 0 : i32
      %dma_start3A_55 = tpu.memref_slice %arg3[%add3A_28, %dma_start3A_54] : memref<2560x128xi32, #tpu.memory_space<hbm>> -> memref<40x128xi32, #tpu.memory_space<hbm>>
      tpu.enqueue_dma source(%dma_start3A_55 : memref<40x128xi32, #tpu.memory_space<hbm>>) target(%arg7 : memref<40x128xi32, #tpu.memory_space<vmem>>) target_semaphore(%run_scoped3A : memref<!tpu.dma_semaphore, #tpu.memory_space<semaphore_mem>>)
      %dma_wait3A = arith.constant 0 : i32
      %dma_wait3A_56 = tpu.memref_slice %arg3[%add3A_28, %dma_wait3A] : memref<2560x128xi32, #tpu.memory_space<hbm>> -> memref<40x128xi32, #tpu.memory_space<hbm>>
      %dma_wait3A_57 = arith.constant 0 : i32
      %dma_wait3A_58 = tpu.memref_slice %arg3[%add3A_28, %dma_wait3A_57] : memref<2560x128xi32, #tpu.memory_space<hbm>> -> memref<40x128xi32, #tpu.memory_space<hbm>>
      tpu.wait_dma2 semaphore(%run_scoped3A : memref<!tpu.dma_semaphore, #tpu.memory_space<semaphore_mem>>) src(%dma_wait3A_58 : memref<40x128xi32, #tpu.memory_space<hbm>>) dst(%arg7 : memref<40x128xi32, #tpu.memory_space<vmem>>)
      tpu.yield
    }) : () -> ()
    "tpu.region"() ({
      %run_scoped3A = tpu.sem_alloc : memref<!tpu.dma_semaphore, #tpu.memory_space<semaphore_mem>>
      %dma_start3A_52 = arith.constant 0 : i32
      %dma_start3A_53 = tpu.memref_slice %arg4[%add3A_28, %dma_start3A_52] : memref<2560x128xi32, #tpu.memory_space<hbm>> -> memref<40x128xi32, #tpu.memory_space<hbm>>
      %dma_start3A_54 = arith.constant 0 : i32
      %dma_start3A_55 = tpu.memref_slice %arg4[%add3A_28, %dma_start3A_54] : memref<2560x128xi32, #tpu.memory_space<hbm>> -> memref<40x128xi32, #tpu.memory_space<hbm>>
      tpu.enqueue_dma source(%dma_start3A_55 : memref<40x128xi32, #tpu.memory_space<hbm>>) target(%arg8 : memref<40x128xi32, #tpu.memory_space<vmem>>) target_semaphore(%run_scoped3A : memref<!tpu.dma_semaphore, #tpu.memory_space<semaphore_mem>>)
      %dma_wait3A = arith.constant 0 : i32
      %dma_wait3A_56 = tpu.memref_slice %arg4[%add3A_28, %dma_wait3A] : memref<2560x128xi32, #tpu.memory_space<hbm>> -> memref<40x128xi32, #tpu.memory_space<hbm>>
      %dma_wait3A_57 = arith.constant 0 : i32
      %dma_wait3A_58 = tpu.memref_slice %arg4[%add3A_28, %dma_wait3A_57] : memref<2560x128xi32, #tpu.memory_space<hbm>> -> memref<40x128xi32, #tpu.memory_space<hbm>>
      tpu.wait_dma2 semaphore(%run_scoped3A : memref<!tpu.dma_semaphore, #tpu.memory_space<semaphore_mem>>) src(%dma_wait3A_58 : memref<40x128xi32, #tpu.memory_space<hbm>>) dst(%arg8 : memref<40x128xi32, #tpu.memory_space<vmem>>)
      tpu.yield
    }) : () -> ()
    %dma_start3A_29 = arith.constant 0 : i32
    %dma_start3A_30 = arith.constant 0 : i32
    %dma_start3A_31 = arith.constant 0 : i32
    %dma_start3A_32 = arith.constant 0 : i32
    %dma_start3A_33 = tpu.memref_slice %arg9[%dma_start3A_30, %dma_start3A_31, %dma_start3A_32] : memref<2x128x128xf32, #tpu.memory_space<vmem>> -> memref<1x128x128xf32, #tpu.memory_space<vmem>>
    %dma_start3A_34 = tpu.memref_squeeze %dma_start3A_33 : memref<1x128x128xf32, #tpu.memory_space<vmem>> -> memref<128x128xf32, #tpu.memory_space<vmem>>
    %dma_start3A_35 = arith.constant 0 : i32
    %dma_start3A_36 = tpu.memref_slice %arg7[%dma_start3A_29, %dma_start3A_35] : memref<40x128xi32, #tpu.memory_space<vmem>> -> memref<1x128xi32, #tpu.memory_space<vmem>>
    %dma_start3A_37 = tpu.memref_squeeze %dma_start3A_36 : memref<1x128xi32, #tpu.memory_space<vmem>> -> memref<128xi32, #tpu.memory_space<vmem>>
    %dma_start3A_38 = arith.constant 0 : i32
    %dma_start3A_39 = arith.constant 0 : i32
    %dma_start3A_40 = tpu.memref_slice %arg2[%dma_start3A_38, %dma_start3A_39] : memref<10000x128xf32, #tpu.memory_space<hbm>> -> memref<10000x128xf32, #tpu.memory_space<hbm>>
    tpu.enqueue_indirect_dma source(%dma_start3A_40 : memref<10000x128xf32, #tpu.memory_space<hbm>>) target(%dma_start3A_34 : memref<128x128xf32, #tpu.memory_space<vmem>>) offsets(%dma_start3A_37 : memref<128xi32, #tpu.memory_space<vmem>>) semaphore(%arg11 : memref<!tpu.dma_semaphore, #tpu.memory_space<semaphore_mem>>)
    %scan3A_41 = arith.constant 0 : i32
    %scan3A_42 = arith.constant 0 : i32
    %scan3A_43 = arith.constant 20 : i32
    %scan3A_44 = arith.addi %scan3A_42, %scan3A_43 : i32
    %scan3A_45 = arith.constant 1 : i32
    scf.for %scan3A_52 = %scan3A_42 to %scan3A_44 step %scan3A_45  : i32 {
      %mul3A_53 = arith.constant 2 : i32
      %mul3A_54 = arith.muli %mul3A_53, %scan3A_52 : i32
      %add3A_55 = arith.constant 1 : i32
      %add3A_56 = arith.addi %mul3A_54, %add3A_55 : i32
      %dma_start3A_57 = arith.constant 1 : i32
      %dma_start3A_58 = arith.constant 0 : i32
      %dma_start3A_59 = arith.constant 0 : i32
      %dma_start3A_60 = tpu.memref_slice %arg9[%dma_start3A_57, %dma_start3A_58, %dma_start3A_59] : memref<2x128x128xf32, #tpu.memory_space<vmem>> -> memref<1x128x128xf32, #tpu.memory_space<vmem>>
      %dma_start3A_61 = tpu.memref_squeeze %dma_start3A_60 : memref<1x128x128xf32, #tpu.memory_space<vmem>> -> memref<128x128xf32, #tpu.memory_space<vmem>>
      %dma_start3A_62 = arith.constant 0 : i32
      %dma_start3A_63 = tpu.memref_slice %arg7[%add3A_56, %dma_start3A_62] : memref<40x128xi32, #tpu.memory_space<vmem>> -> memref<1x128xi32, #tpu.memory_space<vmem>>
      %dma_start3A_64 = tpu.memref_squeeze %dma_start3A_63 : memref<1x128xi32, #tpu.memory_space<vmem>> -> memref<128xi32, #tpu.memory_space<vmem>>
      %dma_start3A_65 = arith.constant 0 : i32
      %dma_start3A_66 = arith.constant 0 : i32
      %dma_start3A_67 = tpu.memref_slice %arg2[%dma_start3A_65, %dma_start3A_66] : memref<10000x128xf32, #tpu.memory_space<hbm>> -> memref<10000x128xf32, #tpu.memory_space<hbm>>
      tpu.enqueue_indirect_dma source(%dma_start3A_67 : memref<10000x128xf32, #tpu.memory_space<hbm>>) target(%dma_start3A_61 : memref<128x128xf32, #tpu.memory_space<vmem>>) offsets(%dma_start3A_64 : memref<128xi32, #tpu.memory_space<vmem>>) semaphore(%arg12 : memref<!tpu.dma_semaphore, #tpu.memory_space<semaphore_mem>>)
      %dma_wait3A = arith.constant 0 : i32
      %dma_wait3A_68 = arith.constant 0 : i32
      %dma_wait3A_69 = arith.constant 0 : i32
      %dma_wait3A_70 = tpu.memref_slice %arg9[%dma_wait3A, %dma_wait3A_68, %dma_wait3A_69] : memref<2x128x128xf32, #tpu.memory_space<vmem>> -> memref<1x128x128xf32, #tpu.memory_space<vmem>>
      %dma_wait3A_71 = tpu.memref_squeeze %dma_wait3A_70 : memref<1x128x128xf32, #tpu.memory_space<vmem>> -> memref<128x128xf32, #tpu.memory_space<vmem>>
      %dma_wait3A_72 = arith.constant 0 : i32
      %dma_wait3A_73 = tpu.memref_slice %arg7[%mul3A_54, %dma_wait3A_72] : memref<40x128xi32, #tpu.memory_space<vmem>> -> memref<1x128xi32, #tpu.memory_space<vmem>>
      %dma_wait3A_74 = tpu.memref_squeeze %dma_wait3A_73 : memref<1x128xi32, #tpu.memory_space<vmem>> -> memref<128xi32, #tpu.memory_space<vmem>>
      %dma_wait3A_75 = arith.constant 0 : i32
      %dma_wait3A_76 = arith.constant 0 : i32
      %dma_wait3A_77 = tpu.memref_slice %arg2[%dma_wait3A_75, %dma_wait3A_76] : memref<10000x128xf32, #tpu.memory_space<hbm>> -> memref<10000x128xf32, #tpu.memory_space<hbm>>
      tpu.wait_indirect_dma semaphore(%arg11 : memref<!tpu.dma_semaphore, #tpu.memory_space<semaphore_mem>>) src(%dma_wait3A_77 : memref<10000x128xf32, #tpu.memory_space<hbm>>) dst(%dma_wait3A_71 : memref<128x128xf32, #tpu.memory_space<vmem>>)
      %run_scoped3A = arith.constant 0 : i32
      "tpu.region"() ({
        %run_scoped3A_98 = tpu.sem_alloc : memref<!tpu.dma_semaphore, #tpu.memory_space<semaphore_mem>>
        %dma_start3A_99 = arith.constant 0 : i32
        %dma_start3A_100 = arith.constant 0 : i32
        %dma_start3A_101 = tpu.memref_slice %arg9[%run_scoped3A, %dma_start3A_99, %dma_start3A_100] : memref<2x128x128xf32, #tpu.memory_space<vmem>> -> memref<1x128x128xf32, #tpu.memory_space<vmem>>
        %dma_start3A_102 = tpu.memref_squeeze %dma_start3A_101 : memref<1x128x128xf32, #tpu.memory_space<vmem>> -> memref<128x128xf32, #tpu.memory_space<vmem>>
        %dma_start3A_103 = arith.constant 0 : i32
        %dma_start3A_104 = tpu.memref_slice %arg8[%mul3A_54, %dma_start3A_103] : memref<40x128xi32, #tpu.memory_space<vmem>> -> memref<1x128xi32, #tpu.memory_space<vmem>>
        %dma_start3A_105 = tpu.memref_squeeze %dma_start3A_104 : memref<1x128xi32, #tpu.memory_space<vmem>> -> memref<128xi32, #tpu.memory_space<vmem>>
        %dma_start3A_106 = arith.constant 0 : i32
        %dma_start3A_107 = arith.constant 0 : i32
        %dma_start3A_108 = tpu.memref_slice %arg10[%dma_start3A_106, %dma_start3A_107] : memref<10112x128xf32, #tpu.memory_space<vmem_shared>> -> memref<10112x128xf32, #tpu.memory_space<vmem_shared>>
        tpu.enqueue_indirect_dma source(%dma_start3A_102 : memref<128x128xf32, #tpu.memory_space<vmem>>) target(%dma_start3A_108 : memref<10112x128xf32, #tpu.memory_space<vmem_shared>>) offsets(%dma_start3A_105 : memref<128xi32, #tpu.memory_space<vmem>>) semaphore(%run_scoped3A_98 : memref<!tpu.dma_semaphore, #tpu.memory_space<semaphore_mem>>) {add = true}
        %dma_wait3A_109 = arith.constant 0 : i32
        %dma_wait3A_110 = arith.constant 0 : i32
        %dma_wait3A_111 = tpu.memref_slice %arg9[%run_scoped3A, %dma_wait3A_109, %dma_wait3A_110] : memref<2x128x128xf32, #tpu.memory_space<vmem>> -> memref<1x128x128xf32, #tpu.memory_space<vmem>>
        %dma_wait3A_112 = tpu.memref_squeeze %dma_wait3A_111 : memref<1x128x128xf32, #tpu.memory_space<vmem>> -> memref<128x128xf32, #tpu.memory_space<vmem>>
        %dma_wait3A_113 = arith.constant 0 : i32
        %dma_wait3A_114 = tpu.memref_slice %arg8[%mul3A_54, %dma_wait3A_113] : memref<40x128xi32, #tpu.memory_space<vmem>> -> memref<1x128xi32, #tpu.memory_space<vmem>>
        %dma_wait3A_115 = tpu.memref_squeeze %dma_wait3A_114 : memref<1x128xi32, #tpu.memory_space<vmem>> -> memref<128xi32, #tpu.memory_space<vmem>>
        %dma_wait3A_116 = arith.constant 0 : i32
        %dma_wait3A_117 = arith.constant 0 : i32
        %dma_wait3A_118 = tpu.memref_slice %arg10[%dma_wait3A_116, %dma_wait3A_117] : memref<10112x128xf32, #tpu.memory_space<vmem_shared>> -> memref<10112x128xf32, #tpu.memory_space<vmem_shared>>
        tpu.wait_indirect_dma semaphore(%run_scoped3A_98 : memref<!tpu.dma_semaphore, #tpu.memory_space<semaphore_mem>>) src(%dma_wait3A_112 : memref<128x128xf32, #tpu.memory_space<vmem>>) dst(%dma_wait3A_118 : memref<10112x128xf32, #tpu.memory_space<vmem_shared>>)
        tpu.yield
      }) : () -> ()
      %add3A_78 = arith.constant 2 : i32
      %add3A_79 = arith.addi %mul3A_54, %add3A_78 : i32
      %lt3A = arith.constant 40 : i32
      %lt3A_80 = arith.cmpi slt, %add3A_79, %lt3A : i32
      %convert_element_type3A = arith.extui %lt3A_80 : i1 to i32
      %cond3A = arith.constant 0 : i32
      %cond3A_81 = arith.cmpi ne, %convert_element_type3A, %cond3A : i32
      scf.if %cond3A_81 {
        %add3A_98 = arith.constant 2 : i32
        %add3A_99 = arith.addi %mul3A_54, %add3A_98 : i32
        %dma_start3A_100 = arith.constant 0 : i32
        %dma_start3A_101 = arith.constant 0 : i32
        %dma_start3A_102 = arith.constant 0 : i32
        %dma_start3A_103 = tpu.memref_slice %arg9[%dma_start3A_100, %dma_start3A_101, %dma_start3A_102] : memref<2x128x128xf32, #tpu.memory_space<vmem>> -> memref<1x128x128xf32, #tpu.memory_space<vmem>>
        %dma_start3A_104 = tpu.memref_squeeze %dma_start3A_103 : memref<1x128x128xf32, #tpu.memory_space<vmem>> -> memref<128x128xf32, #tpu.memory_space<vmem>>
        %dma_start3A_105 = arith.constant 0 : i32
        %dma_start3A_106 = tpu.memref_slice %arg7[%add3A_99, %dma_start3A_105] : memref<40x128xi32, #tpu.memory_space<vmem>> -> memref<1x128xi32, #tpu.memory_space<vmem>>
        %dma_start3A_107 = tpu.memref_squeeze %dma_start3A_106 : memref<1x128xi32, #tpu.memory_space<vmem>> -> memref<128xi32, #tpu.memory_space<vmem>>
        %dma_start3A_108 = arith.constant 0 : i32
        %dma_start3A_109 = arith.constant 0 : i32
        %dma_start3A_110 = tpu.memref_slice %arg2[%dma_start3A_108, %dma_start3A_109] : memref<10000x128xf32, #tpu.memory_space<hbm>> -> memref<10000x128xf32, #tpu.memory_space<hbm>>
        tpu.enqueue_indirect_dma source(%dma_start3A_110 : memref<10000x128xf32, #tpu.memory_space<hbm>>) target(%dma_start3A_104 : memref<128x128xf32, #tpu.memory_space<vmem>>) offsets(%dma_start3A_107 : memref<128xi32, #tpu.memory_space<vmem>>) semaphore(%arg11 : memref<!tpu.dma_semaphore, #tpu.memory_space<semaphore_mem>>)
      } else {
      }
      %add3A_82 = arith.constant 1 : i32
      %add3A_83 = arith.addi %mul3A_54, %add3A_82 : i32
      %dma_wait3A_84 = arith.constant 1 : i32
      %dma_wait3A_85 = arith.constant 0 : i32
      %dma_wait3A_86 = arith.constant 0 : i32
      %dma_wait3A_87 = tpu.memref_slice %arg9[%dma_wait3A_84, %dma_wait3A_85, %dma_wait3A_86] : memref<2x128x128xf32, #tpu.memory_space<vmem>> -> memref<1x128x128xf32, #tpu.memory_space<vmem>>
      %dma_wait3A_88 = tpu.memref_squeeze %dma_wait3A_87 : memref<1x128x128xf32, #tpu.memory_space<vmem>> -> memref<128x128xf32, #tpu.memory_space<vmem>>
      %dma_wait3A_89 = arith.constant 0 : i32
      %dma_wait3A_90 = tpu.memref_slice %arg7[%add3A_83, %dma_wait3A_89] : memref<40x128xi32, #tpu.memory_space<vmem>> -> memref<1x128xi32, #tpu.memory_space<vmem>>
      %dma_wait3A_91 = tpu.memref_squeeze %dma_wait3A_90 : memref<1x128xi32, #tpu.memory_space<vmem>> -> memref<128xi32, #tpu.memory_space<vmem>>
      %dma_wait3A_92 = arith.constant 0 : i32
      %dma_wait3A_93 = arith.constant 0 : i32
      %dma_wait3A_94 = tpu.memref_slice %arg2[%dma_wait3A_92, %dma_wait3A_93] : memref<10000x128xf32, #tpu.memory_space<hbm>> -> memref<10000x128xf32, #tpu.memory_space<hbm>>
      tpu.wait_indirect_dma semaphore(%arg12 : memref<!tpu.dma_semaphore, #tpu.memory_space<semaphore_mem>>) src(%dma_wait3A_94 : memref<10000x128xf32, #tpu.memory_space<hbm>>) dst(%dma_wait3A_88 : memref<128x128xf32, #tpu.memory_space<vmem>>)
      %add3A_95 = arith.constant 1 : i32
      %add3A_96 = arith.addi %mul3A_54, %add3A_95 : i32
      %run_scoped3A_97 = arith.constant 1 : i32
      "tpu.region"() ({
        %run_scoped3A_98 = tpu.sem_alloc : memref<!tpu.dma_semaphore, #tpu.memory_space<semaphore_mem>>
        %dma_start3A_99 = arith.constant 0 : i32
        %dma_start3A_100 = arith.constant 0 : i32
        %dma_start3A_101 = tpu.memref_slice %arg9[%run_scoped3A_97, %dma_start3A_99, %dma_start3A_100] : memref<2x128x128xf32, #tpu.memory_space<vmem>> -> memref<1x128x128xf32, #tpu.memory_space<vmem>>
        %dma_start3A_102 = tpu.memref_squeeze %dma_start3A_101 : memref<1x128x128xf32, #tpu.memory_space<vmem>> -> memref<128x128xf32, #tpu.memory_space<vmem>>
        %dma_start3A_103 = arith.constant 0 : i32
        %dma_start3A_104 = tpu.memref_slice %arg8[%add3A_96, %dma_start3A_103] : memref<40x128xi32, #tpu.memory_space<vmem>> -> memref<1x128xi32, #tpu.memory_space<vmem>>
        %dma_start3A_105 = tpu.memref_squeeze %dma_start3A_104 : memref<1x128xi32, #tpu.memory_space<vmem>> -> memref<128xi32, #tpu.memory_space<vmem>>
        %dma_start3A_106 = arith.constant 0 : i32
        %dma_start3A_107 = arith.constant 0 : i32
        %dma_start3A_108 = tpu.memref_slice %arg10[%dma_start3A_106, %dma_start3A_107] : memref<10112x128xf32, #tpu.memory_space<vmem_shared>> -> memref<10112x128xf32, #tpu.memory_space<vmem_shared>>
        tpu.enqueue_indirect_dma source(%dma_start3A_102 : memref<128x128xf32, #tpu.memory_space<vmem>>) target(%dma_start3A_108 : memref<10112x128xf32, #tpu.memory_space<vmem_shared>>) offsets(%dma_start3A_105 : memref<128xi32, #tpu.memory_space<vmem>>) semaphore(%run_scoped3A_98 : memref<!tpu.dma_semaphore, #tpu.memory_space<semaphore_mem>>) {add = true}
        %dma_wait3A_109 = arith.constant 0 : i32
        %dma_wait3A_110 = arith.constant 0 : i32
        %dma_wait3A_111 = tpu.memref_slice %arg9[%run_scoped3A_97, %dma_wait3A_109, %dma_wait3A_110] : memref<2x128x128xf32, #tpu.memory_space<vmem>> -> memref<1x128x128xf32, #tpu.memory_space<vmem>>
        %dma_wait3A_112 = tpu.memref_squeeze %dma_wait3A_111 : memref<1x128x128xf32, #tpu.memory_space<vmem>> -> memref<128x128xf32, #tpu.memory_space<vmem>>
        %dma_wait3A_113 = arith.constant 0 : i32
        %dma_wait3A_114 = tpu.memref_slice %arg8[%add3A_96, %dma_wait3A_113] : memref<40x128xi32, #tpu.memory_space<vmem>> -> memref<1x128xi32, #tpu.memory_space<vmem>>
        %dma_wait3A_115 = tpu.memref_squeeze %dma_wait3A_114 : memref<1x128xi32, #tpu.memory_space<vmem>> -> memref<128xi32, #tpu.memory_space<vmem>>
        %dma_wait3A_116 = arith.constant 0 : i32
        %dma_wait3A_117 = arith.constant 0 : i32
        %dma_wait3A_118 = tpu.memref_slice %arg10[%dma_wait3A_116, %dma_wait3A_117] : memref<10112x128xf32, #tpu.memory_space<vmem_shared>> -> memref<10112x128xf32, #tpu.memory_space<vmem_shared>>
        tpu.wait_indirect_dma semaphore(%run_scoped3A_98 : memref<!tpu.dma_semaphore, #tpu.memory_space<semaphore_mem>>) src(%dma_wait3A_112 : memref<128x128xf32, #tpu.memory_space<vmem>>) dst(%dma_wait3A_118 : memref<10112x128xf32, #tpu.memory_space<vmem_shared>>)
        tpu.yield
      }) : () -> ()
    }
    %scan3A_46 = arith.constant 20 : i32
    %barrier3A_47 = arith.constant 0 : index
    tpu.barrier barrier_id(%barrier3A_47)
    %mul3A_48 = arith.constant 632 : i32
    %mul3A_49 = arith.muli %arg1, %mul3A_48 : i32
    %mul3A_50 = arith.constant 632 : i32
    %mul3A_51 = arith.muli %arg1, %mul3A_50 : i32
    "tpu.region"() ({
      %run_scoped3A = tpu.sem_alloc : memref<!tpu.dma_semaphore, #tpu.memory_space<semaphore_mem>>
      %dma_start3A_52 = arith.constant 0 : i32
      %dma_start3A_53 = tpu.memref_slice %arg6[%arg0, %mul3A_51, %dma_start3A_52] : memref<2x10112x128xf32, #tpu.memory_space<hbm>> -> memref<1x632x128xf32, #tpu.memory_space<hbm>>
      %dma_start3A_54 = tpu.memref_squeeze %dma_start3A_53 : memref<1x632x128xf32, #tpu.memory_space<hbm>> -> memref<632x128xf32, #tpu.memory_space<hbm>>
      %dma_start3A_55 = arith.constant 0 : i32
      %dma_start3A_56 = tpu.memref_slice %arg10[%mul3A_49, %dma_start3A_55] : memref<10112x128xf32, #tpu.memory_space<vmem_shared>> -> memref<632x128xf32, #tpu.memory_space<vmem_shared>>
      tpu.enqueue_dma source(%dma_start3A_56 : memref<632x128xf32, #tpu.memory_space<vmem_shared>>) target(%dma_start3A_54 : memref<632x128xf32, #tpu.memory_space<hbm>>) target_semaphore(%run_scoped3A : memref<!tpu.dma_semaphore, #tpu.memory_space<semaphore_mem>>)
      %dma_wait3A = arith.constant 0 : i32
      %dma_wait3A_57 = tpu.memref_slice %arg6[%arg0, %mul3A_51, %dma_wait3A] : memref<2x10112x128xf32, #tpu.memory_space<hbm>> -> memref<1x632x128xf32, #tpu.memory_space<hbm>>
      %dma_wait3A_58 = tpu.memref_squeeze %dma_wait3A_57 : memref<1x632x128xf32, #tpu.memory_space<hbm>> -> memref<632x128xf32, #tpu.memory_space<hbm>>
      %dma_wait3A_59 = arith.constant 0 : i32
      %dma_wait3A_60 = tpu.memref_slice %arg10[%mul3A_49, %dma_wait3A_59] : memref<10112x128xf32, #tpu.memory_space<vmem_shared>> -> memref<632x128xf32, #tpu.memory_space<vmem_shared>>
      tpu.wait_dma2 semaphore(%run_scoped3A : memref<!tpu.dma_semaphore, #tpu.memory_space<semaphore_mem>>) src(%dma_wait3A_60 : memref<632x128xf32, #tpu.memory_space<vmem_shared>>) dst(%dma_wait3A_58 : memref<632x128xf32, #tpu.memory_space<hbm>>)
      tpu.yield
    }) : () -> ()
    return
  }
}

module attributes {stable_mosaic.version = 14 : i64} {
  func.func @_prep_body(%arg0: memref<10000x128xf32, #tpu.memory_space<vmem>>, %arg1: memref<128x128xf32, #tpu.memory_space<vmem>>, %arg2: memref<128x128xf32, #tpu.memory_space<vmem>>, %arg3: memref<2x10112x128xf32, #tpu.memory_space<vmem>>, %arg4: memref<10000x128xf32, #tpu.memory_space<vmem>>, %arg5: memref<10000x128xf32, #tpu.memory_space<vmem>>, %arg6: memref<10000x1xf32, #tpu.memory_space<vmem>>) attributes {dimension_semantics = [], scalar_prefetch = 0 : i64, scratch_operands = 0 : i64, tpu.core_type = #tpu.core_type<tc>} {
    %get3A = arith.constant 0 : index
    %get3A_0 = arith.constant 0 : index
    %get3A_1 = vector.load %arg0[%get3A, %get3A_0] : memref<10000x128xf32, #tpu.memory_space<vmem>>, vector<10000x128xf32>
    %get3A_2 = arith.constant 0 : index
    %get3A_3 = arith.constant 0 : index
    %get3A_4 = arith.constant 0 : index
    %get3A_5 = vector.load %arg3[%get3A_2, %get3A_3, %get3A_4] : memref<2x10112x128xf32, #tpu.memory_space<vmem>>, vector<1x10000x1xf32>
    %get3A_6 = vector.shape_cast %get3A_5 : vector<1x10000x1xf32> to vector<10000x1xf32>
    %get3A_7 = arith.constant 1 : index
    %get3A_8 = arith.constant 0 : index
    %get3A_9 = arith.constant 0 : index
    %get3A_10 = vector.load %arg3[%get3A_7, %get3A_8, %get3A_9] : memref<2x10112x128xf32, #tpu.memory_space<vmem>>, vector<1x10000x1xf32>
    %get3A_11 = vector.shape_cast %get3A_10 : vector<1x10000x1xf32> to vector<10000x1xf32>
    %add3A = arith.addf %get3A_6, %get3A_11 : vector<10000x1xf32>
    %add3A_12 = arith.constant 1.000000e+00 : f32
    %add3A_13 = vector.broadcast %add3A_12 : f32 to vector<10000x1xf32>
    %add3A_14 = arith.addf %add3A, %add3A_13 : vector<10000x1xf32>
    %sqrt3A = math.sqrt %add3A_14 : vector<10000x1xf32>
    %div3A = arith.constant 1.000000e+00 : f32
    %div3A_15 = vector.broadcast %div3A : f32 to vector<10000x1xf32>
    %div3A_16 = arith.divf %div3A_15, %sqrt3A : vector<10000x1xf32>
    %get3A_17 = arith.constant 0 : index
    %get3A_18 = arith.constant 0 : index
    %get3A_19 = vector.load %arg1[%get3A_17, %get3A_18] : memref<128x128xf32, #tpu.memory_space<vmem>>, vector<128x128xf32>
    %dot_general3A = arith.constant dense<0.000000e+00> : vector<10000x128xf32>
    %dot_general3A_20 = tpu.matmul %get3A_1, %get3A_19, %dot_general3A {dimension_numbers = #tpu.dot_dimension_numbers<[1], [0], [0], [1], [0, 0, 1, 1], [], []>, transpose_lhs_hint = false} : vector<10000x128xf32>, vector<128x128xf32>, vector<10000x128xf32> -> vector<10000x128xf32>
    %swap3A = arith.constant 0 : index
    %swap3A_21 = arith.constant 0 : index
    %swap3A_22 = vector.load %arg4[%swap3A, %swap3A_21] : memref<10000x128xf32, #tpu.memory_space<vmem>>, vector<10000x128xf32>
    tpu.vector_store %arg4[%swap3A, %swap3A_21], %dot_general3A_20 {strides = array<i32>} : memref<10000x128xf32, #tpu.memory_space<vmem>>, vector<10000x128xf32>,
    %get3A_23 = arith.constant 0 : index
    %get3A_24 = arith.constant 0 : index
    %get3A_25 = vector.load %arg2[%get3A_23, %get3A_24] : memref<128x128xf32, #tpu.memory_space<vmem>>, vector<128x128xf32>
    %dot_general3A_26 = arith.constant dense<0.000000e+00> : vector<10000x128xf32>
    %dot_general3A_27 = tpu.matmul %get3A_1, %get3A_25, %dot_general3A_26 {dimension_numbers = #tpu.dot_dimension_numbers<[1], [0], [0], [1], [0, 0, 1, 1], [], []>, transpose_lhs_hint = false} : vector<10000x128xf32>, vector<128x128xf32>, vector<10000x128xf32> -> vector<10000x128xf32>
    %mul3A = vector.broadcast %div3A_16 : vector<10000x1xf32> to vector<10000x128xf32>
    %mul3A_28 = arith.mulf %dot_general3A_27, %mul3A : vector<10000x128xf32>
    %swap3A_29 = arith.constant 0 : index
    %swap3A_30 = arith.constant 0 : index
    %swap3A_31 = vector.load %arg5[%swap3A_29, %swap3A_30] : memref<10000x128xf32, #tpu.memory_space<vmem>>, vector<10000x128xf32>
    tpu.vector_store %arg5[%swap3A_29, %swap3A_30], %mul3A_28 {strides = array<i32>} : memref<10000x128xf32, #tpu.memory_space<vmem>>, vector<10000x128xf32>,
    %swap3A_32 = arith.constant 0 : index
    %swap3A_33 = arith.constant 0 : index
    %swap3A_34 = vector.load %arg6[%swap3A_32, %swap3A_33] : memref<10000x1xf32, #tpu.memory_space<vmem>>, vector<10000x1xf32>
    tpu.vector_store %arg6[%swap3A_32, %swap3A_33], %div3A_16 {strides = array<i32>} : memref<10000x1xf32, #tpu.memory_space<vmem>>, vector<10000x1xf32>,
    return
  }
}

module attributes {stable_mosaic.version = 14 : i64} {
  func.func @_combine_body(%arg0: memref<2x10112x128xf32, #tpu.memory_space<vmem>>, %arg1: memref<10000x128xf32, #tpu.memory_space<vmem>>, %arg2: memref<10000x1xf32, #tpu.memory_space<vmem>>, %arg3: memref<1x128xf32, #tpu.memory_space<vmem>>, %arg4: memref<1x128xf32, #tpu.memory_space<vmem>>, %arg5: memref<1x128xf32, #tpu.memory_space<vmem>>, %arg6: memref<10000x128xf32, #tpu.memory_space<vmem>>, %arg7: memref<128x128xf32, #tpu.memory_space<vmem>>, %arg8: memref<10000x128xf32, #tpu.memory_space<vmem>>, %arg9: memref<10000x128xf32, #tpu.memory_space<vmem>>) attributes {dimension_semantics = [], scalar_prefetch = 0 : i64, scratch_operands = 0 : i64, tpu.core_type = #tpu.core_type<tc>} {
    %get3A = arith.constant 0 : index
    %get3A_0 = arith.constant 0 : index
    %get3A_1 = vector.load %arg2[%get3A, %get3A_0] : memref<10000x1xf32, #tpu.memory_space<vmem>>, vector<10000x1xf32>
    %get3A_2 = arith.constant 0 : index
    %get3A_3 = arith.constant 0 : index
    %get3A_4 = arith.constant 0 : index
    %get3A_5 = vector.load %arg0[%get3A_2, %get3A_3, %get3A_4] : memref<2x10112x128xf32, #tpu.memory_space<vmem>>, vector<1x10000x128xf32>
    %get3A_6 = vector.shape_cast %get3A_5 : vector<1x10000x128xf32> to vector<10000x128xf32>
    %get3A_7 = arith.constant 1 : index
    %get3A_8 = arith.constant 0 : index
    %get3A_9 = arith.constant 0 : index
    %get3A_10 = vector.load %arg0[%get3A_7, %get3A_8, %get3A_9] : memref<2x10112x128xf32, #tpu.memory_space<vmem>>, vector<1x10000x128xf32>
    %get3A_11 = vector.shape_cast %get3A_10 : vector<1x10000x128xf32> to vector<10000x128xf32>
    %add3A = arith.addf %get3A_6, %get3A_11 : vector<10000x128xf32>
    %get3A_12 = arith.constant 0 : index
    %get3A_13 = arith.constant 0 : index
    %get3A_14 = vector.load %arg1[%get3A_12, %get3A_13] : memref<10000x128xf32, #tpu.memory_space<vmem>>, vector<10000x128xf32>
    %add3A_15 = arith.addf %add3A, %get3A_14 : vector<10000x128xf32>
    %mul3A = vector.broadcast %get3A_1 : vector<10000x1xf32> to vector<10000x128xf32>
    %mul3A_16 = arith.mulf %mul3A, %add3A_15 : vector<10000x128xf32>
    %get3A_17 = arith.constant 0 : index
    %get3A_18 = arith.constant 0 : index
    %get3A_19 = vector.load %arg3[%get3A_17, %get3A_18] : memref<1x128xf32, #tpu.memory_space<vmem>>, vector<1x128xf32>
    %add3A_20 = vector.broadcast %get3A_19 : vector<1x128xf32> to vector<10000x128xf32>
    %add3A_21 = arith.addf %mul3A_16, %add3A_20 : vector<10000x128xf32>
    %reduce_sum3A = arith.constant dense<0.000000e+00> : vector<128xf32>
    %reduce_sum3A_22 = vector.multi_reduction <add>, %add3A_21, %reduce_sum3A [0] : vector<10000x128xf32> to vector<128xf32>
    %broadcast_in_dim3A = vector.shape_cast %reduce_sum3A_22 : vector<128xf32> to vector<1x128xf32>
    %div3A = arith.constant 1.000000e+04 : f32
    %div3A_23 = vector.broadcast %div3A : f32 to vector<1x128xf32>
    %div3A_24 = arith.divf %broadcast_in_dim3A, %div3A_23 : vector<1x128xf32>
    %sub3A = vector.broadcast %div3A_24 : vector<1x128xf32> to vector<10000x128xf32>
    %sub3A_25 = arith.subf %add3A_21, %sub3A : vector<10000x128xf32>
    %mul3A_26 = arith.mulf %sub3A_25, %sub3A_25 : vector<10000x128xf32>
    %reduce_sum3A_27 = arith.constant dense<0.000000e+00> : vector<128xf32>
    %reduce_sum3A_28 = vector.multi_reduction <add>, %mul3A_26, %reduce_sum3A_27 [0] : vector<10000x128xf32> to vector<128xf32>
    %broadcast_in_dim3A_29 = vector.shape_cast %reduce_sum3A_28 : vector<128xf32> to vector<1x128xf32>
    %div3A_30 = arith.constant 1.000000e+04 : f32
    %div3A_31 = vector.broadcast %div3A_30 : f32 to vector<1x128xf32>
    %div3A_32 = arith.divf %broadcast_in_dim3A_29, %div3A_31 : vector<1x128xf32>
    %get3A_33 = arith.constant 0 : index
    %get3A_34 = arith.constant 0 : index
    %get3A_35 = vector.load %arg4[%get3A_33, %get3A_34] : memref<1x128xf32, #tpu.memory_space<vmem>>, vector<1x128xf32>
    %mul3A_36 = vector.broadcast %get3A_35 : vector<1x128xf32> to vector<10000x128xf32>
    %mul3A_37 = arith.mulf %mul3A_36, %sub3A_25 : vector<10000x128xf32>
    %add3A_38 = arith.constant 9.99999974E-6 : f32
    %add3A_39 = vector.broadcast %add3A_38 : f32 to vector<1x128xf32>
    %add3A_40 = arith.addf %div3A_32, %add3A_39 : vector<1x128xf32>
    %sqrt3A = math.sqrt %add3A_40 : vector<1x128xf32>
    %div3A_41 = vector.broadcast %sqrt3A : vector<1x128xf32> to vector<10000x128xf32>
    %div3A_42 = arith.divf %mul3A_37, %div3A_41 : vector<10000x128xf32>
    %get3A_43 = arith.constant 0 : index
    %get3A_44 = arith.constant 0 : index
    %get3A_45 = vector.load %arg5[%get3A_43, %get3A_44] : memref<1x128xf32, #tpu.memory_space<vmem>>, vector<1x128xf32>
    %add3A_46 = vector.broadcast %get3A_45 : vector<1x128xf32> to vector<10000x128xf32>
    %add3A_47 = arith.addf %div3A_42, %add3A_46 : vector<10000x128xf32>
    %max3A = arith.constant 0.000000e+00 : f32
    %max3A_48 = vector.broadcast %max3A : f32 to vector<10000x128xf32>
    %max3A_49 = arith.maximumf %add3A_47, %max3A_48 : vector<10000x128xf32>
    %get3A_50 = arith.constant 0 : index
    %get3A_51 = arith.constant 0 : index
    %get3A_52 = vector.load %arg6[%get3A_50, %get3A_51] : memref<10000x128xf32, #tpu.memory_space<vmem>>, vector<10000x128xf32>
    %add3A_53 = arith.addf %max3A_49, %get3A_52 : vector<10000x128xf32>
    %swap3A = arith.constant 0 : index
    %swap3A_54 = arith.constant 0 : index
    %swap3A_55 = vector.load %arg8[%swap3A, %swap3A_54] : memref<10000x128xf32, #tpu.memory_space<vmem>>, vector<10000x128xf32>
    tpu.vector_store %arg8[%swap3A, %swap3A_54], %add3A_53 {strides = array<i32>} : memref<10000x128xf32, #tpu.memory_space<vmem>>, vector<10000x128xf32>,
    %get3A_56 = arith.constant 0 : index
    %get3A_57 = arith.constant 0 : index
    %get3A_58 = vector.load %arg7[%get3A_56, %get3A_57] : memref<128x128xf32, #tpu.memory_space<vmem>>, vector<128x128xf32>
    %dot_general3A = arith.constant dense<0.000000e+00> : vector<10000x128xf32>
    %dot_general3A_59 = tpu.matmul %add3A_53, %get3A_58, %dot_general3A {dimension_numbers = #tpu.dot_dimension_numbers<[1], [0], [0], [1], [0, 0, 1, 1], [], []>, transpose_lhs_hint = false} : vector<10000x128xf32>, vector<128x128xf32>, vector<10000x128xf32> -> vector<10000x128xf32>
    %mul3A_60 = vector.broadcast %get3A_1 : vector<10000x1xf32> to vector<10000x128xf32>
    %mul3A_61 = arith.mulf %dot_general3A_59, %mul3A_60 : vector<10000x128xf32>
    %swap3A_62 = arith.constant 0 : index
    %swap3A_63 = arith.constant 0 : index
    %swap3A_64 = vector.load %arg9[%swap3A_62, %swap3A_63] : memref<10000x128xf32, #tpu.memory_space<vmem>>, vector<10000x128xf32>
    tpu.vector_store %arg9[%swap3A_62, %swap3A_63], %mul3A_61 {strides = array<i32>} : memref<10000x128xf32, #tpu.memory_space<vmem>>, vector<10000x128xf32>,
    return
  }
}

module attributes {stable_mosaic.version = 14 : i64} {
  func.func @_final_body(%arg0: memref<2x10112x128xf32, #tpu.memory_space<vmem>>, %arg1: memref<10000x128xf32, #tpu.memory_space<vmem>>, %arg2: memref<10000x1xf32, #tpu.memory_space<vmem>>, %arg3: memref<1x128xf32, #tpu.memory_space<vmem>>, %arg4: memref<1x128xf32, #tpu.memory_space<vmem>>, %arg5: memref<1x128xf32, #tpu.memory_space<vmem>>, %arg6: memref<10000x128xf32, #tpu.memory_space<vmem>>, %arg7: memref<10000x1xi32, #tpu.memory_space<vmem>>, %arg8: memref<128x1xf32, #tpu.memory_space<vmem>>, %arg9: memref<1x1xf32, #tpu.memory_space<vmem>>, %arg10: memref<64x1xf32, #tpu.memory_space<vmem>>) attributes {dimension_semantics = [], scalar_prefetch = 0 : i64, scratch_operands = 0 : i64, tpu.core_type = #tpu.core_type<tc>} {
    %get3A = arith.constant 0 : index
    %get3A_0 = arith.constant 0 : index
    %get3A_1 = vector.load %arg2[%get3A, %get3A_0] : memref<10000x1xf32, #tpu.memory_space<vmem>>, vector<10000x1xf32>
    %get3A_2 = arith.constant 0 : index
    %get3A_3 = arith.constant 0 : index
    %get3A_4 = arith.constant 0 : index
    %get3A_5 = vector.load %arg0[%get3A_2, %get3A_3, %get3A_4] : memref<2x10112x128xf32, #tpu.memory_space<vmem>>, vector<1x10000x128xf32>
    %get3A_6 = vector.shape_cast %get3A_5 : vector<1x10000x128xf32> to vector<10000x128xf32>
    %get3A_7 = arith.constant 1 : index
    %get3A_8 = arith.constant 0 : index
    %get3A_9 = arith.constant 0 : index
    %get3A_10 = vector.load %arg0[%get3A_7, %get3A_8, %get3A_9] : memref<2x10112x128xf32, #tpu.memory_space<vmem>>, vector<1x10000x128xf32>
    %get3A_11 = vector.shape_cast %get3A_10 : vector<1x10000x128xf32> to vector<10000x128xf32>
    %add3A = arith.addf %get3A_6, %get3A_11 : vector<10000x128xf32>
    %get3A_12 = arith.constant 0 : index
    %get3A_13 = arith.constant 0 : index
    %get3A_14 = vector.load %arg1[%get3A_12, %get3A_13] : memref<10000x128xf32, #tpu.memory_space<vmem>>, vector<10000x128xf32>
    %add3A_15 = arith.addf %add3A, %get3A_14 : vector<10000x128xf32>
    %mul3A = vector.broadcast %get3A_1 : vector<10000x1xf32> to vector<10000x128xf32>
    %mul3A_16 = arith.mulf %mul3A, %add3A_15 : vector<10000x128xf32>
    %get3A_17 = arith.constant 0 : index
    %get3A_18 = arith.constant 0 : index
    %get3A_19 = vector.load %arg3[%get3A_17, %get3A_18] : memref<1x128xf32, #tpu.memory_space<vmem>>, vector<1x128xf32>
    %add3A_20 = vector.broadcast %get3A_19 : vector<1x128xf32> to vector<10000x128xf32>
    %add3A_21 = arith.addf %mul3A_16, %add3A_20 : vector<10000x128xf32>
    %reduce_sum3A = arith.constant dense<0.000000e+00> : vector<128xf32>
    %reduce_sum3A_22 = vector.multi_reduction <add>, %add3A_21, %reduce_sum3A [0] : vector<10000x128xf32> to vector<128xf32>
    %broadcast_in_dim3A = vector.shape_cast %reduce_sum3A_22 : vector<128xf32> to vector<1x128xf32>
    %div3A = arith.constant 1.000000e+04 : f32
    %div3A_23 = vector.broadcast %div3A : f32 to vector<1x128xf32>
    %div3A_24 = arith.divf %broadcast_in_dim3A, %div3A_23 : vector<1x128xf32>
    %sub3A = vector.broadcast %div3A_24 : vector<1x128xf32> to vector<10000x128xf32>
    %sub3A_25 = arith.subf %add3A_21, %sub3A : vector<10000x128xf32>
    %mul3A_26 = arith.mulf %sub3A_25, %sub3A_25 : vector<10000x128xf32>
    %reduce_sum3A_27 = arith.constant dense<0.000000e+00> : vector<128xf32>
    %reduce_sum3A_28 = vector.multi_reduction <add>, %mul3A_26, %reduce_sum3A_27 [0] : vector<10000x128xf32> to vector<128xf32>
    %broadcast_in_dim3A_29 = vector.shape_cast %reduce_sum3A_28 : vector<128xf32> to vector<1x128xf32>
    %div3A_30 = arith.constant 1.000000e+04 : f32
    %div3A_31 = vector.broadcast %div3A_30 : f32 to vector<1x128xf32>
    %div3A_32 = arith.divf %broadcast_in_dim3A_29, %div3A_31 : vector<1x128xf32>
    %get3A_33 = arith.constant 0 : index
    %get3A_34 = arith.constant 0 : index
    %get3A_35 = vector.load %arg4[%get3A_33, %get3A_34] : memref<1x128xf32, #tpu.memory_space<vmem>>, vector<1x128xf32>
    %mul3A_36 = vector.broadcast %get3A_35 : vector<1x128xf32> to vector<10000x128xf32>
    %mul3A_37 = arith.mulf %mul3A_36, %sub3A_25 : vector<10000x128xf32>
    %add3A_38 = arith.constant 9.99999974E-6 : f32
    %add3A_39 = vector.broadcast %add3A_38 : f32 to vector<1x128xf32>
    %add3A_40 = arith.addf %div3A_32, %add3A_39 : vector<1x128xf32>
    %sqrt3A = math.sqrt %add3A_40 : vector<1x128xf32>
    %div3A_41 = vector.broadcast %sqrt3A : vector<1x128xf32> to vector<10000x128xf32>
    %div3A_42 = arith.divf %mul3A_37, %div3A_41 : vector<10000x128xf32>
    %get3A_43 = arith.constant 0 : index
    %get3A_44 = arith.constant 0 : index
    %get3A_45 = vector.load %arg5[%get3A_43, %get3A_44] : memref<1x128xf32, #tpu.memory_space<vmem>>, vector<1x128xf32>
    %add3A_46 = vector.broadcast %get3A_45 : vector<1x128xf32> to vector<10000x128xf32>
    %add3A_47 = arith.addf %div3A_42, %add3A_46 : vector<10000x128xf32>
    %max3A = arith.constant 0.000000e+00 : f32
    %max3A_48 = vector.broadcast %max3A : f32 to vector<10000x128xf32>
    %max3A_49 = arith.maximumf %add3A_47, %max3A_48 : vector<10000x128xf32>
    %get3A_50 = arith.constant 0 : index
    %get3A_51 = arith.constant 0 : index
    %get3A_52 = vector.load %arg6[%get3A_50, %get3A_51] : memref<10000x128xf32, #tpu.memory_space<vmem>>, vector<10000x128xf32>
    %add3A_53 = arith.addf %max3A_49, %get3A_52 : vector<10000x128xf32>
    %iota3A = tpu.iota {dimensions = array<i32: 1>} : vector<10000x64xi32>
    %get3A_54 = arith.constant 0 : index
    %get3A_55 = arith.constant 0 : index
    %get3A_56 = vector.load %arg7[%get3A_54, %get3A_55] : memref<10000x1xi32, #tpu.memory_space<vmem>>, vector<10000x1xi32>
    %eq3A = vector.broadcast %get3A_56 : vector<10000x1xi32> to vector<10000x64xi32>
    %eq3A_57 = arith.cmpi eq, %eq3A, %iota3A : vector<10000x64xi32>
    %convert_element_type3A = arith.extui %eq3A_57 : vector<10000x64xi1> to vector<10000x64xi32>
    %convert_element_type3A_58 = arith.sitofp %convert_element_type3A : vector<10000x64xi32> to vector<10000x64xf32>
    %dot_general3A = arith.constant dense<0.000000e+00> : vector<64x128xf32>
    %dot_general3A_59 = tpu.matmul %convert_element_type3A_58, %add3A_53, %dot_general3A {dimension_numbers = #tpu.dot_dimension_numbers<[0], [0], [1], [1], [0, 1, 1, 1], [], []>, precision = #tpu.contract_precision<fp32>, transpose_lhs_hint = false} : vector<10000x64xf32>, vector<10000x128xf32>, vector<64x128xf32> -> vector<64x128xf32>
    %broadcast_in_dim3A_60 = arith.constant 1.000000e+00 : f32
    %broadcast_in_dim3A_61 = vector.broadcast %broadcast_in_dim3A_60 : f32 to vector<10000x1xf32>
    %dot_general3A_62 = arith.constant dense<0.000000e+00> : vector<64x1xf32>
    %dot_general3A_63 = tpu.matmul %convert_element_type3A_58, %broadcast_in_dim3A_61, %dot_general3A_62 {dimension_numbers = #tpu.dot_dimension_numbers<[0], [0], [1], [1], [0, 1, 1, 1], [], []>, precision = #tpu.contract_precision<fp32>, transpose_lhs_hint = false} : vector<10000x64xf32>, vector<10000x1xf32>, vector<64x1xf32> -> vector<64x1xf32>
    %max3A_64 = arith.constant 1.000000e+00 : f32
    %max3A_65 = vector.broadcast %max3A_64 : f32 to vector<64x1xf32>
    %max3A_66 = arith.maximumf %dot_general3A_63, %max3A_65 : vector<64x1xf32>
    %div3A_67 = vector.broadcast %max3A_66 : vector<64x1xf32> to vector<64x128xf32>
    %div3A_68 = arith.divf %dot_general3A_59, %div3A_67 : vector<64x128xf32>
    %get3A_69 = arith.constant 0 : index
    %get3A_70 = arith.constant 0 : index
    %get3A_71 = vector.load %arg8[%get3A_69, %get3A_70] : memref<128x1xf32, #tpu.memory_space<vmem>>, vector<128x1xf32>
    %dot_general3A_72 = arith.constant dense<0.000000e+00> : vector<64x1xf32>
    %dot_general3A_73 = tpu.matmul %div3A_68, %get3A_71, %dot_general3A_72 {dimension_numbers = #tpu.dot_dimension_numbers<[1], [0], [0], [1], [0, 0, 1, 1], [], []>, transpose_lhs_hint = false} : vector<64x128xf32>, vector<128x1xf32>, vector<64x1xf32> -> vector<64x1xf32>
    %get3A_74 = arith.constant 0 : index
    %get3A_75 = arith.constant 0 : index
    %get3A_76 = vector.load %arg9[%get3A_74, %get3A_75] : memref<1x1xf32, #tpu.memory_space<vmem>>, vector<1x1xf32>
    %add3A_77 = vector.broadcast %get3A_76 : vector<1x1xf32> to vector<64x1xf32>
    %add3A_78 = arith.addf %dot_general3A_73, %add3A_77 : vector<64x1xf32>
    %swap3A = arith.constant 0 : index
    %swap3A_79 = arith.constant 0 : index
    %swap3A_80 = vector.load %arg10[%swap3A, %swap3A_79] : memref<64x1xf32, #tpu.memory_space<vmem>>, vector<64x1xf32>
    tpu.vector_store %arg10[%swap3A, %swap3A_79], %add3A_78 {strides = array<i32>} : memref<64x1xf32, #tpu.memory_space<vmem>>, vector<64x1xf32>,
    return
  }
}

</mosaic_0001>

<sc_bundles>
// kernel: kernel.14.cloned.1.call-start
scs
__scs_entry_jumppad:
0x0: {  	(pc) =	sbr.rel $0x88, $3  }
0x1: {  	(tag) =	ssettag $0x0;
	lr =	simm.s32 $0x1  }
0x2: {  	[smem:$0x3F87] =	sst lr;
	_ =	strace $0xD0000000  }
0x3: {  	_ = 	snop  }
0x4: {  	_ = 	snop  }
0x5: {  	_ = 	snop  }
0x6: {  	_ = 	snop  }
0x7: {  	_ = 	snop  }
__scs_overlays_trampoline_lowered:
0x8: {  	[smem:$0x3F96] =	sst s0  }
0x9: {  	[smem:$0x3F97] =	sst s1  }
0xa: {  	[smem:$0x3F98] =	sst s2  }
0xb: {  	[smem:$0x3F99] =	sst s3  }
0xc: {  	[smem:$0x3F9A] =	sst s4  }
0xd: {  	[smem:$0x3F9B] =	sst s5  }
0xe: {  	[smem:$0x3F9C] =	sst s6  }
0xf: {  	[smem:$0x3F9D] =	sst s7  }
0x10: {  	[smem:$0x3F9E] =	sst s8  }
0x11: {  	[smem:$0x3F9F] =	sst s9;
	s0 =	simm.s32 @!p0 $0x0  }
0x12: {  	s1 =	sld [smem:$0x3F85];
	s0 =	simm.s32 @p0 $0x1  }
0x13: {  	[smem:$0x3FA0] =	sst s0;
	s0 =	simm.s32 @!p1 $0x0  }
0x14: {  	s2 =	sld [smem:$0x3F84];
	s0 =	simm.s32 @p1 $0x1  }
0x15: {  	[smem:$0x3FA1] =	sst s0;
	s0 =	simm.s32 @!p2 $0x0  }
0x16: {  	s3 =	sld [smem:$0x3FDB];
	s0 =	simm.s32 @p2 $0x1  }
0x17: {  	s4 =	simm.s32 $0x1BF5;
	[smem:$0x3FA3] =	sst s0  }
0x18: {  	s0 =	sld [smem:$0x3F86];
	_ =	swait.ge [sflag:s4], $0x0  }
0x19: {  	s7 =	sld [smem:$0x3F87]  }
0x1a: {  	s8 =	sadd.s32 $0xFFFFE003, lr  }
0x1b: {  	s9 =	sadd.s32 $0xFFFFFEF7, lr;
	s5 =	simm.s32 $0xFFFFFFFF;
	p2 =	slt.u32 s8, $0xFFFFF086  }
0x1c: {  	p1 =	slt.u32 s9, $0xF7A;
	s5 =	simm.s32 @!p2 $0x0  }
0x1d: {  	s5 =	simm.s32 @p1 $0x1;
	p0 =	seq.s32 s7, s2  }
0x1e: {  	s7 =	smul.u32 @!p0 $0xF7A, s2;
	p2 =	seq.s32 @!p0 s5, $0x0  }
0x1f: {  	s9 =	smul.u32 $0xF7A, s1;
	s8 =	simm.s32 @!p0 $0x1BF5;
	p2 =	por !p2, p0  }
0x20: {  	[sflag:s8] =	ssyncset.s32 @!p0 $0xFFFFF086;
	s6 =	sadd.s32 @!p0 s3, s7;
	s7 =	simm.s32 @!p0 $0x108  }
0x21: {  	s3 =	sadd.s32 s3, s9;
	s6 =	sadd.s32 @!p0 $0x88, s6;
	s7 =	simm.s32 @p2 $0x1082  }
0x22: {  	[simem:s7], [sflag:s8] =	dma.local @!p0 [hbm:s6], $0xF7A  }
0x23: {  	s9 =	sor.u32 $0xD0000000, s2;
	s6 =	simm.s32 $0x108;
	_ =	swait.ge @!p0 [sflag:s8], $0x0  }
0x24: {  	s3 =	sadd.s32 $0x88, s3;
	s6 =	simm.s32 @!p1 $0x1082;
	[sflag:s4] =	ssyncset.s32 $0xFFFFF086  }
0x25: {  	[simem:s6], [sflag:s4] =	dma.local [hbm:s3], $0xF7A  }
0x26: {  	[smem:$0x3F87] =	sst s1;
	(tag) =	ssettag s2;
	_ =	strace s9  }
0x27: {  	s1 =	sld [smem:$0x3F97]  }
0x28: {  	s2 =	sld [smem:$0x3F98]  }
0x29: {  	s4 =	sld [smem:$0x3F9A]  }
0x2a: {  	p0 =	seq.s32 s5, $0x0;
	s5 =	sld [smem:$0x3F9B]  }
0x2b: {  	s6 =	sld [smem:$0x3F9C]  }
0x2c: {  	s7 =	sld [smem:$0x3F9D]  }
0x2d: {  	s3 =	simm.s32 $0x108;
	s8 =	sld [smem:$0x3F9E]  }
0x2e: {  	s3 =	simm.s32 @!p0 $0x1082;
	s9 =	sld [smem:$0x3F9F]  }
0x2f: {  	lr =	sadd.s32 s0, s3;
	s0 =	sld [smem:$0x3F96]  }
0x30: {  	s3 =	sld [smem:$0x3F99]  }
0x31: {  	[smem:$0x3FA2] =	sst s10  }
0x32: {  	s10 =	sld [smem:$0x3FA0];
	_ =	sdelay $0x3  }
0x33: {  	p0 =	seq.s32 s10, $0x1;
	s10 =	sld [smem:$0x3FA2];
	_ =	sdelay $0x3  }
0x34: {  	[smem:$0x3FA2] =	sst s10  }
0x35: {  	s10 =	sld [smem:$0x3FA1];
	_ =	sdelay $0x3  }
0x36: {  	p1 =	seq.s32 s10, $0x1;
	s10 =	sld [smem:$0x3FA2];
	_ =	sdelay $0x3  }
0x37: {  	[smem:$0x3FA2] =	sst s10  }
0x38: {  	s10 =	sld [smem:$0x3FA3]  }
0x39: {  	_ = 	snop;
	(pc) =	sbr.ind lr, $3  }
0x3a: {  	_ = 	snop  }
0x3b: {  	_ = 	snop  }
0x3c: {  	p2 =	seq.s32 s10, $0x1;
	s10 =	sld [smem:$0x3FA2]  }
0x3d: {  	_ =	shalt  }
0x3e: {  	_ =	shalt  }
0x3f: {  	_ =	shalt  }
0x40: {  	_ =	shalt  }
0x41: {  	_ =	shalt  }
0x42: {  	_ =	shalt  }
0x43: {  	_ =	shalt  }
0x44: {  	_ =	shalt  }
0x45: {  	_ =	shalt  }
0x46: {  	_ =	shalt  }
0x47: {  	_ =	shalt  }
0x48: {  	_ =	shalt  }
0x49: {  	_ =	shalt  }
0x4a: {  	_ =	shalt  }
0x4b: {  	_ =	shalt  }
0x4c: {  	_ =	shalt  }
0x4d: {  	_ =	shalt  }
0x4e: {  	_ =	shalt  }
0x4f: {  	_ =	shalt  }
0x50: {  	_ =	shalt  }
0x51: {  	_ =	shalt  }
0x52: {  	_ =	shalt  }
0x53: {  	_ =	shalt  }
0x54: {  	_ =	shalt  }
0x55: {  	_ =	shalt  }
0x56: {  	_ =	shalt  }
0x57: {  	_ =	shalt  }
0x58: {  	_ =	shalt  }
0x59: {  	_ =	shalt  }
0x5a: {  	_ =	shalt  }
0x5b: {  	_ =	shalt  }
0x5c: {  	_ =	shalt  }
0x5d: {  	_ =	shalt  }
0x5e: {  	_ =	shalt  }
0x5f: {  	_ =	shalt  }
0x60: {  	_ =	shalt  }
0x61: {  	_ =	shalt  }
0x62: {  	_ =	shalt  }
0x63: {  	_ =	shalt  }
0x64: {  	_ =	shalt  }
0x65: {  	_ =	shalt  }
0x66: {  	_ =	shalt  }
0x67: {  	_ =	shalt  }
0x68: {  	_ =	shalt  }
0x69: {  	_ =	shalt  }
0x6a: {  	_ =	shalt  }
0x6b: {  	_ =	shalt  }
0x6c: {  	_ =	shalt  }
0x6d: {  	_ =	shalt  }
0x6e: {  	_ =	shalt  }
0x6f: {  	_ =	shalt  }
0x70: {  	_ =	shalt  }
0x71: {  	_ =	shalt  }
0x72: {  	_ =	shalt  }
0x73: {  	_ =	shalt  }
0x74: {  	_ =	shalt  }
0x75: {  	_ =	shalt  }
0x76: {  	_ =	shalt  }
0x77: {  	_ =	shalt  }
0x78: {  	_ =	shalt  }
0x79: {  	_ =	shalt  }
0x7a: {  	_ =	shalt  }
0x7b: {  	_ =	shalt  }
0x7c: {  	_ =	shalt  }
0x7d: {  	_ =	shalt  }
0x7e: {  	_ =	shalt  }
0x7f: {  	_ =	shalt  }
0x80: {  	_ =	shalt  }
0x81: {  	_ =	shalt  }
0x82: {  	_ =	shalt  }
0x83: {  	_ =	shalt  }
0x84: {  	_ =	shalt  }
0x85: {  	_ =	shalt  }
0x86: {  	_ =	shalt  }
0x87: {  	_ =	shalt  }
.Lfunc_end0:
.L_simem_size_0:
called_computation_lowered:
.L_overlay_start_0:
0x88: {  	s2 =	sld [smem:$0x3FD9]  }
0x89: {  	s3 =	sld [smem:$0x3FFE];
	_ =	sdelay $0x1  }
0x8a: {  	s1 =	srdreg.scid  }
0x8b: {  	s0 =	sand.u32 $0x1, s1  }
0x8c: {  	s16 =	sshll.u32 s0, $0xA;
	s2 =	sadd.s32 s3, s2  }
0x8d: {  	s2 =	sadd.s32 s2, s16  }
0x8e: {  	[smem:$0x3FAE] =	sst s2  }
0x8f: {  	_ = 	snop  }
0x90: {  	(tm) =	ssettm $0x1  }
0x91: {  	s17 =	sld [smem:$0x3FFB];
	_ =	sdelay $0x3  }
0x92: {  	_ =	strace s17  }
0x93: {  	s2 =	sld [smem:$0x3FFC];
	_ =	sdelay $0x3  }
0x94: {  	_ =	strace s2  }
0x95: {  	s2 =	sld [smem:$0x3FFD];
	_ =	sdelay $0x3  }
0x96: {  	_ =	strace s2  }
0x97: {  	_ =	strace $0x8FFFFFFF  }
0x98: {  	s18 =	sld [smem:$0x3FDB];
	_ =	sdelay $0x1  }
0x99: {  	s19 =	simm.s32 $_scs_section_size  }
0x9a: {  	s4 =	simm.s32 $_size__tile_overlayer_lowered;
	s5 =	simm.s32 $_tile_overlayer_lowered  }
0x9b: {  	s22 =	simm.s32 $0x1BFF;
	s21 =	sshll.u32 s5, $0x1;
	s2 =	sadd.s32 s19, s18  }
0x9c: {  	s6 =	simm.s32 $0x0;
	s20 =	sshll.u32 s4, $0x1;
	s4 =	sadd.s32 s21, s2  }
0x9d: {  	[timem:s6], [sflag:s22] =	dma.local [hbm:s4], s20  }
0x9e: {  	_ =	swait.ge [sflag:s22], s20  }
0x9f: {  	s3 =	ssub.s32 $0x0, s20;
	[sflag:s22] =	ssyncset.done $0x0  }
0xa0: {  	[sflag:s22] =	ssyncadd.s32 s3;
	_ =	sdelay $0x1  }
0xa1: {  	s23 =	simm.s32 $0x1B8B  }
0xa2: {  	_ =	swait.ge [sflag:s23], $0x1  }
0xa3: {  	[sflag:s23] =	ssyncset.done $0x0  }
0xa4: {  	s25 =	simm.s32 $0x1B8E;
	s24 =	sld [smem:$0x3FFE];
	[sflag:s23] =	ssyncadd.s32 $0xFFFFFFFF  }
0xa5: {  	s26 =	simm.s32 $execute0_lowered;
	[smem:$0x3FD2] =	sst s25  }
0xa6: {  	s4 =	sshll.u32 s26, $0x1;
	_ =	strace $0x80000046;
	[dreg:$0x1] =	wrdreg $0xFFFFFFFF  }
0xa7: {  	s28 =	simm.s32 $_size_execute0_lowered;
	s2 =	sadd.s32 s2, s4;
	[dreg:$0x0] =	wrdreg $0x0  }
0xa8: {  	s4 =	sshll.u32 s28, $0x1;
	[dreg:$0x2] =	wrdreg s2  }
0xa9: {  	[dreg:$0x3] =	wrdreg s4  }
0xaa: {  	[dreg:$0x4] =	wrdreg $0xC0  }
0xab: {  	_ =	task [dreg:s6], $0x5FFFF  }
0xac: {  	[dreg:$0x1] =	wrdreg $0xFFFFFFFF  }
0xad: {  	[dreg:$0x0] =	wrdreg $0x60  }
0xae: {  	[dreg:$0x2] =	wrdreg s24  }
0xaf: {  	[dreg:$0x3] =	wrdreg $0x68000  }
0xb0: {  	[dreg:$0x4] =	wrdreg $0x9  }
0xb1: {  	_ =	task.clear_ibuf [dreg:s6], $0x5FFFF;
	_ =	strace $0x90000046  }
0xb2: {  	s29 =	simm.s32 $0x9;
	_ =	strace $0x80000048  }
0xb3: {  	_ =	swait.ge [sflag:s29], $0x1  }
0xb4: {  	[sflag:s29] =	ssyncadd.s32 $0xFFFFFFFF  }
0xb5: {  	_ =	strace $0x90000048  }
0xb6: {  	_ =	sfence  }
0xb7: {  	s30 =	sld [smem:$0x0];
	_ =	sdelay $0x2  }
0xb8: {  	s31 =	sshll.u32 s1, $0xD;
	s1 =	sshrl.u32 s1, $0x2  }
0xb9: {  	s3 =	sand.u32 $0x4000, s31;
	s1 =	sadd.s32 s1, s30  }
0xba: {  	s0 =	sor.u32 s3, s0;
	s1 =	sshll.u32 s1, $0x11  }
0xbb: {  	s0 =	sor.u32 s1, s0  }
0xbc: {  	s0 =	sadd.s32 $0x8F2B, s0  }
0xbd: {  	[sflag:s0] =	ssyncadd.remote.s32 $0x1  }
0xbe: {  	_ =	sfence.sel $0xFFFF  }
0xbf: {  	[dreg:$0x0] =	wrdreg $0xFFFFFFFF;
	(pc) =	sbr.abs _section_cstart, $3  }
0xc0: {  	[dreg:$0x1] =	wrdreg $0xFFFFFFFF  }
0xc1: {  	_ =	task.clear_ibuf [dreg:s6], $0x2FFFF;
	_ =	strace $0x9FFFFFFF  }
0xc2: {  	(tm) =	ssettm $0x7FFFFFFF  }
0xc3: {  	_ =	shalt  }
tec
execute0_lowered:
.L_overlay_start_1:
0x0: {  	(tag) =	ssettag $0x1  }
0x1: {  	s6 =	rddreg [dreg:$0x0]  }
0x2: {  	s0 =	srdreg.scid;
	s2 =	rddreg [dreg:$0x1];
	s3 =	simm.s32 $0x0  }
0x3: {  	s14 =	simm.s32 $0x1;
	s5 =	sand.u32 $0x1, s0;
	s0 =	stileid.u32  }
0x4: {  	s15 =	simm.s32 $0x2;
	s16 =	simm.s32 $0x0;
	s7 =	smul.u32 $0x13C00, s0  }
0x5: {  	[smem:$0x7FF] =	sst s3;
	s1 =	sshll.u32 s5, $0x4;
	s8 =	smul.u32 $0x13C000, s5  }
0x6: {  	s28 =	smul.u32 $0x4F000, s0;
	s5 =	ssub.s32 $0x2, s5;
	s1 =	sor.u32 s0, s1  }
0x7: {  	s31 =	sshll.u32 s0, $0x6;
	s29 =	sshrl.u32 s5, $0x1;
	s4 =	smul.u32 $0x500, s1  }
0x8: {  	s1 =	rddreg [dreg:$0x2];
	_ =	strace $0x80000047;
	s10 =	sshrl.u32 s7, $0x3  }
0x9: {  	s7 =	sadd.s32 s7, s8;
	s30 =	sshrl.u32 s28, $0x2;
	s12 =	ssub.s32 s5, s29  }
0xa: {  	s10 =	sadd.s32 s10, s6;
	s7 =	sshrl.u32 s7, $0x3;
	s13 =	sadd.s32 s30, s2  }
0xb: {  	s9 =	sadd.s32 s4, s6;
	s4 =	sadd.s32 $0x42600, s6;
	s11 =	sadd.s32 s7, s6  }
0xc: {  	s5 =	sadd.s32 $0x1AE00, s10;
	s6 =	sor.u32 $0x1C03, s31;
	s10 =	sshrl.u32 s13, $0x3  }
0xd: {  	s13 =	simm.s32 $0x80;
	s7 =	sadd.s32 $0x6E00, s9;
	s8 =	sadd.s32 $0x42E00, s11  }
0xe: {  	s9 =	smax.u32 s12, $0x1;
	s11 =	simm.s32 $0x3;
	s12 =	simm.s32 $0x2800  }
.LBB2_1:
0xf: {  	[spmem:s10], [sflag:s6] =	dma.local [hbm:s5], $0x2780  }
0x10: {  	_ =	swait.ge [sflag:s11], $0x2780  }
0x11: {  	[sflag:s11] =	ssyncset.done $0x0  }
0x12: {  	[sflag:s11] =	ssyncadd.s32 $0xFFFFD880  }
0x13: {  	[tilespmem:s12], [sflag:$0x3] =	stream.linear.gather [hbm4b:s4+s3], $0x4000, $0x38;
	[tilespmem:$0x1A400] =	vst v63  }
0x14: {  	_ =	swait.ge [sflag:s11], $0x4000  }
0x15: {  	[sflag:s11] =	ssyncset.done $0x0  }
0x16: {  	[sflag:s11] =	ssyncadd.s32 $0xFFFFC000  }
0x17: {  	[tilespmem:s3], [sflag:$0x3] =	stream.linear.gather [hbm4b:s7+s3], $0x2800, $0x38;
	[tilespmem:$0x1A400] =	vst v63  }
0x18: {  	_ =	swait.ge [sflag:s11], $0x2800  }
0x19: {  	[sflag:s11] =	ssyncset.done $0x0  }
0x1a: {  	[sflag:s11] =	ssyncadd.s32 $0xFFFFD800  }
0x1b: {  	s17 =	simm.s32 $0x0;
	[bflag:$0x0] =	sbarrier.arrive $0xFFFF  }
0x1c: {  	[spmem:s2] =	stream.indirect.scatter.add.f32 [tilespmem:s12], [sflag:$0x1], $0x80, s17, s13, $0xb8;
	[tilespmem:$0x1A400] =	vst v63  }
0x1d: {  	s31 =	simm.s32 $0x80  }
0x1e: {  	[spmem:s2] =	stream.indirect.scatter.add.f32 [tilespmem:s12], [sflag:$0x2], $0x80, s31, s13, $0xb8;
	[tilespmem:$0x1A400] =	vst v63  }
0x1f: {  	_ =	swait.ge [sflag:s14], $0x4000  }
0x20: {  	[sflag:s14] =	ssyncset.done $0x0  }
0x21: {  	[sflag:s14] =	ssyncadd.s32 $0xFFFFC000  }
0x22: {  	_ =	swait.ge [sflag:s15], $0x4000  }
0x23: {  	s18 =	simm.s32 $0x800;
	s17 =	simm.s32 $0x400;
	[sflag:s15] =	ssyncset.done $0x0  }
.LBB2_2:
0x24: {  	s19 =	sshra.s32 s17, $0x2  }
0x25: {  	[sflag:s15] =	ssyncadd.s32 $0xFFFFC000;
	s17 =	smov.u32 s18;
	s20 =	sadd.s32 $0x400, s18  }
0x26: {  	[spmem:s2] =	stream.indirect.scatter.add.f32 [tilespmem:s12], [sflag:$0x1], $0x80, s19, s13, $0xb8;
	[tilespmem:$0x1A400] =	vst v63  }
0x27: {  	p0 =	sne.s32 s18, $0x9C00;
	s18 =	sadd.s32 $0x80, s19  }
0x28: {  	[spmem:s2] =	stream.indirect.scatter.add.f32 [tilespmem:s12], [sflag:$0x2], $0x80, s18, s13, $0xb8;
	[tilespmem:$0x1A400] =	vst v63  }
.Ltmp0:
0x29: {  	_ =	swait.ge [sflag:s14], $0x4000;
	(pc) =	sbr.rel @p0 .LBB2_2-.Ltmp0, $4  }
0x2a: {  	[sflag:s14] =	ssyncset.done $0x0  }
0x2b: {  	[sflag:s14] =	ssyncadd.s32 $0xFFFFC000  }
0x2c: {  	_ =	swait.ge [sflag:s15], $0x4000  }
0x2d: {  	s18 =	smov.u32 s20;
	[sflag:s15] =	ssyncset.done $0x0  }
0x2e: {  	s17 =	sshra.s32 s17, $0x2;
	[sflag:s15] =	ssyncadd.s32 $0xFFFFC000  }
0x2f: {  	[spmem:s2] =	stream.indirect.scatter.add.f32 [tilespmem:s12], [sflag:$0x1], $0x80, s17, s13, $0xb8;
	[tilespmem:$0x1A400] =	vst v63  }
0x30: {  	s17 =	sadd.s32 $0x80, s17  }
0x31: {  	[spmem:s2] =	stream.indirect.scatter.add.f32 [tilespmem:s12], [sflag:$0x2], $0x80, s17, s13, $0xb8;
	[tilespmem:$0x1A400] =	vst v63  }
0x32: {  	_ =	swait.ge [sflag:s14], $0x4000  }
0x33: {  	[sflag:s14] =	ssyncset.done $0x0  }
0x34: {  	[sflag:s14] =	ssyncadd.s32 $0xFFFFC000  }
0x35: {  	_ =	swait.ge [sflag:s15], $0x4000  }
0x36: {  	s16 =	sadd.s32 $0x1, s16;
	[sflag:s15] =	ssyncset.done $0x0  }
0x37: {  	p0 =	sne.s32 s16, s9;
	[sflag:s15] =	ssyncadd.s32 $0xFFFFC000  }
.Ltmp1:
0x38: {  	[bflag:$0x0] =	sbarrier.arrive $0xFFFF;
	(pc) =	sbr.rel @p0 .LBB2_1-.Ltmp1, $4  }
0x39: {  	[hbm:s8], [sflag:s6] =	dma.local [spmem:s10], $0x2780  }
0x3a: {  	_ =	swait.ge [sflag:s11], $0x2780  }
0x3b: {  	[sflag:s11] =	ssyncset.done $0x0  }
0x3c: {  	[sflag:s11] =	ssyncadd.s32 $0xFFFFD880  }
0x3d: {  	_ =	sfence.sel $0x180000  }
0x3e: {  	[bflag:$0x0] =	sbarrier.arrive $0xFFFF  }
0x3f: {  	p0 =	sne.s32 s0, $0x0;
	_ =	strace $0x90000047  }
0x40: {  	s0 =	sadd.s32 @!p0 $0x100000, s1;
	[bflag:$0x2] =	sbarrier.arrive $0xFFFF  }
0x41: {  	[sflag:s0] =	ssyncadd.tile.s32 @!p0 $0x1;
	_ =	shalt  }
.Lfunc_end2:
_tile_overlayer_lowered:
.L_overlay_start_2:
0x42: {  	(tag) =	ssettag $0x2  }
0x43: {  	s0 =	rddreg [dreg:$0x0];
	s2 =	stileid.u32  }
0x44: {  	s1 =	rddreg [dreg:$0x1];
	p0 =	sne.s32 s2, $0x0  }
0x45: {  	s3 =	rddreg [dreg:$0x2];
	[bflag:$0x3] =	sbarrier.arrive $0xFFFF;
	s2 =	simm.s32 @!p0 $0x1C03  }
0x46: {  	[timem:s3], [sflag:s2] =	dma.local @!p0 [hbm:s0], s1  }
0x47: {  	s0 =	simm.s32 @!p0 $0x3  }
0x48: {  	_ =	swait.ge @!p0 [sflag:s0], s1  }
0x49: {  	s1 =	ssub.s32 @!p0 $0x0, s1;
	[sflag:s0] =	ssyncset.done @!p0 $0x0  }
0x4a: {  	[sflag:s0] =	ssyncadd.s32 @!p0 s1  }
0x4b: {  	[bflag:$0x3] =	sbarrier.arrive $0xFFFF  }
0x4c: {  	_ =	shalt  }

// kernel: kernel.17.cloned.1.call-start
scs
__scs_entry_jumppad:
0x0: {  	(pc) =	sbr.rel $0x88, $3  }
0x1: {  	(tag) =	ssettag $0x0;
	lr =	simm.s32 $0x1  }
0x2: {  	[smem:$0x3F87] =	sst lr;
	_ =	strace $0xD0000000  }
0x3: {  	_ = 	snop  }
0x4: {  	_ = 	snop  }
0x5: {  	_ = 	snop  }
0x6: {  	_ = 	snop  }
0x7: {  	_ = 	snop  }
__scs_overlays_trampoline_lowered:
0x8: {  	[smem:$0x3F96] =	sst s0  }
0x9: {  	[smem:$0x3F97] =	sst s1  }
0xa: {  	[smem:$0x3F98] =	sst s2  }
0xb: {  	[smem:$0x3F99] =	sst s3  }
0xc: {  	[smem:$0x3F9A] =	sst s4  }
0xd: {  	[smem:$0x3F9B] =	sst s5  }
0xe: {  	[smem:$0x3F9C] =	sst s6  }
0xf: {  	[smem:$0x3F9D] =	sst s7  }
0x10: {  	[smem:$0x3F9E] =	sst s8  }
0x11: {  	[smem:$0x3F9F] =	sst s9;
	s0 =	simm.s32 @!p0 $0x0  }
0x12: {  	s1 =	sld [smem:$0x3F85];
	s0 =	simm.s32 @p0 $0x1  }
0x13: {  	[smem:$0x3FA0] =	sst s0;
	s0 =	simm.s32 @!p1 $0x0  }
0x14: {  	s2 =	sld [smem:$0x3F84];
	s0 =	simm.s32 @p1 $0x1  }
0x15: {  	[smem:$0x3FA1] =	sst s0;
	s0 =	simm.s32 @!p2 $0x0  }
0x16: {  	s3 =	sld [smem:$0x3FDB];
	s0 =	simm.s32 @p2 $0x1  }
0x17: {  	s4 =	simm.s32 $0x1BF5;
	[smem:$0x3FA3] =	sst s0  }
0x18: {  	s0 =	sld [smem:$0x3F86];
	_ =	swait.ge [sflag:s4], $0x0  }
0x19: {  	s7 =	sld [smem:$0x3F87]  }
0x1a: {  	s8 =	sadd.s32 $0xFFFFE003, lr  }
0x1b: {  	s9 =	sadd.s32 $0xFFFFFEF7, lr;
	s5 =	simm.s32 $0xFFFFFFFF;
	p2 =	slt.u32 s8, $0xFFFFF086  }
0x1c: {  	p1 =	slt.u32 s9, $0xF7A;
	s5 =	simm.s32 @!p2 $0x0  }
0x1d: {  	s5 =	simm.s32 @p1 $0x1;
	p0 =	seq.s32 s7, s2  }
0x1e: {  	s7 =	smul.u32 @!p0 $0xF7A, s2;
	p2 =	seq.s32 @!p0 s5, $0x0  }
0x1f: {  	s9 =	smul.u32 $0xF7A, s1;
	s8 =	simm.s32 @!p0 $0x1BF5;
	p2 =	por !p2, p0  }
0x20: {  	[sflag:s8] =	ssyncset.s32 @!p0 $0xFFFFF086;
	s6 =	sadd.s32 @!p0 s3, s7;
	s7 =	simm.s32 @!p0 $0x108  }
0x21: {  	s3 =	sadd.s32 s3, s9;
	s6 =	sadd.s32 @!p0 $0x88, s6;
	s7 =	simm.s32 @p2 $0x1082  }
0x22: {  	[simem:s7], [sflag:s8] =	dma.local @!p0 [hbm:s6], $0xF7A  }
0x23: {  	s9 =	sor.u32 $0xD0000000, s2;
	s6 =	simm.s32 $0x108;
	_ =	swait.ge @!p0 [sflag:s8], $0x0  }
0x24: {  	s3 =	sadd.s32 $0x88, s3;
	s6 =	simm.s32 @!p1 $0x1082;
	[sflag:s4] =	ssyncset.s32 $0xFFFFF086  }
0x25: {  	[simem:s6], [sflag:s4] =	dma.local [hbm:s3], $0xF7A  }
0x26: {  	[smem:$0x3F87] =	sst s1;
	(tag) =	ssettag s2;
	_ =	strace s9  }
0x27: {  	s1 =	sld [smem:$0x3F97]  }
0x28: {  	s2 =	sld [smem:$0x3F98]  }
0x29: {  	s4 =	sld [smem:$0x3F9A]  }
0x2a: {  	p0 =	seq.s32 s5, $0x0;
	s5 =	sld [smem:$0x3F9B]  }
0x2b: {  	s6 =	sld [smem:$0x3F9C]  }
0x2c: {  	s7 =	sld [smem:$0x3F9D]  }
0x2d: {  	s3 =	simm.s32 $0x108;
	s8 =	sld [smem:$0x3F9E]  }
0x2e: {  	s3 =	simm.s32 @!p0 $0x1082;
	s9 =	sld [smem:$0x3F9F]  }
0x2f: {  	lr =	sadd.s32 s0, s3;
	s0 =	sld [smem:$0x3F96]  }
0x30: {  	s3 =	sld [smem:$0x3F99]  }
0x31: {  	[smem:$0x3FA2] =	sst s10  }
0x32: {  	s10 =	sld [smem:$0x3FA0];
	_ =	sdelay $0x3  }
0x33: {  	p0 =	seq.s32 s10, $0x1;
	s10 =	sld [smem:$0x3FA2];
	_ =	sdelay $0x3  }
0x34: {  	[smem:$0x3FA2] =	sst s10  }
0x35: {  	s10 =	sld [smem:$0x3FA1];
	_ =	sdelay $0x3  }
0x36: {  	p1 =	seq.s32 s10, $0x1;
	s10 =	sld [smem:$0x3FA2];
	_ =	sdelay $0x3  }
0x37: {  	[smem:$0x3FA2] =	sst s10  }
0x38: {  	s10 =	sld [smem:$0x3FA3]  }
0x39: {  	_ = 	snop;
	(pc) =	sbr.ind lr, $3  }
0x3a: {  	_ = 	snop  }
0x3b: {  	_ = 	snop  }
0x3c: {  	p2 =	seq.s32 s10, $0x1;
	s10 =	sld [smem:$0x3FA2]  }
0x3d: {  	_ =	shalt  }
0x3e: {  	_ =	shalt  }
0x3f: {  	_ =	shalt  }
0x40: {  	_ =	shalt  }
0x41: {  	_ =	shalt  }
0x42: {  	_ =	shalt  }
0x43: {  	_ =	shalt  }
0x44: {  	_ =	shalt  }
0x45: {  	_ =	shalt  }
0x46: {  	_ =	shalt  }
0x47: {  	_ =	shalt  }
0x48: {  	_ =	shalt  }
0x49: {  	_ =	shalt  }
0x4a: {  	_ =	shalt  }
0x4b: {  	_ =	shalt  }
0x4c: {  	_ =	shalt  }
0x4d: {  	_ =	shalt  }
0x4e: {  	_ =	shalt  }
0x4f: {  	_ =	shalt  }
0x50: {  	_ =	shalt  }
0x51: {  	_ =	shalt  }
0x52: {  	_ =	shalt  }
0x53: {  	_ =	shalt  }
0x54: {  	_ =	shalt  }
0x55: {  	_ =	shalt  }
0x56: {  	_ =	shalt  }
0x57: {  	_ =	shalt  }
0x58: {  	_ =	shalt  }
0x59: {  	_ =	shalt  }
0x5a: {  	_ =	shalt  }
0x5b: {  	_ =	shalt  }
0x5c: {  	_ =	shalt  }
0x5d: {  	_ =	shalt  }
0x5e: {  	_ =	shalt  }
0x5f: {  	_ =	shalt  }
0x60: {  	_ =	shalt  }
0x61: {  	_ =	shalt  }
0x62: {  	_ =	shalt  }
0x63: {  	_ =	shalt  }
0x64: {  	_ =	shalt  }
0x65: {  	_ =	shalt  }
0x66: {  	_ =	shalt  }
0x67: {  	_ =	shalt  }
0x68: {  	_ =	shalt  }
0x69: {  	_ =	shalt  }
0x6a: {  	_ =	shalt  }
0x6b: {  	_ =	shalt  }
0x6c: {  	_ =	shalt  }
0x6d: {  	_ =	shalt  }
0x6e: {  	_ =	shalt  }
0x6f: {  	_ =	shalt  }
0x70: {  	_ =	shalt  }
0x71: {  	_ =	shalt  }
0x72: {  	_ =	shalt  }
0x73: {  	_ =	shalt  }
0x74: {  	_ =	shalt  }
0x75: {  	_ =	shalt  }
0x76: {  	_ =	shalt  }
0x77: {  	_ =	shalt  }
0x78: {  	_ =	shalt  }
0x79: {  	_ =	shalt  }
0x7a: {  	_ =	shalt  }
0x7b: {  	_ =	shalt  }
0x7c: {  	_ =	shalt  }
0x7d: {  	_ =	shalt  }
0x7e: {  	_ =	shalt  }
0x7f: {  	_ =	shalt  }
0x80: {  	_ =	shalt  }
0x81: {  	_ =	shalt  }
0x82: {  	_ =	shalt  }
0x83: {  	_ =	shalt  }
0x84: {  	_ =	shalt  }
0x85: {  	_ =	shalt  }
0x86: {  	_ =	shalt  }
0x87: {  	_ =	shalt  }
.Lfunc_end0:
.L_simem_size_0:
called_computation.1_lowered:
.L_overlay_start_0:
0x88: {  	s2 =	sld [smem:$0x3FD9]  }
0x89: {  	s3 =	sld [smem:$0x3FFE];
	_ =	sdelay $0x1  }
0x8a: {  	s1 =	srdreg.scid  }
0x8b: {  	s0 =	sand.u32 $0x1, s1  }
0x8c: {  	s16 =	sshll.u32 s0, $0xA;
	s2 =	sadd.s32 s3, s2  }
0x8d: {  	s2 =	sadd.s32 s2, s16  }
0x8e: {  	[smem:$0x3FAE] =	sst s2  }
0x8f: {  	_ = 	snop  }
0x90: {  	(tm) =	ssettm $0x1  }
0x91: {  	s17 =	sld [smem:$0x3FFB];
	_ =	sdelay $0x3  }
0x92: {  	_ =	strace s17  }
0x93: {  	s2 =	sld [smem:$0x3FFC];
	_ =	sdelay $0x3  }
0x94: {  	_ =	strace s2  }
0x95: {  	s2 =	sld [smem:$0x3FFD];
	_ =	sdelay $0x3  }
0x96: {  	_ =	strace s2  }
0x97: {  	_ =	strace $0x8FFFFFFF  }
0x98: {  	s18 =	sld [smem:$0x3FDB];
	_ =	sdelay $0x1  }
0x99: {  	s19 =	simm.s32 $_scs_section_size  }
0x9a: {  	s4 =	simm.s32 $_size__tile_overlayer_lowered;
	s5 =	simm.s32 $_tile_overlayer_lowered  }
0x9b: {  	s22 =	simm.s32 $0x1BFF;
	s21 =	sshll.u32 s5, $0x1;
	s2 =	sadd.s32 s19, s18  }
0x9c: {  	s6 =	simm.s32 $0x0;
	s20 =	sshll.u32 s4, $0x1;
	s4 =	sadd.s32 s21, s2  }
0x9d: {  	[timem:s6], [sflag:s22] =	dma.local [hbm:s4], s20  }
0x9e: {  	_ =	swait.ge [sflag:s22], s20  }
0x9f: {  	s3 =	ssub.s32 $0x0, s20;
	[sflag:s22] =	ssyncset.done $0x0  }
0xa0: {  	[sflag:s22] =	ssyncadd.s32 s3;
	_ =	sdelay $0x1  }
0xa1: {  	s23 =	simm.s32 $0x1B8B  }
0xa2: {  	_ =	swait.ge [sflag:s23], $0x1  }
0xa3: {  	[sflag:s23] =	ssyncset.done $0x0  }
0xa4: {  	s25 =	simm.s32 $0x1B8E;
	s24 =	sld [smem:$0x3FFE];
	[sflag:s23] =	ssyncadd.s32 $0xFFFFFFFF  }
0xa5: {  	s26 =	simm.s32 $execute0_lowered;
	[smem:$0x3FD2] =	sst s25  }
0xa6: {  	s4 =	sshll.u32 s26, $0x1;
	_ =	strace $0x80000049;
	[dreg:$0x1] =	wrdreg $0xFFFFFFFF  }
0xa7: {  	s28 =	simm.s32 $_size_execute0_lowered;
	s2 =	sadd.s32 s2, s4;
	[dreg:$0x0] =	wrdreg $0x0  }
0xa8: {  	s4 =	sshll.u32 s28, $0x1;
	[dreg:$0x2] =	wrdreg s2  }
0xa9: {  	[dreg:$0x3] =	wrdreg s4  }
0xaa: {  	[dreg:$0x4] =	wrdreg $0xC0  }
0xab: {  	_ =	task [dreg:s6], $0x5FFFF  }
0xac: {  	[dreg:$0x1] =	wrdreg $0xFFFFFFFF  }
0xad: {  	[dreg:$0x0] =	wrdreg $0x60  }
0xae: {  	[dreg:$0x2] =	wrdreg s24  }
0xaf: {  	[dreg:$0x3] =	wrdreg $0xA8000  }
0xb0: {  	[dreg:$0x4] =	wrdreg $0x9  }
0xb1: {  	_ =	task.clear_ibuf [dreg:s6], $0x5FFFF;
	_ =	strace $0x90000049  }
0xb2: {  	s29 =	simm.s32 $0x9;
	_ =	strace $0x8000004B  }
0xb3: {  	_ =	swait.ge [sflag:s29], $0x1  }
0xb4: {  	[sflag:s29] =	ssyncadd.s32 $0xFFFFFFFF  }
0xb5: {  	_ =	strace $0x9000004B  }
0xb6: {  	_ =	sfence  }
0xb7: {  	s30 =	sld [smem:$0x0];
	_ =	sdelay $0x2  }
0xb8: {  	s31 =	sshll.u32 s1, $0xD;
	s1 =	sshrl.u32 s1, $0x2  }
0xb9: {  	s3 =	sand.u32 $0x4000, s31;
	s1 =	sadd.s32 s1, s30  }
0xba: {  	s0 =	sor.u32 s3, s0;
	s1 =	sshll.u32 s1, $0x11  }
0xbb: {  	s0 =	sor.u32 s1, s0  }
0xbc: {  	s0 =	sadd.s32 $0x8F2B, s0  }
0xbd: {  	[sflag:s0] =	ssyncadd.remote.s32 $0x1  }
0xbe: {  	_ =	sfence.sel $0xFFFF  }
0xbf: {  	[dreg:$0x0] =	wrdreg $0xFFFFFFFF;
	(pc) =	sbr.abs _section_cstart, $3  }
0xc0: {  	[dreg:$0x1] =	wrdreg $0xFFFFFFFF  }
0xc1: {  	_ =	task.clear_ibuf [dreg:s6], $0x2FFFF;
	_ =	strace $0x9FFFFFFF  }
0xc2: {  	(tm) =	ssettm $0x7FFFFFFF  }
0xc3: {  	_ =	shalt  }
tec
execute0_lowered:
.L_overlay_start_1:
0x0: {  	(tag) =	ssettag $0x1  }
0x1: {  	s5 =	rddreg [dreg:$0x0]  }
0x2: {  	s2 =	rddreg [dreg:$0x1]  }
0x3: {  	s0 =	rddreg [dreg:$0x2];
	s3 =	simm.s32 $0x0  }
0x4: {  	s1 =	stileid.u32;
	s4 =	srdreg.scid;
	s17 =	simm.s32 $0x2800  }
0x5: {  	s18 =	simm.s32 $0x6800;
	s19 =	simm.s32 $0x1;
	s20 =	simm.s32 $0x2  }
0x6: {  	s21 =	simm.s32 $0x1380;
	s22 =	simm.s32 $0x2700;
	s23 =	simm.s32 $0x2780  }
0x7: {  	s24 =	simm.s32 $0x0;
	[smem:$0x7FF] =	sst s3;
	s6 =	smul.u32 $0x13C00, s1  }
0x8: {  	s7 =	sand.u32 $0x1, s4;
	s4 =	sadd.s32 $0x42600, s5;
	s10 =	sadd.s32 $0x10E00, s5  }
0x9: {  	s11 =	sadd.s32 $0x6E00, s5;
	s12 =	smul.u32 $0x4F000, s1;
	s29 =	sshll.u32 s1, $0x6  }
0xa: {  	s9 =	smul.u32 $0x13C000, s7;
	s28 =	sshll.u32 s7, $0x4;
	s7 =	ssub.s32 $0x2, s7  }
0xb: {  	_ =	strace $0x8000004A;
	s8 =	sshrl.u32 s6, $0x3;
	s13 =	sshrl.u32 s7, $0x1  }
0xc: {  	s12 =	sshrl.u32 s12, $0x2;
	s6 =	sadd.s32 s6, s9;
	s9 =	sor.u32 s1, s28  }
0xd: {  	s8 =	sadd.s32 s8, s5;
	s13 =	ssub.s32 s7, s13;
	s14 =	smul.u32 $0x2800, s9  }
0xe: {  	s16 =	sadd.s32 s12, s2;
	s6 =	sshrl.u32 s6, $0x3;
	s9 =	smul.u32 $0x500, s9  }
0xf: {  	s12 =	smax.u32 s13, $0x1;
	s13 =	sshrl.u32 s16, $0x3;
	s16 =	simm.s32 $0x80  }
0x10: {  	s15 =	sadd.s32 s6, s5;
	s5 =	sadd.s32 $0x1AE00, s8;
	s30 =	sshrl.u32 s14, $0x3  }
0x11: {  	s6 =	sor.u32 $0x1C03, s29;
	s7 =	sadd.s32 s10, s9;
	s31 =	sadd.s32 $0x280, s30  }
0x12: {  	s8 =	sadd.s32 s11, s9;
	s14 =	simm.s32 $0x3;
	s9 =	sadd.s32 s10, s31  }
0x13: {  	s10 =	sadd.s32 s11, s31;
	s11 =	sadd.s32 $0x90A00, s15;
	s15 =	simm.s32 $0x1400  }
.LBB2_1:
0x14: {  	[spmem:s13], [sflag:s6] =	dma.local [hbm:s5], $0x2780  }
0x15: {  	_ =	swait.ge [sflag:s14], $0x2780  }
0x16: {  	[sflag:s14] =	ssyncset.done $0x0  }
0x17: {  	[sflag:s14] =	ssyncadd.s32 $0xFFFFD880  }
0x18: {  	[bflag:$0x0] =	sbarrier.arrive $0xFFFF  }
0x19: {  	[tilespmem:s3], [sflag:$0x3] =	stream.linear.gather [hbm4b:s7+s3], $0x1400, $0x38;
	[tilespmem:$0x1E400] =	vst v63  }
0x1a: {  	_ =	swait.ge [sflag:s14], $0x1400  }
0x1b: {  	[sflag:s14] =	ssyncset.done $0x0  }
0x1c: {  	[sflag:s14] =	ssyncadd.s32 $0xFFFFEC00  }
0x1d: {  	[tilespmem:s15], [sflag:$0x3] =	stream.linear.gather [hbm4b:s8+s3], $0x1400, $0x38;
	[tilespmem:$0x1E400] =	vst v63  }
0x1e: {  	_ =	swait.ge [sflag:s14], $0x1400  }
0x1f: {  	[sflag:s14] =	ssyncset.done $0x0  }
0x20: {  	[sflag:s14] =	ssyncadd.s32 $0xFFFFEC00  }
0x21: {  	[tilespmem:s17], [sflag:$0x1] =	stream.indirect.gather [hbm4b:s4+s16], $0x80, s3, s16, $0xb8;
	[tilespmem:$0x1E400] =	vst v63  }
0x22: {  	s25 =	simm.s32 $0x80  }
0x23: {  	[tilespmem:s18], [sflag:$0x2] =	stream.indirect.gather [hbm4b:s4+s16], $0x80, s25, s16, $0xb8;
	[tilespmem:$0x1E400] =	vst v63  }
0x24: {  	_ =	swait.ge [sflag:s19], $0x4000  }
0x25: {  	[sflag:s19] =	ssyncset.done $0x0  }
0x26: {  	s29 =	simm.s32 $0x1400;
	[sflag:s19] =	ssyncadd.s32 $0xFFFFC000  }
0x27: {  	[spmem:s2] =	stream.indirect.scatter.add.f32 [tilespmem:s17], [sflag:$0x3], $0x80, s29, s16, $0xb8;
	[tilespmem:$0x1E400] =	vst v63  }
0x28: {  	_ =	swait.ge [sflag:s14], $0x4000  }
0x29: {  	[sflag:s14] =	ssyncset.done $0x0  }
0x2a: {  	s30 =	simm.s32 $0x100;
	[sflag:s14] =	ssyncadd.s32 $0xFFFFC000  }
0x2b: {  	[tilespmem:s17], [sflag:$0x1] =	stream.indirect.gather [hbm4b:s4+s16], $0x80, s30, s16, $0xb8;
	[tilespmem:$0x1E400] =	vst v63  }
0x2c: {  	_ =	swait.ge [sflag:s20], $0x4000  }
0x2d: {  	[sflag:s20] =	ssyncset.done $0x0  }
0x2e: {  	s31 =	simm.s32 $0x1480;
	[sflag:s20] =	ssyncadd.s32 $0xFFFFC000  }
0x2f: {  	[spmem:s2] =	stream.indirect.scatter.add.f32 [tilespmem:s18], [sflag:$0x3], $0x80, s31, s16, $0xb8;
	[tilespmem:$0x1E400] =	vst v63  }
0x30: {  	_ =	swait.ge [sflag:s14], $0x4000  }
0x31: {  	s26 =	simm.s32 $0x800;
	s25 =	simm.s32 $0x100;
	[sflag:s14] =	ssyncset.done $0x0  }
.LBB2_2:
0x32: {  	s28 =	sadd.s32 $0x80, s25  }
0x33: {  	[sflag:s14] =	ssyncadd.s32 $0xFFFFC000;
	s29 =	smov.u32 s26;
	s30 =	sadd.s32 $0x400, s26  }
0x34: {  	[tilespmem:s18], [sflag:$0x2] =	stream.indirect.gather [hbm4b:s4+s16], $0x80, s28, s16, $0xb8;
	[tilespmem:$0x1E400] =	vst v63  }
0x35: {  	p0 =	sne.s32 s26, $0x4800;
	_ =	swait.ge [sflag:s19], $0x4000  }
0x36: {  	[sflag:s19] =	ssyncset.done $0x0  }
0x37: {  	s26 =	sadd.s32 $0x1400, s25;
	[sflag:s19] =	ssyncadd.s32 $0xFFFFC000  }
0x38: {  	[spmem:s2] =	stream.indirect.scatter.add.f32 [tilespmem:s17], [sflag:$0x3], $0x80, s26, s16, $0xb8;
	[tilespmem:$0x1E400] =	vst v63  }
0x39: {  	_ =	swait.ge [sflag:s14], $0x4000  }
0x3a: {  	[sflag:s14] =	ssyncset.done $0x0  }
0x3b: {  	s26 =	sadd.s32 $0x100, s25;
	[sflag:s14] =	ssyncadd.s32 $0xFFFFC000  }
0x3c: {  	[tilespmem:s17], [sflag:$0x1] =	stream.indirect.gather [hbm4b:s4+s16], $0x80, s26, s16, $0xb8;
	[tilespmem:$0x1E400] =	vst v63  }
0x3d: {  	_ =	swait.ge [sflag:s20], $0x4000  }
.Ltmp0:
0x3e: {  	[sflag:s20] =	ssyncset.done $0x0;
	(pc) =	sbr.rel @p0 .LBB2_2-.Ltmp0, $4  }
0x3f: {  	s25 =	sadd.s32 $0x1480, s25;
	[sflag:s20] =	ssyncadd.s32 $0xFFFFC000  }
0x40: {  	[spmem:s2] =	stream.indirect.scatter.add.f32 [tilespmem:s18], [sflag:$0x3], $0x80, s25, s16, $0xb8;
	[tilespmem:$0x1E400] =	vst v63  }
0x41: {  	_ =	swait.ge [sflag:s14], $0x4000  }
0x42: {  	s26 =	smov.u32 s30;
	s25 =	sshra.s32 s29, $0x2;
	[sflag:s14] =	ssyncset.done $0x0  }
0x43: {  	s26 =	sadd.s32 $0x80, s25;
	[sflag:s14] =	ssyncadd.s32 $0xFFFFC000  }
0x44: {  	[tilespmem:s18], [sflag:$0x2] =	stream.indirect.gather [hbm4b:s4+s16], $0x80, s26, s16, $0xb8;
	[tilespmem:$0x1E400] =	vst v63  }
0x45: {  	_ =	swait.ge [sflag:s19], $0x4000  }
0x46: {  	[sflag:s19] =	ssyncset.done $0x0  }
0x47: {  	s29 =	sadd.s32 $0x1400, s25;
	[sflag:s19] =	ssyncadd.s32 $0xFFFFC000  }
0x48: {  	[spmem:s2] =	stream.indirect.scatter.add.f32 [tilespmem:s17], [sflag:$0x3], $0x80, s29, s16, $0xb8;
	[tilespmem:$0x1E400] =	vst v63  }
0x49: {  	_ =	swait.ge [sflag:s14], $0x4000  }
0x4a: {  	[sflag:s14] =	ssyncset.done $0x0  }
0x4b: {  	s30 =	sadd.s32 $0x100, s25;
	[sflag:s14] =	ssyncadd.s32 $0xFFFFC000  }
0x4c: {  	[tilespmem:s17], [sflag:$0x1] =	stream.indirect.gather [hbm4b:s4+s16], $0x80, s30, s16, $0xb8;
	[tilespmem:$0x1E400] =	vst v63  }
0x4d: {  	_ =	swait.ge [sflag:s20], $0x4000  }
0x4e: {  	[sflag:s20] =	ssyncset.done $0x0  }
0x4f: {  	s31 =	sadd.s32 $0x1480, s25;
	[sflag:s20] =	ssyncadd.s32 $0xFFFFC000  }
0x50: {  	[spmem:s2] =	stream.indirect.scatter.add.f32 [tilespmem:s18], [sflag:$0x3], $0x80, s31, s16, $0xb8;
	[tilespmem:$0x1E400] =	vst v63  }
0x51: {  	_ =	swait.ge [sflag:s14], $0x4000  }
0x52: {  	[sflag:s14] =	ssyncset.done $0x0  }
0x53: {  	[sflag:s14] =	ssyncadd.s32 $0xFFFFC000  }
0x54: {  	[tilespmem:s18], [sflag:$0x2] =	stream.indirect.gather [hbm4b:s4+s16], $0x80, s21, s16, $0xb8;
	[tilespmem:$0x1E400] =	vst v63  }
0x55: {  	_ =	swait.ge [sflag:s19], $0x4000  }
0x56: {  	[sflag:s19] =	ssyncset.done $0x0  }
0x57: {  	[sflag:s19] =	ssyncadd.s32 $0xFFFFC000  }
0x58: {  	[spmem:s2] =	stream.indirect.scatter.add.f32 [tilespmem:s17], [sflag:$0x3], $0x80, s22, s16, $0xb8;
	[tilespmem:$0x1E400] =	vst v63  }
0x59: {  	_ =	swait.ge [sflag:s14], $0x4000  }
0x5a: {  	[sflag:s14] =	ssyncset.done $0x0  }
0x5b: {  	[sflag:s14] =	ssyncadd.s32 $0xFFFFC000  }
0x5c: {  	_ =	swait.ge [sflag:s20], $0x4000  }
0x5d: {  	[sflag:s20] =	ssyncset.done $0x0  }
0x5e: {  	[sflag:s20] =	ssyncadd.s32 $0xFFFFC000  }
0x5f: {  	[spmem:s2] =	stream.indirect.scatter.add.f32 [tilespmem:s18], [sflag:$0x3], $0x80, s23, s16, $0xb8;
	[tilespmem:$0x1E400] =	vst v63  }
0x60: {  	_ =	swait.ge [sflag:s14], $0x4000  }
0x61: {  	[sflag:s14] =	ssyncset.done $0x0  }
0x62: {  	s26 =	simm.s32 $0x0;
	[sflag:s14] =	ssyncadd.s32 $0xFFFFC000  }
0x63: {  	[tilespmem:s26], [sflag:$0x3] =	stream.linear.gather [hbm4b:s9+s26], $0x1400, $0x38;
	[tilespmem:$0x1E400] =	vst v63  }
0x64: {  	_ =	swait.ge [sflag:s14], $0x1400  }
0x65: {  	[sflag:s14] =	ssyncset.done $0x0  }
0x66: {  	[sflag:s14] =	ssyncadd.s32 $0xFFFFEC00  }
0x67: {  	[tilespmem:s15], [sflag:$0x3] =	stream.linear.gather [hbm4b:s10+s26], $0x1400, $0x38;
	[tilespmem:$0x1E400] =	vst v63  }
0x68: {  	_ =	swait.ge [sflag:s14], $0x1400  }
0x69: {  	[sflag:s14] =	ssyncset.done $0x0  }
0x6a: {  	[sflag:s14] =	ssyncadd.s32 $0xFFFFEC00  }
0x6b: {  	[tilespmem:s17], [sflag:$0x1] =	stream.indirect.gather [hbm4b:s4+s16], $0x80, s26, s16, $0xb8;
	[tilespmem:$0x1E400] =	vst v63  }
0x6c: {  	s28 =	simm.s32 $0x80  }
0x6d: {  	[tilespmem:s18], [sflag:$0x2] =	stream.indirect.gather [hbm4b:s4+s16], $0x80, s28, s16, $0xb8;
	[tilespmem:$0x1E400] =	vst v63  }
0x6e: {  	_ =	swait.ge [sflag:s19], $0x4000  }
0x6f: {  	[sflag:s19] =	ssyncset.done $0x0  }
0x70: {  	s29 =	simm.s32 $0x1400;
	[sflag:s19] =	ssyncadd.s32 $0xFFFFC000  }
0x71: {  	[spmem:s2] =	stream.indirect.scatter.add.f32 [tilespmem:s17], [sflag:$0x3], $0x80, s29, s16, $0xb8;
	[tilespmem:$0x1E400] =	vst v63  }
0x72: {  	_ =	swait.ge [sflag:s14], $0x4000  }
0x73: {  	[sflag:s14] =	ssyncset.done $0x0  }
0x74: {  	s30 =	simm.s32 $0x100;
	[sflag:s14] =	ssyncadd.s32 $0xFFFFC000  }
0x75: {  	[tilespmem:s17], [sflag:$0x1] =	stream.indirect.gather [hbm4b:s4+s16], $0x80, s30, s16, $0xb8;
	[tilespmem:$0x1E400] =	vst v63  }
0x76: {  	_ =	swait.ge [sflag:s20], $0x4000  }
0x77: {  	[sflag:s20] =	ssyncset.done $0x0  }
0x78: {  	s31 =	simm.s32 $0x1480;
	[sflag:s20] =	ssyncadd.s32 $0xFFFFC000  }
0x79: {  	[spmem:s2] =	stream.indirect.scatter.add.f32 [tilespmem:s18], [sflag:$0x3], $0x80, s31, s16, $0xb8;
	[tilespmem:$0x1E400] =	vst v63  }
0x7a: {  	_ =	swait.ge [sflag:s14], $0x4000  }
0x7b: {  	s25 =	simm.s32 $0x100;
	s26 =	simm.s32 $0x800;
	[sflag:s14] =	ssyncset.done $0x0  }
.LBB2_4:
0x7c: {  	s28 =	sadd.s32 $0x80, s25  }
0x7d: {  	[sflag:s14] =	ssyncadd.s32 $0xFFFFC000;
	s29 =	smov.u32 s26;
	s30 =	sadd.s32 $0x400, s26  }
0x7e: {  	[tilespmem:s18], [sflag:$0x2] =	stream.indirect.gather [hbm4b:s4+s16], $0x80, s28, s16, $0xb8;
	[tilespmem:$0x1E400] =	vst v63  }
0x7f: {  	p0 =	sne.s32 s26, $0x4800;
	_ =	swait.ge [sflag:s19], $0x4000  }
0x80: {  	[sflag:s19] =	ssyncset.done $0x0  }
0x81: {  	s26 =	sadd.s32 $0x1400, s25;
	[sflag:s19] =	ssyncadd.s32 $0xFFFFC000  }
0x82: {  	[spmem:s2] =	stream.indirect.scatter.add.f32 [tilespmem:s17], [sflag:$0x3], $0x80, s26, s16, $0xb8;
	[tilespmem:$0x1E400] =	vst v63  }
0x83: {  	_ =	swait.ge [sflag:s14], $0x4000  }
0x84: {  	[sflag:s14] =	ssyncset.done $0x0  }
0x85: {  	s26 =	sadd.s32 $0x100, s25;
	[sflag:s14] =	ssyncadd.s32 $0xFFFFC000  }
0x86: {  	[tilespmem:s17], [sflag:$0x1] =	stream.indirect.gather [hbm4b:s4+s16], $0x80, s26, s16, $0xb8;
	[tilespmem:$0x1E400] =	vst v63  }
0x87: {  	_ =	swait.ge [sflag:s20], $0x4000  }
.Ltmp1:
0x88: {  	[sflag:s20] =	ssyncset.done $0x0;
	(pc) =	sbr.rel @p0 .LBB2_4-.Ltmp1, $4  }
0x89: {  	s25 =	sadd.s32 $0x1480, s25;
	[sflag:s20] =	ssyncadd.s32 $0xFFFFC000  }
0x8a: {  	[spmem:s2] =	stream.indirect.scatter.add.f32 [tilespmem:s18], [sflag:$0x3], $0x80, s25, s16, $0xb8;
	[tilespmem:$0x1E400] =	vst v63  }
0x8b: {  	_ =	swait.ge [sflag:s14], $0x4000  }
0x8c: {  	s26 =	smov.u32 s30;
	s25 =	sshra.s32 s29, $0x2;
	[sflag:s14] =	ssyncset.done $0x0  }
0x8d: {  	s26 =	sadd.s32 $0x80, s25;
	[sflag:s14] =	ssyncadd.s32 $0xFFFFC000  }
0x8e: {  	[tilespmem:s18], [sflag:$0x2] =	stream.indirect.gather [hbm4b:s4+s16], $0x80, s26, s16, $0xb8;
	[tilespmem:$0x1E400] =	vst v63  }
0x8f: {  	_ =	swait.ge [sflag:s19], $0x4000  }
0x90: {  	[sflag:s19] =	ssyncset.done $0x0  }
0x91: {  	s29 =	sadd.s32 $0x1400, s25;
	[sflag:s19] =	ssyncadd.s32 $0xFFFFC000  }
0x92: {  	[spmem:s2] =	stream.indirect.scatter.add.f32 [tilespmem:s17], [sflag:$0x3], $0x80, s29, s16, $0xb8;
	[tilespmem:$0x1E400] =	vst v63  }
0x93: {  	_ =	swait.ge [sflag:s14], $0x4000  }
0x94: {  	[sflag:s14] =	ssyncset.done $0x0  }
0x95: {  	s30 =	sadd.s32 $0x100, s25;
	[sflag:s14] =	ssyncadd.s32 $0xFFFFC000  }
0x96: {  	[tilespmem:s17], [sflag:$0x1] =	stream.indirect.gather [hbm4b:s4+s16], $0x80, s30, s16, $0xb8;
	[tilespmem:$0x1E400] =	vst v63  }
0x97: {  	_ =	swait.ge [sflag:s20], $0x4000  }
0x98: {  	[sflag:s20] =	ssyncset.done $0x0  }
0x99: {  	s31 =	sadd.s32 $0x1480, s25;
	[sflag:s20] =	ssyncadd.s32 $0xFFFFC000  }
0x9a: {  	[spmem:s2] =	stream.indirect.scatter.add.f32 [tilespmem:s18], [sflag:$0x3], $0x80, s31, s16, $0xb8;
	[tilespmem:$0x1E400] =	vst v63  }
0x9b: {  	_ =	swait.ge [sflag:s14], $0x4000  }
0x9c: {  	[sflag:s14] =	ssyncset.done $0x0  }
0x9d: {  	[sflag:s14] =	ssyncadd.s32 $0xFFFFC000  }
0x9e: {  	[tilespmem:s18], [sflag:$0x2] =	stream.indirect.gather [hbm4b:s4+s16], $0x80, s21, s16, $0xb8;
	[tilespmem:$0x1E400] =	vst v63  }
0x9f: {  	_ =	swait.ge [sflag:s19], $0x4000  }
0xa0: {  	[sflag:s19] =	ssyncset.done $0x0  }
0xa1: {  	[sflag:s19] =	ssyncadd.s32 $0xFFFFC000  }
0xa2: {  	[spmem:s2] =	stream.indirect.scatter.add.f32 [tilespmem:s17], [sflag:$0x3], $0x80, s22, s16, $0xb8;
	[tilespmem:$0x1E400] =	vst v63  }
0xa3: {  	_ =	swait.ge [sflag:s14], $0x4000  }
0xa4: {  	[sflag:s14] =	ssyncset.done $0x0  }
0xa5: {  	[sflag:s14] =	ssyncadd.s32 $0xFFFFC000  }
0xa6: {  	_ =	swait.ge [sflag:s20], $0x4000  }
0xa7: {  	[sflag:s20] =	ssyncset.done $0x0  }
0xa8: {  	[sflag:s20] =	ssyncadd.s32 $0xFFFFC000  }
0xa9: {  	[spmem:s2] =	stream.indirect.scatter.add.f32 [tilespmem:s18], [sflag:$0x3], $0x80, s23, s16, $0xb8;
	[tilespmem:$0x1E400] =	vst v63  }
0xaa: {  	_ =	swait.ge [sflag:s14], $0x4000  }
0xab: {  	s24 =	sadd.s32 $0x1, s24;
	[sflag:s14] =	ssyncset.done $0x0  }
0xac: {  	p0 =	sne.s32 s24, s12;
	[sflag:s14] =	ssyncadd.s32 $0xFFFFC000  }
.Ltmp2:
0xad: {  	[bflag:$0x0] =	sbarrier.arrive $0xFFFF;
	(pc) =	sbr.rel @p0 .LBB2_1-.Ltmp2, $4  }
0xae: {  	[hbm:s11], [sflag:s6] =	dma.local [spmem:s13], $0x2780  }
0xaf: {  	_ =	swait.ge [sflag:s14], $0x2780  }
0xb0: {  	[sflag:s14] =	ssyncset.done $0x0  }
0xb1: {  	[sflag:s14] =	ssyncadd.s32 $0xFFFFD880  }
0xb2: {  	_ =	sfence.sel $0x180000  }
0xb3: {  	[bflag:$0x0] =	sbarrier.arrive $0xFFFF  }
0xb4: {  	p0 =	sne.s32 s1, $0x0;
	_ =	strace $0x9000004A  }
0xb5: {  	s0 =	sadd.s32 @!p0 $0x100000, s0;
	[bflag:$0x2] =	sbarrier.arrive $0xFFFF  }
0xb6: {  	[sflag:s0] =	ssyncadd.tile.s32 @!p0 $0x1;
	_ =	shalt  }
.Lfunc_end2:
_tile_overlayer_lowered:
.L_overlay_start_2:
0xb7: {  	(tag) =	ssettag $0x2  }
0xb8: {  	s0 =	rddreg [dreg:$0x0];
	s2 =	stileid.u32  }
0xb9: {  	s1 =	rddreg [dreg:$0x1];
	p0 =	sne.s32 s2, $0x0  }
0xba: {  	s3 =	rddreg [dreg:$0x2];
	[bflag:$0x3] =	sbarrier.arrive $0xFFFF;
	s2 =	simm.s32 @!p0 $0x1C03  }
0xbb: {  	[timem:s3], [sflag:s2] =	dma.local @!p0 [hbm:s0], s1  }
0xbc: {  	s0 =	simm.s32 @!p0 $0x3  }
0xbd: {  	_ =	swait.ge @!p0 [sflag:s0], s1  }
0xbe: {  	s1 =	ssub.s32 @!p0 $0x0, s1;
	[sflag:s0] =	ssyncset.done @!p0 $0x0  }
0xbf: {  	[sflag:s0] =	ssyncadd.s32 @!p0 s1  }
0xc0: {  	[bflag:$0x3] =	sbarrier.arrive $0xFFFF  }
0xc1: {  	_ =	shalt  }

// kernel: kernel.20.cloned.1.call-start
scs
__scs_entry_jumppad:
0x0: {  	(pc) =	sbr.rel $0x88, $3  }
0x1: {  	(tag) =	ssettag $0x0;
	lr =	simm.s32 $0x1  }
0x2: {  	[smem:$0x3F87] =	sst lr;
	_ =	strace $0xD0000000  }
0x3: {  	_ = 	snop  }
0x4: {  	_ = 	snop  }
0x5: {  	_ = 	snop  }
0x6: {  	_ = 	snop  }
0x7: {  	_ = 	snop  }
__scs_overlays_trampoline_lowered:
0x8: {  	[smem:$0x3F96] =	sst s0  }
0x9: {  	[smem:$0x3F97] =	sst s1  }
0xa: {  	[smem:$0x3F98] =	sst s2  }
0xb: {  	[smem:$0x3F99] =	sst s3  }
0xc: {  	[smem:$0x3F9A] =	sst s4  }
0xd: {  	[smem:$0x3F9B] =	sst s5  }
0xe: {  	[smem:$0x3F9C] =	sst s6  }
0xf: {  	[smem:$0x3F9D] =	sst s7  }
0x10: {  	[smem:$0x3F9E] =	sst s8  }
0x11: {  	[smem:$0x3F9F] =	sst s9;
	s0 =	simm.s32 @!p0 $0x0  }
0x12: {  	s1 =	sld [smem:$0x3F85];
	s0 =	simm.s32 @p0 $0x1  }
0x13: {  	[smem:$0x3FA0] =	sst s0;
	s0 =	simm.s32 @!p1 $0x0  }
0x14: {  	s2 =	sld [smem:$0x3F84];
	s0 =	simm.s32 @p1 $0x1  }
0x15: {  	[smem:$0x3FA1] =	sst s0;
	s0 =	simm.s32 @!p2 $0x0  }
0x16: {  	s3 =	sld [smem:$0x3FDB];
	s0 =	simm.s32 @p2 $0x1  }
0x17: {  	s4 =	simm.s32 $0x1BF5;
	[smem:$0x3FA3] =	sst s0  }
0x18: {  	s0 =	sld [smem:$0x3F86];
	_ =	swait.ge [sflag:s4], $0x0  }
0x19: {  	s7 =	sld [smem:$0x3F87]  }
0x1a: {  	s8 =	sadd.s32 $0xFFFFE003, lr  }
0x1b: {  	s9 =	sadd.s32 $0xFFFFFEF7, lr;
	s5 =	simm.s32 $0xFFFFFFFF;
	p2 =	slt.u32 s8, $0xFFFFF086  }
0x1c: {  	p1 =	slt.u32 s9, $0xF7A;
	s5 =	simm.s32 @!p2 $0x0  }
0x1d: {  	s5 =	simm.s32 @p1 $0x1;
	p0 =	seq.s32 s7, s2  }
0x1e: {  	s7 =	smul.u32 @!p0 $0xF7A, s2;
	p2 =	seq.s32 @!p0 s5, $0x0  }
0x1f: {  	s9 =	smul.u32 $0xF7A, s1;
	s8 =	simm.s32 @!p0 $0x1BF5;
	p2 =	por !p2, p0  }
0x20: {  	[sflag:s8] =	ssyncset.s32 @!p0 $0xFFFFF086;
	s6 =	sadd.s32 @!p0 s3, s7;
	s7 =	simm.s32 @!p0 $0x108  }
0x21: {  	s3 =	sadd.s32 s3, s9;
	s6 =	sadd.s32 @!p0 $0x88, s6;
	s7 =	simm.s32 @p2 $0x1082  }
0x22: {  	[simem:s7], [sflag:s8] =	dma.local @!p0 [hbm:s6], $0xF7A  }
0x23: {  	s9 =	sor.u32 $0xD0000000, s2;
	s6 =	simm.s32 $0x108;
	_ =	swait.ge @!p0 [sflag:s8], $0x0  }
0x24: {  	s3 =	sadd.s32 $0x88, s3;
	s6 =	simm.s32 @!p1 $0x1082;
	[sflag:s4] =	ssyncset.s32 $0xFFFFF086  }
0x25: {  	[simem:s6], [sflag:s4] =	dma.local [hbm:s3], $0xF7A  }
0x26: {  	[smem:$0x3F87] =	sst s1;
	(tag) =	ssettag s2;
	_ =	strace s9  }
0x27: {  	s1 =	sld [smem:$0x3F97]  }
0x28: {  	s2 =	sld [smem:$0x3F98]  }
0x29: {  	s4 =	sld [smem:$0x3F9A]  }
0x2a: {  	p0 =	seq.s32 s5, $0x0;
	s5 =	sld [smem:$0x3F9B]  }
0x2b: {  	s6 =	sld [smem:$0x3F9C]  }
0x2c: {  	s7 =	sld [smem:$0x3F9D]  }
0x2d: {  	s3 =	simm.s32 $0x108;
	s8 =	sld [smem:$0x3F9E]  }
0x2e: {  	s3 =	simm.s32 @!p0 $0x1082;
	s9 =	sld [smem:$0x3F9F]  }
0x2f: {  	lr =	sadd.s32 s0, s3;
	s0 =	sld [smem:$0x3F96]  }
0x30: {  	s3 =	sld [smem:$0x3F99]  }
0x31: {  	[smem:$0x3FA2] =	sst s10  }
0x32: {  	s10 =	sld [smem:$0x3FA0];
	_ =	sdelay $0x3  }
0x33: {  	p0 =	seq.s32 s10, $0x1;
	s10 =	sld [smem:$0x3FA2];
	_ =	sdelay $0x3  }
0x34: {  	[smem:$0x3FA2] =	sst s10  }
0x35: {  	s10 =	sld [smem:$0x3FA1];
	_ =	sdelay $0x3  }
0x36: {  	p1 =	seq.s32 s10, $0x1;
	s10 =	sld [smem:$0x3FA2];
	_ =	sdelay $0x3  }
0x37: {  	[smem:$0x3FA2] =	sst s10  }
0x38: {  	s10 =	sld [smem:$0x3FA3]  }
0x39: {  	_ = 	snop;
	(pc) =	sbr.ind lr, $3  }
0x3a: {  	_ = 	snop  }
0x3b: {  	_ = 	snop  }
0x3c: {  	p2 =	seq.s32 s10, $0x1;
	s10 =	sld [smem:$0x3FA2]  }
0x3d: {  	_ =	shalt  }
0x3e: {  	_ =	shalt  }
0x3f: {  	_ =	shalt  }
0x40: {  	_ =	shalt  }
0x41: {  	_ =	shalt  }
0x42: {  	_ =	shalt  }
0x43: {  	_ =	shalt  }
0x44: {  	_ =	shalt  }
0x45: {  	_ =	shalt  }
0x46: {  	_ =	shalt  }
0x47: {  	_ =	shalt  }
0x48: {  	_ =	shalt  }
0x49: {  	_ =	shalt  }
0x4a: {  	_ =	shalt  }
0x4b: {  	_ =	shalt  }
0x4c: {  	_ =	shalt  }
0x4d: {  	_ =	shalt  }
0x4e: {  	_ =	shalt  }
0x4f: {  	_ =	shalt  }
0x50: {  	_ =	shalt  }
0x51: {  	_ =	shalt  }
0x52: {  	_ =	shalt  }
0x53: {  	_ =	shalt  }
0x54: {  	_ =	shalt  }
0x55: {  	_ =	shalt  }
0x56: {  	_ =	shalt  }
0x57: {  	_ =	shalt  }
0x58: {  	_ =	shalt  }
0x59: {  	_ =	shalt  }
0x5a: {  	_ =	shalt  }
0x5b: {  	_ =	shalt  }
0x5c: {  	_ =	shalt  }
0x5d: {  	_ =	shalt  }
0x5e: {  	_ =	shalt  }
0x5f: {  	_ =	shalt  }
0x60: {  	_ =	shalt  }
0x61: {  	_ =	shalt  }
0x62: {  	_ =	shalt  }
0x63: {  	_ =	shalt  }
0x64: {  	_ =	shalt  }
0x65: {  	_ =	shalt  }
0x66: {  	_ =	shalt  }
0x67: {  	_ =	shalt  }
0x68: {  	_ =	shalt  }
0x69: {  	_ =	shalt  }
0x6a: {  	_ =	shalt  }
0x6b: {  	_ =	shalt  }
0x6c: {  	_ =	shalt  }
0x6d: {  	_ =	shalt  }
0x6e: {  	_ =	shalt  }
0x6f: {  	_ =	shalt  }
0x70: {  	_ =	shalt  }
0x71: {  	_ =	shalt  }
0x72: {  	_ =	shalt  }
0x73: {  	_ =	shalt  }
0x74: {  	_ =	shalt  }
0x75: {  	_ =	shalt  }
0x76: {  	_ =	shalt  }
0x77: {  	_ =	shalt  }
0x78: {  	_ =	shalt  }
0x79: {  	_ =	shalt  }
0x7a: {  	_ =	shalt  }
0x7b: {  	_ =	shalt  }
0x7c: {  	_ =	shalt  }
0x7d: {  	_ =	shalt  }
0x7e: {  	_ =	shalt  }
0x7f: {  	_ =	shalt  }
0x80: {  	_ =	shalt  }
0x81: {  	_ =	shalt  }
0x82: {  	_ =	shalt  }
0x83: {  	_ =	shalt  }
0x84: {  	_ =	shalt  }
0x85: {  	_ =	shalt  }
0x86: {  	_ =	shalt  }
0x87: {  	_ =	shalt  }
.Lfunc_end0:
.L_simem_size_0:
called_computation.2_lowered:
.L_overlay_start_0:
0x88: {  	s2 =	sld [smem:$0x3FD9]  }
0x89: {  	s3 =	sld [smem:$0x3FFE];
	_ =	sdelay $0x1  }
0x8a: {  	s1 =	srdreg.scid  }
0x8b: {  	s0 =	sand.u32 $0x1, s1  }
0x8c: {  	s16 =	sshll.u32 s0, $0xA;
	s2 =	sadd.s32 s3, s2  }
0x8d: {  	s2 =	sadd.s32 s2, s16  }
0x8e: {  	[smem:$0x3FAE] =	sst s2  }
0x8f: {  	_ = 	snop  }
0x90: {  	(tm) =	ssettm $0x1  }
0x91: {  	s17 =	sld [smem:$0x3FFB];
	_ =	sdelay $0x3  }
0x92: {  	_ =	strace s17  }
0x93: {  	s2 =	sld [smem:$0x3FFC];
	_ =	sdelay $0x3  }
0x94: {  	_ =	strace s2  }
0x95: {  	s2 =	sld [smem:$0x3FFD];
	_ =	sdelay $0x3  }
0x96: {  	_ =	strace s2  }
0x97: {  	_ =	strace $0x8FFFFFFF  }
0x98: {  	s18 =	sld [smem:$0x3FDB];
	_ =	sdelay $0x1  }
0x99: {  	s19 =	simm.s32 $_scs_section_size  }
0x9a: {  	s4 =	simm.s32 $_size__tile_overlayer_lowered;
	s5 =	simm.s32 $_tile_overlayer_lowered  }
0x9b: {  	s22 =	simm.s32 $0x1BFF;
	s21 =	sshll.u32 s5, $0x1;
	s2 =	sadd.s32 s19, s18  }
0x9c: {  	s6 =	simm.s32 $0x0;
	s20 =	sshll.u32 s4, $0x1;
	s4 =	sadd.s32 s21, s2  }
0x9d: {  	[timem:s6], [sflag:s22] =	dma.local [hbm:s4], s20  }
0x9e: {  	_ =	swait.ge [sflag:s22], s20  }
0x9f: {  	s3 =	ssub.s32 $0x0, s20;
	[sflag:s22] =	ssyncset.done $0x0  }
0xa0: {  	[sflag:s22] =	ssyncadd.s32 s3;
	_ =	sdelay $0x1  }
0xa1: {  	s23 =	simm.s32 $0x1B8B  }
0xa2: {  	_ =	swait.ge [sflag:s23], $0x1  }
0xa3: {  	[sflag:s23] =	ssyncset.done $0x0  }
0xa4: {  	s25 =	simm.s32 $0x1B8E;
	s24 =	sld [smem:$0x3FFE];
	[sflag:s23] =	ssyncadd.s32 $0xFFFFFFFF  }
0xa5: {  	s26 =	simm.s32 $execute0_lowered;
	[smem:$0x3FD2] =	sst s25  }
0xa6: {  	s4 =	sshll.u32 s26, $0x1;
	_ =	strace $0x8000004C;
	[dreg:$0x1] =	wrdreg $0xFFFFFFFF  }
0xa7: {  	s28 =	simm.s32 $_size_execute0_lowered;
	s2 =	sadd.s32 s2, s4;
	[dreg:$0x0] =	wrdreg $0x0  }
0xa8: {  	s4 =	sshll.u32 s28, $0x1;
	[dreg:$0x2] =	wrdreg s2  }
0xa9: {  	[dreg:$0x3] =	wrdreg s4  }
0xaa: {  	[dreg:$0x4] =	wrdreg $0xC0  }
0xab: {  	_ =	task [dreg:s6], $0x5FFFF  }
0xac: {  	[dreg:$0x1] =	wrdreg $0xFFFFFFFF  }
0xad: {  	[dreg:$0x0] =	wrdreg $0x60  }
0xae: {  	[dreg:$0x2] =	wrdreg s24  }
0xaf: {  	[dreg:$0x3] =	wrdreg $0xA8000  }
0xb0: {  	[dreg:$0x4] =	wrdreg $0x9  }
0xb1: {  	_ =	task.clear_ibuf [dreg:s6], $0x5FFFF;
	_ =	strace $0x9000004C  }
0xb2: {  	s29 =	simm.s32 $0x9;
	_ =	strace $0x8000004E  }
0xb3: {  	_ =	swait.ge [sflag:s29], $0x1  }
0xb4: {  	[sflag:s29] =	ssyncadd.s32 $0xFFFFFFFF  }
0xb5: {  	_ =	strace $0x9000004E  }
0xb6: {  	_ =	sfence  }
0xb7: {  	s30 =	sld [smem:$0x0];
	_ =	sdelay $0x2  }
0xb8: {  	s31 =	sshll.u32 s1, $0xD;
	s1 =	sshrl.u32 s1, $0x2  }
0xb9: {  	s3 =	sand.u32 $0x4000, s31;
	s1 =	sadd.s32 s1, s30  }
0xba: {  	s0 =	sor.u32 s3, s0;
	s1 =	sshll.u32 s1, $0x11  }
0xbb: {  	s0 =	sor.u32 s1, s0  }
0xbc: {  	s0 =	sadd.s32 $0x8F2B, s0  }
0xbd: {  	[sflag:s0] =	ssyncadd.remote.s32 $0x1  }
0xbe: {  	_ =	sfence.sel $0xFFFF  }
0xbf: {  	[dreg:$0x0] =	wrdreg $0xFFFFFFFF;
	(pc) =	sbr.abs _section_cstart, $3  }
0xc0: {  	[dreg:$0x1] =	wrdreg $0xFFFFFFFF  }
0xc1: {  	_ =	task.clear_ibuf [dreg:s6], $0x2FFFF;
	_ =	strace $0x9FFFFFFF  }
0xc2: {  	(tm) =	ssettm $0x7FFFFFFF  }
0xc3: {  	_ =	shalt  }
tec
execute0_lowered:
.L_overlay_start_1:
0x0: {  	(tag) =	ssettag $0x1  }
0x1: {  	s5 =	rddreg [dreg:$0x0]  }
0x2: {  	s2 =	rddreg [dreg:$0x1]  }
0x3: {  	s0 =	rddreg [dreg:$0x2];
	s3 =	simm.s32 $0x0  }
0x4: {  	s1 =	stileid.u32;
	s4 =	srdreg.scid;
	s17 =	simm.s32 $0x2800  }
0x5: {  	s18 =	simm.s32 $0x6800;
	s19 =	simm.s32 $0x1;
	s20 =	simm.s32 $0x2  }
0x6: {  	s21 =	simm.s32 $0x1380;
	s22 =	simm.s32 $0x2700;
	s23 =	simm.s32 $0x2780  }
0x7: {  	s24 =	simm.s32 $0x0;
	[smem:$0x7FF] =	sst s3;
	s6 =	smul.u32 $0x13C00, s1  }
0x8: {  	s7 =	sand.u32 $0x1, s4;
	s4 =	sadd.s32 $0x42600, s5;
	s10 =	sadd.s32 $0x10E00, s5  }
0x9: {  	s11 =	sadd.s32 $0x6E00, s5;
	s12 =	smul.u32 $0x4F000, s1;
	s29 =	sshll.u32 s1, $0x6  }
0xa: {  	s9 =	smul.u32 $0x13C000, s7;
	s28 =	sshll.u32 s7, $0x4;
	s7 =	ssub.s32 $0x2, s7  }
0xb: {  	_ =	strace $0x8000004D;
	s8 =	sshrl.u32 s6, $0x3;
	s13 =	sshrl.u32 s7, $0x1  }
0xc: {  	s12 =	sshrl.u32 s12, $0x2;
	s6 =	sadd.s32 s6, s9;
	s9 =	sor.u32 s1, s28  }
0xd: {  	s8 =	sadd.s32 s8, s5;
	s13 =	ssub.s32 s7, s13;
	s14 =	smul.u32 $0x2800, s9  }
0xe: {  	s16 =	sadd.s32 s12, s2;
	s6 =	sshrl.u32 s6, $0x3;
	s9 =	smul.u32 $0x500, s9  }
0xf: {  	s12 =	smax.u32 s13, $0x1;
	s13 =	sshrl.u32 s16, $0x3;
	s16 =	simm.s32 $0x80  }
0x10: {  	s15 =	sadd.s32 s6, s5;
	s5 =	sadd.s32 $0x1AE00, s8;
	s30 =	sshrl.u32 s14, $0x3  }
0x11: {  	s6 =	sor.u32 $0x1C03, s29;
	s7 =	sadd.s32 s10, s9;
	s31 =	sadd.s32 $0x280, s30  }
0x12: {  	s8 =	sadd.s32 s11, s9;
	s14 =	simm.s32 $0x3;
	s9 =	sadd.s32 s10, s31  }
0x13: {  	s10 =	sadd.s32 s11, s31;
	s11 =	sadd.s32 $0x90A00, s15;
	s15 =	simm.s32 $0x1400  }
.LBB2_1:
0x14: {  	[spmem:s13], [sflag:s6] =	dma.local [hbm:s5], $0x2780  }
0x15: {  	_ =	swait.ge [sflag:s14], $0x2780  }
0x16: {  	[sflag:s14] =	ssyncset.done $0x0  }
0x17: {  	[sflag:s14] =	ssyncadd.s32 $0xFFFFD880  }
0x18: {  	[bflag:$0x0] =	sbarrier.arrive $0xFFFF  }
0x19: {  	[tilespmem:s3], [sflag:$0x3] =	stream.linear.gather [hbm4b:s7+s3], $0x1400, $0x38;
	[tilespmem:$0x1E400] =	vst v63  }
0x1a: {  	_ =	swait.ge [sflag:s14], $0x1400  }
0x1b: {  	[sflag:s14] =	ssyncset.done $0x0  }
0x1c: {  	[sflag:s14] =	ssyncadd.s32 $0xFFFFEC00  }
0x1d: {  	[tilespmem:s15], [sflag:$0x3] =	stream.linear.gather [hbm4b:s8+s3], $0x1400, $0x38;
	[tilespmem:$0x1E400] =	vst v63  }
0x1e: {  	_ =	swait.ge [sflag:s14], $0x1400  }
0x1f: {  	[sflag:s14] =	ssyncset.done $0x0  }
0x20: {  	[sflag:s14] =	ssyncadd.s32 $0xFFFFEC00  }
0x21: {  	[tilespmem:s17], [sflag:$0x1] =	stream.indirect.gather [hbm4b:s4+s16], $0x80, s3, s16, $0xb8;
	[tilespmem:$0x1E400] =	vst v63  }
0x22: {  	s25 =	simm.s32 $0x80  }
0x23: {  	[tilespmem:s18], [sflag:$0x2] =	stream.indirect.gather [hbm4b:s4+s16], $0x80, s25, s16, $0xb8;
	[tilespmem:$0x1E400] =	vst v63  }
0x24: {  	_ =	swait.ge [sflag:s19], $0x4000  }
0x25: {  	[sflag:s19] =	ssyncset.done $0x0  }
0x26: {  	s29 =	simm.s32 $0x1400;
	[sflag:s19] =	ssyncadd.s32 $0xFFFFC000  }
0x27: {  	[spmem:s2] =	stream.indirect.scatter.add.f32 [tilespmem:s17], [sflag:$0x3], $0x80, s29, s16, $0xb8;
	[tilespmem:$0x1E400] =	vst v63  }
0x28: {  	_ =	swait.ge [sflag:s14], $0x4000  }
0x29: {  	[sflag:s14] =	ssyncset.done $0x0  }
0x2a: {  	s30 =	simm.s32 $0x100;
	[sflag:s14] =	ssyncadd.s32 $0xFFFFC000  }
0x2b: {  	[tilespmem:s17], [sflag:$0x1] =	stream.indirect.gather [hbm4b:s4+s16], $0x80, s30, s16, $0xb8;
	[tilespmem:$0x1E400] =	vst v63  }
0x2c: {  	_ =	swait.ge [sflag:s20], $0x4000  }
0x2d: {  	[sflag:s20] =	ssyncset.done $0x0  }
0x2e: {  	s31 =	simm.s32 $0x1480;
	[sflag:s20] =	ssyncadd.s32 $0xFFFFC000  }
0x2f: {  	[spmem:s2] =	stream.indirect.scatter.add.f32 [tilespmem:s18], [sflag:$0x3], $0x80, s31, s16, $0xb8;
	[tilespmem:$0x1E400] =	vst v63  }
0x30: {  	_ =	swait.ge [sflag:s14], $0x4000  }
0x31: {  	s26 =	simm.s32 $0x800;
	s25 =	simm.s32 $0x100;
	[sflag:s14] =	ssyncset.done $0x0  }
.LBB2_2:
0x32: {  	s28 =	sadd.s32 $0x80, s25  }
0x33: {  	[sflag:s14] =	ssyncadd.s32 $0xFFFFC000;
	s29 =	smov.u32 s26;
	s30 =	sadd.s32 $0x400, s26  }
0x34: {  	[tilespmem:s18], [sflag:$0x2] =	stream.indirect.gather [hbm4b:s4+s16], $0x80, s28, s16, $0xb8;
	[tilespmem:$0x1E400] =	vst v63  }
0x35: {  	p0 =	sne.s32 s26, $0x4800;
	_ =	swait.ge [sflag:s19], $0x4000  }
0x36: {  	[sflag:s19] =	ssyncset.done $0x0  }
0x37: {  	s26 =	sadd.s32 $0x1400, s25;
	[sflag:s19] =	ssyncadd.s32 $0xFFFFC000  }
0x38: {  	[spmem:s2] =	stream.indirect.scatter.add.f32 [tilespmem:s17], [sflag:$0x3], $0x80, s26, s16, $0xb8;
	[tilespmem:$0x1E400] =	vst v63  }
0x39: {  	_ =	swait.ge [sflag:s14], $0x4000  }
0x3a: {  	[sflag:s14] =	ssyncset.done $0x0  }
0x3b: {  	s26 =	sadd.s32 $0x100, s25;
	[sflag:s14] =	ssyncadd.s32 $0xFFFFC000  }
0x3c: {  	[tilespmem:s17], [sflag:$0x1] =	stream.indirect.gather [hbm4b:s4+s16], $0x80, s26, s16, $0xb8;
	[tilespmem:$0x1E400] =	vst v63  }
0x3d: {  	_ =	swait.ge [sflag:s20], $0x4000  }
.Ltmp0:
0x3e: {  	[sflag:s20] =	ssyncset.done $0x0;
	(pc) =	sbr.rel @p0 .LBB2_2-.Ltmp0, $4  }
0x3f: {  	s25 =	sadd.s32 $0x1480, s25;
	[sflag:s20] =	ssyncadd.s32 $0xFFFFC000  }
0x40: {  	[spmem:s2] =	stream.indirect.scatter.add.f32 [tilespmem:s18], [sflag:$0x3], $0x80, s25, s16, $0xb8;
	[tilespmem:$0x1E400] =	vst v63  }
0x41: {  	_ =	swait.ge [sflag:s14], $0x4000  }
0x42: {  	s26 =	smov.u32 s30;
	s25 =	sshra.s32 s29, $0x2;
	[sflag:s14] =	ssyncset.done $0x0  }
0x43: {  	s26 =	sadd.s32 $0x80, s25;
	[sflag:s14] =	ssyncadd.s32 $0xFFFFC000  }
0x44: {  	[tilespmem:s18], [sflag:$0x2] =	stream.indirect.gather [hbm4b:s4+s16], $0x80, s26, s16, $0xb8;
	[tilespmem:$0x1E400] =	vst v63  }
0x45: {  	_ =	swait.ge [sflag:s19], $0x4000  }
0x46: {  	[sflag:s19] =	ssyncset.done $0x0  }
0x47: {  	s29 =	sadd.s32 $0x1400, s25;
	[sflag:s19] =	ssyncadd.s32 $0xFFFFC000  }
0x48: {  	[spmem:s2] =	stream.indirect.scatter.add.f32 [tilespmem:s17], [sflag:$0x3], $0x80, s29, s16, $0xb8;
	[tilespmem:$0x1E400] =	vst v63  }
0x49: {  	_ =	swait.ge [sflag:s14], $0x4000  }
0x4a: {  	[sflag:s14] =	ssyncset.done $0x0  }
0x4b: {  	s30 =	sadd.s32 $0x100, s25;
	[sflag:s14] =	ssyncadd.s32 $0xFFFFC000  }
0x4c: {  	[tilespmem:s17], [sflag:$0x1] =	stream.indirect.gather [hbm4b:s4+s16], $0x80, s30, s16, $0xb8;
	[tilespmem:$0x1E400] =	vst v63  }
0x4d: {  	_ =	swait.ge [sflag:s20], $0x4000  }
0x4e: {  	[sflag:s20] =	ssyncset.done $0x0  }
0x4f: {  	s31 =	sadd.s32 $0x1480, s25;
	[sflag:s20] =	ssyncadd.s32 $0xFFFFC000  }
0x50: {  	[spmem:s2] =	stream.indirect.scatter.add.f32 [tilespmem:s18], [sflag:$0x3], $0x80, s31, s16, $0xb8;
	[tilespmem:$0x1E400] =	vst v63  }
0x51: {  	_ =	swait.ge [sflag:s14], $0x4000  }
0x52: {  	[sflag:s14] =	ssyncset.done $0x0  }
0x53: {  	[sflag:s14] =	ssyncadd.s32 $0xFFFFC000  }
0x54: {  	[tilespmem:s18], [sflag:$0x2] =	stream.indirect.gather [hbm4b:s4+s16], $0x80, s21, s16, $0xb8;
	[tilespmem:$0x1E400] =	vst v63  }
0x55: {  	_ =	swait.ge [sflag:s19], $0x4000  }
0x56: {  	[sflag:s19] =	ssyncset.done $0x0  }
0x57: {  	[sflag:s19] =	ssyncadd.s32 $0xFFFFC000  }
0x58: {  	[spmem:s2] =	stream.indirect.scatter.add.f32 [tilespmem:s17], [sflag:$0x3], $0x80, s22, s16, $0xb8;
	[tilespmem:$0x1E400] =	vst v63  }
0x59: {  	_ =	swait.ge [sflag:s14], $0x4000  }
0x5a: {  	[sflag:s14] =	ssyncset.done $0x0  }
0x5b: {  	[sflag:s14] =	ssyncadd.s32 $0xFFFFC000  }
0x5c: {  	_ =	swait.ge [sflag:s20], $0x4000  }
0x5d: {  	[sflag:s20] =	ssyncset.done $0x0  }
0x5e: {  	[sflag:s20] =	ssyncadd.s32 $0xFFFFC000  }
0x5f: {  	[spmem:s2] =	stream.indirect.scatter.add.f32 [tilespmem:s18], [sflag:$0x3], $0x80, s23, s16, $0xb8;
	[tilespmem:$0x1E400] =	vst v63  }
0x60: {  	_ =	swait.ge [sflag:s14], $0x4000  }
0x61: {  	[sflag:s14] =	ssyncset.done $0x0  }
0x62: {  	s26 =	simm.s32 $0x0;
	[sflag:s14] =	ssyncadd.s32 $0xFFFFC000  }
0x63: {  	[tilespmem:s26], [sflag:$0x3] =	stream.linear.gather [hbm4b:s9+s26], $0x1400, $0x38;
	[tilespmem:$0x1E400] =	vst v63  }
0x64: {  	_ =	swait.ge [sflag:s14], $0x1400  }
0x65: {  	[sflag:s14] =	ssyncset.done $0x0  }
0x66: {  	[sflag:s14] =	ssyncadd.s32 $0xFFFFEC00  }
0x67: {  	[tilespmem:s15], [sflag:$0x3] =	stream.linear.gather [hbm4b:s10+s26], $0x1400, $0x38;
	[tilespmem:$0x1E400] =	vst v63  }
0x68: {  	_ =	swait.ge [sflag:s14], $0x1400  }
0x69: {  	[sflag:s14] =	ssyncset.done $0x0  }
0x6a: {  	[sflag:s14] =	ssyncadd.s32 $0xFFFFEC00  }
0x6b: {  	[tilespmem:s17], [sflag:$0x1] =	stream.indirect.gather [hbm4b:s4+s16], $0x80, s26, s16, $0xb8;
	[tilespmem:$0x1E400] =	vst v63  }
0x6c: {  	s28 =	simm.s32 $0x80  }
0x6d: {  	[tilespmem:s18], [sflag:$0x2] =	stream.indirect.gather [hbm4b:s4+s16], $0x80, s28, s16, $0xb8;
	[tilespmem:$0x1E400] =	vst v63  }
0x6e: {  	_ =	swait.ge [sflag:s19], $0x4000  }
0x6f: {  	[sflag:s19] =	ssyncset.done $0x0  }
0x70: {  	s29 =	simm.s32 $0x1400;
	[sflag:s19] =	ssyncadd.s32 $0xFFFFC000  }
0x71: {  	[spmem:s2] =	stream.indirect.scatter.add.f32 [tilespmem:s17], [sflag:$0x3], $0x80, s29, s16, $0xb8;
	[tilespmem:$0x1E400] =	vst v63  }
0x72: {  	_ =	swait.ge [sflag:s14], $0x4000  }
0x73: {  	[sflag:s14] =	ssyncset.done $0x0  }
0x74: {  	s30 =	simm.s32 $0x100;
	[sflag:s14] =	ssyncadd.s32 $0xFFFFC000  }
0x75: {  	[tilespmem:s17], [sflag:$0x1] =	stream.indirect.gather [hbm4b:s4+s16], $0x80, s30, s16, $0xb8;
	[tilespmem:$0x1E400] =	vst v63  }
0x76: {  	_ =	swait.ge [sflag:s20], $0x4000  }
0x77: {  	[sflag:s20] =	ssyncset.done $0x0  }
0x78: {  	s31 =	simm.s32 $0x1480;
	[sflag:s20] =	ssyncadd.s32 $0xFFFFC000  }
0x79: {  	[spmem:s2] =	stream.indirect.scatter.add.f32 [tilespmem:s18], [sflag:$0x3], $0x80, s31, s16, $0xb8;
	[tilespmem:$0x1E400] =	vst v63  }
0x7a: {  	_ =	swait.ge [sflag:s14], $0x4000  }
0x7b: {  	s25 =	simm.s32 $0x100;
	s26 =	simm.s32 $0x800;
	[sflag:s14] =	ssyncset.done $0x0  }
.LBB2_4:
0x7c: {  	s28 =	sadd.s32 $0x80, s25  }
0x7d: {  	[sflag:s14] =	ssyncadd.s32 $0xFFFFC000;
	s29 =	smov.u32 s26;
	s30 =	sadd.s32 $0x400, s26  }
0x7e: {  	[tilespmem:s18], [sflag:$0x2] =	stream.indirect.gather [hbm4b:s4+s16], $0x80, s28, s16, $0xb8;
	[tilespmem:$0x1E400] =	vst v63  }
0x7f: {  	p0 =	sne.s32 s26, $0x4800;
	_ =	swait.ge [sflag:s19], $0x4000  }
0x80: {  	[sflag:s19] =	ssyncset.done $0x0  }
0x81: {  	s26 =	sadd.s32 $0x1400, s25;
	[sflag:s19] =	ssyncadd.s32 $0xFFFFC000  }
0x82: {  	[spmem:s2] =	stream.indirect.scatter.add.f32 [tilespmem:s17], [sflag:$0x3], $0x80, s26, s16, $0xb8;
	[tilespmem:$0x1E400] =	vst v63  }
0x83: {  	_ =	swait.ge [sflag:s14], $0x4000  }
0x84: {  	[sflag:s14] =	ssyncset.done $0x0  }
0x85: {  	s26 =	sadd.s32 $0x100, s25;
	[sflag:s14] =	ssyncadd.s32 $0xFFFFC000  }
0x86: {  	[tilespmem:s17], [sflag:$0x1] =	stream.indirect.gather [hbm4b:s4+s16], $0x80, s26, s16, $0xb8;
	[tilespmem:$0x1E400] =	vst v63  }
0x87: {  	_ =	swait.ge [sflag:s20], $0x4000  }
.Ltmp1:
0x88: {  	[sflag:s20] =	ssyncset.done $0x0;
	(pc) =	sbr.rel @p0 .LBB2_4-.Ltmp1, $4  }
0x89: {  	s25 =	sadd.s32 $0x1480, s25;
	[sflag:s20] =	ssyncadd.s32 $0xFFFFC000  }
0x8a: {  	[spmem:s2] =	stream.indirect.scatter.add.f32 [tilespmem:s18], [sflag:$0x3], $0x80, s25, s16, $0xb8;
	[tilespmem:$0x1E400] =	vst v63  }
0x8b: {  	_ =	swait.ge [sflag:s14], $0x4000  }
0x8c: {  	s26 =	smov.u32 s30;
	s25 =	sshra.s32 s29, $0x2;
	[sflag:s14] =	ssyncset.done $0x0  }
0x8d: {  	s26 =	sadd.s32 $0x80, s25;
	[sflag:s14] =	ssyncadd.s32 $0xFFFFC000  }
0x8e: {  	[tilespmem:s18], [sflag:$0x2] =	stream.indirect.gather [hbm4b:s4+s16], $0x80, s26, s16, $0xb8;
	[tilespmem:$0x1E400] =	vst v63  }
0x8f: {  	_ =	swait.ge [sflag:s19], $0x4000  }
0x90: {  	[sflag:s19] =	ssyncset.done $0x0  }
0x91: {  	s29 =	sadd.s32 $0x1400, s25;
	[sflag:s19] =	ssyncadd.s32 $0xFFFFC000  }
0x92: {  	[spmem:s2] =	stream.indirect.scatter.add.f32 [tilespmem:s17], [sflag:$0x3], $0x80, s29, s16, $0xb8;
	[tilespmem:$0x1E400] =	vst v63  }
0x93: {  	_ =	swait.ge [sflag:s14], $0x4000  }
0x94: {  	[sflag:s14] =	ssyncset.done $0x0  }
0x95: {  	s30 =	sadd.s32 $0x100, s25;
	[sflag:s14] =	ssyncadd.s32 $0xFFFFC000  }
0x96: {  	[tilespmem:s17], [sflag:$0x1] =	stream.indirect.gather [hbm4b:s4+s16], $0x80, s30, s16, $0xb8;
	[tilespmem:$0x1E400] =	vst v63  }
0x97: {  	_ =	swait.ge [sflag:s20], $0x4000  }
0x98: {  	[sflag:s20] =	ssyncset.done $0x0  }
0x99: {  	s31 =	sadd.s32 $0x1480, s25;
	[sflag:s20] =	ssyncadd.s32 $0xFFFFC000  }
0x9a: {  	[spmem:s2] =	stream.indirect.scatter.add.f32 [tilespmem:s18], [sflag:$0x3], $0x80, s31, s16, $0xb8;
	[tilespmem:$0x1E400] =	vst v63  }
0x9b: {  	_ =	swait.ge [sflag:s14], $0x4000  }
0x9c: {  	[sflag:s14] =	ssyncset.done $0x0  }
0x9d: {  	[sflag:s14] =	ssyncadd.s32 $0xFFFFC000  }
0x9e: {  	[tilespmem:s18], [sflag:$0x2] =	stream.indirect.gather [hbm4b:s4+s16], $0x80, s21, s16, $0xb8;
	[tilespmem:$0x1E400] =	vst v63  }
0x9f: {  	_ =	swait.ge [sflag:s19], $0x4000  }
0xa0: {  	[sflag:s19] =	ssyncset.done $0x0  }
0xa1: {  	[sflag:s19] =	ssyncadd.s32 $0xFFFFC000  }
0xa2: {  	[spmem:s2] =	stream.indirect.scatter.add.f32 [tilespmem:s17], [sflag:$0x3], $0x80, s22, s16, $0xb8;
	[tilespmem:$0x1E400] =	vst v63  }
0xa3: {  	_ =	swait.ge [sflag:s14], $0x4000  }
0xa4: {  	[sflag:s14] =	ssyncset.done $0x0  }
0xa5: {  	[sflag:s14] =	ssyncadd.s32 $0xFFFFC000  }
0xa6: {  	_ =	swait.ge [sflag:s20], $0x4000  }
0xa7: {  	[sflag:s20] =	ssyncset.done $0x0  }
0xa8: {  	[sflag:s20] =	ssyncadd.s32 $0xFFFFC000  }
0xa9: {  	[spmem:s2] =	stream.indirect.scatter.add.f32 [tilespmem:s18], [sflag:$0x3], $0x80, s23, s16, $0xb8;
	[tilespmem:$0x1E400] =	vst v63  }
0xaa: {  	_ =	swait.ge [sflag:s14], $0x4000  }
0xab: {  	s24 =	sadd.s32 $0x1, s24;
	[sflag:s14] =	ssyncset.done $0x0  }
0xac: {  	p0 =	sne.s32 s24, s12;
	[sflag:s14] =	ssyncadd.s32 $0xFFFFC000  }
.Ltmp2:
0xad: {  	[bflag:$0x0] =	sbarrier.arrive $0xFFFF;
	(pc) =	sbr.rel @p0 .LBB2_1-.Ltmp2, $4  }
0xae: {  	[hbm:s11], [sflag:s6] =	dma.local [spmem:s13], $0x2780  }
0xaf: {  	_ =	swait.ge [sflag:s14], $0x2780  }
0xb0: {  	[sflag:s14] =	ssyncset.done $0x0  }
0xb1: {  	[sflag:s14] =	ssyncadd.s32 $0xFFFFD880  }
0xb2: {  	_ =	sfence.sel $0x180000  }
0xb3: {  	[bflag:$0x0] =	sbarrier.arrive $0xFFFF  }
0xb4: {  	p0 =	sne.s32 s1, $0x0;
	_ =	strace $0x9000004D  }
0xb5: {  	s0 =	sadd.s32 @!p0 $0x100000, s0;
	[bflag:$0x2] =	sbarrier.arrive $0xFFFF  }
0xb6: {  	[sflag:s0] =	ssyncadd.tile.s32 @!p0 $0x1;
	_ =	shalt  }
.Lfunc_end2:
_tile_overlayer_lowered:
.L_overlay_start_2:
0xb7: {  	(tag) =	ssettag $0x2  }
0xb8: {  	s0 =	rddreg [dreg:$0x0];
	s2 =	stileid.u32  }
0xb9: {  	s1 =	rddreg [dreg:$0x1];
	p0 =	sne.s32 s2, $0x0  }
0xba: {  	s3 =	rddreg [dreg:$0x2];
	[bflag:$0x3] =	sbarrier.arrive $0xFFFF;
	s2 =	simm.s32 @!p0 $0x1C03  }
0xbb: {  	[timem:s3], [sflag:s2] =	dma.local @!p0 [hbm:s0], s1  }
0xbc: {  	s0 =	simm.s32 @!p0 $0x3  }
0xbd: {  	_ =	swait.ge @!p0 [sflag:s0], s1  }
0xbe: {  	s1 =	ssub.s32 @!p0 $0x0, s1;
	[sflag:s0] =	ssyncset.done @!p0 $0x0  }
0xbf: {  	[sflag:s0] =	ssyncadd.s32 @!p0 s1  }
0xc0: {  	[bflag:$0x3] =	sbarrier.arrive $0xFFFF  }
0xc1: {  	_ =	shalt  }

// kernel: kernel.23.cloned.1.call-start
scs
__scs_entry_jumppad:
0x0: {  	(pc) =	sbr.rel $0x88, $3  }
0x1: {  	(tag) =	ssettag $0x0;
	lr =	simm.s32 $0x1  }
0x2: {  	[smem:$0x3F87] =	sst lr;
	_ =	strace $0xD0000000  }
0x3: {  	_ = 	snop  }
0x4: {  	_ = 	snop  }
0x5: {  	_ = 	snop  }
0x6: {  	_ = 	snop  }
0x7: {  	_ = 	snop  }
__scs_overlays_trampoline_lowered:
0x8: {  	[smem:$0x3F96] =	sst s0  }
0x9: {  	[smem:$0x3F97] =	sst s1  }
0xa: {  	[smem:$0x3F98] =	sst s2  }
0xb: {  	[smem:$0x3F99] =	sst s3  }
0xc: {  	[smem:$0x3F9A] =	sst s4  }
0xd: {  	[smem:$0x3F9B] =	sst s5  }
0xe: {  	[smem:$0x3F9C] =	sst s6  }
0xf: {  	[smem:$0x3F9D] =	sst s7  }
0x10: {  	[smem:$0x3F9E] =	sst s8  }
0x11: {  	[smem:$0x3F9F] =	sst s9;
	s0 =	simm.s32 @!p0 $0x0  }
0x12: {  	s1 =	sld [smem:$0x3F85];
	s0 =	simm.s32 @p0 $0x1  }
0x13: {  	[smem:$0x3FA0] =	sst s0;
	s0 =	simm.s32 @!p1 $0x0  }
0x14: {  	s2 =	sld [smem:$0x3F84];
	s0 =	simm.s32 @p1 $0x1  }
0x15: {  	[smem:$0x3FA1] =	sst s0;
	s0 =	simm.s32 @!p2 $0x0  }
0x16: {  	s3 =	sld [smem:$0x3FDB];
	s0 =	simm.s32 @p2 $0x1  }
0x17: {  	s4 =	simm.s32 $0x1BF5;
	[smem:$0x3FA3] =	sst s0  }
0x18: {  	s0 =	sld [smem:$0x3F86];
	_ =	swait.ge [sflag:s4], $0x0  }
0x19: {  	s7 =	sld [smem:$0x3F87]  }
0x1a: {  	s8 =	sadd.s32 $0xFFFFE003, lr  }
0x1b: {  	s9 =	sadd.s32 $0xFFFFFEF7, lr;
	s5 =	simm.s32 $0xFFFFFFFF;
	p2 =	slt.u32 s8, $0xFFFFF086  }
0x1c: {  	p1 =	slt.u32 s9, $0xF7A;
	s5 =	simm.s32 @!p2 $0x0  }
0x1d: {  	s5 =	simm.s32 @p1 $0x1;
	p0 =	seq.s32 s7, s2  }
0x1e: {  	s7 =	smul.u32 @!p0 $0xF7A, s2;
	p2 =	seq.s32 @!p0 s5, $0x0  }
0x1f: {  	s9 =	smul.u32 $0xF7A, s1;
	s8 =	simm.s32 @!p0 $0x1BF5;
	p2 =	por !p2, p0  }
0x20: {  	[sflag:s8] =	ssyncset.s32 @!p0 $0xFFFFF086;
	s6 =	sadd.s32 @!p0 s3, s7;
	s7 =	simm.s32 @!p0 $0x108  }
0x21: {  	s3 =	sadd.s32 s3, s9;
	s6 =	sadd.s32 @!p0 $0x88, s6;
	s7 =	simm.s32 @p2 $0x1082  }
0x22: {  	[simem:s7], [sflag:s8] =	dma.local @!p0 [hbm:s6], $0xF7A  }
0x23: {  	s9 =	sor.u32 $0xD0000000, s2;
	s6 =	simm.s32 $0x108;
	_ =	swait.ge @!p0 [sflag:s8], $0x0  }
0x24: {  	s3 =	sadd.s32 $0x88, s3;
	s6 =	simm.s32 @!p1 $0x1082;
	[sflag:s4] =	ssyncset.s32 $0xFFFFF086  }
0x25: {  	[simem:s6], [sflag:s4] =	dma.local [hbm:s3], $0xF7A  }
0x26: {  	[smem:$0x3F87] =	sst s1;
	(tag) =	ssettag s2;
	_ =	strace s9  }
0x27: {  	s1 =	sld [smem:$0x3F97]  }
0x28: {  	s2 =	sld [smem:$0x3F98]  }
0x29: {  	s4 =	sld [smem:$0x3F9A]  }
0x2a: {  	p0 =	seq.s32 s5, $0x0;
	s5 =	sld [smem:$0x3F9B]  }
0x2b: {  	s6 =	sld [smem:$0x3F9C]  }
0x2c: {  	s7 =	sld [smem:$0x3F9D]  }
0x2d: {  	s3 =	simm.s32 $0x108;
	s8 =	sld [smem:$0x3F9E]  }
0x2e: {  	s3 =	simm.s32 @!p0 $0x1082;
	s9 =	sld [smem:$0x3F9F]  }
0x2f: {  	lr =	sadd.s32 s0, s3;
	s0 =	sld [smem:$0x3F96]  }
0x30: {  	s3 =	sld [smem:$0x3F99]  }
0x31: {  	[smem:$0x3FA2] =	sst s10  }
0x32: {  	s10 =	sld [smem:$0x3FA0];
	_ =	sdelay $0x3  }
0x33: {  	p0 =	seq.s32 s10, $0x1;
	s10 =	sld [smem:$0x3FA2];
	_ =	sdelay $0x3  }
0x34: {  	[smem:$0x3FA2] =	sst s10  }
0x35: {  	s10 =	sld [smem:$0x3FA1];
	_ =	sdelay $0x3  }
0x36: {  	p1 =	seq.s32 s10, $0x1;
	s10 =	sld [smem:$0x3FA2];
	_ =	sdelay $0x3  }
0x37: {  	[smem:$0x3FA2] =	sst s10  }
0x38: {  	s10 =	sld [smem:$0x3FA3]  }
0x39: {  	_ = 	snop;
	(pc) =	sbr.ind lr, $3  }
0x3a: {  	_ = 	snop  }
0x3b: {  	_ = 	snop  }
0x3c: {  	p2 =	seq.s32 s10, $0x1;
	s10 =	sld [smem:$0x3FA2]  }
0x3d: {  	_ =	shalt  }
0x3e: {  	_ =	shalt  }
0x3f: {  	_ =	shalt  }
0x40: {  	_ =	shalt  }
0x41: {  	_ =	shalt  }
0x42: {  	_ =	shalt  }
0x43: {  	_ =	shalt  }
0x44: {  	_ =	shalt  }
0x45: {  	_ =	shalt  }
0x46: {  	_ =	shalt  }
0x47: {  	_ =	shalt  }
0x48: {  	_ =	shalt  }
0x49: {  	_ =	shalt  }
0x4a: {  	_ =	shalt  }
0x4b: {  	_ =	shalt  }
0x4c: {  	_ =	shalt  }
0x4d: {  	_ =	shalt  }
0x4e: {  	_ =	shalt  }
0x4f: {  	_ =	shalt  }
0x50: {  	_ =	shalt  }
0x51: {  	_ =	shalt  }
0x52: {  	_ =	shalt  }
0x53: {  	_ =	shalt  }
0x54: {  	_ =	shalt  }
0x55: {  	_ =	shalt  }
0x56: {  	_ =	shalt  }
0x57: {  	_ =	shalt  }
0x58: {  	_ =	shalt  }
0x59: {  	_ =	shalt  }
0x5a: {  	_ =	shalt  }
0x5b: {  	_ =	shalt  }
0x5c: {  	_ =	shalt  }
0x5d: {  	_ =	shalt  }
0x5e: {  	_ =	shalt  }
0x5f: {  	_ =	shalt  }
0x60: {  	_ =	shalt  }
0x61: {  	_ =	shalt  }
0x62: {  	_ =	shalt  }
0x63: {  	_ =	shalt  }
0x64: {  	_ =	shalt  }
0x65: {  	_ =	shalt  }
0x66: {  	_ =	shalt  }
0x67: {  	_ =	shalt  }
0x68: {  	_ =	shalt  }
0x69: {  	_ =	shalt  }
0x6a: {  	_ =	shalt  }
0x6b: {  	_ =	shalt  }
0x6c: {  	_ =	shalt  }
0x6d: {  	_ =	shalt  }
0x6e: {  	_ =	shalt  }
0x6f: {  	_ =	shalt  }
0x70: {  	_ =	shalt  }
0x71: {  	_ =	shalt  }
0x72: {  	_ =	shalt  }
0x73: {  	_ =	shalt  }
0x74: {  	_ =	shalt  }
0x75: {  	_ =	shalt  }
0x76: {  	_ =	shalt  }
0x77: {  	_ =	shalt  }
0x78: {  	_ =	shalt  }
0x79: {  	_ =	shalt  }
0x7a: {  	_ =	shalt  }
0x7b: {  	_ =	shalt  }
0x7c: {  	_ =	shalt  }
0x7d: {  	_ =	shalt  }
0x7e: {  	_ =	shalt  }
0x7f: {  	_ =	shalt  }
0x80: {  	_ =	shalt  }
0x81: {  	_ =	shalt  }
0x82: {  	_ =	shalt  }
0x83: {  	_ =	shalt  }
0x84: {  	_ =	shalt  }
0x85: {  	_ =	shalt  }
0x86: {  	_ =	shalt  }
0x87: {  	_ =	shalt  }
.Lfunc_end0:
.L_simem_size_0:
called_computation.3_lowered:
.L_overlay_start_0:
0x88: {  	s2 =	sld [smem:$0x3FD9]  }
0x89: {  	s3 =	sld [smem:$0x3FFE];
	_ =	sdelay $0x1  }
0x8a: {  	s1 =	srdreg.scid  }
0x8b: {  	s0 =	sand.u32 $0x1, s1  }
0x8c: {  	s16 =	sshll.u32 s0, $0xA;
	s2 =	sadd.s32 s3, s2  }
0x8d: {  	s2 =	sadd.s32 s2, s16  }
0x8e: {  	[smem:$0x3FAE] =	sst s2  }
0x8f: {  	_ = 	snop  }
0x90: {  	(tm) =	ssettm $0x1  }
0x91: {  	s17 =	sld [smem:$0x3FFB];
	_ =	sdelay $0x3  }
0x92: {  	_ =	strace s17  }
0x93: {  	s2 =	sld [smem:$0x3FFC];
	_ =	sdelay $0x3  }
0x94: {  	_ =	strace s2  }
0x95: {  	s2 =	sld [smem:$0x3FFD];
	_ =	sdelay $0x3  }
0x96: {  	_ =	strace s2  }
0x97: {  	_ =	strace $0x8FFFFFFF  }
0x98: {  	s18 =	sld [smem:$0x3FDB];
	_ =	sdelay $0x1  }
0x99: {  	s19 =	simm.s32 $_scs_section_size  }
0x9a: {  	s4 =	simm.s32 $_size__tile_overlayer_lowered;
	s5 =	simm.s32 $_tile_overlayer_lowered  }
0x9b: {  	s22 =	simm.s32 $0x1BFF;
	s21 =	sshll.u32 s5, $0x1;
	s2 =	sadd.s32 s19, s18  }
0x9c: {  	s6 =	simm.s32 $0x0;
	s20 =	sshll.u32 s4, $0x1;
	s4 =	sadd.s32 s21, s2  }
0x9d: {  	[timem:s6], [sflag:s22] =	dma.local [hbm:s4], s20  }
0x9e: {  	_ =	swait.ge [sflag:s22], s20  }
0x9f: {  	s3 =	ssub.s32 $0x0, s20;
	[sflag:s22] =	ssyncset.done $0x0  }
0xa0: {  	[sflag:s22] =	ssyncadd.s32 s3;
	_ =	sdelay $0x1  }
0xa1: {  	s23 =	simm.s32 $0x1B8B  }
0xa2: {  	_ =	swait.ge [sflag:s23], $0x1  }
0xa3: {  	[sflag:s23] =	ssyncset.done $0x0  }
0xa4: {  	s25 =	simm.s32 $0x1B8E;
	s24 =	sld [smem:$0x3FFE];
	[sflag:s23] =	ssyncadd.s32 $0xFFFFFFFF  }
0xa5: {  	s26 =	simm.s32 $execute0_lowered;
	[smem:$0x3FD2] =	sst s25  }
0xa6: {  	s4 =	sshll.u32 s26, $0x1;
	_ =	strace $0x8000004F;
	[dreg:$0x1] =	wrdreg $0xFFFFFFFF  }
0xa7: {  	s28 =	simm.s32 $_size_execute0_lowered;
	s2 =	sadd.s32 s2, s4;
	[dreg:$0x0] =	wrdreg $0x0  }
0xa8: {  	s4 =	sshll.u32 s28, $0x1;
	[dreg:$0x2] =	wrdreg s2  }
0xa9: {  	[dreg:$0x3] =	wrdreg s4  }
0xaa: {  	[dreg:$0x4] =	wrdreg $0xC0  }
0xab: {  	_ =	task [dreg:s6], $0x5FFFF  }
0xac: {  	[dreg:$0x1] =	wrdreg $0xFFFFFFFF  }
0xad: {  	[dreg:$0x0] =	wrdreg $0x60  }
0xae: {  	[dreg:$0x2] =	wrdreg s24  }
0xaf: {  	[dreg:$0x3] =	wrdreg $0xA8000  }
0xb0: {  	[dreg:$0x4] =	wrdreg $0x9  }
0xb1: {  	_ =	task.clear_ibuf [dreg:s6], $0x5FFFF;
	_ =	strace $0x9000004F  }
0xb2: {  	s29 =	simm.s32 $0x9;
	_ =	strace $0x80000051  }
0xb3: {  	_ =	swait.ge [sflag:s29], $0x1  }
0xb4: {  	[sflag:s29] =	ssyncadd.s32 $0xFFFFFFFF  }
0xb5: {  	_ =	strace $0x90000051  }
0xb6: {  	_ =	sfence  }
0xb7: {  	s30 =	sld [smem:$0x0];
	_ =	sdelay $0x2  }
0xb8: {  	s31 =	sshll.u32 s1, $0xD;
	s1 =	sshrl.u32 s1, $0x2  }
0xb9: {  	s3 =	sand.u32 $0x4000, s31;
	s1 =	sadd.s32 s1, s30  }
0xba: {  	s0 =	sor.u32 s3, s0;
	s1 =	sshll.u32 s1, $0x11  }
0xbb: {  	s0 =	sor.u32 s1, s0  }
0xbc: {  	s0 =	sadd.s32 $0x8F2B, s0  }
0xbd: {  	[sflag:s0] =	ssyncadd.remote.s32 $0x1  }
0xbe: {  	_ =	sfence.sel $0xFFFF  }
0xbf: {  	[dreg:$0x0] =	wrdreg $0xFFFFFFFF;
	(pc) =	sbr.abs _section_cstart, $3  }
0xc0: {  	[dreg:$0x1] =	wrdreg $0xFFFFFFFF  }
0xc1: {  	_ =	task.clear_ibuf [dreg:s6], $0x2FFFF;
	_ =	strace $0x9FFFFFFF  }
0xc2: {  	(tm) =	ssettm $0x7FFFFFFF  }
0xc3: {  	_ =	shalt  }
tec
execute0_lowered:
.L_overlay_start_1:
0x0: {  	(tag) =	ssettag $0x1  }
0x1: {  	s5 =	rddreg [dreg:$0x0]  }
0x2: {  	s2 =	rddreg [dreg:$0x1]  }
0x3: {  	s0 =	rddreg [dreg:$0x2];
	s3 =	simm.s32 $0x0  }
0x4: {  	s1 =	stileid.u32;
	s4 =	srdreg.scid;
	s17 =	simm.s32 $0x2800  }
0x5: {  	s18 =	simm.s32 $0x6800;
	s19 =	simm.s32 $0x1;
	s20 =	simm.s32 $0x2  }
0x6: {  	s21 =	simm.s32 $0x1380;
	s22 =	simm.s32 $0x2700;
	s23 =	simm.s32 $0x2780  }
0x7: {  	s24 =	simm.s32 $0x0;
	[smem:$0x7FF] =	sst s3;
	s6 =	smul.u32 $0x13C00, s1  }
0x8: {  	s7 =	sand.u32 $0x1, s4;
	s4 =	sadd.s32 $0x42600, s5;
	s10 =	sadd.s32 $0x10E00, s5  }
0x9: {  	s11 =	sadd.s32 $0x6E00, s5;
	s12 =	smul.u32 $0x4F000, s1;
	s29 =	sshll.u32 s1, $0x6  }
0xa: {  	s9 =	smul.u32 $0x13C000, s7;
	s28 =	sshll.u32 s7, $0x4;
	s7 =	ssub.s32 $0x2, s7  }
0xb: {  	_ =	strace $0x80000050;
	s8 =	sshrl.u32 s6, $0x3;
	s13 =	sshrl.u32 s7, $0x1  }
0xc: {  	s12 =	sshrl.u32 s12, $0x2;
	s6 =	sadd.s32 s6, s9;
	s9 =	sor.u32 s1, s28  }
0xd: {  	s8 =	sadd.s32 s8, s5;
	s13 =	ssub.s32 s7, s13;
	s14 =	smul.u32 $0x2800, s9  }
0xe: {  	s16 =	sadd.s32 s12, s2;
	s6 =	sshrl.u32 s6, $0x3;
	s9 =	smul.u32 $0x500, s9  }
0xf: {  	s12 =	smax.u32 s13, $0x1;
	s13 =	sshrl.u32 s16, $0x3;
	s16 =	simm.s32 $0x80  }
0x10: {  	s15 =	sadd.s32 s6, s5;
	s5 =	sadd.s32 $0x1AE00, s8;
	s30 =	sshrl.u32 s14, $0x3  }
0x11: {  	s6 =	sor.u32 $0x1C03, s29;
	s7 =	sadd.s32 s10, s9;
	s31 =	sadd.s32 $0x280, s30  }
0x12: {  	s8 =	sadd.s32 s11, s9;
	s14 =	simm.s32 $0x3;
	s9 =	sadd.s32 s10, s31  }
0x13: {  	s10 =	sadd.s32 s11, s31;
	s11 =	sadd.s32 $0x90A00, s15;
	s15 =	simm.s32 $0x1400  }
.LBB2_1:
0x14: {  	[spmem:s13], [sflag:s6] =	dma.local [hbm:s5], $0x2780  }
0x15: {  	_ =	swait.ge [sflag:s14], $0x2780  }
0x16: {  	[sflag:s14] =	ssyncset.done $0x0  }
0x17: {  	[sflag:s14] =	ssyncadd.s32 $0xFFFFD880  }
0x18: {  	[bflag:$0x0] =	sbarrier.arrive $0xFFFF  }
0x19: {  	[tilespmem:s3], [sflag:$0x3] =	stream.linear.gather [hbm4b:s7+s3], $0x1400, $0x38;
	[tilespmem:$0x1E400] =	vst v63  }
0x1a: {  	_ =	swait.ge [sflag:s14], $0x1400  }
0x1b: {  	[sflag:s14] =	ssyncset.done $0x0  }
0x1c: {  	[sflag:s14] =	ssyncadd.s32 $0xFFFFEC00  }
0x1d: {  	[tilespmem:s15], [sflag:$0x3] =	stream.linear.gather [hbm4b:s8+s3], $0x1400, $0x38;
	[tilespmem:$0x1E400] =	vst v63  }
0x1e: {  	_ =	swait.ge [sflag:s14], $0x1400  }
0x1f: {  	[sflag:s14] =	ssyncset.done $0x0  }
0x20: {  	[sflag:s14] =	ssyncadd.s32 $0xFFFFEC00  }
0x21: {  	[tilespmem:s17], [sflag:$0x1] =	stream.indirect.gather [hbm4b:s4+s16], $0x80, s3, s16, $0xb8;
	[tilespmem:$0x1E400] =	vst v63  }
0x22: {  	s25 =	simm.s32 $0x80  }
0x23: {  	[tilespmem:s18], [sflag:$0x2] =	stream.indirect.gather [hbm4b:s4+s16], $0x80, s25, s16, $0xb8;
	[tilespmem:$0x1E400] =	vst v63  }
0x24: {  	_ =	swait.ge [sflag:s19], $0x4000  }
0x25: {  	[sflag:s19] =	ssyncset.done $0x0  }
0x26: {  	s29 =	simm.s32 $0x1400;
	[sflag:s19] =	ssyncadd.s32 $0xFFFFC000  }
0x27: {  	[spmem:s2] =	stream.indirect.scatter.add.f32 [tilespmem:s17], [sflag:$0x3], $0x80, s29, s16, $0xb8;
	[tilespmem:$0x1E400] =	vst v63  }
0x28: {  	_ =	swait.ge [sflag:s14], $0x4000  }
0x29: {  	[sflag:s14] =	ssyncset.done $0x0  }
0x2a: {  	s30 =	simm.s32 $0x100;
	[sflag:s14] =	ssyncadd.s32 $0xFFFFC000  }
0x2b: {  	[tilespmem:s17], [sflag:$0x1] =	stream.indirect.gather [hbm4b:s4+s16], $0x80, s30, s16, $0xb8;
	[tilespmem:$0x1E400] =	vst v63  }
0x2c: {  	_ =	swait.ge [sflag:s20], $0x4000  }
0x2d: {  	[sflag:s20] =	ssyncset.done $0x0  }
0x2e: {  	s31 =	simm.s32 $0x1480;
	[sflag:s20] =	ssyncadd.s32 $0xFFFFC000  }
0x2f: {  	[spmem:s2] =	stream.indirect.scatter.add.f32 [tilespmem:s18], [sflag:$0x3], $0x80, s31, s16, $0xb8;
	[tilespmem:$0x1E400] =	vst v63  }
0x30: {  	_ =	swait.ge [sflag:s14], $0x4000  }
0x31: {  	s26 =	simm.s32 $0x800;
	s25 =	simm.s32 $0x100;
	[sflag:s14] =	ssyncset.done $0x0  }
.LBB2_2:
0x32: {  	s28 =	sadd.s32 $0x80, s25  }
0x33: {  	[sflag:s14] =	ssyncadd.s32 $0xFFFFC000;
	s29 =	smov.u32 s26;
	s30 =	sadd.s32 $0x400, s26  }
0x34: {  	[tilespmem:s18], [sflag:$0x2] =	stream.indirect.gather [hbm4b:s4+s16], $0x80, s28, s16, $0xb8;
	[tilespmem:$0x1E400] =	vst v63  }
0x35: {  	p0 =	sne.s32 s26, $0x4800;
	_ =	swait.ge [sflag:s19], $0x4000  }
0x36: {  	[sflag:s19] =	ssyncset.done $0x0  }
0x37: {  	s26 =	sadd.s32 $0x1400, s25;
	[sflag:s19] =	ssyncadd.s32 $0xFFFFC000  }
0x38: {  	[spmem:s2] =	stream.indirect.scatter.add.f32 [tilespmem:s17], [sflag:$0x3], $0x80, s26, s16, $0xb8;
	[tilespmem:$0x1E400] =	vst v63  }
0x39: {  	_ =	swait.ge [sflag:s14], $0x4000  }
0x3a: {  	[sflag:s14] =	ssyncset.done $0x0  }
0x3b: {  	s26 =	sadd.s32 $0x100, s25;
	[sflag:s14] =	ssyncadd.s32 $0xFFFFC000  }
0x3c: {  	[tilespmem:s17], [sflag:$0x1] =	stream.indirect.gather [hbm4b:s4+s16], $0x80, s26, s16, $0xb8;
	[tilespmem:$0x1E400] =	vst v63  }
0x3d: {  	_ =	swait.ge [sflag:s20], $0x4000  }
.Ltmp0:
0x3e: {  	[sflag:s20] =	ssyncset.done $0x0;
	(pc) =	sbr.rel @p0 .LBB2_2-.Ltmp0, $4  }
0x3f: {  	s25 =	sadd.s32 $0x1480, s25;
	[sflag:s20] =	ssyncadd.s32 $0xFFFFC000  }
0x40: {  	[spmem:s2] =	stream.indirect.scatter.add.f32 [tilespmem:s18], [sflag:$0x3], $0x80, s25, s16, $0xb8;
	[tilespmem:$0x1E400] =	vst v63  }
0x41: {  	_ =	swait.ge [sflag:s14], $0x4000  }
0x42: {  	s26 =	smov.u32 s30;
	s25 =	sshra.s32 s29, $0x2;
	[sflag:s14] =	ssyncset.done $0x0  }
0x43: {  	s26 =	sadd.s32 $0x80, s25;
	[sflag:s14] =	ssyncadd.s32 $0xFFFFC000  }
0x44: {  	[tilespmem:s18], [sflag:$0x2] =	stream.indirect.gather [hbm4b:s4+s16], $0x80, s26, s16, $0xb8;
	[tilespmem:$0x1E400] =	vst v63  }
0x45: {  	_ =	swait.ge [sflag:s19], $0x4000  }
0x46: {  	[sflag:s19] =	ssyncset.done $0x0  }
0x47: {  	s29 =	sadd.s32 $0x1400, s25;
	[sflag:s19] =	ssyncadd.s32 $0xFFFFC000  }
0x48: {  	[spmem:s2] =	stream.indirect.scatter.add.f32 [tilespmem:s17], [sflag:$0x3], $0x80, s29, s16, $0xb8;
	[tilespmem:$0x1E400] =	vst v63  }
0x49: {  	_ =	swait.ge [sflag:s14], $0x4000  }
0x4a: {  	[sflag:s14] =	ssyncset.done $0x0  }
0x4b: {  	s30 =	sadd.s32 $0x100, s25;
	[sflag:s14] =	ssyncadd.s32 $0xFFFFC000  }
0x4c: {  	[tilespmem:s17], [sflag:$0x1] =	stream.indirect.gather [hbm4b:s4+s16], $0x80, s30, s16, $0xb8;
	[tilespmem:$0x1E400] =	vst v63  }
0x4d: {  	_ =	swait.ge [sflag:s20], $0x4000  }
0x4e: {  	[sflag:s20] =	ssyncset.done $0x0  }
0x4f: {  	s31 =	sadd.s32 $0x1480, s25;
	[sflag:s20] =	ssyncadd.s32 $0xFFFFC000  }
0x50: {  	[spmem:s2] =	stream.indirect.scatter.add.f32 [tilespmem:s18], [sflag:$0x3], $0x80, s31, s16, $0xb8;
	[tilespmem:$0x1E400] =	vst v63  }
0x51: {  	_ =	swait.ge [sflag:s14], $0x4000  }
0x52: {  	[sflag:s14] =	ssyncset.done $0x0  }
0x53: {  	[sflag:s14] =	ssyncadd.s32 $0xFFFFC000  }
0x54: {  	[tilespmem:s18], [sflag:$0x2] =	stream.indirect.gather [hbm4b:s4+s16], $0x80, s21, s16, $0xb8;
	[tilespmem:$0x1E400] =	vst v63  }
0x55: {  	_ =	swait.ge [sflag:s19], $0x4000  }
0x56: {  	[sflag:s19] =	ssyncset.done $0x0  }
0x57: {  	[sflag:s19] =	ssyncadd.s32 $0xFFFFC000  }
0x58: {  	[spmem:s2] =	stream.indirect.scatter.add.f32 [tilespmem:s17], [sflag:$0x3], $0x80, s22, s16, $0xb8;
	[tilespmem:$0x1E400] =	vst v63  }
0x59: {  	_ =	swait.ge [sflag:s14], $0x4000  }
0x5a: {  	[sflag:s14] =	ssyncset.done $0x0  }
0x5b: {  	[sflag:s14] =	ssyncadd.s32 $0xFFFFC000  }
0x5c: {  	_ =	swait.ge [sflag:s20], $0x4000  }
0x5d: {  	[sflag:s20] =	ssyncset.done $0x0  }
0x5e: {  	[sflag:s20] =	ssyncadd.s32 $0xFFFFC000  }
0x5f: {  	[spmem:s2] =	stream.indirect.scatter.add.f32 [tilespmem:s18], [sflag:$0x3], $0x80, s23, s16, $0xb8;
	[tilespmem:$0x1E400] =	vst v63  }
0x60: {  	_ =	swait.ge [sflag:s14], $0x4000  }
0x61: {  	[sflag:s14] =	ssyncset.done $0x0  }
0x62: {  	s26 =	simm.s32 $0x0;
	[sflag:s14] =	ssyncadd.s32 $0xFFFFC000  }
0x63: {  	[tilespmem:s26], [sflag:$0x3] =	stream.linear.gather [hbm4b:s9+s26], $0x1400, $0x38;
	[tilespmem:$0x1E400] =	vst v63  }
0x64: {  	_ =	swait.ge [sflag:s14], $0x1400  }
0x65: {  	[sflag:s14] =	ssyncset.done $0x0  }
0x66: {  	[sflag:s14] =	ssyncadd.s32 $0xFFFFEC00  }
0x67: {  	[tilespmem:s15], [sflag:$0x3] =	stream.linear.gather [hbm4b:s10+s26], $0x1400, $0x38;
	[tilespmem:$0x1E400] =	vst v63  }
0x68: {  	_ =	swait.ge [sflag:s14], $0x1400  }
0x69: {  	[sflag:s14] =	ssyncset.done $0x0  }
0x6a: {  	[sflag:s14] =	ssyncadd.s32 $0xFFFFEC00  }
0x6b: {  	[tilespmem:s17], [sflag:$0x1] =	stream.indirect.gather [hbm4b:s4+s16], $0x80, s26, s16, $0xb8;
	[tilespmem:$0x1E400] =	vst v63  }
0x6c: {  	s28 =	simm.s32 $0x80  }
0x6d: {  	[tilespmem:s18], [sflag:$0x2] =	stream.indirect.gather [hbm4b:s4+s16], $0x80, s28, s16, $0xb8;
	[tilespmem:$0x1E400] =	vst v63  }
0x6e: {  	_ =	swait.ge [sflag:s19], $0x4000  }
0x6f: {  	[sflag:s19] =	ssyncset.done $0x0  }
0x70: {  	s29 =	simm.s32 $0x1400;
	[sflag:s19] =	ssyncadd.s32 $0xFFFFC000  }
0x71: {  	[spmem:s2] =	stream.indirect.scatter.add.f32 [tilespmem:s17], [sflag:$0x3], $0x80, s29, s16, $0xb8;
	[tilespmem:$0x1E400] =	vst v63  }
0x72: {  	_ =	swait.ge [sflag:s14], $0x4000  }
0x73: {  	[sflag:s14] =	ssyncset.done $0x0  }
0x74: {  	s30 =	simm.s32 $0x100;
	[sflag:s14] =	ssyncadd.s32 $0xFFFFC000  }
0x75: {  	[tilespmem:s17], [sflag:$0x1] =	stream.indirect.gather [hbm4b:s4+s16], $0x80, s30, s16, $0xb8;
	[tilespmem:$0x1E400] =	vst v63  }
0x76: {  	_ =	swait.ge [sflag:s20], $0x4000  }
0x77: {  	[sflag:s20] =	ssyncset.done $0x0  }
0x78: {  	s31 =	simm.s32 $0x1480;
	[sflag:s20] =	ssyncadd.s32 $0xFFFFC000  }
0x79: {  	[spmem:s2] =	stream.indirect.scatter.add.f32 [tilespmem:s18], [sflag:$0x3], $0x80, s31, s16, $0xb8;
	[tilespmem:$0x1E400] =	vst v63  }
0x7a: {  	_ =	swait.ge [sflag:s14], $0x4000  }
0x7b: {  	s25 =	simm.s32 $0x100;
	s26 =	simm.s32 $0x800;
	[sflag:s14] =	ssyncset.done $0x0  }
.LBB2_4:
0x7c: {  	s28 =	sadd.s32 $0x80, s25  }
0x7d: {  	[sflag:s14] =	ssyncadd.s32 $0xFFFFC000;
	s29 =	smov.u32 s26;
	s30 =	sadd.s32 $0x400, s26  }
0x7e: {  	[tilespmem:s18], [sflag:$0x2] =	stream.indirect.gather [hbm4b:s4+s16], $0x80, s28, s16, $0xb8;
	[tilespmem:$0x1E400] =	vst v63  }
0x7f: {  	p0 =	sne.s32 s26, $0x4800;
	_ =	swait.ge [sflag:s19], $0x4000  }
0x80: {  	[sflag:s19] =	ssyncset.done $0x0  }
0x81: {  	s26 =	sadd.s32 $0x1400, s25;
	[sflag:s19] =	ssyncadd.s32 $0xFFFFC000  }
0x82: {  	[spmem:s2] =	stream.indirect.scatter.add.f32 [tilespmem:s17], [sflag:$0x3], $0x80, s26, s16, $0xb8;
	[tilespmem:$0x1E400] =	vst v63  }
0x83: {  	_ =	swait.ge [sflag:s14], $0x4000  }
0x84: {  	[sflag:s14] =	ssyncset.done $0x0  }
0x85: {  	s26 =	sadd.s32 $0x100, s25;
	[sflag:s14] =	ssyncadd.s32 $0xFFFFC000  }
0x86: {  	[tilespmem:s17], [sflag:$0x1] =	stream.indirect.gather [hbm4b:s4+s16], $0x80, s26, s16, $0xb8;
	[tilespmem:$0x1E400] =	vst v63  }
0x87: {  	_ =	swait.ge [sflag:s20], $0x4000  }
.Ltmp1:
0x88: {  	[sflag:s20] =	ssyncset.done $0x0;
	(pc) =	sbr.rel @p0 .LBB2_4-.Ltmp1, $4  }
0x89: {  	s25 =	sadd.s32 $0x1480, s25;
	[sflag:s20] =	ssyncadd.s32 $0xFFFFC000  }
0x8a: {  	[spmem:s2] =	stream.indirect.scatter.add.f32 [tilespmem:s18], [sflag:$0x3], $0x80, s25, s16, $0xb8;
	[tilespmem:$0x1E400] =	vst v63  }
0x8b: {  	_ =	swait.ge [sflag:s14], $0x4000  }
0x8c: {  	s26 =	smov.u32 s30;
	s25 =	sshra.s32 s29, $0x2;
	[sflag:s14] =	ssyncset.done $0x0  }
0x8d: {  	s26 =	sadd.s32 $0x80, s25;
	[sflag:s14] =	ssyncadd.s32 $0xFFFFC000  }
0x8e: {  	[tilespmem:s18], [sflag:$0x2] =	stream.indirect.gather [hbm4b:s4+s16], $0x80, s26, s16, $0xb8;
	[tilespmem:$0x1E400] =	vst v63  }
0x8f: {  	_ =	swait.ge [sflag:s19], $0x4000  }
0x90: {  	[sflag:s19] =	ssyncset.done $0x0  }
0x91: {  	s29 =	sadd.s32 $0x1400, s25;
	[sflag:s19] =	ssyncadd.s32 $0xFFFFC000  }
0x92: {  	[spmem:s2] =	stream.indirect.scatter.add.f32 [tilespmem:s17], [sflag:$0x3], $0x80, s29, s16, $0xb8;
	[tilespmem:$0x1E400] =	vst v63  }
0x93: {  	_ =	swait.ge [sflag:s14], $0x4000  }
0x94: {  	[sflag:s14] =	ssyncset.done $0x0  }
0x95: {  	s30 =	sadd.s32 $0x100, s25;
	[sflag:s14] =	ssyncadd.s32 $0xFFFFC000  }
0x96: {  	[tilespmem:s17], [sflag:$0x1] =	stream.indirect.gather [hbm4b:s4+s16], $0x80, s30, s16, $0xb8;
	[tilespmem:$0x1E400] =	vst v63  }
0x97: {  	_ =	swait.ge [sflag:s20], $0x4000  }
0x98: {  	[sflag:s20] =	ssyncset.done $0x0  }
0x99: {  	s31 =	sadd.s32 $0x1480, s25;
	[sflag:s20] =	ssyncadd.s32 $0xFFFFC000  }
0x9a: {  	[spmem:s2] =	stream.indirect.scatter.add.f32 [tilespmem:s18], [sflag:$0x3], $0x80, s31, s16, $0xb8;
	[tilespmem:$0x1E400] =	vst v63  }
0x9b: {  	_ =	swait.ge [sflag:s14], $0x4000  }
0x9c: {  	[sflag:s14] =	ssyncset.done $0x0  }
0x9d: {  	[sflag:s14] =	ssyncadd.s32 $0xFFFFC000  }
0x9e: {  	[tilespmem:s18], [sflag:$0x2] =	stream.indirect.gather [hbm4b:s4+s16], $0x80, s21, s16, $0xb8;
	[tilespmem:$0x1E400] =	vst v63  }
0x9f: {  	_ =	swait.ge [sflag:s19], $0x4000  }
0xa0: {  	[sflag:s19] =	ssyncset.done $0x0  }
0xa1: {  	[sflag:s19] =	ssyncadd.s32 $0xFFFFC000  }
0xa2: {  	[spmem:s2] =	stream.indirect.scatter.add.f32 [tilespmem:s17], [sflag:$0x3], $0x80, s22, s16, $0xb8;
	[tilespmem:$0x1E400] =	vst v63  }
0xa3: {  	_ =	swait.ge [sflag:s14], $0x4000  }
0xa4: {  	[sflag:s14] =	ssyncset.done $0x0  }
0xa5: {  	[sflag:s14] =	ssyncadd.s32 $0xFFFFC000  }
0xa6: {  	_ =	swait.ge [sflag:s20], $0x4000  }
0xa7: {  	[sflag:s20] =	ssyncset.done $0x0  }
0xa8: {  	[sflag:s20] =	ssyncadd.s32 $0xFFFFC000  }
0xa9: {  	[spmem:s2] =	stream.indirect.scatter.add.f32 [tilespmem:s18], [sflag:$0x3], $0x80, s23, s16, $0xb8;
	[tilespmem:$0x1E400] =	vst v63  }
0xaa: {  	_ =	swait.ge [sflag:s14], $0x4000  }
0xab: {  	s24 =	sadd.s32 $0x1, s24;
	[sflag:s14] =	ssyncset.done $0x0  }
0xac: {  	p0 =	sne.s32 s24, s12;
	[sflag:s14] =	ssyncadd.s32 $0xFFFFC000  }
.Ltmp2:
0xad: {  	[bflag:$0x0] =	sbarrier.arrive $0xFFFF;
	(pc) =	sbr.rel @p0 .LBB2_1-.Ltmp2, $4  }
0xae: {  	[hbm:s11], [sflag:s6] =	dma.local [spmem:s13], $0x2780  }
0xaf: {  	_ =	swait.ge [sflag:s14], $0x2780  }
0xb0: {  	[sflag:s14] =	ssyncset.done $0x0  }
0xb1: {  	[sflag:s14] =	ssyncadd.s32 $0xFFFFD880  }
0xb2: {  	_ =	sfence.sel $0x180000  }
0xb3: {  	[bflag:$0x0] =	sbarrier.arrive $0xFFFF  }
0xb4: {  	p0 =	sne.s32 s1, $0x0;
	_ =	strace $0x90000050  }
0xb5: {  	s0 =	sadd.s32 @!p0 $0x100000, s0;
	[bflag:$0x2] =	sbarrier.arrive $0xFFFF  }
0xb6: {  	[sflag:s0] =	ssyncadd.tile.s32 @!p0 $0x1;
	_ =	shalt  }
.Lfunc_end2:
_tile_overlayer_lowered:
.L_overlay_start_2:
0xb7: {  	(tag) =	ssettag $0x2  }
0xb8: {  	s0 =	rddreg [dreg:$0x0];
	s2 =	stileid.u32  }
0xb9: {  	s1 =	rddreg [dreg:$0x1];
	p0 =	sne.s32 s2, $0x0  }
0xba: {  	s3 =	rddreg [dreg:$0x2];
	[bflag:$0x3] =	sbarrier.arrive $0xFFFF;
	s2 =	simm.s32 @!p0 $0x1C03  }
0xbb: {  	[timem:s3], [sflag:s2] =	dma.local @!p0 [hbm:s0], s1  }
0xbc: {  	s0 =	simm.s32 @!p0 $0x3  }
0xbd: {  	_ =	swait.ge @!p0 [sflag:s0], s1  }
0xbe: {  	s1 =	ssub.s32 @!p0 $0x0, s1;
	[sflag:s0] =	ssyncset.done @!p0 $0x0  }
0xbf: {  	[sflag:s0] =	ssyncadd.s32 @!p0 s1  }
0xc0: {  	[bflag:$0x3] =	sbarrier.arrive $0xFFFF  }
0xc1: {  	_ =	shalt  }

// kernel: kernel.26.cloned.1.call-start
scs
__scs_entry_jumppad:
0x0: {  	(pc) =	sbr.rel $0x88, $3  }
0x1: {  	(tag) =	ssettag $0x0;
	lr =	simm.s32 $0x1  }
0x2: {  	[smem:$0x3F87] =	sst lr;
	_ =	strace $0xD0000000  }
0x3: {  	_ = 	snop  }
0x4: {  	_ = 	snop  }
0x5: {  	_ = 	snop  }
0x6: {  	_ = 	snop  }
0x7: {  	_ = 	snop  }
__scs_overlays_trampoline_lowered:
0x8: {  	[smem:$0x3F96] =	sst s0  }
0x9: {  	[smem:$0x3F97] =	sst s1  }
0xa: {  	[smem:$0x3F98] =	sst s2  }
0xb: {  	[smem:$0x3F99] =	sst s3  }
0xc: {  	[smem:$0x3F9A] =	sst s4  }
0xd: {  	[smem:$0x3F9B] =	sst s5  }
0xe: {  	[smem:$0x3F9C] =	sst s6  }
0xf: {  	[smem:$0x3F9D] =	sst s7  }
0x10: {  	[smem:$0x3F9E] =	sst s8  }
0x11: {  	[smem:$0x3F9F] =	sst s9;
	s0 =	simm.s32 @!p0 $0x0  }
0x12: {  	s1 =	sld [smem:$0x3F85];
	s0 =	simm.s32 @p0 $0x1  }
0x13: {  	[smem:$0x3FA0] =	sst s0;
	s0 =	simm.s32 @!p1 $0x0  }
0x14: {  	s2 =	sld [smem:$0x3F84];
	s0 =	simm.s32 @p1 $0x1  }
0x15: {  	[smem:$0x3FA1] =	sst s0;
	s0 =	simm.s32 @!p2 $0x0  }
0x16: {  	s3 =	sld [smem:$0x3FDB];
	s0 =	simm.s32 @p2 $0x1  }
0x17: {  	s4 =	simm.s32 $0x1BF5;
	[smem:$0x3FA3] =	sst s0  }
0x18: {  	s0 =	sld [smem:$0x3F86];
	_ =	swait.ge [sflag:s4], $0x0  }
0x19: {  	s7 =	sld [smem:$0x3F87]  }
0x1a: {  	s8 =	sadd.s32 $0xFFFFE003, lr  }
0x1b: {  	s9 =	sadd.s32 $0xFFFFFEF7, lr;
	s5 =	simm.s32 $0xFFFFFFFF;
	p2 =	slt.u32 s8, $0xFFFFF086  }
0x1c: {  	p1 =	slt.u32 s9, $0xF7A;
	s5 =	simm.s32 @!p2 $0x0  }
0x1d: {  	s5 =	simm.s32 @p1 $0x1;
	p0 =	seq.s32 s7, s2  }
0x1e: {  	s7 =	smul.u32 @!p0 $0xF7A, s2;
	p2 =	seq.s32 @!p0 s5, $0x0  }
0x1f: {  	s9 =	smul.u32 $0xF7A, s1;
	s8 =	simm.s32 @!p0 $0x1BF5;
	p2 =	por !p2, p0  }
0x20: {  	[sflag:s8] =	ssyncset.s32 @!p0 $0xFFFFF086;
	s6 =	sadd.s32 @!p0 s3, s7;
	s7 =	simm.s32 @!p0 $0x108  }
0x21: {  	s3 =	sadd.s32 s3, s9;
	s6 =	sadd.s32 @!p0 $0x88, s6;
	s7 =	simm.s32 @p2 $0x1082  }
0x22: {  	[simem:s7], [sflag:s8] =	dma.local @!p0 [hbm:s6], $0xF7A  }
0x23: {  	s9 =	sor.u32 $0xD0000000, s2;
	s6 =	simm.s32 $0x108;
	_ =	swait.ge @!p0 [sflag:s8], $0x0  }
0x24: {  	s3 =	sadd.s32 $0x88, s3;
	s6 =	simm.s32 @!p1 $0x1082;
	[sflag:s4] =	ssyncset.s32 $0xFFFFF086  }
0x25: {  	[simem:s6], [sflag:s4] =	dma.local [hbm:s3], $0xF7A  }
0x26: {  	[smem:$0x3F87] =	sst s1;
	(tag) =	ssettag s2;
	_ =	strace s9  }
0x27: {  	s1 =	sld [smem:$0x3F97]  }
0x28: {  	s2 =	sld [smem:$0x3F98]  }
0x29: {  	s4 =	sld [smem:$0x3F9A]  }
0x2a: {  	p0 =	seq.s32 s5, $0x0;
	s5 =	sld [smem:$0x3F9B]  }
0x2b: {  	s6 =	sld [smem:$0x3F9C]  }
0x2c: {  	s7 =	sld [smem:$0x3F9D]  }
0x2d: {  	s3 =	simm.s32 $0x108;
	s8 =	sld [smem:$0x3F9E]  }
0x2e: {  	s3 =	simm.s32 @!p0 $0x1082;
	s9 =	sld [smem:$0x3F9F]  }
0x2f: {  	lr =	sadd.s32 s0, s3;
	s0 =	sld [smem:$0x3F96]  }
0x30: {  	s3 =	sld [smem:$0x3F99]  }
0x31: {  	[smem:$0x3FA2] =	sst s10  }
0x32: {  	s10 =	sld [smem:$0x3FA0];
	_ =	sdelay $0x3  }
0x33: {  	p0 =	seq.s32 s10, $0x1;
	s10 =	sld [smem:$0x3FA2];
	_ =	sdelay $0x3  }
0x34: {  	[smem:$0x3FA2] =	sst s10  }
0x35: {  	s10 =	sld [smem:$0x3FA1];
	_ =	sdelay $0x3  }
0x36: {  	p1 =	seq.s32 s10, $0x1;
	s10 =	sld [smem:$0x3FA2];
	_ =	sdelay $0x3  }
0x37: {  	[smem:$0x3FA2] =	sst s10  }
0x38: {  	s10 =	sld [smem:$0x3FA3]  }
0x39: {  	_ = 	snop;
	(pc) =	sbr.ind lr, $3  }
0x3a: {  	_ = 	snop  }
0x3b: {  	_ = 	snop  }
0x3c: {  	p2 =	seq.s32 s10, $0x1;
	s10 =	sld [smem:$0x3FA2]  }
0x3d: {  	_ =	shalt  }
0x3e: {  	_ =	shalt  }
0x3f: {  	_ =	shalt  }
0x40: {  	_ =	shalt  }
0x41: {  	_ =	shalt  }
0x42: {  	_ =	shalt  }
0x43: {  	_ =	shalt  }
0x44: {  	_ =	shalt  }
0x45: {  	_ =	shalt  }
0x46: {  	_ =	shalt  }
0x47: {  	_ =	shalt  }
0x48: {  	_ =	shalt  }
0x49: {  	_ =	shalt  }
0x4a: {  	_ =	shalt  }
0x4b: {  	_ =	shalt  }
0x4c: {  	_ =	shalt  }
0x4d: {  	_ =	shalt  }
0x4e: {  	_ =	shalt  }
0x4f: {  	_ =	shalt  }
0x50: {  	_ =	shalt  }
0x51: {  	_ =	shalt  }
0x52: {  	_ =	shalt  }
0x53: {  	_ =	shalt  }
0x54: {  	_ =	shalt  }
0x55: {  	_ =	shalt  }
0x56: {  	_ =	shalt  }
0x57: {  	_ =	shalt  }
0x58: {  	_ =	shalt  }
0x59: {  	_ =	shalt  }
0x5a: {  	_ =	shalt  }
0x5b: {  	_ =	shalt  }
0x5c: {  	_ =	shalt  }
0x5d: {  	_ =	shalt  }
0x5e: {  	_ =	shalt  }
0x5f: {  	_ =	shalt  }
0x60: {  	_ =	shalt  }
0x61: {  	_ =	shalt  }
0x62: {  	_ =	shalt  }
0x63: {  	_ =	shalt  }
0x64: {  	_ =	shalt  }
0x65: {  	_ =	shalt  }
0x66: {  	_ =	shalt  }
0x67: {  	_ =	shalt  }
0x68: {  	_ =	shalt  }
0x69: {  	_ =	shalt  }
0x6a: {  	_ =	shalt  }
0x6b: {  	_ =	shalt  }
0x6c: {  	_ =	shalt  }
0x6d: {  	_ =	shalt  }
0x6e: {  	_ =	shalt  }
0x6f: {  	_ =	shalt  }
0x70: {  	_ =	shalt  }
0x71: {  	_ =	shalt  }
0x72: {  	_ =	shalt  }
0x73: {  	_ =	shalt  }
0x74: {  	_ =	shalt  }
0x75: {  	_ =	shalt  }
0x76: {  	_ =	shalt  }
0x77: {  	_ =	shalt  }
0x78: {  	_ =	shalt  }
0x79: {  	_ =	shalt  }
0x7a: {  	_ =	shalt  }
0x7b: {  	_ =	shalt  }
0x7c: {  	_ =	shalt  }
0x7d: {  	_ =	shalt  }
0x7e: {  	_ =	shalt  }
0x7f: {  	_ =	shalt  }
0x80: {  	_ =	shalt  }
0x81: {  	_ =	shalt  }
0x82: {  	_ =	shalt  }
0x83: {  	_ =	shalt  }
0x84: {  	_ =	shalt  }
0x85: {  	_ =	shalt  }
0x86: {  	_ =	shalt  }
0x87: {  	_ =	shalt  }
.Lfunc_end0:
.L_simem_size_0:
called_computation.4_lowered:
.L_overlay_start_0:
0x88: {  	s2 =	sld [smem:$0x3FD9]  }
0x89: {  	s3 =	sld [smem:$0x3FFE];
	_ =	sdelay $0x1  }
0x8a: {  	s1 =	srdreg.scid  }
0x8b: {  	s0 =	sand.u32 $0x1, s1  }
0x8c: {  	s16 =	sshll.u32 s0, $0xA;
	s2 =	sadd.s32 s3, s2  }
0x8d: {  	s2 =	sadd.s32 s2, s16  }
0x8e: {  	[smem:$0x3FAE] =	sst s2  }
0x8f: {  	_ = 	snop  }
0x90: {  	(tm) =	ssettm $0x1  }
0x91: {  	s17 =	sld [smem:$0x3FFB];
	_ =	sdelay $0x3  }
0x92: {  	_ =	strace s17  }
0x93: {  	s2 =	sld [smem:$0x3FFC];
	_ =	sdelay $0x3  }
0x94: {  	_ =	strace s2  }
0x95: {  	s2 =	sld [smem:$0x3FFD];
	_ =	sdelay $0x3  }
0x96: {  	_ =	strace s2  }
0x97: {  	_ =	strace $0x8FFFFFFF  }
0x98: {  	s18 =	sld [smem:$0x3FDB];
	_ =	sdelay $0x1  }
0x99: {  	s19 =	simm.s32 $_scs_section_size  }
0x9a: {  	s4 =	simm.s32 $_size__tile_overlayer_lowered;
	s5 =	simm.s32 $_tile_overlayer_lowered  }
0x9b: {  	s22 =	simm.s32 $0x1BFF;
	s21 =	sshll.u32 s5, $0x1;
	s2 =	sadd.s32 s19, s18  }
0x9c: {  	s6 =	simm.s32 $0x0;
	s20 =	sshll.u32 s4, $0x1;
	s4 =	sadd.s32 s21, s2  }
0x9d: {  	[timem:s6], [sflag:s22] =	dma.local [hbm:s4], s20  }
0x9e: {  	_ =	swait.ge [sflag:s22], s20  }
0x9f: {  	s3 =	ssub.s32 $0x0, s20;
	[sflag:s22] =	ssyncset.done $0x0  }
0xa0: {  	[sflag:s22] =	ssyncadd.s32 s3;
	_ =	sdelay $0x1  }
0xa1: {  	s23 =	simm.s32 $0x1B8B  }
0xa2: {  	_ =	swait.ge [sflag:s23], $0x1  }
0xa3: {  	[sflag:s23] =	ssyncset.done $0x0  }
0xa4: {  	s25 =	simm.s32 $0x1B8E;
	s24 =	sld [smem:$0x3FFE];
	[sflag:s23] =	ssyncadd.s32 $0xFFFFFFFF  }
0xa5: {  	s26 =	simm.s32 $execute0_lowered;
	[smem:$0x3FD2] =	sst s25  }
0xa6: {  	s4 =	sshll.u32 s26, $0x1;
	_ =	strace $0x80000052;
	[dreg:$0x1] =	wrdreg $0xFFFFFFFF  }
0xa7: {  	s28 =	simm.s32 $_size_execute0_lowered;
	s2 =	sadd.s32 s2, s4;
	[dreg:$0x0] =	wrdreg $0x0  }
0xa8: {  	s4 =	sshll.u32 s28, $0x1;
	[dreg:$0x2] =	wrdreg s2  }
0xa9: {  	[dreg:$0x3] =	wrdreg s4  }
0xaa: {  	[dreg:$0x4] =	wrdreg $0xC0  }
0xab: {  	_ =	task [dreg:s6], $0x5FFFF  }
0xac: {  	[dreg:$0x1] =	wrdreg $0xFFFFFFFF  }
0xad: {  	[dreg:$0x0] =	wrdreg $0x60  }
0xae: {  	[dreg:$0x2] =	wrdreg s24  }
0xaf: {  	[dreg:$0x3] =	wrdreg $0xA8000  }
0xb0: {  	[dreg:$0x4] =	wrdreg $0x9  }
0xb1: {  	_ =	task.clear_ibuf [dreg:s6], $0x5FFFF;
	_ =	strace $0x90000052  }
0xb2: {  	s29 =	simm.s32 $0x9;
	_ =	strace $0x80000054  }
0xb3: {  	_ =	swait.ge [sflag:s29], $0x1  }
0xb4: {  	[sflag:s29] =	ssyncadd.s32 $0xFFFFFFFF  }
0xb5: {  	_ =	strace $0x90000054  }
0xb6: {  	_ =	sfence  }
0xb7: {  	s30 =	sld [smem:$0x0];
	_ =	sdelay $0x2  }
0xb8: {  	s31 =	sshll.u32 s1, $0xD;
	s1 =	sshrl.u32 s1, $0x2  }
0xb9: {  	s3 =	sand.u32 $0x4000, s31;
	s1 =	sadd.s32 s1, s30  }
0xba: {  	s0 =	sor.u32 s3, s0;
	s1 =	sshll.u32 s1, $0x11  }
0xbb: {  	s0 =	sor.u32 s1, s0  }
0xbc: {  	s0 =	sadd.s32 $0x8F2B, s0  }
0xbd: {  	[sflag:s0] =	ssyncadd.remote.s32 $0x1  }
0xbe: {  	_ =	sfence.sel $0xFFFF  }
0xbf: {  	[dreg:$0x0] =	wrdreg $0xFFFFFFFF;
	(pc) =	sbr.abs _section_cstart, $3  }
0xc0: {  	[dreg:$0x1] =	wrdreg $0xFFFFFFFF  }
0xc1: {  	_ =	task.clear_ibuf [dreg:s6], $0x2FFFF;
	_ =	strace $0x9FFFFFFF  }
0xc2: {  	(tm) =	ssettm $0x7FFFFFFF  }
0xc3: {  	_ =	shalt  }
tec
execute0_lowered:
.L_overlay_start_1:
0x0: {  	(tag) =	ssettag $0x1  }
0x1: {  	s5 =	rddreg [dreg:$0x0]  }
0x2: {  	s2 =	rddreg [dreg:$0x1]  }
0x3: {  	s0 =	rddreg [dreg:$0x2];
	s3 =	simm.s32 $0x0  }
0x4: {  	s1 =	stileid.u32;
	s4 =	srdreg.scid;
	s17 =	simm.s32 $0x2800  }
0x5: {  	s18 =	simm.s32 $0x6800;
	s19 =	simm.s32 $0x1;
	s20 =	simm.s32 $0x2  }
0x6: {  	s21 =	simm.s32 $0x1380;
	s22 =	simm.s32 $0x2700;
	s23 =	simm.s32 $0x2780  }
0x7: {  	s24 =	simm.s32 $0x0;
	[smem:$0x7FF] =	sst s3;
	s6 =	smul.u32 $0x13C00, s1  }
0x8: {  	s7 =	sand.u32 $0x1, s4;
	s4 =	sadd.s32 $0x42600, s5;
	s10 =	sadd.s32 $0x10E00, s5  }
0x9: {  	s11 =	sadd.s32 $0x6E00, s5;
	s12 =	smul.u32 $0x4F000, s1;
	s29 =	sshll.u32 s1, $0x6  }
0xa: {  	s9 =	smul.u32 $0x13C000, s7;
	s28 =	sshll.u32 s7, $0x4;
	s7 =	ssub.s32 $0x2, s7  }
0xb: {  	_ =	strace $0x80000053;
	s8 =	sshrl.u32 s6, $0x3;
	s13 =	sshrl.u32 s7, $0x1  }
0xc: {  	s12 =	sshrl.u32 s12, $0x2;
	s6 =	sadd.s32 s6, s9;
	s9 =	sor.u32 s1, s28  }
0xd: {  	s8 =	sadd.s32 s8, s5;
	s13 =	ssub.s32 s7, s13;
	s14 =	smul.u32 $0x2800, s9  }
0xe: {  	s16 =	sadd.s32 s12, s2;
	s6 =	sshrl.u32 s6, $0x3;
	s9 =	smul.u32 $0x500, s9  }
0xf: {  	s12 =	smax.u32 s13, $0x1;
	s13 =	sshrl.u32 s16, $0x3;
	s16 =	simm.s32 $0x80  }
0x10: {  	s15 =	sadd.s32 s6, s5;
	s5 =	sadd.s32 $0x1AE00, s8;
	s30 =	sshrl.u32 s14, $0x3  }
0x11: {  	s6 =	sor.u32 $0x1C03, s29;
	s7 =	sadd.s32 s10, s9;
	s31 =	sadd.s32 $0x280, s30  }
0x12: {  	s8 =	sadd.s32 s11, s9;
	s14 =	simm.s32 $0x3;
	s9 =	sadd.s32 s10, s31  }
0x13: {  	s10 =	sadd.s32 s11, s31;
	s11 =	sadd.s32 $0x90A00, s15;
	s15 =	simm.s32 $0x1400  }
.LBB2_1:
0x14: {  	[spmem:s13], [sflag:s6] =	dma.local [hbm:s5], $0x2780  }
0x15: {  	_ =	swait.ge [sflag:s14], $0x2780  }
0x16: {  	[sflag:s14] =	ssyncset.done $0x0  }
0x17: {  	[sflag:s14] =	ssyncadd.s32 $0xFFFFD880  }
0x18: {  	[bflag:$0x0] =	sbarrier.arrive $0xFFFF  }
0x19: {  	[tilespmem:s3], [sflag:$0x3] =	stream.linear.gather [hbm4b:s7+s3], $0x1400, $0x38;
	[tilespmem:$0x1E400] =	vst v63  }
0x1a: {  	_ =	swait.ge [sflag:s14], $0x1400  }
0x1b: {  	[sflag:s14] =	ssyncset.done $0x0  }
0x1c: {  	[sflag:s14] =	ssyncadd.s32 $0xFFFFEC00  }
0x1d: {  	[tilespmem:s15], [sflag:$0x3] =	stream.linear.gather [hbm4b:s8+s3], $0x1400, $0x38;
	[tilespmem:$0x1E400] =	vst v63  }
0x1e: {  	_ =	swait.ge [sflag:s14], $0x1400  }
0x1f: {  	[sflag:s14] =	ssyncset.done $0x0  }
0x20: {  	[sflag:s14] =	ssyncadd.s32 $0xFFFFEC00  }
0x21: {  	[tilespmem:s17], [sflag:$0x1] =	stream.indirect.gather [hbm4b:s4+s16], $0x80, s3, s16, $0xb8;
	[tilespmem:$0x1E400] =	vst v63  }
0x22: {  	s25 =	simm.s32 $0x80  }
0x23: {  	[tilespmem:s18], [sflag:$0x2] =	stream.indirect.gather [hbm4b:s4+s16], $0x80, s25, s16, $0xb8;
	[tilespmem:$0x1E400] =	vst v63  }
0x24: {  	_ =	swait.ge [sflag:s19], $0x4000  }
0x25: {  	[sflag:s19] =	ssyncset.done $0x0  }
0x26: {  	s29 =	simm.s32 $0x1400;
	[sflag:s19] =	ssyncadd.s32 $0xFFFFC000  }
0x27: {  	[spmem:s2] =	stream.indirect.scatter.add.f32 [tilespmem:s17], [sflag:$0x3], $0x80, s29, s16, $0xb8;
	[tilespmem:$0x1E400] =	vst v63  }
0x28: {  	_ =	swait.ge [sflag:s14], $0x4000  }
0x29: {  	[sflag:s14] =	ssyncset.done $0x0  }
0x2a: {  	s30 =	simm.s32 $0x100;
	[sflag:s14] =	ssyncadd.s32 $0xFFFFC000  }
0x2b: {  	[tilespmem:s17], [sflag:$0x1] =	stream.indirect.gather [hbm4b:s4+s16], $0x80, s30, s16, $0xb8;
	[tilespmem:$0x1E400] =	vst v63  }
0x2c: {  	_ =	swait.ge [sflag:s20], $0x4000  }
0x2d: {  	[sflag:s20] =	ssyncset.done $0x0  }
0x2e: {  	s31 =	simm.s32 $0x1480;
	[sflag:s20] =	ssyncadd.s32 $0xFFFFC000  }
0x2f: {  	[spmem:s2] =	stream.indirect.scatter.add.f32 [tilespmem:s18], [sflag:$0x3], $0x80, s31, s16, $0xb8;
	[tilespmem:$0x1E400] =	vst v63  }
0x30: {  	_ =	swait.ge [sflag:s14], $0x4000  }
0x31: {  	s26 =	simm.s32 $0x800;
	s25 =	simm.s32 $0x100;
	[sflag:s14] =	ssyncset.done $0x0  }
.LBB2_2:
0x32: {  	s28 =	sadd.s32 $0x80, s25  }
0x33: {  	[sflag:s14] =	ssyncadd.s32 $0xFFFFC000;
	s29 =	smov.u32 s26;
	s30 =	sadd.s32 $0x400, s26  }
0x34: {  	[tilespmem:s18], [sflag:$0x2] =	stream.indirect.gather [hbm4b:s4+s16], $0x80, s28, s16, $0xb8;
	[tilespmem:$0x1E400] =	vst v63  }
0x35: {  	p0 =	sne.s32 s26, $0x4800;
	_ =	swait.ge [sflag:s19], $0x4000  }
0x36: {  	[sflag:s19] =	ssyncset.done $0x0  }
0x37: {  	s26 =	sadd.s32 $0x1400, s25;
	[sflag:s19] =	ssyncadd.s32 $0xFFFFC000  }
0x38: {  	[spmem:s2] =	stream.indirect.scatter.add.f32 [tilespmem:s17], [sflag:$0x3], $0x80, s26, s16, $0xb8;
	[tilespmem:$0x1E400] =	vst v63  }
0x39: {  	_ =	swait.ge [sflag:s14], $0x4000  }
0x3a: {  	[sflag:s14] =	ssyncset.done $0x0  }
0x3b: {  	s26 =	sadd.s32 $0x100, s25;
	[sflag:s14] =	ssyncadd.s32 $0xFFFFC000  }
0x3c: {  	[tilespmem:s17], [sflag:$0x1] =	stream.indirect.gather [hbm4b:s4+s16], $0x80, s26, s16, $0xb8;
	[tilespmem:$0x1E400] =	vst v63  }
0x3d: {  	_ =	swait.ge [sflag:s20], $0x4000  }
.Ltmp0:
0x3e: {  	[sflag:s20] =	ssyncset.done $0x0;
	(pc) =	sbr.rel @p0 .LBB2_2-.Ltmp0, $4  }
0x3f: {  	s25 =	sadd.s32 $0x1480, s25;
	[sflag:s20] =	ssyncadd.s32 $0xFFFFC000  }
0x40: {  	[spmem:s2] =	stream.indirect.scatter.add.f32 [tilespmem:s18], [sflag:$0x3], $0x80, s25, s16, $0xb8;
	[tilespmem:$0x1E400] =	vst v63  }
0x41: {  	_ =	swait.ge [sflag:s14], $0x4000  }
0x42: {  	s26 =	smov.u32 s30;
	s25 =	sshra.s32 s29, $0x2;
	[sflag:s14] =	ssyncset.done $0x0  }
0x43: {  	s26 =	sadd.s32 $0x80, s25;
	[sflag:s14] =	ssyncadd.s32 $0xFFFFC000  }
0x44: {  	[tilespmem:s18], [sflag:$0x2] =	stream.indirect.gather [hbm4b:s4+s16], $0x80, s26, s16, $0xb8;
	[tilespmem:$0x1E400] =	vst v63  }
0x45: {  	_ =	swait.ge [sflag:s19], $0x4000  }
0x46: {  	[sflag:s19] =	ssyncset.done $0x0  }
0x47: {  	s29 =	sadd.s32 $0x1400, s25;
	[sflag:s19] =	ssyncadd.s32 $0xFFFFC000  }
0x48: {  	[spmem:s2] =	stream.indirect.scatter.add.f32 [tilespmem:s17], [sflag:$0x3], $0x80, s29, s16, $0xb8;
	[tilespmem:$0x1E400] =	vst v63  }
0x49: {  	_ =	swait.ge [sflag:s14], $0x4000  }
0x4a: {  	[sflag:s14] =	ssyncset.done $0x0  }
0x4b: {  	s30 =	sadd.s32 $0x100, s25;
	[sflag:s14] =	ssyncadd.s32 $0xFFFFC000  }
0x4c: {  	[tilespmem:s17], [sflag:$0x1] =	stream.indirect.gather [hbm4b:s4+s16], $0x80, s30, s16, $0xb8;
	[tilespmem:$0x1E400] =	vst v63  }
0x4d: {  	_ =	swait.ge [sflag:s20], $0x4000  }
0x4e: {  	[sflag:s20] =	ssyncset.done $0x0  }
0x4f: {  	s31 =	sadd.s32 $0x1480, s25;
	[sflag:s20] =	ssyncadd.s32 $0xFFFFC000  }
0x50: {  	[spmem:s2] =	stream.indirect.scatter.add.f32 [tilespmem:s18], [sflag:$0x3], $0x80, s31, s16, $0xb8;
	[tilespmem:$0x1E400] =	vst v63  }
0x51: {  	_ =	swait.ge [sflag:s14], $0x4000  }
0x52: {  	[sflag:s14] =	ssyncset.done $0x0  }
0x53: {  	[sflag:s14] =	ssyncadd.s32 $0xFFFFC000  }
0x54: {  	[tilespmem:s18], [sflag:$0x2] =	stream.indirect.gather [hbm4b:s4+s16], $0x80, s21, s16, $0xb8;
	[tilespmem:$0x1E400] =	vst v63  }
0x55: {  	_ =	swait.ge [sflag:s19], $0x4000  }
0x56: {  	[sflag:s19] =	ssyncset.done $0x0  }
0x57: {  	[sflag:s19] =	ssyncadd.s32 $0xFFFFC000  }
0x58: {  	[spmem:s2] =	stream.indirect.scatter.add.f32 [tilespmem:s17], [sflag:$0x3], $0x80, s22, s16, $0xb8;
	[tilespmem:$0x1E400] =	vst v63  }
0x59: {  	_ =	swait.ge [sflag:s14], $0x4000  }
0x5a: {  	[sflag:s14] =	ssyncset.done $0x0  }
0x5b: {  	[sflag:s14] =	ssyncadd.s32 $0xFFFFC000  }
0x5c: {  	_ =	swait.ge [sflag:s20], $0x4000  }
0x5d: {  	[sflag:s20] =	ssyncset.done $0x0  }
0x5e: {  	[sflag:s20] =	ssyncadd.s32 $0xFFFFC000  }
0x5f: {  	[spmem:s2] =	stream.indirect.scatter.add.f32 [tilespmem:s18], [sflag:$0x3], $0x80, s23, s16, $0xb8;
	[tilespmem:$0x1E400] =	vst v63  }
0x60: {  	_ =	swait.ge [sflag:s14], $0x4000  }
0x61: {  	[sflag:s14] =	ssyncset.done $0x0  }
0x62: {  	s26 =	simm.s32 $0x0;
	[sflag:s14] =	ssyncadd.s32 $0xFFFFC000  }
0x63: {  	[tilespmem:s26], [sflag:$0x3] =	stream.linear.gather [hbm4b:s9+s26], $0x1400, $0x38;
	[tilespmem:$0x1E400] =	vst v63  }
0x64: {  	_ =	swait.ge [sflag:s14], $0x1400  }
0x65: {  	[sflag:s14] =	ssyncset.done $0x0  }
0x66: {  	[sflag:s14] =	ssyncadd.s32 $0xFFFFEC00  }
0x67: {  	[tilespmem:s15], [sflag:$0x3] =	stream.linear.gather [hbm4b:s10+s26], $0x1400, $0x38;
	[tilespmem:$0x1E400] =	vst v63  }
0x68: {  	_ =	swait.ge [sflag:s14], $0x1400  }
0x69: {  	[sflag:s14] =	ssyncset.done $0x0  }
0x6a: {  	[sflag:s14] =	ssyncadd.s32 $0xFFFFEC00  }
0x6b: {  	[tilespmem:s17], [sflag:$0x1] =	stream.indirect.gather [hbm4b:s4+s16], $0x80, s26, s16, $0xb8;
	[tilespmem:$0x1E400] =	vst v63  }
0x6c: {  	s28 =	simm.s32 $0x80  }
0x6d: {  	[tilespmem:s18], [sflag:$0x2] =	stream.indirect.gather [hbm4b:s4+s16], $0x80, s28, s16, $0xb8;
	[tilespmem:$0x1E400] =	vst v63  }
0x6e: {  	_ =	swait.ge [sflag:s19], $0x4000  }
0x6f: {  	[sflag:s19] =	ssyncset.done $0x0  }
0x70: {  	s29 =	simm.s32 $0x1400;
	[sflag:s19] =	ssyncadd.s32 $0xFFFFC000  }
0x71: {  	[spmem:s2] =	stream.indirect.scatter.add.f32 [tilespmem:s17], [sflag:$0x3], $0x80, s29, s16, $0xb8;
	[tilespmem:$0x1E400] =	vst v63  }
0x72: {  	_ =	swait.ge [sflag:s14], $0x4000  }
0x73: {  	[sflag:s14] =	ssyncset.done $0x0  }
0x74: {  	s30 =	simm.s32 $0x100;
	[sflag:s14] =	ssyncadd.s32 $0xFFFFC000  }
0x75: {  	[tilespmem:s17], [sflag:$0x1] =	stream.indirect.gather [hbm4b:s4+s16], $0x80, s30, s16, $0xb8;
	[tilespmem:$0x1E400] =	vst v63  }
0x76: {  	_ =	swait.ge [sflag:s20], $0x4000  }
0x77: {  	[sflag:s20] =	ssyncset.done $0x0  }
0x78: {  	s31 =	simm.s32 $0x1480;
	[sflag:s20] =	ssyncadd.s32 $0xFFFFC000  }
0x79: {  	[spmem:s2] =	stream.indirect.scatter.add.f32 [tilespmem:s18], [sflag:$0x3], $0x80, s31, s16, $0xb8;
	[tilespmem:$0x1E400] =	vst v63  }
0x7a: {  	_ =	swait.ge [sflag:s14], $0x4000  }
0x7b: {  	s25 =	simm.s32 $0x100;
	s26 =	simm.s32 $0x800;
	[sflag:s14] =	ssyncset.done $0x0  }
.LBB2_4:
0x7c: {  	s28 =	sadd.s32 $0x80, s25  }
0x7d: {  	[sflag:s14] =	ssyncadd.s32 $0xFFFFC000;
	s29 =	smov.u32 s26;
	s30 =	sadd.s32 $0x400, s26  }
0x7e: {  	[tilespmem:s18], [sflag:$0x2] =	stream.indirect.gather [hbm4b:s4+s16], $0x80, s28, s16, $0xb8;
	[tilespmem:$0x1E400] =	vst v63  }
0x7f: {  	p0 =	sne.s32 s26, $0x4800;
	_ =	swait.ge [sflag:s19], $0x4000  }
0x80: {  	[sflag:s19] =	ssyncset.done $0x0  }
0x81: {  	s26 =	sadd.s32 $0x1400, s25;
	[sflag:s19] =	ssyncadd.s32 $0xFFFFC000  }
0x82: {  	[spmem:s2] =	stream.indirect.scatter.add.f32 [tilespmem:s17], [sflag:$0x3], $0x80, s26, s16, $0xb8;
	[tilespmem:$0x1E400] =	vst v63  }
0x83: {  	_ =	swait.ge [sflag:s14], $0x4000  }
0x84: {  	[sflag:s14] =	ssyncset.done $0x0  }
0x85: {  	s26 =	sadd.s32 $0x100, s25;
	[sflag:s14] =	ssyncadd.s32 $0xFFFFC000  }
0x86: {  	[tilespmem:s17], [sflag:$0x1] =	stream.indirect.gather [hbm4b:s4+s16], $0x80, s26, s16, $0xb8;
	[tilespmem:$0x1E400] =	vst v63  }
0x87: {  	_ =	swait.ge [sflag:s20], $0x4000  }
.Ltmp1:
0x88: {  	[sflag:s20] =	ssyncset.done $0x0;
	(pc) =	sbr.rel @p0 .LBB2_4-.Ltmp1, $4  }
0x89: {  	s25 =	sadd.s32 $0x1480, s25;
	[sflag:s20] =	ssyncadd.s32 $0xFFFFC000  }
0x8a: {  	[spmem:s2] =	stream.indirect.scatter.add.f32 [tilespmem:s18], [sflag:$0x3], $0x80, s25, s16, $0xb8;
	[tilespmem:$0x1E400] =	vst v63  }
0x8b: {  	_ =	swait.ge [sflag:s14], $0x4000  }
0x8c: {  	s26 =	smov.u32 s30;
	s25 =	sshra.s32 s29, $0x2;
	[sflag:s14] =	ssyncset.done $0x0  }
0x8d: {  	s26 =	sadd.s32 $0x80, s25;
	[sflag:s14] =	ssyncadd.s32 $0xFFFFC000  }
0x8e: {  	[tilespmem:s18], [sflag:$0x2] =	stream.indirect.gather [hbm4b:s4+s16], $0x80, s26, s16, $0xb8;
	[tilespmem:$0x1E400] =	vst v63  }
0x8f: {  	_ =	swait.ge [sflag:s19], $0x4000  }
0x90: {  	[sflag:s19] =	ssyncset.done $0x0  }
0x91: {  	s29 =	sadd.s32 $0x1400, s25;
	[sflag:s19] =	ssyncadd.s32 $0xFFFFC000  }
0x92: {  	[spmem:s2] =	stream.indirect.scatter.add.f32 [tilespmem:s17], [sflag:$0x3], $0x80, s29, s16, $0xb8;
	[tilespmem:$0x1E400] =	vst v63  }
0x93: {  	_ =	swait.ge [sflag:s14], $0x4000  }
0x94: {  	[sflag:s14] =	ssyncset.done $0x0  }
0x95: {  	s30 =	sadd.s32 $0x100, s25;
	[sflag:s14] =	ssyncadd.s32 $0xFFFFC000  }
0x96: {  	[tilespmem:s17], [sflag:$0x1] =	stream.indirect.gather [hbm4b:s4+s16], $0x80, s30, s16, $0xb8;
	[tilespmem:$0x1E400] =	vst v63  }
0x97: {  	_ =	swait.ge [sflag:s20], $0x4000  }
0x98: {  	[sflag:s20] =	ssyncset.done $0x0  }
0x99: {  	s31 =	sadd.s32 $0x1480, s25;
	[sflag:s20] =	ssyncadd.s32 $0xFFFFC000  }
0x9a: {  	[spmem:s2] =	stream.indirect.scatter.add.f32 [tilespmem:s18], [sflag:$0x3], $0x80, s31, s16, $0xb8;
	[tilespmem:$0x1E400] =	vst v63  }
0x9b: {  	_ =	swait.ge [sflag:s14], $0x4000  }
0x9c: {  	[sflag:s14] =	ssyncset.done $0x0  }
0x9d: {  	[sflag:s14] =	ssyncadd.s32 $0xFFFFC000  }
0x9e: {  	[tilespmem:s18], [sflag:$0x2] =	stream.indirect.gather [hbm4b:s4+s16], $0x80, s21, s16, $0xb8;
	[tilespmem:$0x1E400] =	vst v63  }
0x9f: {  	_ =	swait.ge [sflag:s19], $0x4000  }
0xa0: {  	[sflag:s19] =	ssyncset.done $0x0  }
0xa1: {  	[sflag:s19] =	ssyncadd.s32 $0xFFFFC000  }
0xa2: {  	[spmem:s2] =	stream.indirect.scatter.add.f32 [tilespmem:s17], [sflag:$0x3], $0x80, s22, s16, $0xb8;
	[tilespmem:$0x1E400] =	vst v63  }
0xa3: {  	_ =	swait.ge [sflag:s14], $0x4000  }
0xa4: {  	[sflag:s14] =	ssyncset.done $0x0  }
0xa5: {  	[sflag:s14] =	ssyncadd.s32 $0xFFFFC000  }
0xa6: {  	_ =	swait.ge [sflag:s20], $0x4000  }
0xa7: {  	[sflag:s20] =	ssyncset.done $0x0  }
0xa8: {  	[sflag:s20] =	ssyncadd.s32 $0xFFFFC000  }
0xa9: {  	[spmem:s2] =	stream.indirect.scatter.add.f32 [tilespmem:s18], [sflag:$0x3], $0x80, s23, s16, $0xb8;
	[tilespmem:$0x1E400] =	vst v63  }
0xaa: {  	_ =	swait.ge [sflag:s14], $0x4000  }
0xab: {  	s24 =	sadd.s32 $0x1, s24;
	[sflag:s14] =	ssyncset.done $0x0  }
0xac: {  	p0 =	sne.s32 s24, s12;
	[sflag:s14] =	ssyncadd.s32 $0xFFFFC000  }
.Ltmp2:
0xad: {  	[bflag:$0x0] =	sbarrier.arrive $0xFFFF;
	(pc) =	sbr.rel @p0 .LBB2_1-.Ltmp2, $4  }
0xae: {  	[hbm:s11], [sflag:s6] =	dma.local [spmem:s13], $0x2780  }
0xaf: {  	_ =	swait.ge [sflag:s14], $0x2780  }
0xb0: {  	[sflag:s14] =	ssyncset.done $0x0  }
0xb1: {  	[sflag:s14] =	ssyncadd.s32 $0xFFFFD880  }
0xb2: {  	_ =	sfence.sel $0x180000  }
0xb3: {  	[bflag:$0x0] =	sbarrier.arrive $0xFFFF  }
0xb4: {  	p0 =	sne.s32 s1, $0x0;
	_ =	strace $0x90000053  }
0xb5: {  	s0 =	sadd.s32 @!p0 $0x100000, s0;
	[bflag:$0x2] =	sbarrier.arrive $0xFFFF  }
0xb6: {  	[sflag:s0] =	ssyncadd.tile.s32 @!p0 $0x1;
	_ =	shalt  }
.Lfunc_end2:
_tile_overlayer_lowered:
.L_overlay_start_2:
0xb7: {  	(tag) =	ssettag $0x2  }
0xb8: {  	s0 =	rddreg [dreg:$0x0];
	s2 =	stileid.u32  }
0xb9: {  	s1 =	rddreg [dreg:$0x1];
	p0 =	sne.s32 s2, $0x0  }
0xba: {  	s3 =	rddreg [dreg:$0x2];
	[bflag:$0x3] =	sbarrier.arrive $0xFFFF;
	s2 =	simm.s32 @!p0 $0x1C03  }
0xbb: {  	[timem:s3], [sflag:s2] =	dma.local @!p0 [hbm:s0], s1  }
0xbc: {  	s0 =	simm.s32 @!p0 $0x3  }
0xbd: {  	_ =	swait.ge @!p0 [sflag:s0], s1  }
0xbe: {  	s1 =	ssub.s32 @!p0 $0x0, s1;
	[sflag:s0] =	ssyncset.done @!p0 $0x0  }
0xbf: {  	[sflag:s0] =	ssyncadd.s32 @!p0 s1  }
0xc0: {  	[bflag:$0x3] =	sbarrier.arrive $0xFFFF  }
0xc1: {  	_ =	shalt  }

// kernel: kernel.29.cloned.1.call-start
scs
__scs_entry_jumppad:
0x0: {  	(pc) =	sbr.rel $0x88, $3  }
0x1: {  	(tag) =	ssettag $0x0;
	lr =	simm.s32 $0x1  }
0x2: {  	[smem:$0x3F87] =	sst lr;
	_ =	strace $0xD0000000  }
0x3: {  	_ = 	snop  }
0x4: {  	_ = 	snop  }
0x5: {  	_ = 	snop  }
0x6: {  	_ = 	snop  }
0x7: {  	_ = 	snop  }
__scs_overlays_trampoline_lowered:
0x8: {  	[smem:$0x3F96] =	sst s0  }
0x9: {  	[smem:$0x3F97] =	sst s1  }
0xa: {  	[smem:$0x3F98] =	sst s2  }
0xb: {  	[smem:$0x3F99] =	sst s3  }
0xc: {  	[smem:$0x3F9A] =	sst s4  }
0xd: {  	[smem:$0x3F9B] =	sst s5  }
0xe: {  	[smem:$0x3F9C] =	sst s6  }
0xf: {  	[smem:$0x3F9D] =	sst s7  }
0x10: {  	[smem:$0x3F9E] =	sst s8  }
0x11: {  	[smem:$0x3F9F] =	sst s9;
	s0 =	simm.s32 @!p0 $0x0  }
0x12: {  	s1 =	sld [smem:$0x3F85];
	s0 =	simm.s32 @p0 $0x1  }
0x13: {  	[smem:$0x3FA0] =	sst s0;
	s0 =	simm.s32 @!p1 $0x0  }
0x14: {  	s2 =	sld [smem:$0x3F84];
	s0 =	simm.s32 @p1 $0x1  }
0x15: {  	[smem:$0x3FA1] =	sst s0;
	s0 =	simm.s32 @!p2 $0x0  }
0x16: {  	s3 =	sld [smem:$0x3FDB];
	s0 =	simm.s32 @p2 $0x1  }
0x17: {  	s4 =	simm.s32 $0x1BF5;
	[smem:$0x3FA3] =	sst s0  }
0x18: {  	s0 =	sld [smem:$0x3F86];
	_ =	swait.ge [sflag:s4], $0x0  }
0x19: {  	s7 =	sld [smem:$0x3F87]  }
0x1a: {  	s8 =	sadd.s32 $0xFFFFE003, lr  }
0x1b: {  	s9 =	sadd.s32 $0xFFFFFEF7, lr;
	s5 =	simm.s32 $0xFFFFFFFF;
	p2 =	slt.u32 s8, $0xFFFFF086  }
0x1c: {  	p1 =	slt.u32 s9, $0xF7A;
	s5 =	simm.s32 @!p2 $0x0  }
0x1d: {  	s5 =	simm.s32 @p1 $0x1;
	p0 =	seq.s32 s7, s2  }
0x1e: {  	s7 =	smul.u32 @!p0 $0xF7A, s2;
	p2 =	seq.s32 @!p0 s5, $0x0  }
0x1f: {  	s9 =	smul.u32 $0xF7A, s1;
	s8 =	simm.s32 @!p0 $0x1BF5;
	p2 =	por !p2, p0  }
0x20: {  	[sflag:s8] =	ssyncset.s32 @!p0 $0xFFFFF086;
	s6 =	sadd.s32 @!p0 s3, s7;
	s7 =	simm.s32 @!p0 $0x108  }
0x21: {  	s3 =	sadd.s32 s3, s9;
	s6 =	sadd.s32 @!p0 $0x88, s6;
	s7 =	simm.s32 @p2 $0x1082  }
0x22: {  	[simem:s7], [sflag:s8] =	dma.local @!p0 [hbm:s6], $0xF7A  }
0x23: {  	s9 =	sor.u32 $0xD0000000, s2;
	s6 =	simm.s32 $0x108;
	_ =	swait.ge @!p0 [sflag:s8], $0x0  }
0x24: {  	s3 =	sadd.s32 $0x88, s3;
	s6 =	simm.s32 @!p1 $0x1082;
	[sflag:s4] =	ssyncset.s32 $0xFFFFF086  }
0x25: {  	[simem:s6], [sflag:s4] =	dma.local [hbm:s3], $0xF7A  }
0x26: {  	[smem:$0x3F87] =	sst s1;
	(tag) =	ssettag s2;
	_ =	strace s9  }
0x27: {  	s1 =	sld [smem:$0x3F97]  }
0x28: {  	s2 =	sld [smem:$0x3F98]  }
0x29: {  	s4 =	sld [smem:$0x3F9A]  }
0x2a: {  	p0 =	seq.s32 s5, $0x0;
	s5 =	sld [smem:$0x3F9B]  }
0x2b: {  	s6 =	sld [smem:$0x3F9C]  }
0x2c: {  	s7 =	sld [smem:$0x3F9D]  }
0x2d: {  	s3 =	simm.s32 $0x108;
	s8 =	sld [smem:$0x3F9E]  }
0x2e: {  	s3 =	simm.s32 @!p0 $0x1082;
	s9 =	sld [smem:$0x3F9F]  }
0x2f: {  	lr =	sadd.s32 s0, s3;
	s0 =	sld [smem:$0x3F96]  }
0x30: {  	s3 =	sld [smem:$0x3F99]  }
0x31: {  	[smem:$0x3FA2] =	sst s10  }
0x32: {  	s10 =	sld [smem:$0x3FA0];
	_ =	sdelay $0x3  }
0x33: {  	p0 =	seq.s32 s10, $0x1;
	s10 =	sld [smem:$0x3FA2];
	_ =	sdelay $0x3  }
0x34: {  	[smem:$0x3FA2] =	sst s10  }
0x35: {  	s10 =	sld [smem:$0x3FA1];
	_ =	sdelay $0x3  }
0x36: {  	p1 =	seq.s32 s10, $0x1;
	s10 =	sld [smem:$0x3FA2];
	_ =	sdelay $0x3  }
0x37: {  	[smem:$0x3FA2] =	sst s10  }
0x38: {  	s10 =	sld [smem:$0x3FA3]  }
0x39: {  	_ = 	snop;
	(pc) =	sbr.ind lr, $3  }
0x3a: {  	_ = 	snop  }
0x3b: {  	_ = 	snop  }
0x3c: {  	p2 =	seq.s32 s10, $0x1;
	s10 =	sld [smem:$0x3FA2]  }
0x3d: {  	_ =	shalt  }
0x3e: {  	_ =	shalt  }
0x3f: {  	_ =	shalt  }
0x40: {  	_ =	shalt  }
0x41: {  	_ =	shalt  }
0x42: {  	_ =	shalt  }
0x43: {  	_ =	shalt  }
0x44: {  	_ =	shalt  }
0x45: {  	_ =	shalt  }
0x46: {  	_ =	shalt  }
0x47: {  	_ =	shalt  }
0x48: {  	_ =	shalt  }
0x49: {  	_ =	shalt  }
0x4a: {  	_ =	shalt  }
0x4b: {  	_ =	shalt  }
0x4c: {  	_ =	shalt  }
0x4d: {  	_ =	shalt  }
0x4e: {  	_ =	shalt  }
0x4f: {  	_ =	shalt  }
0x50: {  	_ =	shalt  }
0x51: {  	_ =	shalt  }
0x52: {  	_ =	shalt  }
0x53: {  	_ =	shalt  }
0x54: {  	_ =	shalt  }
0x55: {  	_ =	shalt  }
0x56: {  	_ =	shalt  }
0x57: {  	_ =	shalt  }
0x58: {  	_ =	shalt  }
0x59: {  	_ =	shalt  }
0x5a: {  	_ =	shalt  }
0x5b: {  	_ =	shalt  }
0x5c: {  	_ =	shalt  }
0x5d: {  	_ =	shalt  }
0x5e: {  	_ =	shalt  }
0x5f: {  	_ =	shalt  }
0x60: {  	_ =	shalt  }
0x61: {  	_ =	shalt  }
0x62: {  	_ =	shalt  }
0x63: {  	_ =	shalt  }
0x64: {  	_ =	shalt  }
0x65: {  	_ =	shalt  }
0x66: {  	_ =	shalt  }
0x67: {  	_ =	shalt  }
0x68: {  	_ =	shalt  }
0x69: {  	_ =	shalt  }
0x6a: {  	_ =	shalt  }
0x6b: {  	_ =	shalt  }
0x6c: {  	_ =	shalt  }
0x6d: {  	_ =	shalt  }
0x6e: {  	_ =	shalt  }
0x6f: {  	_ =	shalt  }
0x70: {  	_ =	shalt  }
0x71: {  	_ =	shalt  }
0x72: {  	_ =	shalt  }
0x73: {  	_ =	shalt  }
0x74: {  	_ =	shalt  }
0x75: {  	_ =	shalt  }
0x76: {  	_ =	shalt  }
0x77: {  	_ =	shalt  }
0x78: {  	_ =	shalt  }
0x79: {  	_ =	shalt  }
0x7a: {  	_ =	shalt  }
0x7b: {  	_ =	shalt  }
0x7c: {  	_ =	shalt  }
0x7d: {  	_ =	shalt  }
0x7e: {  	_ =	shalt  }
0x7f: {  	_ =	shalt  }
0x80: {  	_ =	shalt  }
0x81: {  	_ =	shalt  }
0x82: {  	_ =	shalt  }
0x83: {  	_ =	shalt  }
0x84: {  	_ =	shalt  }
0x85: {  	_ =	shalt  }
0x86: {  	_ =	shalt  }
0x87: {  	_ =	shalt  }
.Lfunc_end0:
.L_simem_size_0:
called_computation.5_lowered:
.L_overlay_start_0:
0x88: {  	s2 =	sld [smem:$0x3FD9]  }
0x89: {  	s3 =	sld [smem:$0x3FFE];
	_ =	sdelay $0x1  }
0x8a: {  	s1 =	srdreg.scid  }
0x8b: {  	s0 =	sand.u32 $0x1, s1  }
0x8c: {  	s16 =	sshll.u32 s0, $0xA;
	s2 =	sadd.s32 s3, s2  }
0x8d: {  	s2 =	sadd.s32 s2, s16  }
0x8e: {  	[smem:$0x3FAE] =	sst s2  }
0x8f: {  	_ = 	snop  }
0x90: {  	(tm) =	ssettm $0x1  }
0x91: {  	s17 =	sld [smem:$0x3FFB];
	_ =	sdelay $0x3  }
0x92: {  	_ =	strace s17  }
0x93: {  	s2 =	sld [smem:$0x3FFC];
	_ =	sdelay $0x3  }
0x94: {  	_ =	strace s2  }
0x95: {  	s2 =	sld [smem:$0x3FFD];
	_ =	sdelay $0x3  }
0x96: {  	_ =	strace s2  }
0x97: {  	_ =	strace $0x8FFFFFFF  }
0x98: {  	s18 =	sld [smem:$0x3FDB];
	_ =	sdelay $0x1  }
0x99: {  	s19 =	simm.s32 $_scs_section_size  }
0x9a: {  	s4 =	simm.s32 $_size__tile_overlayer_lowered;
	s5 =	simm.s32 $_tile_overlayer_lowered  }
0x9b: {  	s22 =	simm.s32 $0x1BFF;
	s21 =	sshll.u32 s5, $0x1;
	s2 =	sadd.s32 s19, s18  }
0x9c: {  	s6 =	simm.s32 $0x0;
	s20 =	sshll.u32 s4, $0x1;
	s4 =	sadd.s32 s21, s2  }
0x9d: {  	[timem:s6], [sflag:s22] =	dma.local [hbm:s4], s20  }
0x9e: {  	_ =	swait.ge [sflag:s22], s20  }
0x9f: {  	s3 =	ssub.s32 $0x0, s20;
	[sflag:s22] =	ssyncset.done $0x0  }
0xa0: {  	[sflag:s22] =	ssyncadd.s32 s3;
	_ =	sdelay $0x1  }
0xa1: {  	s23 =	simm.s32 $0x1B8B  }
0xa2: {  	_ =	swait.ge [sflag:s23], $0x1  }
0xa3: {  	[sflag:s23] =	ssyncset.done $0x0  }
0xa4: {  	s25 =	simm.s32 $0x1B8E;
	s24 =	sld [smem:$0x3FFE];
	[sflag:s23] =	ssyncadd.s32 $0xFFFFFFFF  }
0xa5: {  	s26 =	simm.s32 $execute0_lowered;
	[smem:$0x3FD2] =	sst s25  }
0xa6: {  	s4 =	sshll.u32 s26, $0x1;
	_ =	strace $0x80000055;
	[dreg:$0x1] =	wrdreg $0xFFFFFFFF  }
0xa7: {  	s28 =	simm.s32 $_size_execute0_lowered;
	s2 =	sadd.s32 s2, s4;
	[dreg:$0x0] =	wrdreg $0x0  }
0xa8: {  	s4 =	sshll.u32 s28, $0x1;
	[dreg:$0x2] =	wrdreg s2  }
0xa9: {  	[dreg:$0x3] =	wrdreg s4  }
0xaa: {  	[dreg:$0x4] =	wrdreg $0xC0  }
0xab: {  	_ =	task [dreg:s6], $0x5FFFF  }
0xac: {  	[dreg:$0x1] =	wrdreg $0xFFFFFFFF  }
0xad: {  	[dreg:$0x0] =	wrdreg $0x60  }
0xae: {  	[dreg:$0x2] =	wrdreg s24  }
0xaf: {  	[dreg:$0x3] =	wrdreg $0xA8000  }
0xb0: {  	[dreg:$0x4] =	wrdreg $0x9  }
0xb1: {  	_ =	task.clear_ibuf [dreg:s6], $0x5FFFF;
	_ =	strace $0x90000055  }
0xb2: {  	s29 =	simm.s32 $0x9;
	_ =	strace $0x80000057  }
0xb3: {  	_ =	swait.ge [sflag:s29], $0x1  }
0xb4: {  	[sflag:s29] =	ssyncadd.s32 $0xFFFFFFFF  }
0xb5: {  	_ =	strace $0x90000057  }
0xb6: {  	_ =	sfence  }
0xb7: {  	s30 =	sld [smem:$0x0];
	_ =	sdelay $0x2  }
0xb8: {  	s31 =	sshll.u32 s1, $0xD;
	s1 =	sshrl.u32 s1, $0x2  }
0xb9: {  	s3 =	sand.u32 $0x4000, s31;
	s1 =	sadd.s32 s1, s30  }
0xba: {  	s0 =	sor.u32 s3, s0;
	s1 =	sshll.u32 s1, $0x11  }
0xbb: {  	s0 =	sor.u32 s1, s0  }
0xbc: {  	s0 =	sadd.s32 $0x8F2B, s0  }
0xbd: {  	[sflag:s0] =	ssyncadd.remote.s32 $0x1  }
0xbe: {  	_ =	sfence.sel $0xFFFF  }
0xbf: {  	[dreg:$0x0] =	wrdreg $0xFFFFFFFF;
	(pc) =	sbr.abs _section_cstart, $3  }
0xc0: {  	[dreg:$0x1] =	wrdreg $0xFFFFFFFF  }
0xc1: {  	_ =	task.clear_ibuf [dreg:s6], $0x2FFFF;
	_ =	strace $0x9FFFFFFF  }
0xc2: {  	(tm) =	ssettm $0x7FFFFFFF  }
0xc3: {  	_ =	shalt  }
tec
execute0_lowered:
.L_overlay_start_1:
0x0: {  	(tag) =	ssettag $0x1  }
0x1: {  	s5 =	rddreg [dreg:$0x0]  }
0x2: {  	s2 =	rddreg [dreg:$0x1]  }
0x3: {  	s0 =	rddreg [dreg:$0x2];
	s3 =	simm.s32 $0x0  }
0x4: {  	s1 =	stileid.u32;
	s4 =	srdreg.scid;
	s17 =	simm.s32 $0x2800  }
0x5: {  	s18 =	simm.s32 $0x6800;
	s19 =	simm.s32 $0x1;
	s20 =	simm.s32 $0x2  }
0x6: {  	s21 =	simm.s32 $0x1380;
	s22 =	simm.s32 $0x2700;
	s23 =	simm.s32 $0x2780  }
0x7: {  	s24 =	simm.s32 $0x0;
	[smem:$0x7FF] =	sst s3;
	s6 =	smul.u32 $0x13C00, s1  }
0x8: {  	s7 =	sand.u32 $0x1, s4;
	s4 =	sadd.s32 $0x42600, s5;
	s10 =	sadd.s32 $0x10E00, s5  }
0x9: {  	s11 =	sadd.s32 $0x6E00, s5;
	s12 =	smul.u32 $0x4F000, s1;
	s29 =	sshll.u32 s1, $0x6  }
0xa: {  	s9 =	smul.u32 $0x13C000, s7;
	s28 =	sshll.u32 s7, $0x4;
	s7 =	ssub.s32 $0x2, s7  }
0xb: {  	_ =	strace $0x80000056;
	s8 =	sshrl.u32 s6, $0x3;
	s13 =	sshrl.u32 s7, $0x1  }
0xc: {  	s12 =	sshrl.u32 s12, $0x2;
	s6 =	sadd.s32 s6, s9;
	s9 =	sor.u32 s1, s28  }
0xd: {  	s8 =	sadd.s32 s8, s5;
	s13 =	ssub.s32 s7, s13;
	s14 =	smul.u32 $0x2800, s9  }
0xe: {  	s16 =	sadd.s32 s12, s2;
	s6 =	sshrl.u32 s6, $0x3;
	s9 =	smul.u32 $0x500, s9  }
0xf: {  	s12 =	smax.u32 s13, $0x1;
	s13 =	sshrl.u32 s16, $0x3;
	s16 =	simm.s32 $0x80  }
0x10: {  	s15 =	sadd.s32 s6, s5;
	s5 =	sadd.s32 $0x1AE00, s8;
	s30 =	sshrl.u32 s14, $0x3  }
0x11: {  	s6 =	sor.u32 $0x1C03, s29;
	s7 =	sadd.s32 s10, s9;
	s31 =	sadd.s32 $0x280, s30  }
0x12: {  	s8 =	sadd.s32 s11, s9;
	s14 =	simm.s32 $0x3;
	s9 =	sadd.s32 s10, s31  }
0x13: {  	s10 =	sadd.s32 s11, s31;
	s11 =	sadd.s32 $0x69800, s15;
	s15 =	simm.s32 $0x1400  }
.LBB2_1:
0x14: {  	[spmem:s13], [sflag:s6] =	dma.local [hbm:s5], $0x2780  }
0x15: {  	_ =	swait.ge [sflag:s14], $0x2780  }
0x16: {  	[sflag:s14] =	ssyncset.done $0x0  }
0x17: {  	[sflag:s14] =	ssyncadd.s32 $0xFFFFD880  }
0x18: {  	[bflag:$0x0] =	sbarrier.arrive $0xFFFF  }
0x19: {  	[tilespmem:s3], [sflag:$0x3] =	stream.linear.gather [hbm4b:s7+s3], $0x1400, $0x38;
	[tilespmem:$0x1E400] =	vst v63  }
0x1a: {  	_ =	swait.ge [sflag:s14], $0x1400  }
0x1b: {  	[sflag:s14] =	ssyncset.done $0x0  }
0x1c: {  	[sflag:s14] =	ssyncadd.s32 $0xFFFFEC00  }
0x1d: {  	[tilespmem:s15], [sflag:$0x3] =	stream.linear.gather [hbm4b:s8+s3], $0x1400, $0x38;
	[tilespmem:$0x1E400] =	vst v63  }
0x1e: {  	_ =	swait.ge [sflag:s14], $0x1400  }
0x1f: {  	[sflag:s14] =	ssyncset.done $0x0  }
0x20: {  	[sflag:s14] =	ssyncadd.s32 $0xFFFFEC00  }
0x21: {  	[tilespmem:s17], [sflag:$0x1] =	stream.indirect.gather [hbm4b:s4+s16], $0x80, s3, s16, $0xb8;
	[tilespmem:$0x1E400] =	vst v63  }
0x22: {  	s25 =	simm.s32 $0x80  }
0x23: {  	[tilespmem:s18], [sflag:$0x2] =	stream.indirect.gather [hbm4b:s4+s16], $0x80, s25, s16, $0xb8;
	[tilespmem:$0x1E400] =	vst v63  }
0x24: {  	_ =	swait.ge [sflag:s19], $0x4000  }
0x25: {  	[sflag:s19] =	ssyncset.done $0x0  }
0x26: {  	s29 =	simm.s32 $0x1400;
	[sflag:s19] =	ssyncadd.s32 $0xFFFFC000  }
0x27: {  	[spmem:s2] =	stream.indirect.scatter.add.f32 [tilespmem:s17], [sflag:$0x3], $0x80, s29, s16, $0xb8;
	[tilespmem:$0x1E400] =	vst v63  }
0x28: {  	_ =	swait.ge [sflag:s14], $0x4000  }
0x29: {  	[sflag:s14] =	ssyncset.done $0x0  }
0x2a: {  	s30 =	simm.s32 $0x100;
	[sflag:s14] =	ssyncadd.s32 $0xFFFFC000  }
0x2b: {  	[tilespmem:s17], [sflag:$0x1] =	stream.indirect.gather [hbm4b:s4+s16], $0x80, s30, s16, $0xb8;
	[tilespmem:$0x1E400] =	vst v63  }
0x2c: {  	_ =	swait.ge [sflag:s20], $0x4000  }
0x2d: {  	[sflag:s20] =	ssyncset.done $0x0  }
0x2e: {  	s31 =	simm.s32 $0x1480;
	[sflag:s20] =	ssyncadd.s32 $0xFFFFC000  }
0x2f: {  	[spmem:s2] =	stream.indirect.scatter.add.f32 [tilespmem:s18], [sflag:$0x3], $0x80, s31, s16, $0xb8;
	[tilespmem:$0x1E400] =	vst v63  }
0x30: {  	_ =	swait.ge [sflag:s14], $0x4000  }
0x31: {  	s26 =	simm.s32 $0x800;
	s25 =	simm.s32 $0x100;
	[sflag:s14] =	ssyncset.done $0x0  }
.LBB2_2:
0x32: {  	s28 =	sadd.s32 $0x80, s25  }
0x33: {  	[sflag:s14] =	ssyncadd.s32 $0xFFFFC000;
	s29 =	smov.u32 s26;
	s30 =	sadd.s32 $0x400, s26  }
0x34: {  	[tilespmem:s18], [sflag:$0x2] =	stream.indirect.gather [hbm4b:s4+s16], $0x80, s28, s16, $0xb8;
	[tilespmem:$0x1E400] =	vst v63  }
0x35: {  	p0 =	sne.s32 s26, $0x4800;
	_ =	swait.ge [sflag:s19], $0x4000  }
0x36: {  	[sflag:s19] =	ssyncset.done $0x0  }
0x37: {  	s26 =	sadd.s32 $0x1400, s25;
	[sflag:s19] =	ssyncadd.s32 $0xFFFFC000  }
0x38: {  	[spmem:s2] =	stream.indirect.scatter.add.f32 [tilespmem:s17], [sflag:$0x3], $0x80, s26, s16, $0xb8;
	[tilespmem:$0x1E400] =	vst v63  }
0x39: {  	_ =	swait.ge [sflag:s14], $0x4000  }
0x3a: {  	[sflag:s14] =	ssyncset.done $0x0  }
0x3b: {  	s26 =	sadd.s32 $0x100, s25;
	[sflag:s14] =	ssyncadd.s32 $0xFFFFC000  }
0x3c: {  	[tilespmem:s17], [sflag:$0x1] =	stream.indirect.gather [hbm4b:s4+s16], $0x80, s26, s16, $0xb8;
	[tilespmem:$0x1E400] =	vst v63  }
0x3d: {  	_ =	swait.ge [sflag:s20], $0x4000  }
.Ltmp0:
0x3e: {  	[sflag:s20] =	ssyncset.done $0x0;
	(pc) =	sbr.rel @p0 .LBB2_2-.Ltmp0, $4  }
0x3f: {  	s25 =	sadd.s32 $0x1480, s25;
	[sflag:s20] =	ssyncadd.s32 $0xFFFFC000  }
0x40: {  	[spmem:s2] =	stream.indirect.scatter.add.f32 [tilespmem:s18], [sflag:$0x3], $0x80, s25, s16, $0xb8;
	[tilespmem:$0x1E400] =	vst v63  }
0x41: {  	_ =	swait.ge [sflag:s14], $0x4000  }
0x42: {  	s26 =	smov.u32 s30;
	s25 =	sshra.s32 s29, $0x2;
	[sflag:s14] =	ssyncset.done $0x0  }
0x43: {  	s26 =	sadd.s32 $0x80, s25;
	[sflag:s14] =	ssyncadd.s32 $0xFFFFC000  }
0x44: {  	[tilespmem:s18], [sflag:$0x2] =	stream.indirect.gather [hbm4b:s4+s16], $0x80, s26, s16, $0xb8;
	[tilespmem:$0x1E400] =	vst v63  }
0x45: {  	_ =	swait.ge [sflag:s19], $0x4000  }
0x46: {  	[sflag:s19] =	ssyncset.done $0x0  }
0x47: {  	s29 =	sadd.s32 $0x1400, s25;
	[sflag:s19] =	ssyncadd.s32 $0xFFFFC000  }
0x48: {  	[spmem:s2] =	stream.indirect.scatter.add.f32 [tilespmem:s17], [sflag:$0x3], $0x80, s29, s16, $0xb8;
	[tilespmem:$0x1E400] =	vst v63  }
0x49: {  	_ =	swait.ge [sflag:s14], $0x4000  }
0x4a: {  	[sflag:s14] =	ssyncset.done $0x0  }
0x4b: {  	s30 =	sadd.s32 $0x100, s25;
	[sflag:s14] =	ssyncadd.s32 $0xFFFFC000  }
0x4c: {  	[tilespmem:s17], [sflag:$0x1] =	stream.indirect.gather [hbm4b:s4+s16], $0x80, s30, s16, $0xb8;
	[tilespmem:$0x1E400] =	vst v63  }
0x4d: {  	_ =	swait.ge [sflag:s20], $0x4000  }
0x4e: {  	[sflag:s20] =	ssyncset.done $0x0  }
0x4f: {  	s31 =	sadd.s32 $0x1480, s25;
	[sflag:s20] =	ssyncadd.s32 $0xFFFFC000  }
0x50: {  	[spmem:s2] =	stream.indirect.scatter.add.f32 [tilespmem:s18], [sflag:$0x3], $0x80, s31, s16, $0xb8;
	[tilespmem:$0x1E400] =	vst v63  }
0x51: {  	_ =	swait.ge [sflag:s14], $0x4000  }
0x52: {  	[sflag:s14] =	ssyncset.done $0x0  }
0x53: {  	[sflag:s14] =	ssyncadd.s32 $0xFFFFC000  }
0x54: {  	[tilespmem:s18], [sflag:$0x2] =	stream.indirect.gather [hbm4b:s4+s16], $0x80, s21, s16, $0xb8;
	[tilespmem:$0x1E400] =	vst v63  }
0x55: {  	_ =	swait.ge [sflag:s19], $0x4000  }
0x56: {  	[sflag:s19] =	ssyncset.done $0x0  }
0x57: {  	[sflag:s19] =	ssyncadd.s32 $0xFFFFC000  }
0x58: {  	[spmem:s2] =	stream.indirect.scatter.add.f32 [tilespmem:s17], [sflag:$0x3], $0x80, s22, s16, $0xb8;
	[tilespmem:$0x1E400] =	vst v63  }
0x59: {  	_ =	swait.ge [sflag:s14], $0x4000  }
0x5a: {  	[sflag:s14] =	ssyncset.done $0x0  }
0x5b: {  	[sflag:s14] =	ssyncadd.s32 $0xFFFFC000  }
0x5c: {  	_ =	swait.ge [sflag:s20], $0x4000  }
0x5d: {  	[sflag:s20] =	ssyncset.done $0x0  }
0x5e: {  	[sflag:s20] =	ssyncadd.s32 $0xFFFFC000  }
0x5f: {  	[spmem:s2] =	stream.indirect.scatter.add.f32 [tilespmem:s18], [sflag:$0x3], $0x80, s23, s16, $0xb8;
	[tilespmem:$0x1E400] =	vst v63  }
0x60: {  	_ =	swait.ge [sflag:s14], $0x4000  }
0x61: {  	[sflag:s14] =	ssyncset.done $0x0  }
0x62: {  	s26 =	simm.s32 $0x0;
	[sflag:s14] =	ssyncadd.s32 $0xFFFFC000  }
0x63: {  	[tilespmem:s26], [sflag:$0x3] =	stream.linear.gather [hbm4b:s9+s26], $0x1400, $0x38;
	[tilespmem:$0x1E400] =	vst v63  }
0x64: {  	_ =	swait.ge [sflag:s14], $0x1400  }
0x65: {  	[sflag:s14] =	ssyncset.done $0x0  }
0x66: {  	[sflag:s14] =	ssyncadd.s32 $0xFFFFEC00  }
0x67: {  	[tilespmem:s15], [sflag:$0x3] =	stream.linear.gather [hbm4b:s10+s26], $0x1400, $0x38;
	[tilespmem:$0x1E400] =	vst v63  }
0x68: {  	_ =	swait.ge [sflag:s14], $0x1400  }
0x69: {  	[sflag:s14] =	ssyncset.done $0x0  }
0x6a: {  	[sflag:s14] =	ssyncadd.s32 $0xFFFFEC00  }
0x6b: {  	[tilespmem:s17], [sflag:$0x1] =	stream.indirect.gather [hbm4b:s4+s16], $0x80, s26, s16, $0xb8;
	[tilespmem:$0x1E400] =	vst v63  }
0x6c: {  	s28 =	simm.s32 $0x80  }
0x6d: {  	[tilespmem:s18], [sflag:$0x2] =	stream.indirect.gather [hbm4b:s4+s16], $0x80, s28, s16, $0xb8;
	[tilespmem:$0x1E400] =	vst v63  }
0x6e: {  	_ =	swait.ge [sflag:s19], $0x4000  }
0x6f: {  	[sflag:s19] =	ssyncset.done $0x0  }
0x70: {  	s29 =	simm.s32 $0x1400;
	[sflag:s19] =	ssyncadd.s32 $0xFFFFC000  }
0x71: {  	[spmem:s2] =	stream.indirect.scatter.add.f32 [tilespmem:s17], [sflag:$0x3], $0x80, s29, s16, $0xb8;
	[tilespmem:$0x1E400] =	vst v63  }
0x72: {  	_ =	swait.ge [sflag:s14], $0x4000  }
0x73: {  	[sflag:s14] =	ssyncset.done $0x0  }
0x74: {  	s30 =	simm.s32 $0x100;
	[sflag:s14] =	ssyncadd.s32 $0xFFFFC000  }
0x75: {  	[tilespmem:s17], [sflag:$0x1] =	stream.indirect.gather [hbm4b:s4+s16], $0x80, s30, s16, $0xb8;
	[tilespmem:$0x1E400] =	vst v63  }
0x76: {  	_ =	swait.ge [sflag:s20], $0x4000  }
0x77: {  	[sflag:s20] =	ssyncset.done $0x0  }
0x78: {  	s31 =	simm.s32 $0x1480;
	[sflag:s20] =	ssyncadd.s32 $0xFFFFC000  }
0x79: {  	[spmem:s2] =	stream.indirect.scatter.add.f32 [tilespmem:s18], [sflag:$0x3], $0x80, s31, s16, $0xb8;
	[tilespmem:$0x1E400] =	vst v63  }
0x7a: {  	_ =	swait.ge [sflag:s14], $0x4000  }
0x7b: {  	s25 =	simm.s32 $0x100;
	s26 =	simm.s32 $0x800;
	[sflag:s14] =	ssyncset.done $0x0  }
.LBB2_4:
0x7c: {  	s28 =	sadd.s32 $0x80, s25  }
0x7d: {  	[sflag:s14] =	ssyncadd.s32 $0xFFFFC000;
	s29 =	smov.u32 s26;
	s30 =	sadd.s32 $0x400, s26  }
0x7e: {  	[tilespmem:s18], [sflag:$0x2] =	stream.indirect.gather [hbm4b:s4+s16], $0x80, s28, s16, $0xb8;
	[tilespmem:$0x1E400] =	vst v63  }
0x7f: {  	p0 =	sne.s32 s26, $0x4800;
	_ =	swait.ge [sflag:s19], $0x4000  }
0x80: {  	[sflag:s19] =	ssyncset.done $0x0  }
0x81: {  	s26 =	sadd.s32 $0x1400, s25;
	[sflag:s19] =	ssyncadd.s32 $0xFFFFC000  }
0x82: {  	[spmem:s2] =	stream.indirect.scatter.add.f32 [tilespmem:s17], [sflag:$0x3], $0x80, s26, s16, $0xb8;
	[tilespmem:$0x1E400] =	vst v63  }
0x83: {  	_ =	swait.ge [sflag:s14], $0x4000  }
0x84: {  	[sflag:s14] =	ssyncset.done $0x0  }
0x85: {  	s26 =	sadd.s32 $0x100, s25;
	[sflag:s14] =	ssyncadd.s32 $0xFFFFC000  }
0x86: {  	[tilespmem:s17], [sflag:$0x1] =	stream.indirect.gather [hbm4b:s4+s16], $0x80, s26, s16, $0xb8;
	[tilespmem:$0x1E400] =	vst v63  }
0x87: {  	_ =	swait.ge [sflag:s20], $0x4000  }
.Ltmp1:
0x88: {  	[sflag:s20] =	ssyncset.done $0x0;
	(pc) =	sbr.rel @p0 .LBB2_4-.Ltmp1, $4  }
0x89: {  	s25 =	sadd.s32 $0x1480, s25;
	[sflag:s20] =	ssyncadd.s32 $0xFFFFC000  }
0x8a: {  	[spmem:s2] =	stream.indirect.scatter.add.f32 [tilespmem:s18], [sflag:$0x3], $0x80, s25, s16, $0xb8;
	[tilespmem:$0x1E400] =	vst v63  }
0x8b: {  	_ =	swait.ge [sflag:s14], $0x4000  }
0x8c: {  	s26 =	smov.u32 s30;
	s25 =	sshra.s32 s29, $0x2;
	[sflag:s14] =	ssyncset.done $0x0  }
0x8d: {  	s26 =	sadd.s32 $0x80, s25;
	[sflag:s14] =	ssyncadd.s32 $0xFFFFC000  }
0x8e: {  	[tilespmem:s18], [sflag:$0x2] =	stream.indirect.gather [hbm4b:s4+s16], $0x80, s26, s16, $0xb8;
	[tilespmem:$0x1E400] =	vst v63  }
0x8f: {  	_ =	swait.ge [sflag:s19], $0x4000  }
0x90: {  	[sflag:s19] =	ssyncset.done $0x0  }
0x91: {  	s29 =	sadd.s32 $0x1400, s25;
	[sflag:s19] =	ssyncadd.s32 $0xFFFFC000  }
0x92: {  	[spmem:s2] =	stream.indirect.scatter.add.f32 [tilespmem:s17], [sflag:$0x3], $0x80, s29, s16, $0xb8;
	[tilespmem:$0x1E400] =	vst v63  }
0x93: {  	_ =	swait.ge [sflag:s14], $0x4000  }
0x94: {  	[sflag:s14] =	ssyncset.done $0x0  }
0x95: {  	s30 =	sadd.s32 $0x100, s25;
	[sflag:s14] =	ssyncadd.s32 $0xFFFFC000  }
0x96: {  	[tilespmem:s17], [sflag:$0x1] =	stream.indirect.gather [hbm4b:s4+s16], $0x80, s30, s16, $0xb8;
	[tilespmem:$0x1E400] =	vst v63  }
0x97: {  	_ =	swait.ge [sflag:s20], $0x4000  }
0x98: {  	[sflag:s20] =	ssyncset.done $0x0  }
0x99: {  	s31 =	sadd.s32 $0x1480, s25;
	[sflag:s20] =	ssyncadd.s32 $0xFFFFC000  }
0x9a: {  	[spmem:s2] =	stream.indirect.scatter.add.f32 [tilespmem:s18], [sflag:$0x3], $0x80, s31, s16, $0xb8;
	[tilespmem:$0x1E400] =	vst v63  }
0x9b: {  	_ =	swait.ge [sflag:s14], $0x4000  }
0x9c: {  	[sflag:s14] =	ssyncset.done $0x0  }
0x9d: {  	[sflag:s14] =	ssyncadd.s32 $0xFFFFC000  }
0x9e: {  	[tilespmem:s18], [sflag:$0x2] =	stream.indirect.gather [hbm4b:s4+s16], $0x80, s21, s16, $0xb8;
	[tilespmem:$0x1E400] =	vst v63  }
0x9f: {  	_ =	swait.ge [sflag:s19], $0x4000  }
0xa0: {  	[sflag:s19] =	ssyncset.done $0x0  }
0xa1: {  	[sflag:s19] =	ssyncadd.s32 $0xFFFFC000  }
0xa2: {  	[spmem:s2] =	stream.indirect.scatter.add.f32 [tilespmem:s17], [sflag:$0x3], $0x80, s22, s16, $0xb8;
	[tilespmem:$0x1E400] =	vst v63  }
0xa3: {  	_ =	swait.ge [sflag:s14], $0x4000  }
0xa4: {  	[sflag:s14] =	ssyncset.done $0x0  }
0xa5: {  	[sflag:s14] =	ssyncadd.s32 $0xFFFFC000  }
0xa6: {  	_ =	swait.ge [sflag:s20], $0x4000  }
0xa7: {  	[sflag:s20] =	ssyncset.done $0x0  }
0xa8: {  	[sflag:s20] =	ssyncadd.s32 $0xFFFFC000  }
0xa9: {  	[spmem:s2] =	stream.indirect.scatter.add.f32 [tilespmem:s18], [sflag:$0x3], $0x80, s23, s16, $0xb8;
	[tilespmem:$0x1E400] =	vst v63  }
0xaa: {  	_ =	swait.ge [sflag:s14], $0x4000  }
0xab: {  	s24 =	sadd.s32 $0x1, s24;
	[sflag:s14] =	ssyncset.done $0x0  }
0xac: {  	p0 =	sne.s32 s24, s12;
	[sflag:s14] =	ssyncadd.s32 $0xFFFFC000  }
.Ltmp2:
0xad: {  	[bflag:$0x0] =	sbarrier.arrive $0xFFFF;
	(pc) =	sbr.rel @p0 .LBB2_1-.Ltmp2, $4  }
0xae: {  	[hbm:s11], [sflag:s6] =	dma.local [spmem:s13], $0x2780  }
0xaf: {  	_ =	swait.ge [sflag:s14], $0x2780  }
0xb0: {  	[sflag:s14] =	ssyncset.done $0x0  }
0xb1: {  	[sflag:s14] =	ssyncadd.s32 $0xFFFFD880  }
0xb2: {  	_ =	sfence.sel $0x180000  }
0xb3: {  	[bflag:$0x0] =	sbarrier.arrive $0xFFFF  }
0xb4: {  	p0 =	sne.s32 s1, $0x0;
	_ =	strace $0x90000056  }
0xb5: {  	s0 =	sadd.s32 @!p0 $0x100000, s0;
	[bflag:$0x2] =	sbarrier.arrive $0xFFFF  }
0xb6: {  	[sflag:s0] =	ssyncadd.tile.s32 @!p0 $0x1;
	_ =	shalt  }
.Lfunc_end2:
_tile_overlayer_lowered:
.L_overlay_start_2:
0xb7: {  	(tag) =	ssettag $0x2  }
0xb8: {  	s0 =	rddreg [dreg:$0x0];
	s2 =	stileid.u32  }
0xb9: {  	s1 =	rddreg [dreg:$0x1];
	p0 =	sne.s32 s2, $0x0  }
0xba: {  	s3 =	rddreg [dreg:$0x2];
	[bflag:$0x3] =	sbarrier.arrive $0xFFFF;
	s2 =	simm.s32 @!p0 $0x1C03  }
0xbb: {  	[timem:s3], [sflag:s2] =	dma.local @!p0 [hbm:s0], s1  }
0xbc: {  	s0 =	simm.s32 @!p0 $0x3  }
0xbd: {  	_ =	swait.ge @!p0 [sflag:s0], s1  }
0xbe: {  	s1 =	ssub.s32 @!p0 $0x0, s1;
	[sflag:s0] =	ssyncset.done @!p0 $0x0  }
0xbf: {  	[sflag:s0] =	ssyncadd.s32 @!p0 s1  }
0xc0: {  	[bflag:$0x3] =	sbarrier.arrive $0xFFFF  }
0xc1: {  	_ =	shalt  }

</sc_bundles>
